<compile_context>
chip_gen: v7x
topology: tpu7x:2x2x1
jax: 0.10.2.dev20260603
libtpu: 0.0.44.dev20260713+nightly
codegen_flags: <defaults>
</compile_context>

<pallas_src>
import functools

import jax
import jax.numpy as jnp
from jax import lax
from jax.experimental import pallas as pl
from jax.experimental.pallas import tpu as pltpu
from jax.experimental.pallas import tpu_sc as plsc

B = 16384
F = 26
V = 1000000

NC = 2
NS = 16
NW = NC * NS
BPW = B // NW
LANES = 16
ROWLEN = 128
GF = 8
VPAD = 1000064
CTILES = VPAD // ROWLEN
GROWS64 = GF * CTILES * 8
CHUNK = 128
NCHUNK = BPW // CHUNK
VPC = CHUNK // LANES
DEPTH = 8

GROUPS = (8, 8, 8, 2)


def _make_body(f0, nf, has_prev):
    ngather = nf * NCHUNK

    def body(idx_hbm, tab_hbm, aux_hbm, out_hbm, idx_v, rowid_v, rows_v,
             out_v, bias_v, sem):
        wid = lax.axis_index("s") * NC + lax.axis_index("c")
        base = wid * BPW

        pltpu.sync_copy(idx_hbm.at[pl.ds(f0, nf), pl.ds(base, BPW)], idx_v)

        if has_prev:
            pltpu.sync_copy(aux_hbm.at[pl.ds(base, BPW)], out_v)
        else:
            pltpu.sync_copy(aux_hbm, bias_v)
            b_vec = bias_v[...]

            def init(c, carry):
                out_v[pl.ds(c * LANES, LANES)] = b_vec
                return carry

            lax.fori_loop(0, BPW // LANES, init, 0)

        lane_iota = lax.iota(jnp.int32, LANES)

        def fire(j):
            f = j // NCHUNK
            q = j % NCHUNK
            slot = j % DEPTH
            foff = f * 8

            def rid(k, carry2):
                iv = idx_v[f, pl.ds(q * CHUNK + k * LANES, LANES)]
                rowid_v[slot, pl.ds(k * LANES, LANES)] = (
                    ((iv >> 7) << 6) + ((iv >> 4) & 7) + foff)
                return carry2

            lax.fori_loop(0, VPC, rid, 0)
            pltpu.make_async_copy(
                tab_hbm.at[rowid_v.at[slot]],
                rows_v.at[slot],
                sem.at[slot],
            ).start()

        for d in range(DEPTH):
            fire(d)

        def chunk_body(j, carry):
            slot = j % DEPTH
            f = j // NCHUNK
            q = j % NCHUNK
            pltpu.make_async_copy(
                tab_hbm.at[pl.ds(0, CHUNK), :], rows_v.at[slot], sem.at[slot]
            ).wait()

            def sel(k, carry2):
                col = q * CHUNK + k * LANES
                iv = idx_v[f, pl.ds(col, LANES)]
                pos = lane_iota + k * LANES
                v = plsc.load_gather(rows_v.at[slot], [pos, iv & 15])
                acc = out_v[pl.ds(col, LANES)]
                out_v[pl.ds(col, LANES)] = acc + v
                return carry2

            lax.fori_loop(0, VPC, sel, 0)

            @pl.when(j + DEPTH < ngather)
            def _():
                fire(j + DEPTH)

            return carry

        lax.fori_loop(0, ngather, chunk_body, 0)

        pltpu.sync_copy(out_v, out_hbm.at[pl.ds(base, BPW)])

    return body


def _group_call(f0, nf, has_prev, idx_t, tab_g, aux):
    mesh = plsc.VectorSubcoreMesh(core_axis_name="c", subcore_axis_name="s")
    return pl.kernel(
        _make_body(f0, nf, has_prev),
        out_type=jax.ShapeDtypeStruct((B,), jnp.float32),
        mesh=mesh,
        scratch_types=[
            pltpu.VMEM((nf, BPW), jnp.int32),
            pltpu.VMEM((DEPTH, CHUNK), jnp.int32),
            pltpu.VMEM((DEPTH, CHUNK, LANES), jnp.float32),
            pltpu.VMEM((BPW,), jnp.float32),
            pltpu.VMEM((LANES,), jnp.float32),
            pltpu.SemaphoreType.DMA((DEPTH,)),
        ],
        compiler_params=pltpu.CompilerParams(
            needs_layout_passes=False, use_tc_tiling_on_sc=False),
        name=f"lookup_sum_f{f0}_{nf}",
    )(idx_t, tab_g, aux)


@jax.jit
def _lookup_sum(idx_t, tables, bias16):
    part = None
    f0 = 0
    tab_src = tables
    for nf in GROUPS:
        tab_pad = lax.pad(
            tab_src, jnp.float32(0),
            [(-f0, -(F - f0 - nf) + (GF - nf), 0), (0, VPAD - V, 0)])
        tab_src, _ = lax.optimization_barrier((tab_src, tab_pad))
        tab_g = (
            tab_pad.reshape(1, GF, CTILES, ROWLEN)
            .transpose(0, 2, 1, 3)
            .reshape(GROWS64, LANES)
        )
        aux = bias16 if part is None else part
        part = _group_call(f0, nf, part is not None, idx_t, tab_g, aux)
        f0 += nf
    return part


def kernel(indices, tables, bias):
    idx_t = indices.astype(jnp.int32).T
    bias16 = jnp.broadcast_to(bias.astype(jnp.float32), (LANES,))
    return _lookup_sum(idx_t, tables, bias16)

# --- scband reference (transcript-rebuilt; emitter-appended) ---
"""Pipeline reference for scband-logistic-regression-81810537054269 (READ-ONLY COPY).

The authoritative reference and input builder live on the scoring server;
editing this copy changes nothing except your own understanding.
"""

import jax, jax.numpy as jnp
import numpy as np

B = 16384
F = 26
V = 1000000

def setup_inputs(seed: int = 0) -> dict:
    key = jax.random.key(seed)
    k1, k2 = jax.random.split(key, 2)
    # forward arg: one index per sparse field per example
    indices = jax.random.randint(k1, (B, F), 0, V, dtype=jnp.int64)
    # learned params: per-field LR embedding tables nn.Embedding(V, 1), stacked as [F, V]
    tables = jax.random.normal(k2, (F, V), dtype=jnp.float32) * 0.01
    bias = jnp.zeros((1,), dtype=jnp.float32)
    return {"indices": indices, "tables": tables, "bias": bias}

def reference(indices, tables, bias):
    # Each field f has its own Embedding(V, 1): lookup tables[f, indices[:, f]] -> [B]
    # torch.cat([...], dim=1) of per-field [B, 1] lookups -> [B, F]
    field_offsets = (jnp.arange(F, dtype=indices.dtype) * V)[None, :]
    flat_idx = indices + field_offsets  # [B, F], indexes into flattened [F*V]
    emb = jnp.take(tables.reshape(-1), flat_idx, axis=0)  # gather -> [B, F]
    # embeddings.sum(dim=1) + bias -> [B]
    return emb.sum(axis=1) + bias

if __name__ == "__main__":
    import jax
    _d = setup_inputs()
    print(jax.jit(kernel)(*tuple(_d.values())))

</pallas_src>

<mosaic_0001>
#map = affine_map<(d0, d1) -> (0, 0)>
#map1 = affine_map<(d0, d1) -> (0)>
module attributes {stable_mosaic.version = 14 : i64} {
  func.func @lookup_sum_f24_2(%arg0: i32, %arg1: i32, %arg2: memref<26x16384xi32, #tpu.memory_space<hbm>>, %arg3: memref<500032x16xf32, #tpu.memory_space<hbm>>, %arg4: memref<16384xf32, #tpu.memory_space<hbm>>, %arg5: memref<16384xf32, #tpu.memory_space<hbm>>, %arg6: memref<2x512xi32, #tpu.memory_space<vmem>>, %arg7: memref<8x128xi32, #tpu.memory_space<vmem>>, %arg8: memref<8x128x16xf32, #tpu.memory_space<vmem>>, %arg9: memref<512xf32, #tpu.memory_space<vmem>>, %arg10: memref<16xf32, #tpu.memory_space<vmem>>, %arg11: memref<8x!tpu.dma_semaphore, #tpu.memory_space<semaphore_mem>>) attributes {dimension_semantics = [#tpu.dimension_semantics<core_parallel>, #tpu.dimension_semantics<subcore_parallel>], iteration_bounds = array<i64: 2, 16>, scalar_prefetch = 0 : i64, scratch_operands = 6 : i64, tpu.core_type = #tpu.core_type<sc_vector_subcore>, window_params = [{transform_indices = #map}, {transform_indices = #map}, {transform_indices = #map1}, {transform_indices = #map1}]} {
    %mul3A = arith.constant 2 : i32
    %mul3A_0 = arith.muli %arg1, %mul3A : i32
    %add3A = arith.addi %mul3A_0, %arg0 : i32
    %mul3A_1 = arith.constant 512 : i32
    %mul3A_2 = arith.muli %add3A, %mul3A_1 : i32
    "tpu.region"() ({
      %run_scoped3A = tpu.sem_alloc : memref<!tpu.dma_semaphore, #tpu.memory_space<semaphore_mem>>
      %dma_start3A_175 = arith.constant 24 : i32
      %dma_start3A_176 = tpu.memref_slice %arg2[%dma_start3A_175, %mul3A_2] : memref<26x16384xi32, #tpu.memory_space<hbm>> -> memref<2x512xi32, #tpu.memory_space<hbm>>
      %dma_start3A_177 = arith.constant 24 : i32
      %dma_start3A_178 = tpu.memref_slice %arg2[%dma_start3A_177, %mul3A_2] : memref<26x16384xi32, #tpu.memory_space<hbm>> -> memref<2x512xi32, #tpu.memory_space<hbm>>
      tpu.enqueue_dma source(%dma_start3A_178 : memref<2x512xi32, #tpu.memory_space<hbm>>) target(%arg6 : memref<2x512xi32, #tpu.memory_space<vmem>>) target_semaphore(%run_scoped3A : memref<!tpu.dma_semaphore, #tpu.memory_space<semaphore_mem>>)
      %dma_wait3A = arith.constant 24 : i32
      %dma_wait3A_179 = tpu.memref_slice %arg2[%dma_wait3A, %mul3A_2] : memref<26x16384xi32, #tpu.memory_space<hbm>> -> memref<2x512xi32, #tpu.memory_space<hbm>>
      %dma_wait3A_180 = arith.constant 24 : i32
      %dma_wait3A_181 = tpu.memref_slice %arg2[%dma_wait3A_180, %mul3A_2] : memref<26x16384xi32, #tpu.memory_space<hbm>> -> memref<2x512xi32, #tpu.memory_space<hbm>>
      tpu.wait_dma2 semaphore(%run_scoped3A : memref<!tpu.dma_semaphore, #tpu.memory_space<semaphore_mem>>) src(%dma_wait3A_181 : memref<2x512xi32, #tpu.memory_space<hbm>>) dst(%arg6 : memref<2x512xi32, #tpu.memory_space<vmem>>)
      tpu.yield
    }) : () -> ()
    "tpu.region"() ({
      %run_scoped3A = tpu.sem_alloc : memref<!tpu.dma_semaphore, #tpu.memory_space<semaphore_mem>>
      %dma_start3A_175 = tpu.memref_slice %arg4[%mul3A_2] : memref<16384xf32, #tpu.memory_space<hbm>> -> memref<512xf32, #tpu.memory_space<hbm>>
      %dma_start3A_176 = tpu.memref_slice %arg4[%mul3A_2] : memref<16384xf32, #tpu.memory_space<hbm>> -> memref<512xf32, #tpu.memory_space<hbm>>
      tpu.enqueue_dma source(%dma_start3A_176 : memref<512xf32, #tpu.memory_space<hbm>>) target(%arg9 : memref<512xf32, #tpu.memory_space<vmem>>) target_semaphore(%run_scoped3A : memref<!tpu.dma_semaphore, #tpu.memory_space<semaphore_mem>>)
      %dma_wait3A = tpu.memref_slice %arg4[%mul3A_2] : memref<16384xf32, #tpu.memory_space<hbm>> -> memref<512xf32, #tpu.memory_space<hbm>>
      %dma_wait3A_177 = tpu.memref_slice %arg4[%mul3A_2] : memref<16384xf32, #tpu.memory_space<hbm>> -> memref<512xf32, #tpu.memory_space<hbm>>
      tpu.wait_dma2 semaphore(%run_scoped3A : memref<!tpu.dma_semaphore, #tpu.memory_space<semaphore_mem>>) src(%dma_wait3A_177 : memref<512xf32, #tpu.memory_space<hbm>>) dst(%arg9 : memref<512xf32, #tpu.memory_space<vmem>>)
      tpu.yield
    }) : () -> ()
    %iota3A = tpu.iota {dimensions = array<i32: 0>} : vector<16xi32>
    %scan3A = arith.constant 0 : i32
    %scan3A_3 = arith.constant 0 : i32
    %scan3A_4 = arith.constant 8 : i32
    %scan3A_5 = arith.addi %scan3A_3, %scan3A_4 : i32
    %scan3A_6 = arith.constant 1 : i32
    scf.for %scan3A_175 = %scan3A_3 to %scan3A_5 step %scan3A_6  : i32 {
      %mul3A_176 = arith.constant 16 : i32
      %mul3A_177 = arith.muli %scan3A_175, %mul3A_176 : i32
      %add3A_178 = arith.constant 0 : i32
      %add3A_179 = arith.addi %add3A_178, %mul3A_177 : i32
      %get3A = arith.constant 0 : i32
      %get3A_180 = arith.index_cast %get3A : i32 to index
      %get3A_181 = arith.index_cast %add3A_179 : i32 to index
      %get3A_182 = tpu.vector_load %arg6[%get3A_180, %get3A_181] {strides = array<i32>} : memref<2x512xi32, #tpu.memory_space<vmem>>, vector<16xi32>,
      %shift_right_arithmetic3A = arith.constant 7 : i32
      %shift_right_arithmetic3A_183 = vector.broadcast %shift_right_arithmetic3A : i32 to vector<16xi32>
      %shift_right_arithmetic3A_184 = arith.shrsi %get3A_182, %shift_right_arithmetic3A_183 : vector<16xi32>
      %shift_left3A = arith.constant 6 : i32
      %shift_left3A_185 = vector.broadcast %shift_left3A : i32 to vector<16xi32>
      %shift_left3A_186 = arith.shli %shift_right_arithmetic3A_184, %shift_left3A_185 : vector<16xi32>
      %shift_right_arithmetic3A_187 = arith.constant 4 : i32
      %shift_right_arithmetic3A_188 = vector.broadcast %shift_right_arithmetic3A_187 : i32 to vector<16xi32>
      %shift_right_arithmetic3A_189 = arith.shrsi %get3A_182, %shift_right_arithmetic3A_188 : vector<16xi32>
      %and3A = arith.constant 7 : i32
      %and3A_190 = vector.broadcast %and3A : i32 to vector<16xi32>
      %and3A_191 = arith.andi %shift_right_arithmetic3A_189, %and3A_190 : vector<16xi32>
      %add3A_192 = arith.addi %shift_left3A_186, %and3A_191 : vector<16xi32>
      %add3A_193 = arith.constant 0 : i32
      %add3A_194 = vector.broadcast %add3A_193 : i32 to vector<16xi32>
      %add3A_195 = arith.addi %add3A_192, %add3A_194 : vector<16xi32>
      %mul3A_196 = arith.constant 16 : i32
      %mul3A_197 = arith.muli %scan3A_175, %mul3A_196 : i32
      %swap3A = arith.constant 0 : i32
      %swap3A_198 = arith.index_cast %swap3A : i32 to index
      %swap3A_199 = arith.index_cast %mul3A_197 : i32 to index
      %swap3A_200 = tpu.vector_load %arg7[%swap3A_198, %swap3A_199] {strides = array<i32>} : memref<8x128xi32, #tpu.memory_space<vmem>>, vector<16xi32>,
      tpu.vector_store %arg7[%swap3A_198, %swap3A_199], %add3A_195 {strides = array<i32>} : memref<8x128xi32, #tpu.memory_space<vmem>>, vector<16xi32>,
    }
    %scan3A_7 = arith.constant 8 : i32
    %dma_start3A = arith.constant 0 : i32
    %dma_start3A_8 = arith.constant 0 : i32
    %dma_start3A_9 = arith.constant 0 : i32
    %dma_start3A_10 = arith.constant 0 : i32
    %dma_start3A_11 = arith.constant 0 : i32
    %dma_start3A_12 = tpu.memref_slice %arg8[%dma_start3A_8, %dma_start3A_10, %dma_start3A_11] : memref<8x128x16xf32, #tpu.memory_space<vmem>> -> memref<1x128x16xf32, #tpu.memory_space<vmem>>
    %dma_start3A_13 = tpu.memref_squeeze %dma_start3A_12 : memref<1x128x16xf32, #tpu.memory_space<vmem>> -> memref<128x16xf32, #tpu.memory_space<vmem>>
    %dma_start3A_14 = arith.constant 0 : i32
    %dma_start3A_15 = tpu.memref_slice %arg7[%dma_start3A, %dma_start3A_14] : memref<8x128xi32, #tpu.memory_space<vmem>> -> memref<1x128xi32, #tpu.memory_space<vmem>>
    %dma_start3A_16 = tpu.memref_squeeze %dma_start3A_15 : memref<1x128xi32, #tpu.memory_space<vmem>> -> memref<128xi32, #tpu.memory_space<vmem>>
    %dma_start3A_17 = arith.constant 0 : i32
    %dma_start3A_18 = arith.constant 0 : i32
    %dma_start3A_19 = tpu.memref_slice %arg3[%dma_start3A_17, %dma_start3A_18] : memref<500032x16xf32, #tpu.memory_space<hbm>> -> memref<500032x16xf32, #tpu.memory_space<hbm>>
    %dma_start3A_20 = tpu.memref_slice %arg11[%dma_start3A_9] : memref<8x!tpu.dma_semaphore, #tpu.memory_space<semaphore_mem>> -> memref<1x!tpu.dma_semaphore, #tpu.memory_space<semaphore_mem>>
    %dma_start3A_21 = tpu.memref_squeeze %dma_start3A_20 : memref<1x!tpu.dma_semaphore, #tpu.memory_space<semaphore_mem>> -> memref<!tpu.dma_semaphore, #tpu.memory_space<semaphore_mem>>
    tpu.enqueue_indirect_dma source(%dma_start3A_19 : memref<500032x16xf32, #tpu.memory_space<hbm>>) target(%dma_start3A_13 : memref<128x16xf32, #tpu.memory_space<vmem>>) offsets(%dma_start3A_16 : memref<128xi32, #tpu.memory_space<vmem>>) semaphore(%dma_start3A_21 : memref<!tpu.dma_semaphore, #tpu.memory_space<semaphore_mem>>)
    %scan3A_22 = arith.constant 0 : i32
    %scan3A_23 = arith.constant 0 : i32
    %scan3A_24 = arith.constant 8 : i32
    %scan3A_25 = arith.addi %scan3A_23, %scan3A_24 : i32
    %scan3A_26 = arith.constant 1 : i32
    scf.for %scan3A_175 = %scan3A_23 to %scan3A_25 step %scan3A_26  : i32 {
      %mul3A_176 = arith.constant 16 : i32
      %mul3A_177 = arith.muli %scan3A_175, %mul3A_176 : i32
      %add3A_178 = arith.constant 128 : i32
      %add3A_179 = arith.addi %add3A_178, %mul3A_177 : i32
      %get3A = arith.constant 0 : i32
      %get3A_180 = arith.index_cast %get3A : i32 to index
      %get3A_181 = arith.index_cast %add3A_179 : i32 to index
      %get3A_182 = tpu.vector_load %arg6[%get3A_180, %get3A_181] {strides = array<i32>} : memref<2x512xi32, #tpu.memory_space<vmem>>, vector<16xi32>,
      %shift_right_arithmetic3A = arith.constant 7 : i32
      %shift_right_arithmetic3A_183 = vector.broadcast %shift_right_arithmetic3A : i32 to vector<16xi32>
      %shift_right_arithmetic3A_184 = arith.shrsi %get3A_182, %shift_right_arithmetic3A_183 : vector<16xi32>
      %shift_left3A = arith.constant 6 : i32
      %shift_left3A_185 = vector.broadcast %shift_left3A : i32 to vector<16xi32>
      %shift_left3A_186 = arith.shli %shift_right_arithmetic3A_184, %shift_left3A_185 : vector<16xi32>
      %shift_right_arithmetic3A_187 = arith.constant 4 : i32
      %shift_right_arithmetic3A_188 = vector.broadcast %shift_right_arithmetic3A_187 : i32 to vector<16xi32>
      %shift_right_arithmetic3A_189 = arith.shrsi %get3A_182, %shift_right_arithmetic3A_188 : vector<16xi32>
      %and3A = arith.constant 7 : i32
      %and3A_190 = vector.broadcast %and3A : i32 to vector<16xi32>
      %and3A_191 = arith.andi %shift_right_arithmetic3A_189, %and3A_190 : vector<16xi32>
      %add3A_192 = arith.addi %shift_left3A_186, %and3A_191 : vector<16xi32>
      %add3A_193 = arith.constant 0 : i32
      %add3A_194 = vector.broadcast %add3A_193 : i32 to vector<16xi32>
      %add3A_195 = arith.addi %add3A_192, %add3A_194 : vector<16xi32>
      %mul3A_196 = arith.constant 16 : i32
      %mul3A_197 = arith.muli %scan3A_175, %mul3A_196 : i32
      %swap3A = arith.constant 1 : i32
      %swap3A_198 = arith.index_cast %swap3A : i32 to index
      %swap3A_199 = arith.index_cast %mul3A_197 : i32 to index
      %swap3A_200 = tpu.vector_load %arg7[%swap3A_198, %swap3A_199] {strides = array<i32>} : memref<8x128xi32, #tpu.memory_space<vmem>>, vector<16xi32>,
      tpu.vector_store %arg7[%swap3A_198, %swap3A_199], %add3A_195 {strides = array<i32>} : memref<8x128xi32, #tpu.memory_space<vmem>>, vector<16xi32>,
    }
    %scan3A_27 = arith.constant 8 : i32
    %dma_start3A_28 = arith.constant 1 : i32
    %dma_start3A_29 = arith.constant 1 : i32
    %dma_start3A_30 = arith.constant 1 : i32
    %dma_start3A_31 = arith.constant 0 : i32
    %dma_start3A_32 = arith.constant 0 : i32
    %dma_start3A_33 = tpu.memref_slice %arg8[%dma_start3A_29, %dma_start3A_31, %dma_start3A_32] : memref<8x128x16xf32, #tpu.memory_space<vmem>> -> memref<1x128x16xf32, #tpu.memory_space<vmem>>
    %dma_start3A_34 = tpu.memref_squeeze %dma_start3A_33 : memref<1x128x16xf32, #tpu.memory_space<vmem>> -> memref<128x16xf32, #tpu.memory_space<vmem>>
    %dma_start3A_35 = arith.constant 0 : i32
    %dma_start3A_36 = tpu.memref_slice %arg7[%dma_start3A_28, %dma_start3A_35] : memref<8x128xi32, #tpu.memory_space<vmem>> -> memref<1x128xi32, #tpu.memory_space<vmem>>
    %dma_start3A_37 = tpu.memref_squeeze %dma_start3A_36 : memref<1x128xi32, #tpu.memory_space<vmem>> -> memref<128xi32, #tpu.memory_space<vmem>>
    %dma_start3A_38 = arith.constant 0 : i32
    %dma_start3A_39 = arith.constant 0 : i32
    %dma_start3A_40 = tpu.memref_slice %arg3[%dma_start3A_38, %dma_start3A_39] : memref<500032x16xf32, #tpu.memory_space<hbm>> -> memref<500032x16xf32, #tpu.memory_space<hbm>>
    %dma_start3A_41 = tpu.memref_slice %arg11[%dma_start3A_30] : memref<8x!tpu.dma_semaphore, #tpu.memory_space<semaphore_mem>> -> memref<1x!tpu.dma_semaphore, #tpu.memory_space<semaphore_mem>>
    %dma_start3A_42 = tpu.memref_squeeze %dma_start3A_41 : memref<1x!tpu.dma_semaphore, #tpu.memory_space<semaphore_mem>> -> memref<!tpu.dma_semaphore, #tpu.memory_space<semaphore_mem>>
    tpu.enqueue_indirect_dma source(%dma_start3A_40 : memref<500032x16xf32, #tpu.memory_space<hbm>>) target(%dma_start3A_34 : memref<128x16xf32, #tpu.memory_space<vmem>>) offsets(%dma_start3A_37 : memref<128xi32, #tpu.memory_space<vmem>>) semaphore(%dma_start3A_42 : memref<!tpu.dma_semaphore, #tpu.memory_space<semaphore_mem>>)
    %scan3A_43 = arith.constant 0 : i32
    %scan3A_44 = arith.constant 0 : i32
    %scan3A_45 = arith.constant 8 : i32
    %scan3A_46 = arith.addi %scan3A_44, %scan3A_45 : i32
    %scan3A_47 = arith.constant 1 : i32
    scf.for %scan3A_175 = %scan3A_44 to %scan3A_46 step %scan3A_47  : i32 {
      %mul3A_176 = arith.constant 16 : i32
      %mul3A_177 = arith.muli %scan3A_175, %mul3A_176 : i32
      %add3A_178 = arith.constant 256 : i32
      %add3A_179 = arith.addi %add3A_178, %mul3A_177 : i32
      %get3A = arith.constant 0 : i32
      %get3A_180 = arith.index_cast %get3A : i32 to index
      %get3A_181 = arith.index_cast %add3A_179 : i32 to index
      %get3A_182 = tpu.vector_load %arg6[%get3A_180, %get3A_181] {strides = array<i32>} : memref<2x512xi32, #tpu.memory_space<vmem>>, vector<16xi32>,
      %shift_right_arithmetic3A = arith.constant 7 : i32
      %shift_right_arithmetic3A_183 = vector.broadcast %shift_right_arithmetic3A : i32 to vector<16xi32>
      %shift_right_arithmetic3A_184 = arith.shrsi %get3A_182, %shift_right_arithmetic3A_183 : vector<16xi32>
      %shift_left3A = arith.constant 6 : i32
      %shift_left3A_185 = vector.broadcast %shift_left3A : i32 to vector<16xi32>
      %shift_left3A_186 = arith.shli %shift_right_arithmetic3A_184, %shift_left3A_185 : vector<16xi32>
      %shift_right_arithmetic3A_187 = arith.constant 4 : i32
      %shift_right_arithmetic3A_188 = vector.broadcast %shift_right_arithmetic3A_187 : i32 to vector<16xi32>
      %shift_right_arithmetic3A_189 = arith.shrsi %get3A_182, %shift_right_arithmetic3A_188 : vector<16xi32>
      %and3A = arith.constant 7 : i32
      %and3A_190 = vector.broadcast %and3A : i32 to vector<16xi32>
      %and3A_191 = arith.andi %shift_right_arithmetic3A_189, %and3A_190 : vector<16xi32>
      %add3A_192 = arith.addi %shift_left3A_186, %and3A_191 : vector<16xi32>
      %add3A_193 = arith.constant 0 : i32
      %add3A_194 = vector.broadcast %add3A_193 : i32 to vector<16xi32>
      %add3A_195 = arith.addi %add3A_192, %add3A_194 : vector<16xi32>
      %mul3A_196 = arith.constant 16 : i32
      %mul3A_197 = arith.muli %scan3A_175, %mul3A_196 : i32
      %swap3A = arith.constant 2 : i32
      %swap3A_198 = arith.index_cast %swap3A : i32 to index
      %swap3A_199 = arith.index_cast %mul3A_197 : i32 to index
      %swap3A_200 = tpu.vector_load %arg7[%swap3A_198, %swap3A_199] {strides = array<i32>} : memref<8x128xi32, #tpu.memory_space<vmem>>, vector<16xi32>,
      tpu.vector_store %arg7[%swap3A_198, %swap3A_199], %add3A_195 {strides = array<i32>} : memref<8x128xi32, #tpu.memory_space<vmem>>, vector<16xi32>,
    }
    %scan3A_48 = arith.constant 8 : i32
    %dma_start3A_49 = arith.constant 2 : i32
    %dma_start3A_50 = arith.constant 2 : i32
    %dma_start3A_51 = arith.constant 2 : i32
    %dma_start3A_52 = arith.constant 0 : i32
    %dma_start3A_53 = arith.constant 0 : i32
    %dma_start3A_54 = tpu.memref_slice %arg8[%dma_start3A_50, %dma_start3A_52, %dma_start3A_53] : memref<8x128x16xf32, #tpu.memory_space<vmem>> -> memref<1x128x16xf32, #tpu.memory_space<vmem>>
    %dma_start3A_55 = tpu.memref_squeeze %dma_start3A_54 : memref<1x128x16xf32, #tpu.memory_space<vmem>> -> memref<128x16xf32, #tpu.memory_space<vmem>>
    %dma_start3A_56 = arith.constant 0 : i32
    %dma_start3A_57 = tpu.memref_slice %arg7[%dma_start3A_49, %dma_start3A_56] : memref<8x128xi32, #tpu.memory_space<vmem>> -> memref<1x128xi32, #tpu.memory_space<vmem>>
    %dma_start3A_58 = tpu.memref_squeeze %dma_start3A_57 : memref<1x128xi32, #tpu.memory_space<vmem>> -> memref<128xi32, #tpu.memory_space<vmem>>
    %dma_start3A_59 = arith.constant 0 : i32
    %dma_start3A_60 = arith.constant 0 : i32
    %dma_start3A_61 = tpu.memref_slice %arg3[%dma_start3A_59, %dma_start3A_60] : memref<500032x16xf32, #tpu.memory_space<hbm>> -> memref<500032x16xf32, #tpu.memory_space<hbm>>
    %dma_start3A_62 = tpu.memref_slice %arg11[%dma_start3A_51] : memref<8x!tpu.dma_semaphore, #tpu.memory_space<semaphore_mem>> -> memref<1x!tpu.dma_semaphore, #tpu.memory_space<semaphore_mem>>
    %dma_start3A_63 = tpu.memref_squeeze %dma_start3A_62 : memref<1x!tpu.dma_semaphore, #tpu.memory_space<semaphore_mem>> -> memref<!tpu.dma_semaphore, #tpu.memory_space<semaphore_mem>>
    tpu.enqueue_indirect_dma source(%dma_start3A_61 : memref<500032x16xf32, #tpu.memory_space<hbm>>) target(%dma_start3A_55 : memref<128x16xf32, #tpu.memory_space<vmem>>) offsets(%dma_start3A_58 : memref<128xi32, #tpu.memory_space<vmem>>) semaphore(%dma_start3A_63 : memref<!tpu.dma_semaphore, #tpu.memory_space<semaphore_mem>>)
    %scan3A_64 = arith.constant 0 : i32
    %scan3A_65 = arith.constant 0 : i32
    %scan3A_66 = arith.constant 8 : i32
    %scan3A_67 = arith.addi %scan3A_65, %scan3A_66 : i32
    %scan3A_68 = arith.constant 1 : i32
    scf.for %scan3A_175 = %scan3A_65 to %scan3A_67 step %scan3A_68  : i32 {
      %mul3A_176 = arith.constant 16 : i32
      %mul3A_177 = arith.muli %scan3A_175, %mul3A_176 : i32
      %add3A_178 = arith.constant 384 : i32
      %add3A_179 = arith.addi %add3A_178, %mul3A_177 : i32
      %get3A = arith.constant 0 : i32
      %get3A_180 = arith.index_cast %get3A : i32 to index
      %get3A_181 = arith.index_cast %add3A_179 : i32 to index
      %get3A_182 = tpu.vector_load %arg6[%get3A_180, %get3A_181] {strides = array<i32>} : memref<2x512xi32, #tpu.memory_space<vmem>>, vector<16xi32>,
      %shift_right_arithmetic3A = arith.constant 7 : i32
      %shift_right_arithmetic3A_183 = vector.broadcast %shift_right_arithmetic3A : i32 to vector<16xi32>
      %shift_right_arithmetic3A_184 = arith.shrsi %get3A_182, %shift_right_arithmetic3A_183 : vector<16xi32>
      %shift_left3A = arith.constant 6 : i32
      %shift_left3A_185 = vector.broadcast %shift_left3A : i32 to vector<16xi32>
      %shift_left3A_186 = arith.shli %shift_right_arithmetic3A_184, %shift_left3A_185 : vector<16xi32>
      %shift_right_arithmetic3A_187 = arith.constant 4 : i32
      %shift_right_arithmetic3A_188 = vector.broadcast %shift_right_arithmetic3A_187 : i32 to vector<16xi32>
      %shift_right_arithmetic3A_189 = arith.shrsi %get3A_182, %shift_right_arithmetic3A_188 : vector<16xi32>
      %and3A = arith.constant 7 : i32
      %and3A_190 = vector.broadcast %and3A : i32 to vector<16xi32>
      %and3A_191 = arith.andi %shift_right_arithmetic3A_189, %and3A_190 : vector<16xi32>
      %add3A_192 = arith.addi %shift_left3A_186, %and3A_191 : vector<16xi32>
      %add3A_193 = arith.constant 0 : i32
      %add3A_194 = vector.broadcast %add3A_193 : i32 to vector<16xi32>
      %add3A_195 = arith.addi %add3A_192, %add3A_194 : vector<16xi32>
      %mul3A_196 = arith.constant 16 : i32
      %mul3A_197 = arith.muli %scan3A_175, %mul3A_196 : i32
      %swap3A = arith.constant 3 : i32
      %swap3A_198 = arith.index_cast %swap3A : i32 to index
      %swap3A_199 = arith.index_cast %mul3A_197 : i32 to index
      %swap3A_200 = tpu.vector_load %arg7[%swap3A_198, %swap3A_199] {strides = array<i32>} : memref<8x128xi32, #tpu.memory_space<vmem>>, vector<16xi32>,
      tpu.vector_store %arg7[%swap3A_198, %swap3A_199], %add3A_195 {strides = array<i32>} : memref<8x128xi32, #tpu.memory_space<vmem>>, vector<16xi32>,
    }
    %scan3A_69 = arith.constant 8 : i32
    %dma_start3A_70 = arith.constant 3 : i32
    %dma_start3A_71 = arith.constant 3 : i32
    %dma_start3A_72 = arith.constant 3 : i32
    %dma_start3A_73 = arith.constant 0 : i32
    %dma_start3A_74 = arith.constant 0 : i32
    %dma_start3A_75 = tpu.memref_slice %arg8[%dma_start3A_71, %dma_start3A_73, %dma_start3A_74] : memref<8x128x16xf32, #tpu.memory_space<vmem>> -> memref<1x128x16xf32, #tpu.memory_space<vmem>>
    %dma_start3A_76 = tpu.memref_squeeze %dma_start3A_75 : memref<1x128x16xf32, #tpu.memory_space<vmem>> -> memref<128x16xf32, #tpu.memory_space<vmem>>
    %dma_start3A_77 = arith.constant 0 : i32
    %dma_start3A_78 = tpu.memref_slice %arg7[%dma_start3A_70, %dma_start3A_77] : memref<8x128xi32, #tpu.memory_space<vmem>> -> memref<1x128xi32, #tpu.memory_space<vmem>>
    %dma_start3A_79 = tpu.memref_squeeze %dma_start3A_78 : memref<1x128xi32, #tpu.memory_space<vmem>> -> memref<128xi32, #tpu.memory_space<vmem>>
    %dma_start3A_80 = arith.constant 0 : i32
    %dma_start3A_81 = arith.constant 0 : i32
    %dma_start3A_82 = tpu.memref_slice %arg3[%dma_start3A_80, %dma_start3A_81] : memref<500032x16xf32, #tpu.memory_space<hbm>> -> memref<500032x16xf32, #tpu.memory_space<hbm>>
    %dma_start3A_83 = tpu.memref_slice %arg11[%dma_start3A_72] : memref<8x!tpu.dma_semaphore, #tpu.memory_space<semaphore_mem>> -> memref<1x!tpu.dma_semaphore, #tpu.memory_space<semaphore_mem>>
    %dma_start3A_84 = tpu.memref_squeeze %dma_start3A_83 : memref<1x!tpu.dma_semaphore, #tpu.memory_space<semaphore_mem>> -> memref<!tpu.dma_semaphore, #tpu.memory_space<semaphore_mem>>
    tpu.enqueue_indirect_dma source(%dma_start3A_82 : memref<500032x16xf32, #tpu.memory_space<hbm>>) target(%dma_start3A_76 : memref<128x16xf32, #tpu.memory_space<vmem>>) offsets(%dma_start3A_79 : memref<128xi32, #tpu.memory_space<vmem>>) semaphore(%dma_start3A_84 : memref<!tpu.dma_semaphore, #tpu.memory_space<semaphore_mem>>)
    %scan3A_85 = arith.constant 0 : i32
    %scan3A_86 = arith.constant 0 : i32
    %scan3A_87 = arith.constant 8 : i32
    %scan3A_88 = arith.addi %scan3A_86, %scan3A_87 : i32
    %scan3A_89 = arith.constant 1 : i32
    scf.for %scan3A_175 = %scan3A_86 to %scan3A_88 step %scan3A_89  : i32 {
      %mul3A_176 = arith.constant 16 : i32
      %mul3A_177 = arith.muli %scan3A_175, %mul3A_176 : i32
      %add3A_178 = arith.constant 0 : i32
      %add3A_179 = arith.addi %add3A_178, %mul3A_177 : i32
      %get3A = arith.constant 1 : i32
      %get3A_180 = arith.index_cast %get3A : i32 to index
      %get3A_181 = arith.index_cast %add3A_179 : i32 to index
      %get3A_182 = tpu.vector_load %arg6[%get3A_180, %get3A_181] {strides = array<i32>} : memref<2x512xi32, #tpu.memory_space<vmem>>, vector<16xi32>,
      %shift_right_arithmetic3A = arith.constant 7 : i32
      %shift_right_arithmetic3A_183 = vector.broadcast %shift_right_arithmetic3A : i32 to vector<16xi32>
      %shift_right_arithmetic3A_184 = arith.shrsi %get3A_182, %shift_right_arithmetic3A_183 : vector<16xi32>
      %shift_left3A = arith.constant 6 : i32
      %shift_left3A_185 = vector.broadcast %shift_left3A : i32 to vector<16xi32>
      %shift_left3A_186 = arith.shli %shift_right_arithmetic3A_184, %shift_left3A_185 : vector<16xi32>
      %shift_right_arithmetic3A_187 = arith.constant 4 : i32
      %shift_right_arithmetic3A_188 = vector.broadcast %shift_right_arithmetic3A_187 : i32 to vector<16xi32>
      %shift_right_arithmetic3A_189 = arith.shrsi %get3A_182, %shift_right_arithmetic3A_188 : vector<16xi32>
      %and3A = arith.constant 7 : i32
      %and3A_190 = vector.broadcast %and3A : i32 to vector<16xi32>
      %and3A_191 = arith.andi %shift_right_arithmetic3A_189, %and3A_190 : vector<16xi32>
      %add3A_192 = arith.addi %shift_left3A_186, %and3A_191 : vector<16xi32>
      %add3A_193 = arith.constant 8 : i32
      %add3A_194 = vector.broadcast %add3A_193 : i32 to vector<16xi32>
      %add3A_195 = arith.addi %add3A_192, %add3A_194 : vector<16xi32>
      %mul3A_196 = arith.constant 16 : i32
      %mul3A_197 = arith.muli %scan3A_175, %mul3A_196 : i32
      %swap3A = arith.constant 4 : i32
      %swap3A_198 = arith.index_cast %swap3A : i32 to index
      %swap3A_199 = arith.index_cast %mul3A_197 : i32 to index
      %swap3A_200 = tpu.vector_load %arg7[%swap3A_198, %swap3A_199] {strides = array<i32>} : memref<8x128xi32, #tpu.memory_space<vmem>>, vector<16xi32>,
      tpu.vector_store %arg7[%swap3A_198, %swap3A_199], %add3A_195 {strides = array<i32>} : memref<8x128xi32, #tpu.memory_space<vmem>>, vector<16xi32>,
    }
    %scan3A_90 = arith.constant 8 : i32
    %dma_start3A_91 = arith.constant 4 : i32
    %dma_start3A_92 = arith.constant 4 : i32
    %dma_start3A_93 = arith.constant 4 : i32
    %dma_start3A_94 = arith.constant 0 : i32
    %dma_start3A_95 = arith.constant 0 : i32
    %dma_start3A_96 = tpu.memref_slice %arg8[%dma_start3A_92, %dma_start3A_94, %dma_start3A_95] : memref<8x128x16xf32, #tpu.memory_space<vmem>> -> memref<1x128x16xf32, #tpu.memory_space<vmem>>
    %dma_start3A_97 = tpu.memref_squeeze %dma_start3A_96 : memref<1x128x16xf32, #tpu.memory_space<vmem>> -> memref<128x16xf32, #tpu.memory_space<vmem>>
    %dma_start3A_98 = arith.constant 0 : i32
    %dma_start3A_99 = tpu.memref_slice %arg7[%dma_start3A_91, %dma_start3A_98] : memref<8x128xi32, #tpu.memory_space<vmem>> -> memref<1x128xi32, #tpu.memory_space<vmem>>
    %dma_start3A_100 = tpu.memref_squeeze %dma_start3A_99 : memref<1x128xi32, #tpu.memory_space<vmem>> -> memref<128xi32, #tpu.memory_space<vmem>>
    %dma_start3A_101 = arith.constant 0 : i32
    %dma_start3A_102 = arith.constant 0 : i32
    %dma_start3A_103 = tpu.memref_slice %arg3[%dma_start3A_101, %dma_start3A_102] : memref<500032x16xf32, #tpu.memory_space<hbm>> -> memref<500032x16xf32, #tpu.memory_space<hbm>>
    %dma_start3A_104 = tpu.memref_slice %arg11[%dma_start3A_93] : memref<8x!tpu.dma_semaphore, #tpu.memory_space<semaphore_mem>> -> memref<1x!tpu.dma_semaphore, #tpu.memory_space<semaphore_mem>>
    %dma_start3A_105 = tpu.memref_squeeze %dma_start3A_104 : memref<1x!tpu.dma_semaphore, #tpu.memory_space<semaphore_mem>> -> memref<!tpu.dma_semaphore, #tpu.memory_space<semaphore_mem>>
    tpu.enqueue_indirect_dma source(%dma_start3A_103 : memref<500032x16xf32, #tpu.memory_space<hbm>>) target(%dma_start3A_97 : memref<128x16xf32, #tpu.memory_space<vmem>>) offsets(%dma_start3A_100 : memref<128xi32, #tpu.memory_space<vmem>>) semaphore(%dma_start3A_105 : memref<!tpu.dma_semaphore, #tpu.memory_space<semaphore_mem>>)
    %scan3A_106 = arith.constant 0 : i32
    %scan3A_107 = arith.constant 0 : i32
    %scan3A_108 = arith.constant 8 : i32
    %scan3A_109 = arith.addi %scan3A_107, %scan3A_108 : i32
    %scan3A_110 = arith.constant 1 : i32
    scf.for %scan3A_175 = %scan3A_107 to %scan3A_109 step %scan3A_110  : i32 {
      %mul3A_176 = arith.constant 16 : i32
      %mul3A_177 = arith.muli %scan3A_175, %mul3A_176 : i32
      %add3A_178 = arith.constant 128 : i32
      %add3A_179 = arith.addi %add3A_178, %mul3A_177 : i32
      %get3A = arith.constant 1 : i32
      %get3A_180 = arith.index_cast %get3A : i32 to index
      %get3A_181 = arith.index_cast %add3A_179 : i32 to index
      %get3A_182 = tpu.vector_load %arg6[%get3A_180, %get3A_181] {strides = array<i32>} : memref<2x512xi32, #tpu.memory_space<vmem>>, vector<16xi32>,
      %shift_right_arithmetic3A = arith.constant 7 : i32
      %shift_right_arithmetic3A_183 = vector.broadcast %shift_right_arithmetic3A : i32 to vector<16xi32>
      %shift_right_arithmetic3A_184 = arith.shrsi %get3A_182, %shift_right_arithmetic3A_183 : vector<16xi32>
      %shift_left3A = arith.constant 6 : i32
      %shift_left3A_185 = vector.broadcast %shift_left3A : i32 to vector<16xi32>
      %shift_left3A_186 = arith.shli %shift_right_arithmetic3A_184, %shift_left3A_185 : vector<16xi32>
      %shift_right_arithmetic3A_187 = arith.constant 4 : i32
      %shift_right_arithmetic3A_188 = vector.broadcast %shift_right_arithmetic3A_187 : i32 to vector<16xi32>
      %shift_right_arithmetic3A_189 = arith.shrsi %get3A_182, %shift_right_arithmetic3A_188 : vector<16xi32>
      %and3A = arith.constant 7 : i32
      %and3A_190 = vector.broadcast %and3A : i32 to vector<16xi32>
      %and3A_191 = arith.andi %shift_right_arithmetic3A_189, %and3A_190 : vector<16xi32>
      %add3A_192 = arith.addi %shift_left3A_186, %and3A_191 : vector<16xi32>
      %add3A_193 = arith.constant 8 : i32
      %add3A_194 = vector.broadcast %add3A_193 : i32 to vector<16xi32>
      %add3A_195 = arith.addi %add3A_192, %add3A_194 : vector<16xi32>
      %mul3A_196 = arith.constant 16 : i32
      %mul3A_197 = arith.muli %scan3A_175, %mul3A_196 : i32
      %swap3A = arith.constant 5 : i32
      %swap3A_198 = arith.index_cast %swap3A : i32 to index
      %swap3A_199 = arith.index_cast %mul3A_197 : i32 to index
      %swap3A_200 = tpu.vector_load %arg7[%swap3A_198, %swap3A_199] {strides = array<i32>} : memref<8x128xi32, #tpu.memory_space<vmem>>, vector<16xi32>,
      tpu.vector_store %arg7[%swap3A_198, %swap3A_199], %add3A_195 {strides = array<i32>} : memref<8x128xi32, #tpu.memory_space<vmem>>, vector<16xi32>,
    }
    %scan3A_111 = arith.constant 8 : i32
    %dma_start3A_112 = arith.constant 5 : i32
    %dma_start3A_113 = arith.constant 5 : i32
    %dma_start3A_114 = arith.constant 5 : i32
    %dma_start3A_115 = arith.constant 0 : i32
    %dma_start3A_116 = arith.constant 0 : i32
    %dma_start3A_117 = tpu.memref_slice %arg8[%dma_start3A_113, %dma_start3A_115, %dma_start3A_116] : memref<8x128x16xf32, #tpu.memory_space<vmem>> -> memref<1x128x16xf32, #tpu.memory_space<vmem>>
    %dma_start3A_118 = tpu.memref_squeeze %dma_start3A_117 : memref<1x128x16xf32, #tpu.memory_space<vmem>> -> memref<128x16xf32, #tpu.memory_space<vmem>>
    %dma_start3A_119 = arith.constant 0 : i32
    %dma_start3A_120 = tpu.memref_slice %arg7[%dma_start3A_112, %dma_start3A_119] : memref<8x128xi32, #tpu.memory_space<vmem>> -> memref<1x128xi32, #tpu.memory_space<vmem>>
    %dma_start3A_121 = tpu.memref_squeeze %dma_start3A_120 : memref<1x128xi32, #tpu.memory_space<vmem>> -> memref<128xi32, #tpu.memory_space<vmem>>
    %dma_start3A_122 = arith.constant 0 : i32
    %dma_start3A_123 = arith.constant 0 : i32
    %dma_start3A_124 = tpu.memref_slice %arg3[%dma_start3A_122, %dma_start3A_123] : memref<500032x16xf32, #tpu.memory_space<hbm>> -> memref<500032x16xf32, #tpu.memory_space<hbm>>
    %dma_start3A_125 = tpu.memref_slice %arg11[%dma_start3A_114] : memref<8x!tpu.dma_semaphore, #tpu.memory_space<semaphore_mem>> -> memref<1x!tpu.dma_semaphore, #tpu.memory_space<semaphore_mem>>
    %dma_start3A_126 = tpu.memref_squeeze %dma_start3A_125 : memref<1x!tpu.dma_semaphore, #tpu.memory_space<semaphore_mem>> -> memref<!tpu.dma_semaphore, #tpu.memory_space<semaphore_mem>>
    tpu.enqueue_indirect_dma source(%dma_start3A_124 : memref<500032x16xf32, #tpu.memory_space<hbm>>) target(%dma_start3A_118 : memref<128x16xf32, #tpu.memory_space<vmem>>) offsets(%dma_start3A_121 : memref<128xi32, #tpu.memory_space<vmem>>) semaphore(%dma_start3A_126 : memref<!tpu.dma_semaphore, #tpu.memory_space<semaphore_mem>>)
    %scan3A_127 = arith.constant 0 : i32
    %scan3A_128 = arith.constant 0 : i32
    %scan3A_129 = arith.constant 8 : i32
    %scan3A_130 = arith.addi %scan3A_128, %scan3A_129 : i32
    %scan3A_131 = arith.constant 1 : i32
    scf.for %scan3A_175 = %scan3A_128 to %scan3A_130 step %scan3A_131  : i32 {
      %mul3A_176 = arith.constant 16 : i32
      %mul3A_177 = arith.muli %scan3A_175, %mul3A_176 : i32
      %add3A_178 = arith.constant 256 : i32
      %add3A_179 = arith.addi %add3A_178, %mul3A_177 : i32
      %get3A = arith.constant 1 : i32
      %get3A_180 = arith.index_cast %get3A : i32 to index
      %get3A_181 = arith.index_cast %add3A_179 : i32 to index
      %get3A_182 = tpu.vector_load %arg6[%get3A_180, %get3A_181] {strides = array<i32>} : memref<2x512xi32, #tpu.memory_space<vmem>>, vector<16xi32>,
      %shift_right_arithmetic3A = arith.constant 7 : i32
      %shift_right_arithmetic3A_183 = vector.broadcast %shift_right_arithmetic3A : i32 to vector<16xi32>
      %shift_right_arithmetic3A_184 = arith.shrsi %get3A_182, %shift_right_arithmetic3A_183 : vector<16xi32>
      %shift_left3A = arith.constant 6 : i32
      %shift_left3A_185 = vector.broadcast %shift_left3A : i32 to vector<16xi32>
      %shift_left3A_186 = arith.shli %shift_right_arithmetic3A_184, %shift_left3A_185 : vector<16xi32>
      %shift_right_arithmetic3A_187 = arith.constant 4 : i32
      %shift_right_arithmetic3A_188 = vector.broadcast %shift_right_arithmetic3A_187 : i32 to vector<16xi32>
      %shift_right_arithmetic3A_189 = arith.shrsi %get3A_182, %shift_right_arithmetic3A_188 : vector<16xi32>
      %and3A = arith.constant 7 : i32
      %and3A_190 = vector.broadcast %and3A : i32 to vector<16xi32>
      %and3A_191 = arith.andi %shift_right_arithmetic3A_189, %and3A_190 : vector<16xi32>
      %add3A_192 = arith.addi %shift_left3A_186, %and3A_191 : vector<16xi32>
      %add3A_193 = arith.constant 8 : i32
      %add3A_194 = vector.broadcast %add3A_193 : i32 to vector<16xi32>
      %add3A_195 = arith.addi %add3A_192, %add3A_194 : vector<16xi32>
      %mul3A_196 = arith.constant 16 : i32
      %mul3A_197 = arith.muli %scan3A_175, %mul3A_196 : i32
      %swap3A = arith.constant 6 : i32
      %swap3A_198 = arith.index_cast %swap3A : i32 to index
      %swap3A_199 = arith.index_cast %mul3A_197 : i32 to index
      %swap3A_200 = tpu.vector_load %arg7[%swap3A_198, %swap3A_199] {strides = array<i32>} : memref<8x128xi32, #tpu.memory_space<vmem>>, vector<16xi32>,
      tpu.vector_store %arg7[%swap3A_198, %swap3A_199], %add3A_195 {strides = array<i32>} : memref<8x128xi32, #tpu.memory_space<vmem>>, vector<16xi32>,
    }
    %scan3A_132 = arith.constant 8 : i32
    %dma_start3A_133 = arith.constant 6 : i32
    %dma_start3A_134 = arith.constant 6 : i32
    %dma_start3A_135 = arith.constant 6 : i32
    %dma_start3A_136 = arith.constant 0 : i32
    %dma_start3A_137 = arith.constant 0 : i32
    %dma_start3A_138 = tpu.memref_slice %arg8[%dma_start3A_134, %dma_start3A_136, %dma_start3A_137] : memref<8x128x16xf32, #tpu.memory_space<vmem>> -> memref<1x128x16xf32, #tpu.memory_space<vmem>>
    %dma_start3A_139 = tpu.memref_squeeze %dma_start3A_138 : memref<1x128x16xf32, #tpu.memory_space<vmem>> -> memref<128x16xf32, #tpu.memory_space<vmem>>
    %dma_start3A_140 = arith.constant 0 : i32
    %dma_start3A_141 = tpu.memref_slice %arg7[%dma_start3A_133, %dma_start3A_140] : memref<8x128xi32, #tpu.memory_space<vmem>> -> memref<1x128xi32, #tpu.memory_space<vmem>>
    %dma_start3A_142 = tpu.memref_squeeze %dma_start3A_141 : memref<1x128xi32, #tpu.memory_space<vmem>> -> memref<128xi32, #tpu.memory_space<vmem>>
    %dma_start3A_143 = arith.constant 0 : i32
    %dma_start3A_144 = arith.constant 0 : i32
    %dma_start3A_145 = tpu.memref_slice %arg3[%dma_start3A_143, %dma_start3A_144] : memref<500032x16xf32, #tpu.memory_space<hbm>> -> memref<500032x16xf32, #tpu.memory_space<hbm>>
    %dma_start3A_146 = tpu.memref_slice %arg11[%dma_start3A_135] : memref<8x!tpu.dma_semaphore, #tpu.memory_space<semaphore_mem>> -> memref<1x!tpu.dma_semaphore, #tpu.memory_space<semaphore_mem>>
    %dma_start3A_147 = tpu.memref_squeeze %dma_start3A_146 : memref<1x!tpu.dma_semaphore, #tpu.memory_space<semaphore_mem>> -> memref<!tpu.dma_semaphore, #tpu.memory_space<semaphore_mem>>
    tpu.enqueue_indirect_dma source(%dma_start3A_145 : memref<500032x16xf32, #tpu.memory_space<hbm>>) target(%dma_start3A_139 : memref<128x16xf32, #tpu.memory_space<vmem>>) offsets(%dma_start3A_142 : memref<128xi32, #tpu.memory_space<vmem>>) semaphore(%dma_start3A_147 : memref<!tpu.dma_semaphore, #tpu.memory_space<semaphore_mem>>)
    %scan3A_148 = arith.constant 0 : i32
    %scan3A_149 = arith.constant 0 : i32
    %scan3A_150 = arith.constant 8 : i32
    %scan3A_151 = arith.addi %scan3A_149, %scan3A_150 : i32
    %scan3A_152 = arith.constant 1 : i32
    scf.for %scan3A_175 = %scan3A_149 to %scan3A_151 step %scan3A_152  : i32 {
      %mul3A_176 = arith.constant 16 : i32
      %mul3A_177 = arith.muli %scan3A_175, %mul3A_176 : i32
      %add3A_178 = arith.constant 384 : i32
      %add3A_179 = arith.addi %add3A_178, %mul3A_177 : i32
      %get3A = arith.constant 1 : i32
      %get3A_180 = arith.index_cast %get3A : i32 to index
      %get3A_181 = arith.index_cast %add3A_179 : i32 to index
      %get3A_182 = tpu.vector_load %arg6[%get3A_180, %get3A_181] {strides = array<i32>} : memref<2x512xi32, #tpu.memory_space<vmem>>, vector<16xi32>,
      %shift_right_arithmetic3A = arith.constant 7 : i32
      %shift_right_arithmetic3A_183 = vector.broadcast %shift_right_arithmetic3A : i32 to vector<16xi32>
      %shift_right_arithmetic3A_184 = arith.shrsi %get3A_182, %shift_right_arithmetic3A_183 : vector<16xi32>
      %shift_left3A = arith.constant 6 : i32
      %shift_left3A_185 = vector.broadcast %shift_left3A : i32 to vector<16xi32>
      %shift_left3A_186 = arith.shli %shift_right_arithmetic3A_184, %shift_left3A_185 : vector<16xi32>
      %shift_right_arithmetic3A_187 = arith.constant 4 : i32
      %shift_right_arithmetic3A_188 = vector.broadcast %shift_right_arithmetic3A_187 : i32 to vector<16xi32>
      %shift_right_arithmetic3A_189 = arith.shrsi %get3A_182, %shift_right_arithmetic3A_188 : vector<16xi32>
      %and3A = arith.constant 7 : i32
      %and3A_190 = vector.broadcast %and3A : i32 to vector<16xi32>
      %and3A_191 = arith.andi %shift_right_arithmetic3A_189, %and3A_190 : vector<16xi32>
      %add3A_192 = arith.addi %shift_left3A_186, %and3A_191 : vector<16xi32>
      %add3A_193 = arith.constant 8 : i32
      %add3A_194 = vector.broadcast %add3A_193 : i32 to vector<16xi32>
      %add3A_195 = arith.addi %add3A_192, %add3A_194 : vector<16xi32>
      %mul3A_196 = arith.constant 16 : i32
      %mul3A_197 = arith.muli %scan3A_175, %mul3A_196 : i32
      %swap3A = arith.constant 7 : i32
      %swap3A_198 = arith.index_cast %swap3A : i32 to index
      %swap3A_199 = arith.index_cast %mul3A_197 : i32 to index
      %swap3A_200 = tpu.vector_load %arg7[%swap3A_198, %swap3A_199] {strides = array<i32>} : memref<8x128xi32, #tpu.memory_space<vmem>>, vector<16xi32>,
      tpu.vector_store %arg7[%swap3A_198, %swap3A_199], %add3A_195 {strides = array<i32>} : memref<8x128xi32, #tpu.memory_space<vmem>>, vector<16xi32>,
    }
    %scan3A_153 = arith.constant 8 : i32
    %dma_start3A_154 = arith.constant 7 : i32
    %dma_start3A_155 = arith.constant 7 : i32
    %dma_start3A_156 = arith.constant 7 : i32
    %dma_start3A_157 = arith.constant 0 : i32
    %dma_start3A_158 = arith.constant 0 : i32
    %dma_start3A_159 = tpu.memref_slice %arg8[%dma_start3A_155, %dma_start3A_157, %dma_start3A_158] : memref<8x128x16xf32, #tpu.memory_space<vmem>> -> memref<1x128x16xf32, #tpu.memory_space<vmem>>
    %dma_start3A_160 = tpu.memref_squeeze %dma_start3A_159 : memref<1x128x16xf32, #tpu.memory_space<vmem>> -> memref<128x16xf32, #tpu.memory_space<vmem>>
    %dma_start3A_161 = arith.constant 0 : i32
    %dma_start3A_162 = tpu.memref_slice %arg7[%dma_start3A_154, %dma_start3A_161] : memref<8x128xi32, #tpu.memory_space<vmem>> -> memref<1x128xi32, #tpu.memory_space<vmem>>
    %dma_start3A_163 = tpu.memref_squeeze %dma_start3A_162 : memref<1x128xi32, #tpu.memory_space<vmem>> -> memref<128xi32, #tpu.memory_space<vmem>>
    %dma_start3A_164 = arith.constant 0 : i32
    %dma_start3A_165 = arith.constant 0 : i32
    %dma_start3A_166 = tpu.memref_slice %arg3[%dma_start3A_164, %dma_start3A_165] : memref<500032x16xf32, #tpu.memory_space<hbm>> -> memref<500032x16xf32, #tpu.memory_space<hbm>>
    %dma_start3A_167 = tpu.memref_slice %arg11[%dma_start3A_156] : memref<8x!tpu.dma_semaphore, #tpu.memory_space<semaphore_mem>> -> memref<1x!tpu.dma_semaphore, #tpu.memory_space<semaphore_mem>>
    %dma_start3A_168 = tpu.memref_squeeze %dma_start3A_167 : memref<1x!tpu.dma_semaphore, #tpu.memory_space<semaphore_mem>> -> memref<!tpu.dma_semaphore, #tpu.memory_space<semaphore_mem>>
    tpu.enqueue_indirect_dma source(%dma_start3A_166 : memref<500032x16xf32, #tpu.memory_space<hbm>>) target(%dma_start3A_160 : memref<128x16xf32, #tpu.memory_space<vmem>>) offsets(%dma_start3A_163 : memref<128xi32, #tpu.memory_space<vmem>>) semaphore(%dma_start3A_168 : memref<!tpu.dma_semaphore, #tpu.memory_space<semaphore_mem>>)
    %scan3A_169 = arith.constant 0 : i32
    %scan3A_170 = arith.constant 0 : i32
    %scan3A_171 = arith.constant 8 : i32
    %scan3A_172 = arith.addi %scan3A_170, %scan3A_171 : i32
    %scan3A_173 = arith.constant 1 : i32
    scf.for %scan3A_175 = %scan3A_170 to %scan3A_172 step %scan3A_173  : i32 {
      %jit3A = arith.constant 8 : i32
      %eq3A = arith.constant 0 : i32
      %eq3A_176 = arith.cmpi eq, %jit3A, %eq3A : i32
      %jit3A_177 = arith.constant 1 : i32
      %select_n3A = arith.select %eq3A_176, %jit3A_177, %jit3A : i32
      %rem3A = arith.remsi %scan3A_175, %select_n3A : i32
      %ne3A = arith.constant 0 : i32
      %ne3A_178 = arith.cmpi ne, %rem3A, %ne3A : i32
      %lt3A = arith.constant 0 : i32
      %lt3A_179 = arith.cmpi slt, %rem3A, %lt3A : i32
      %lt3A_180 = arith.constant 0 : i32
      %lt3A_181 = arith.cmpi slt, %select_n3A, %lt3A_180 : i32
      %ne3A_182 = arith.xori %lt3A_179, %lt3A_181 : i1
      %and3A = arith.andi %ne3A_182, %ne3A_178 : i1
      %add3A_183 = arith.addi %rem3A, %select_n3A : i32
      %select_n3A_184 = arith.select %and3A, %add3A_183, %rem3A : i32
      %jit3A_185 = arith.constant 4 : i32
      %div3A = arith.divsi %scan3A_175, %jit3A_185 : i32
      %sign3A = arith.constant 0 : i32
      %sign3A_186 = arith.cmpi sgt, %scan3A_175, %sign3A : i32
      %sign3A_187 = arith.extui %sign3A_186 : i1 to i32
      %sign3A_188 = arith.constant 0 : i32
      %sign3A_189 = arith.cmpi slt, %scan3A_175, %sign3A_188 : i32
      %sign3A_190 = arith.extui %sign3A_189 : i1 to i32
      %sign3A_191 = arith.subi %sign3A_187, %sign3A_190 : i32
      %sign3A_192 = arith.constant 0 : i32
      %sign3A_193 = arith.cmpi sgt, %jit3A_185, %sign3A_192 : i32
      %sign3A_194 = arith.extui %sign3A_193 : i1 to i32
      %sign3A_195 = arith.constant 0 : i32
      %sign3A_196 = arith.cmpi slt, %jit3A_185, %sign3A_195 : i32
      %sign3A_197 = arith.extui %sign3A_196 : i1 to i32
      %sign3A_198 = arith.subi %sign3A_194, %sign3A_197 : i32
      %ne3A_199 = arith.cmpi ne, %sign3A_191, %sign3A_198 : i32
      %rem3A_200 = arith.remsi %scan3A_175, %jit3A_185 : i32
      %ne3A_201 = arith.constant 0 : i32
      %ne3A_202 = arith.cmpi ne, %rem3A_200, %ne3A_201 : i32
      %and3A_203 = arith.andi %ne3A_199, %ne3A_202 : i1
      %sub3A = arith.constant 1 : i32
      %sub3A_204 = arith.subi %div3A, %sub3A : i32
      %select_n3A_205 = arith.select %and3A_203, %sub3A_204, %div3A : i32
      %jit3A_206 = arith.constant 4 : i32
      %eq3A_207 = arith.constant 0 : i32
      %eq3A_208 = arith.cmpi eq, %jit3A_206, %eq3A_207 : i32
      %jit3A_209 = arith.constant 1 : i32
      %select_n3A_210 = arith.select %eq3A_208, %jit3A_209, %jit3A_206 : i32
      %rem3A_211 = arith.remsi %scan3A_175, %select_n3A_210 : i32
      %ne3A_212 = arith.constant 0 : i32
      %ne3A_213 = arith.cmpi ne, %rem3A_211, %ne3A_212 : i32
      %lt3A_214 = arith.constant 0 : i32
      %lt3A_215 = arith.cmpi slt, %rem3A_211, %lt3A_214 : i32
      %lt3A_216 = arith.constant 0 : i32
      %lt3A_217 = arith.cmpi slt, %select_n3A_210, %lt3A_216 : i32
      %ne3A_218 = arith.xori %lt3A_215, %lt3A_217 : i1
      %and3A_219 = arith.andi %ne3A_218, %ne3A_213 : i1
      %add3A_220 = arith.addi %rem3A_211, %select_n3A_210 : i32
      %select_n3A_221 = arith.select %and3A_219, %add3A_220, %rem3A_211 : i32
      %dma_wait3A = arith.constant 0 : i32
      %dma_wait3A_222 = arith.constant 0 : i32
      %dma_wait3A_223 = tpu.memref_slice %arg8[%select_n3A_184, %dma_wait3A, %dma_wait3A_222] : memref<8x128x16xf32, #tpu.memory_space<vmem>> -> memref<1x128x16xf32, #tpu.memory_space<vmem>>
      %dma_wait3A_224 = tpu.memref_squeeze %dma_wait3A_223 : memref<1x128x16xf32, #tpu.memory_space<vmem>> -> memref<128x16xf32, #tpu.memory_space<vmem>>
      %dma_wait3A_225 = arith.constant 0 : i32
      %dma_wait3A_226 = arith.constant 0 : i32
      %dma_wait3A_227 = tpu.memref_slice %arg3[%dma_wait3A_225, %dma_wait3A_226] : memref<500032x16xf32, #tpu.memory_space<hbm>> -> memref<128x16xf32, #tpu.memory_space<hbm>>
      %dma_wait3A_228 = tpu.memref_slice %arg11[%select_n3A_184] : memref<8x!tpu.dma_semaphore, #tpu.memory_space<semaphore_mem>> -> memref<1x!tpu.dma_semaphore, #tpu.memory_space<semaphore_mem>>
      %dma_wait3A_229 = tpu.memref_squeeze %dma_wait3A_228 : memref<1x!tpu.dma_semaphore, #tpu.memory_space<semaphore_mem>> -> memref<!tpu.dma_semaphore, #tpu.memory_space<semaphore_mem>>
      %dma_wait3A_230 = arith.constant 0 : i32
      %dma_wait3A_231 = arith.constant 0 : i32
      %dma_wait3A_232 = tpu.memref_slice %arg8[%select_n3A_184, %dma_wait3A_230, %dma_wait3A_231] : memref<8x128x16xf32, #tpu.memory_space<vmem>> -> memref<1x128x16xf32, #tpu.memory_space<vmem>>
      %dma_wait3A_233 = tpu.memref_squeeze %dma_wait3A_232 : memref<1x128x16xf32, #tpu.memory_space<vmem>> -> memref<128x16xf32, #tpu.memory_space<vmem>>
      %dma_wait3A_234 = arith.constant 0 : i32
      %dma_wait3A_235 = arith.constant 0 : i32
      %dma_wait3A_236 = tpu.memref_slice %arg3[%dma_wait3A_234, %dma_wait3A_235] : memref<500032x16xf32, #tpu.memory_space<hbm>> -> memref<128x16xf32, #tpu.memory_space<hbm>>
      tpu.wait_dma2 semaphore(%dma_wait3A_229 : memref<!tpu.dma_semaphore, #tpu.memory_space<semaphore_mem>>) src(%dma_wait3A_236 : memref<128x16xf32, #tpu.memory_space<hbm>>) dst(%dma_wait3A_233 : memref<128x16xf32, #tpu.memory_space<vmem>>)
      %scan3A_237 = arith.constant 0 : i32
      %scan3A_238 = arith.constant 0 : i32
      %scan3A_239 = arith.constant 8 : i32
      %scan3A_240 = arith.addi %scan3A_238, %scan3A_239 : i32
      %scan3A_241 = arith.constant 1 : i32
      scf.for %scan3A_248 = %scan3A_238 to %scan3A_240 step %scan3A_241  : i32 {
        %mul3A_249 = arith.constant 128 : i32
        %mul3A_250 = arith.muli %select_n3A_221, %mul3A_249 : i32
        %mul3A_251 = arith.constant 16 : i32
        %mul3A_252 = arith.muli %scan3A_248, %mul3A_251 : i32
        %add3A_253 = arith.addi %mul3A_250, %mul3A_252 : i32
        %get3A = arith.index_cast %select_n3A_205 : i32 to index
        %get3A_254 = arith.index_cast %add3A_253 : i32 to index
        %get3A_255 = tpu.vector_load %arg6[%get3A, %get3A_254] {strides = array<i32>} : memref<2x512xi32, #tpu.memory_space<vmem>>, vector<16xi32>,
        %mul3A_256 = arith.constant 16 : i32
        %mul3A_257 = arith.muli %scan3A_248, %mul3A_256 : i32
        %add3A_258 = vector.broadcast %mul3A_257 : i32 to vector<16xi32>
        %add3A_259 = arith.addi %iota3A, %add3A_258 : vector<16xi32>
        %and3A_260 = arith.constant 15 : i32
        %and3A_261 = vector.broadcast %and3A_260 : i32 to vector<16xi32>
        %and3A_262 = arith.andi %get3A_255, %and3A_261 : vector<16xi32>
        %gather3A = arith.constant 0 : i32
        %gather3A_263 = arith.constant 0 : i32
        %gather3A_264 = tpu.memref_slice %arg8[%select_n3A_184, %gather3A, %gather3A_263] : memref<8x128x16xf32, #tpu.memory_space<vmem>> -> memref<1x128x16xf32, #tpu.memory_space<vmem>>
        %gather3A_265 = tpu.memref_squeeze %gather3A_264 : memref<1x128x16xf32, #tpu.memory_space<vmem>> -> memref<128x16xf32, #tpu.memory_space<vmem>>
        %gather3A_266 = tpu.vector_load_idx %gather3A_265[%add3A_259, %and3A_262] : memref<128x16xf32, #tpu.memory_space<vmem>>[vector<16xi32>, vector<16xi32>], vector<16xf32>,
        %get3A_267 = arith.index_cast %add3A_253 : i32 to index
        %get3A_268 = tpu.vector_load %arg9[%get3A_267] {strides = array<i32>} : memref<512xf32, #tpu.memory_space<vmem>>, vector<16xf32>,
        %add3A_269 = arith.addf %get3A_268, %gather3A_266 : vector<16xf32>
        %swap3A = arith.index_cast %add3A_253 : i32 to index
        %swap3A_270 = tpu.vector_load %arg9[%swap3A] {strides = array<i32>} : memref<512xf32, #tpu.memory_space<vmem>>, vector<16xf32>,
        tpu.vector_store %arg9[%swap3A], %add3A_269 {strides = array<i32>} : memref<512xf32, #tpu.memory_space<vmem>>, vector<16xf32>,
      }
      %scan3A_242 = arith.constant 8 : i32
      %add3A_243 = arith.constant 8 : i32
      %add3A_244 = arith.addi %scan3A_175, %add3A_243 : i32
      %lt3A_245 = arith.constant 8 : i32
      %lt3A_246 = arith.cmpi slt, %add3A_244, %lt3A_245 : i32
      %convert_element_type3A = arith.extui %lt3A_246 : i1 to i32
      %cond3A = arith.constant 0 : i32
      %cond3A_247 = arith.cmpi ne, %convert_element_type3A, %cond3A : i32
      scf.if %cond3A_247 {
        %add3A_248 = arith.constant 8 : i32
        %add3A_249 = arith.addi %scan3A_175, %add3A_248 : i32
        %jit3A_250 = arith.constant 4 : i32
        %div3A_251 = arith.divsi %add3A_249, %jit3A_250 : i32
        %sign3A_252 = arith.constant 0 : i32
        %sign3A_253 = arith.cmpi sgt, %add3A_249, %sign3A_252 : i32
        %sign3A_254 = arith.extui %sign3A_253 : i1 to i32
        %sign3A_255 = arith.constant 0 : i32
        %sign3A_256 = arith.cmpi slt, %add3A_249, %sign3A_255 : i32
        %sign3A_257 = arith.extui %sign3A_256 : i1 to i32
        %sign3A_258 = arith.subi %sign3A_254, %sign3A_257 : i32
        %sign3A_259 = arith.constant 0 : i32
        %sign3A_260 = arith.cmpi sgt, %jit3A_250, %sign3A_259 : i32
        %sign3A_261 = arith.extui %sign3A_260 : i1 to i32
        %sign3A_262 = arith.constant 0 : i32
        %sign3A_263 = arith.cmpi slt, %jit3A_250, %sign3A_262 : i32
        %sign3A_264 = arith.extui %sign3A_263 : i1 to i32
        %sign3A_265 = arith.subi %sign3A_261, %sign3A_264 : i32
        %ne3A_266 = arith.cmpi ne, %sign3A_258, %sign3A_265 : i32
        %rem3A_267 = arith.remsi %add3A_249, %jit3A_250 : i32
        %ne3A_268 = arith.constant 0 : i32
        %ne3A_269 = arith.cmpi ne, %rem3A_267, %ne3A_268 : i32
        %and3A_270 = arith.andi %ne3A_266, %ne3A_269 : i1
        %sub3A_271 = arith.constant 1 : i32
        %sub3A_272 = arith.subi %div3A_251, %sub3A_271 : i32
        %select_n3A_273 = arith.select %and3A_270, %sub3A_272, %div3A_251 : i32
        %jit3A_274 = arith.constant 4 : i32
        %eq3A_275 = arith.constant 0 : i32
        %eq3A_276 = arith.cmpi eq, %jit3A_274, %eq3A_275 : i32
        %jit3A_277 = arith.constant 1 : i32
        %select_n3A_278 = arith.select %eq3A_276, %jit3A_277, %jit3A_274 : i32
        %rem3A_279 = arith.remsi %add3A_249, %select_n3A_278 : i32
        %ne3A_280 = arith.constant 0 : i32
        %ne3A_281 = arith.cmpi ne, %rem3A_279, %ne3A_280 : i32
        %lt3A_282 = arith.constant 0 : i32
        %lt3A_283 = arith.cmpi slt, %rem3A_279, %lt3A_282 : i32
        %lt3A_284 = arith.constant 0 : i32
        %lt3A_285 = arith.cmpi slt, %select_n3A_278, %lt3A_284 : i32
        %ne3A_286 = arith.xori %lt3A_283, %lt3A_285 : i1
        %and3A_287 = arith.andi %ne3A_286, %ne3A_281 : i1
        %add3A_288 = arith.addi %rem3A_279, %select_n3A_278 : i32
        %select_n3A_289 = arith.select %and3A_287, %add3A_288, %rem3A_279 : i32
        %jit3A_290 = arith.constant 8 : i32
        %eq3A_291 = arith.constant 0 : i32
        %eq3A_292 = arith.cmpi eq, %jit3A_290, %eq3A_291 : i32
        %jit3A_293 = arith.constant 1 : i32
        %select_n3A_294 = arith.select %eq3A_292, %jit3A_293, %jit3A_290 : i32
        %rem3A_295 = arith.remsi %add3A_249, %select_n3A_294 : i32
        %ne3A_296 = arith.constant 0 : i32
        %ne3A_297 = arith.cmpi ne, %rem3A_295, %ne3A_296 : i32
        %lt3A_298 = arith.constant 0 : i32
        %lt3A_299 = arith.cmpi slt, %rem3A_295, %lt3A_298 : i32
        %lt3A_300 = arith.constant 0 : i32
        %lt3A_301 = arith.cmpi slt, %select_n3A_294, %lt3A_300 : i32
        %ne3A_302 = arith.xori %lt3A_299, %lt3A_301 : i1
        %and3A_303 = arith.andi %ne3A_302, %ne3A_297 : i1
        %add3A_304 = arith.addi %rem3A_295, %select_n3A_294 : i32
        %select_n3A_305 = arith.select %and3A_303, %add3A_304, %rem3A_295 : i32
        %mul3A_306 = arith.constant 8 : i32
        %mul3A_307 = arith.muli %select_n3A_273, %mul3A_306 : i32
        %scan3A_308 = arith.constant 0 : i32
        %scan3A_309 = arith.constant 0 : i32
        %scan3A_310 = arith.constant 8 : i32
        %scan3A_311 = arith.addi %scan3A_309, %scan3A_310 : i32
        %scan3A_312 = arith.constant 1 : i32
        scf.for %scan3A_326 = %scan3A_309 to %scan3A_311 step %scan3A_312  : i32 {
          %mul3A_327 = arith.constant 128 : i32
          %mul3A_328 = arith.muli %select_n3A_289, %mul3A_327 : i32
          %mul3A_329 = arith.constant 16 : i32
          %mul3A_330 = arith.muli %scan3A_326, %mul3A_329 : i32
          %add3A_331 = arith.addi %mul3A_328, %mul3A_330 : i32
          %get3A = arith.index_cast %select_n3A_273 : i32 to index
          %get3A_332 = arith.index_cast %add3A_331 : i32 to index
          %get3A_333 = tpu.vector_load %arg6[%get3A, %get3A_332] {strides = array<i32>} : memref<2x512xi32, #tpu.memory_space<vmem>>, vector<16xi32>,
          %shift_right_arithmetic3A = arith.constant 7 : i32
          %shift_right_arithmetic3A_334 = vector.broadcast %shift_right_arithmetic3A : i32 to vector<16xi32>
          %shift_right_arithmetic3A_335 = arith.shrsi %get3A_333, %shift_right_arithmetic3A_334 : vector<16xi32>
          %shift_left3A = arith.constant 6 : i32
          %shift_left3A_336 = vector.broadcast %shift_left3A : i32 to vector<16xi32>
          %shift_left3A_337 = arith.shli %shift_right_arithmetic3A_335, %shift_left3A_336 : vector<16xi32>
          %shift_right_arithmetic3A_338 = arith.constant 4 : i32
          %shift_right_arithmetic3A_339 = vector.broadcast %shift_right_arithmetic3A_338 : i32 to vector<16xi32>
          %shift_right_arithmetic3A_340 = arith.shrsi %get3A_333, %shift_right_arithmetic3A_339 : vector<16xi32>
          %and3A_341 = arith.constant 7 : i32
          %and3A_342 = vector.broadcast %and3A_341 : i32 to vector<16xi32>
          %and3A_343 = arith.andi %shift_right_arithmetic3A_340, %and3A_342 : vector<16xi32>
          %add3A_344 = arith.addi %shift_left3A_337, %and3A_343 : vector<16xi32>
          %add3A_345 = vector.broadcast %mul3A_307 : i32 to vector<16xi32>
          %add3A_346 = arith.addi %add3A_344, %add3A_345 : vector<16xi32>
          %mul3A_347 = arith.constant 16 : i32
          %mul3A_348 = arith.muli %scan3A_326, %mul3A_347 : i32
          %swap3A = arith.index_cast %select_n3A_305 : i32 to index
          %swap3A_349 = arith.index_cast %mul3A_348 : i32 to index
          %swap3A_350 = tpu.vector_load %arg7[%swap3A, %swap3A_349] {strides = array<i32>} : memref<8x128xi32, #tpu.memory_space<vmem>>, vector<16xi32>,
          tpu.vector_store %arg7[%swap3A, %swap3A_349], %add3A_346 {strides = array<i32>} : memref<8x128xi32, #tpu.memory_space<vmem>>, vector<16xi32>,
        }
        %scan3A_313 = arith.constant 8 : i32
        %dma_start3A_314 = arith.constant 0 : i32
        %dma_start3A_315 = arith.constant 0 : i32
        %dma_start3A_316 = tpu.memref_slice %arg8[%select_n3A_305, %dma_start3A_314, %dma_start3A_315] : memref<8x128x16xf32, #tpu.memory_space<vmem>> -> memref<1x128x16xf32, #tpu.memory_space<vmem>>
        %dma_start3A_317 = tpu.memref_squeeze %dma_start3A_316 : memref<1x128x16xf32, #tpu.memory_space<vmem>> -> memref<128x16xf32, #tpu.memory_space<vmem>>
        %dma_start3A_318 = arith.constant 0 : i32
        %dma_start3A_319 = tpu.memref_slice %arg7[%select_n3A_305, %dma_start3A_318] : memref<8x128xi32, #tpu.memory_space<vmem>> -> memref<1x128xi32, #tpu.memory_space<vmem>>
        %dma_start3A_320 = tpu.memref_squeeze %dma_start3A_319 : memref<1x128xi32, #tpu.memory_space<vmem>> -> memref<128xi32, #tpu.memory_space<vmem>>
        %dma_start3A_321 = arith.constant 0 : i32
        %dma_start3A_322 = arith.constant 0 : i32
        %dma_start3A_323 = tpu.memref_slice %arg3[%dma_start3A_321, %dma_start3A_322] : memref<500032x16xf32, #tpu.memory_space<hbm>> -> memref<500032x16xf32, #tpu.memory_space<hbm>>
        %dma_start3A_324 = tpu.memref_slice %arg11[%select_n3A_305] : memref<8x!tpu.dma_semaphore, #tpu.memory_space<semaphore_mem>> -> memref<1x!tpu.dma_semaphore, #tpu.memory_space<semaphore_mem>>
        %dma_start3A_325 = tpu.memref_squeeze %dma_start3A_324 : memref<1x!tpu.dma_semaphore, #tpu.memory_space<semaphore_mem>> -> memref<!tpu.dma_semaphore, #tpu.memory_space<semaphore_mem>>
        tpu.enqueue_indirect_dma source(%dma_start3A_323 : memref<500032x16xf32, #tpu.memory_space<hbm>>) target(%dma_start3A_317 : memref<128x16xf32, #tpu.memory_space<vmem>>) offsets(%dma_start3A_320 : memref<128xi32, #tpu.memory_space<vmem>>) semaphore(%dma_start3A_325 : memref<!tpu.dma_semaphore, #tpu.memory_space<semaphore_mem>>)
      } else {
      }
    }
    %scan3A_174 = arith.constant 8 : i32
    "tpu.region"() ({
      %run_scoped3A = tpu.sem_alloc : memref<!tpu.dma_semaphore, #tpu.memory_space<semaphore_mem>>
      %dma_start3A_175 = tpu.memref_slice %arg5[%mul3A_2] : memref<16384xf32, #tpu.memory_space<hbm>> -> memref<512xf32, #tpu.memory_space<hbm>>
      %dma_start3A_176 = tpu.memref_slice %arg5[%mul3A_2] : memref<16384xf32, #tpu.memory_space<hbm>> -> memref<512xf32, #tpu.memory_space<hbm>>
      tpu.enqueue_dma source(%arg9 : memref<512xf32, #tpu.memory_space<vmem>>) target(%dma_start3A_176 : memref<512xf32, #tpu.memory_space<hbm>>) target_semaphore(%run_scoped3A : memref<!tpu.dma_semaphore, #tpu.memory_space<semaphore_mem>>)
      %dma_wait3A = tpu.memref_slice %arg5[%mul3A_2] : memref<16384xf32, #tpu.memory_space<hbm>> -> memref<512xf32, #tpu.memory_space<hbm>>
      %dma_wait3A_177 = tpu.memref_slice %arg5[%mul3A_2] : memref<16384xf32, #tpu.memory_space<hbm>> -> memref<512xf32, #tpu.memory_space<hbm>>
      tpu.wait_dma2 semaphore(%run_scoped3A : memref<!tpu.dma_semaphore, #tpu.memory_space<semaphore_mem>>) src(%arg9 : memref<512xf32, #tpu.memory_space<vmem>>) dst(%dma_wait3A_177 : memref<512xf32, #tpu.memory_space<hbm>>)
      tpu.yield
    }) : () -> ()
    return
  }
}

#map = affine_map<(d0, d1) -> (0, 0)>
#map1 = affine_map<(d0, d1) -> (0)>
module attributes {stable_mosaic.version = 14 : i64} {
  func.func @lookup_sum_f8_8(%arg0: i32, %arg1: i32, %arg2: memref<26x16384xi32, #tpu.memory_space<hbm>>, %arg3: memref<500032x16xf32, #tpu.memory_space<hbm>>, %arg4: memref<16384xf32, #tpu.memory_space<hbm>>, %arg5: memref<16384xf32, #tpu.memory_space<hbm>>, %arg6: memref<8x512xi32, #tpu.memory_space<vmem>>, %arg7: memref<8x128xi32, #tpu.memory_space<vmem>>, %arg8: memref<8x128x16xf32, #tpu.memory_space<vmem>>, %arg9: memref<512xf32, #tpu.memory_space<vmem>>, %arg10: memref<16xf32, #tpu.memory_space<vmem>>, %arg11: memref<8x!tpu.dma_semaphore, #tpu.memory_space<semaphore_mem>>) attributes {dimension_semantics = [#tpu.dimension_semantics<core_parallel>, #tpu.dimension_semantics<subcore_parallel>], iteration_bounds = array<i64: 2, 16>, scalar_prefetch = 0 : i64, scratch_operands = 6 : i64, tpu.core_type = #tpu.core_type<sc_vector_subcore>, window_params = [{transform_indices = #map}, {transform_indices = #map}, {transform_indices = #map1}, {transform_indices = #map1}]} {
    %mul3A = arith.constant 2 : i32
    %mul3A_0 = arith.muli %arg1, %mul3A : i32
    %add3A = arith.addi %mul3A_0, %arg0 : i32
    %mul3A_1 = arith.constant 512 : i32
    %mul3A_2 = arith.muli %add3A, %mul3A_1 : i32
    "tpu.region"() ({
      %run_scoped3A = tpu.sem_alloc : memref<!tpu.dma_semaphore, #tpu.memory_space<semaphore_mem>>
      %dma_start3A_175 = arith.constant 8 : i32
      %dma_start3A_176 = tpu.memref_slice %arg2[%dma_start3A_175, %mul3A_2] : memref<26x16384xi32, #tpu.memory_space<hbm>> -> memref<8x512xi32, #tpu.memory_space<hbm>>
      %dma_start3A_177 = arith.constant 8 : i32
      %dma_start3A_178 = tpu.memref_slice %arg2[%dma_start3A_177, %mul3A_2] : memref<26x16384xi32, #tpu.memory_space<hbm>> -> memref<8x512xi32, #tpu.memory_space<hbm>>
      tpu.enqueue_dma source(%dma_start3A_178 : memref<8x512xi32, #tpu.memory_space<hbm>>) target(%arg6 : memref<8x512xi32, #tpu.memory_space<vmem>>) target_semaphore(%run_scoped3A : memref<!tpu.dma_semaphore, #tpu.memory_space<semaphore_mem>>)
      %dma_wait3A = arith.constant 8 : i32
      %dma_wait3A_179 = tpu.memref_slice %arg2[%dma_wait3A, %mul3A_2] : memref<26x16384xi32, #tpu.memory_space<hbm>> -> memref<8x512xi32, #tpu.memory_space<hbm>>
      %dma_wait3A_180 = arith.constant 8 : i32
      %dma_wait3A_181 = tpu.memref_slice %arg2[%dma_wait3A_180, %mul3A_2] : memref<26x16384xi32, #tpu.memory_space<hbm>> -> memref<8x512xi32, #tpu.memory_space<hbm>>
      tpu.wait_dma2 semaphore(%run_scoped3A : memref<!tpu.dma_semaphore, #tpu.memory_space<semaphore_mem>>) src(%dma_wait3A_181 : memref<8x512xi32, #tpu.memory_space<hbm>>) dst(%arg6 : memref<8x512xi32, #tpu.memory_space<vmem>>)
      tpu.yield
    }) : () -> ()
    "tpu.region"() ({
      %run_scoped3A = tpu.sem_alloc : memref<!tpu.dma_semaphore, #tpu.memory_space<semaphore_mem>>
      %dma_start3A_175 = tpu.memref_slice %arg4[%mul3A_2] : memref<16384xf32, #tpu.memory_space<hbm>> -> memref<512xf32, #tpu.memory_space<hbm>>
      %dma_start3A_176 = tpu.memref_slice %arg4[%mul3A_2] : memref<16384xf32, #tpu.memory_space<hbm>> -> memref<512xf32, #tpu.memory_space<hbm>>
      tpu.enqueue_dma source(%dma_start3A_176 : memref<512xf32, #tpu.memory_space<hbm>>) target(%arg9 : memref<512xf32, #tpu.memory_space<vmem>>) target_semaphore(%run_scoped3A : memref<!tpu.dma_semaphore, #tpu.memory_space<semaphore_mem>>)
      %dma_wait3A = tpu.memref_slice %arg4[%mul3A_2] : memref<16384xf32, #tpu.memory_space<hbm>> -> memref<512xf32, #tpu.memory_space<hbm>>
      %dma_wait3A_177 = tpu.memref_slice %arg4[%mul3A_2] : memref<16384xf32, #tpu.memory_space<hbm>> -> memref<512xf32, #tpu.memory_space<hbm>>
      tpu.wait_dma2 semaphore(%run_scoped3A : memref<!tpu.dma_semaphore, #tpu.memory_space<semaphore_mem>>) src(%dma_wait3A_177 : memref<512xf32, #tpu.memory_space<hbm>>) dst(%arg9 : memref<512xf32, #tpu.memory_space<vmem>>)
      tpu.yield
    }) : () -> ()
    %iota3A = tpu.iota {dimensions = array<i32: 0>} : vector<16xi32>
    %scan3A = arith.constant 0 : i32
    %scan3A_3 = arith.constant 0 : i32
    %scan3A_4 = arith.constant 8 : i32
    %scan3A_5 = arith.addi %scan3A_3, %scan3A_4 : i32
    %scan3A_6 = arith.constant 1 : i32
    scf.for %scan3A_175 = %scan3A_3 to %scan3A_5 step %scan3A_6  : i32 {
      %mul3A_176 = arith.constant 16 : i32
      %mul3A_177 = arith.muli %scan3A_175, %mul3A_176 : i32
      %add3A_178 = arith.constant 0 : i32
      %add3A_179 = arith.addi %add3A_178, %mul3A_177 : i32
      %get3A = arith.constant 0 : i32
      %get3A_180 = arith.index_cast %get3A : i32 to index
      %get3A_181 = arith.index_cast %add3A_179 : i32 to index
      %get3A_182 = tpu.vector_load %arg6[%get3A_180, %get3A_181] {strides = array<i32>} : memref<8x512xi32, #tpu.memory_space<vmem>>, vector<16xi32>,
      %shift_right_arithmetic3A = arith.constant 7 : i32
      %shift_right_arithmetic3A_183 = vector.broadcast %shift_right_arithmetic3A : i32 to vector<16xi32>
      %shift_right_arithmetic3A_184 = arith.shrsi %get3A_182, %shift_right_arithmetic3A_183 : vector<16xi32>
      %shift_left3A = arith.constant 6 : i32
      %shift_left3A_185 = vector.broadcast %shift_left3A : i32 to vector<16xi32>
      %shift_left3A_186 = arith.shli %shift_right_arithmetic3A_184, %shift_left3A_185 : vector<16xi32>
      %shift_right_arithmetic3A_187 = arith.constant 4 : i32
      %shift_right_arithmetic3A_188 = vector.broadcast %shift_right_arithmetic3A_187 : i32 to vector<16xi32>
      %shift_right_arithmetic3A_189 = arith.shrsi %get3A_182, %shift_right_arithmetic3A_188 : vector<16xi32>
      %and3A = arith.constant 7 : i32
      %and3A_190 = vector.broadcast %and3A : i32 to vector<16xi32>
      %and3A_191 = arith.andi %shift_right_arithmetic3A_189, %and3A_190 : vector<16xi32>
      %add3A_192 = arith.addi %shift_left3A_186, %and3A_191 : vector<16xi32>
      %add3A_193 = arith.constant 0 : i32
      %add3A_194 = vector.broadcast %add3A_193 : i32 to vector<16xi32>
      %add3A_195 = arith.addi %add3A_192, %add3A_194 : vector<16xi32>
      %mul3A_196 = arith.constant 16 : i32
      %mul3A_197 = arith.muli %scan3A_175, %mul3A_196 : i32
      %swap3A = arith.constant 0 : i32
      %swap3A_198 = arith.index_cast %swap3A : i32 to index
      %swap3A_199 = arith.index_cast %mul3A_197 : i32 to index
      %swap3A_200 = tpu.vector_load %arg7[%swap3A_198, %swap3A_199] {strides = array<i32>} : memref<8x128xi32, #tpu.memory_space<vmem>>, vector<16xi32>,
      tpu.vector_store %arg7[%swap3A_198, %swap3A_199], %add3A_195 {strides = array<i32>} : memref<8x128xi32, #tpu.memory_space<vmem>>, vector<16xi32>,
    }
    %scan3A_7 = arith.constant 8 : i32
    %dma_start3A = arith.constant 0 : i32
    %dma_start3A_8 = arith.constant 0 : i32
    %dma_start3A_9 = arith.constant 0 : i32
    %dma_start3A_10 = arith.constant 0 : i32
    %dma_start3A_11 = arith.constant 0 : i32
    %dma_start3A_12 = tpu.memref_slice %arg8[%dma_start3A_8, %dma_start3A_10, %dma_start3A_11] : memref<8x128x16xf32, #tpu.memory_space<vmem>> -> memref<1x128x16xf32, #tpu.memory_space<vmem>>
    %dma_start3A_13 = tpu.memref_squeeze %dma_start3A_12 : memref<1x128x16xf32, #tpu.memory_space<vmem>> -> memref<128x16xf32, #tpu.memory_space<vmem>>
    %dma_start3A_14 = arith.constant 0 : i32
    %dma_start3A_15 = tpu.memref_slice %arg7[%dma_start3A, %dma_start3A_14] : memref<8x128xi32, #tpu.memory_space<vmem>> -> memref<1x128xi32, #tpu.memory_space<vmem>>
    %dma_start3A_16 = tpu.memref_squeeze %dma_start3A_15 : memref<1x128xi32, #tpu.memory_space<vmem>> -> memref<128xi32, #tpu.memory_space<vmem>>
    %dma_start3A_17 = arith.constant 0 : i32
    %dma_start3A_18 = arith.constant 0 : i32
    %dma_start3A_19 = tpu.memref_slice %arg3[%dma_start3A_17, %dma_start3A_18] : memref<500032x16xf32, #tpu.memory_space<hbm>> -> memref<500032x16xf32, #tpu.memory_space<hbm>>
    %dma_start3A_20 = tpu.memref_slice %arg11[%dma_start3A_9] : memref<8x!tpu.dma_semaphore, #tpu.memory_space<semaphore_mem>> -> memref<1x!tpu.dma_semaphore, #tpu.memory_space<semaphore_mem>>
    %dma_start3A_21 = tpu.memref_squeeze %dma_start3A_20 : memref<1x!tpu.dma_semaphore, #tpu.memory_space<semaphore_mem>> -> memref<!tpu.dma_semaphore, #tpu.memory_space<semaphore_mem>>
    tpu.enqueue_indirect_dma source(%dma_start3A_19 : memref<500032x16xf32, #tpu.memory_space<hbm>>) target(%dma_start3A_13 : memref<128x16xf32, #tpu.memory_space<vmem>>) offsets(%dma_start3A_16 : memref<128xi32, #tpu.memory_space<vmem>>) semaphore(%dma_start3A_21 : memref<!tpu.dma_semaphore, #tpu.memory_space<semaphore_mem>>)
    %scan3A_22 = arith.constant 0 : i32
    %scan3A_23 = arith.constant 0 : i32
    %scan3A_24 = arith.constant 8 : i32
    %scan3A_25 = arith.addi %scan3A_23, %scan3A_24 : i32
    %scan3A_26 = arith.constant 1 : i32
    scf.for %scan3A_175 = %scan3A_23 to %scan3A_25 step %scan3A_26  : i32 {
      %mul3A_176 = arith.constant 16 : i32
      %mul3A_177 = arith.muli %scan3A_175, %mul3A_176 : i32
      %add3A_178 = arith.constant 128 : i32
      %add3A_179 = arith.addi %add3A_178, %mul3A_177 : i32
      %get3A = arith.constant 0 : i32
      %get3A_180 = arith.index_cast %get3A : i32 to index
      %get3A_181 = arith.index_cast %add3A_179 : i32 to index
      %get3A_182 = tpu.vector_load %arg6[%get3A_180, %get3A_181] {strides = array<i32>} : memref<8x512xi32, #tpu.memory_space<vmem>>, vector<16xi32>,
      %shift_right_arithmetic3A = arith.constant 7 : i32
      %shift_right_arithmetic3A_183 = vector.broadcast %shift_right_arithmetic3A : i32 to vector<16xi32>
      %shift_right_arithmetic3A_184 = arith.shrsi %get3A_182, %shift_right_arithmetic3A_183 : vector<16xi32>
      %shift_left3A = arith.constant 6 : i32
      %shift_left3A_185 = vector.broadcast %shift_left3A : i32 to vector<16xi32>
      %shift_left3A_186 = arith.shli %shift_right_arithmetic3A_184, %shift_left3A_185 : vector<16xi32>
      %shift_right_arithmetic3A_187 = arith.constant 4 : i32
      %shift_right_arithmetic3A_188 = vector.broadcast %shift_right_arithmetic3A_187 : i32 to vector<16xi32>
      %shift_right_arithmetic3A_189 = arith.shrsi %get3A_182, %shift_right_arithmetic3A_188 : vector<16xi32>
      %and3A = arith.constant 7 : i32
      %and3A_190 = vector.broadcast %and3A : i32 to vector<16xi32>
      %and3A_191 = arith.andi %shift_right_arithmetic3A_189, %and3A_190 : vector<16xi32>
      %add3A_192 = arith.addi %shift_left3A_186, %and3A_191 : vector<16xi32>
      %add3A_193 = arith.constant 0 : i32
      %add3A_194 = vector.broadcast %add3A_193 : i32 to vector<16xi32>
      %add3A_195 = arith.addi %add3A_192, %add3A_194 : vector<16xi32>
      %mul3A_196 = arith.constant 16 : i32
      %mul3A_197 = arith.muli %scan3A_175, %mul3A_196 : i32
      %swap3A = arith.constant 1 : i32
      %swap3A_198 = arith.index_cast %swap3A : i32 to index
      %swap3A_199 = arith.index_cast %mul3A_197 : i32 to index
      %swap3A_200 = tpu.vector_load %arg7[%swap3A_198, %swap3A_199] {strides = array<i32>} : memref<8x128xi32, #tpu.memory_space<vmem>>, vector<16xi32>,
      tpu.vector_store %arg7[%swap3A_198, %swap3A_199], %add3A_195 {strides = array<i32>} : memref<8x128xi32, #tpu.memory_space<vmem>>, vector<16xi32>,
    }
    %scan3A_27 = arith.constant 8 : i32
    %dma_start3A_28 = arith.constant 1 : i32
    %dma_start3A_29 = arith.constant 1 : i32
    %dma_start3A_30 = arith.constant 1 : i32
    %dma_start3A_31 = arith.constant 0 : i32
    %dma_start3A_32 = arith.constant 0 : i32
    %dma_start3A_33 = tpu.memref_slice %arg8[%dma_start3A_29, %dma_start3A_31, %dma_start3A_32] : memref<8x128x16xf32, #tpu.memory_space<vmem>> -> memref<1x128x16xf32, #tpu.memory_space<vmem>>
    %dma_start3A_34 = tpu.memref_squeeze %dma_start3A_33 : memref<1x128x16xf32, #tpu.memory_space<vmem>> -> memref<128x16xf32, #tpu.memory_space<vmem>>
    %dma_start3A_35 = arith.constant 0 : i32
    %dma_start3A_36 = tpu.memref_slice %arg7[%dma_start3A_28, %dma_start3A_35] : memref<8x128xi32, #tpu.memory_space<vmem>> -> memref<1x128xi32, #tpu.memory_space<vmem>>
    %dma_start3A_37 = tpu.memref_squeeze %dma_start3A_36 : memref<1x128xi32, #tpu.memory_space<vmem>> -> memref<128xi32, #tpu.memory_space<vmem>>
    %dma_start3A_38 = arith.constant 0 : i32
    %dma_start3A_39 = arith.constant 0 : i32
    %dma_start3A_40 = tpu.memref_slice %arg3[%dma_start3A_38, %dma_start3A_39] : memref<500032x16xf32, #tpu.memory_space<hbm>> -> memref<500032x16xf32, #tpu.memory_space<hbm>>
    %dma_start3A_41 = tpu.memref_slice %arg11[%dma_start3A_30] : memref<8x!tpu.dma_semaphore, #tpu.memory_space<semaphore_mem>> -> memref<1x!tpu.dma_semaphore, #tpu.memory_space<semaphore_mem>>
    %dma_start3A_42 = tpu.memref_squeeze %dma_start3A_41 : memref<1x!tpu.dma_semaphore, #tpu.memory_space<semaphore_mem>> -> memref<!tpu.dma_semaphore, #tpu.memory_space<semaphore_mem>>
    tpu.enqueue_indirect_dma source(%dma_start3A_40 : memref<500032x16xf32, #tpu.memory_space<hbm>>) target(%dma_start3A_34 : memref<128x16xf32, #tpu.memory_space<vmem>>) offsets(%dma_start3A_37 : memref<128xi32, #tpu.memory_space<vmem>>) semaphore(%dma_start3A_42 : memref<!tpu.dma_semaphore, #tpu.memory_space<semaphore_mem>>)
    %scan3A_43 = arith.constant 0 : i32
    %scan3A_44 = arith.constant 0 : i32
    %scan3A_45 = arith.constant 8 : i32
    %scan3A_46 = arith.addi %scan3A_44, %scan3A_45 : i32
    %scan3A_47 = arith.constant 1 : i32
    scf.for %scan3A_175 = %scan3A_44 to %scan3A_46 step %scan3A_47  : i32 {
      %mul3A_176 = arith.constant 16 : i32
      %mul3A_177 = arith.muli %scan3A_175, %mul3A_176 : i32
      %add3A_178 = arith.constant 256 : i32
      %add3A_179 = arith.addi %add3A_178, %mul3A_177 : i32
      %get3A = arith.constant 0 : i32
      %get3A_180 = arith.index_cast %get3A : i32 to index
      %get3A_181 = arith.index_cast %add3A_179 : i32 to index
      %get3A_182 = tpu.vector_load %arg6[%get3A_180, %get3A_181] {strides = array<i32>} : memref<8x512xi32, #tpu.memory_space<vmem>>, vector<16xi32>,
      %shift_right_arithmetic3A = arith.constant 7 : i32
      %shift_right_arithmetic3A_183 = vector.broadcast %shift_right_arithmetic3A : i32 to vector<16xi32>
      %shift_right_arithmetic3A_184 = arith.shrsi %get3A_182, %shift_right_arithmetic3A_183 : vector<16xi32>
      %shift_left3A = arith.constant 6 : i32
      %shift_left3A_185 = vector.broadcast %shift_left3A : i32 to vector<16xi32>
      %shift_left3A_186 = arith.shli %shift_right_arithmetic3A_184, %shift_left3A_185 : vector<16xi32>
      %shift_right_arithmetic3A_187 = arith.constant 4 : i32
      %shift_right_arithmetic3A_188 = vector.broadcast %shift_right_arithmetic3A_187 : i32 to vector<16xi32>
      %shift_right_arithmetic3A_189 = arith.shrsi %get3A_182, %shift_right_arithmetic3A_188 : vector<16xi32>
      %and3A = arith.constant 7 : i32
      %and3A_190 = vector.broadcast %and3A : i32 to vector<16xi32>
      %and3A_191 = arith.andi %shift_right_arithmetic3A_189, %and3A_190 : vector<16xi32>
      %add3A_192 = arith.addi %shift_left3A_186, %and3A_191 : vector<16xi32>
      %add3A_193 = arith.constant 0 : i32
      %add3A_194 = vector.broadcast %add3A_193 : i32 to vector<16xi32>
      %add3A_195 = arith.addi %add3A_192, %add3A_194 : vector<16xi32>
      %mul3A_196 = arith.constant 16 : i32
      %mul3A_197 = arith.muli %scan3A_175, %mul3A_196 : i32
      %swap3A = arith.constant 2 : i32
      %swap3A_198 = arith.index_cast %swap3A : i32 to index
      %swap3A_199 = arith.index_cast %mul3A_197 : i32 to index
      %swap3A_200 = tpu.vector_load %arg7[%swap3A_198, %swap3A_199] {strides = array<i32>} : memref<8x128xi32, #tpu.memory_space<vmem>>, vector<16xi32>,
      tpu.vector_store %arg7[%swap3A_198, %swap3A_199], %add3A_195 {strides = array<i32>} : memref<8x128xi32, #tpu.memory_space<vmem>>, vector<16xi32>,
    }
    %scan3A_48 = arith.constant 8 : i32
    %dma_start3A_49 = arith.constant 2 : i32
    %dma_start3A_50 = arith.constant 2 : i32
    %dma_start3A_51 = arith.constant 2 : i32
    %dma_start3A_52 = arith.constant 0 : i32
    %dma_start3A_53 = arith.constant 0 : i32
    %dma_start3A_54 = tpu.memref_slice %arg8[%dma_start3A_50, %dma_start3A_52, %dma_start3A_53] : memref<8x128x16xf32, #tpu.memory_space<vmem>> -> memref<1x128x16xf32, #tpu.memory_space<vmem>>
    %dma_start3A_55 = tpu.memref_squeeze %dma_start3A_54 : memref<1x128x16xf32, #tpu.memory_space<vmem>> -> memref<128x16xf32, #tpu.memory_space<vmem>>
    %dma_start3A_56 = arith.constant 0 : i32
    %dma_start3A_57 = tpu.memref_slice %arg7[%dma_start3A_49, %dma_start3A_56] : memref<8x128xi32, #tpu.memory_space<vmem>> -> memref<1x128xi32, #tpu.memory_space<vmem>>
    %dma_start3A_58 = tpu.memref_squeeze %dma_start3A_57 : memref<1x128xi32, #tpu.memory_space<vmem>> -> memref<128xi32, #tpu.memory_space<vmem>>
    %dma_start3A_59 = arith.constant 0 : i32
    %dma_start3A_60 = arith.constant 0 : i32
    %dma_start3A_61 = tpu.memref_slice %arg3[%dma_start3A_59, %dma_start3A_60] : memref<500032x16xf32, #tpu.memory_space<hbm>> -> memref<500032x16xf32, #tpu.memory_space<hbm>>
    %dma_start3A_62 = tpu.memref_slice %arg11[%dma_start3A_51] : memref<8x!tpu.dma_semaphore, #tpu.memory_space<semaphore_mem>> -> memref<1x!tpu.dma_semaphore, #tpu.memory_space<semaphore_mem>>
    %dma_start3A_63 = tpu.memref_squeeze %dma_start3A_62 : memref<1x!tpu.dma_semaphore, #tpu.memory_space<semaphore_mem>> -> memref<!tpu.dma_semaphore, #tpu.memory_space<semaphore_mem>>
    tpu.enqueue_indirect_dma source(%dma_start3A_61 : memref<500032x16xf32, #tpu.memory_space<hbm>>) target(%dma_start3A_55 : memref<128x16xf32, #tpu.memory_space<vmem>>) offsets(%dma_start3A_58 : memref<128xi32, #tpu.memory_space<vmem>>) semaphore(%dma_start3A_63 : memref<!tpu.dma_semaphore, #tpu.memory_space<semaphore_mem>>)
    %scan3A_64 = arith.constant 0 : i32
    %scan3A_65 = arith.constant 0 : i32
    %scan3A_66 = arith.constant 8 : i32
    %scan3A_67 = arith.addi %scan3A_65, %scan3A_66 : i32
    %scan3A_68 = arith.constant 1 : i32
    scf.for %scan3A_175 = %scan3A_65 to %scan3A_67 step %scan3A_68  : i32 {
      %mul3A_176 = arith.constant 16 : i32
      %mul3A_177 = arith.muli %scan3A_175, %mul3A_176 : i32
      %add3A_178 = arith.constant 384 : i32
      %add3A_179 = arith.addi %add3A_178, %mul3A_177 : i32
      %get3A = arith.constant 0 : i32
      %get3A_180 = arith.index_cast %get3A : i32 to index
      %get3A_181 = arith.index_cast %add3A_179 : i32 to index
      %get3A_182 = tpu.vector_load %arg6[%get3A_180, %get3A_181] {strides = array<i32>} : memref<8x512xi32, #tpu.memory_space<vmem>>, vector<16xi32>,
      %shift_right_arithmetic3A = arith.constant 7 : i32
      %shift_right_arithmetic3A_183 = vector.broadcast %shift_right_arithmetic3A : i32 to vector<16xi32>
      %shift_right_arithmetic3A_184 = arith.shrsi %get3A_182, %shift_right_arithmetic3A_183 : vector<16xi32>
      %shift_left3A = arith.constant 6 : i32
      %shift_left3A_185 = vector.broadcast %shift_left3A : i32 to vector<16xi32>
      %shift_left3A_186 = arith.shli %shift_right_arithmetic3A_184, %shift_left3A_185 : vector<16xi32>
      %shift_right_arithmetic3A_187 = arith.constant 4 : i32
      %shift_right_arithmetic3A_188 = vector.broadcast %shift_right_arithmetic3A_187 : i32 to vector<16xi32>
      %shift_right_arithmetic3A_189 = arith.shrsi %get3A_182, %shift_right_arithmetic3A_188 : vector<16xi32>
      %and3A = arith.constant 7 : i32
      %and3A_190 = vector.broadcast %and3A : i32 to vector<16xi32>
      %and3A_191 = arith.andi %shift_right_arithmetic3A_189, %and3A_190 : vector<16xi32>
      %add3A_192 = arith.addi %shift_left3A_186, %and3A_191 : vector<16xi32>
      %add3A_193 = arith.constant 0 : i32
      %add3A_194 = vector.broadcast %add3A_193 : i32 to vector<16xi32>
      %add3A_195 = arith.addi %add3A_192, %add3A_194 : vector<16xi32>
      %mul3A_196 = arith.constant 16 : i32
      %mul3A_197 = arith.muli %scan3A_175, %mul3A_196 : i32
      %swap3A = arith.constant 3 : i32
      %swap3A_198 = arith.index_cast %swap3A : i32 to index
      %swap3A_199 = arith.index_cast %mul3A_197 : i32 to index
      %swap3A_200 = tpu.vector_load %arg7[%swap3A_198, %swap3A_199] {strides = array<i32>} : memref<8x128xi32, #tpu.memory_space<vmem>>, vector<16xi32>,
      tpu.vector_store %arg7[%swap3A_198, %swap3A_199], %add3A_195 {strides = array<i32>} : memref<8x128xi32, #tpu.memory_space<vmem>>, vector<16xi32>,
    }
    %scan3A_69 = arith.constant 8 : i32
    %dma_start3A_70 = arith.constant 3 : i32
    %dma_start3A_71 = arith.constant 3 : i32
    %dma_start3A_72 = arith.constant 3 : i32
    %dma_start3A_73 = arith.constant 0 : i32
    %dma_start3A_74 = arith.constant 0 : i32
    %dma_start3A_75 = tpu.memref_slice %arg8[%dma_start3A_71, %dma_start3A_73, %dma_start3A_74] : memref<8x128x16xf32, #tpu.memory_space<vmem>> -> memref<1x128x16xf32, #tpu.memory_space<vmem>>
    %dma_start3A_76 = tpu.memref_squeeze %dma_start3A_75 : memref<1x128x16xf32, #tpu.memory_space<vmem>> -> memref<128x16xf32, #tpu.memory_space<vmem>>
    %dma_start3A_77 = arith.constant 0 : i32
    %dma_start3A_78 = tpu.memref_slice %arg7[%dma_start3A_70, %dma_start3A_77] : memref<8x128xi32, #tpu.memory_space<vmem>> -> memref<1x128xi32, #tpu.memory_space<vmem>>
    %dma_start3A_79 = tpu.memref_squeeze %dma_start3A_78 : memref<1x128xi32, #tpu.memory_space<vmem>> -> memref<128xi32, #tpu.memory_space<vmem>>
    %dma_start3A_80 = arith.constant 0 : i32
    %dma_start3A_81 = arith.constant 0 : i32
    %dma_start3A_82 = tpu.memref_slice %arg3[%dma_start3A_80, %dma_start3A_81] : memref<500032x16xf32, #tpu.memory_space<hbm>> -> memref<500032x16xf32, #tpu.memory_space<hbm>>
    %dma_start3A_83 = tpu.memref_slice %arg11[%dma_start3A_72] : memref<8x!tpu.dma_semaphore, #tpu.memory_space<semaphore_mem>> -> memref<1x!tpu.dma_semaphore, #tpu.memory_space<semaphore_mem>>
    %dma_start3A_84 = tpu.memref_squeeze %dma_start3A_83 : memref<1x!tpu.dma_semaphore, #tpu.memory_space<semaphore_mem>> -> memref<!tpu.dma_semaphore, #tpu.memory_space<semaphore_mem>>
    tpu.enqueue_indirect_dma source(%dma_start3A_82 : memref<500032x16xf32, #tpu.memory_space<hbm>>) target(%dma_start3A_76 : memref<128x16xf32, #tpu.memory_space<vmem>>) offsets(%dma_start3A_79 : memref<128xi32, #tpu.memory_space<vmem>>) semaphore(%dma_start3A_84 : memref<!tpu.dma_semaphore, #tpu.memory_space<semaphore_mem>>)
    %scan3A_85 = arith.constant 0 : i32
    %scan3A_86 = arith.constant 0 : i32
    %scan3A_87 = arith.constant 8 : i32
    %scan3A_88 = arith.addi %scan3A_86, %scan3A_87 : i32
    %scan3A_89 = arith.constant 1 : i32
    scf.for %scan3A_175 = %scan3A_86 to %scan3A_88 step %scan3A_89  : i32 {
      %mul3A_176 = arith.constant 16 : i32
      %mul3A_177 = arith.muli %scan3A_175, %mul3A_176 : i32
      %add3A_178 = arith.constant 0 : i32
      %add3A_179 = arith.addi %add3A_178, %mul3A_177 : i32
      %get3A = arith.constant 1 : i32
      %get3A_180 = arith.index_cast %get3A : i32 to index
      %get3A_181 = arith.index_cast %add3A_179 : i32 to index
      %get3A_182 = tpu.vector_load %arg6[%get3A_180, %get3A_181] {strides = array<i32>} : memref<8x512xi32, #tpu.memory_space<vmem>>, vector<16xi32>,
      %shift_right_arithmetic3A = arith.constant 7 : i32
      %shift_right_arithmetic3A_183 = vector.broadcast %shift_right_arithmetic3A : i32 to vector<16xi32>
      %shift_right_arithmetic3A_184 = arith.shrsi %get3A_182, %shift_right_arithmetic3A_183 : vector<16xi32>
      %shift_left3A = arith.constant 6 : i32
      %shift_left3A_185 = vector.broadcast %shift_left3A : i32 to vector<16xi32>
      %shift_left3A_186 = arith.shli %shift_right_arithmetic3A_184, %shift_left3A_185 : vector<16xi32>
      %shift_right_arithmetic3A_187 = arith.constant 4 : i32
      %shift_right_arithmetic3A_188 = vector.broadcast %shift_right_arithmetic3A_187 : i32 to vector<16xi32>
      %shift_right_arithmetic3A_189 = arith.shrsi %get3A_182, %shift_right_arithmetic3A_188 : vector<16xi32>
      %and3A = arith.constant 7 : i32
      %and3A_190 = vector.broadcast %and3A : i32 to vector<16xi32>
      %and3A_191 = arith.andi %shift_right_arithmetic3A_189, %and3A_190 : vector<16xi32>
      %add3A_192 = arith.addi %shift_left3A_186, %and3A_191 : vector<16xi32>
      %add3A_193 = arith.constant 8 : i32
      %add3A_194 = vector.broadcast %add3A_193 : i32 to vector<16xi32>
      %add3A_195 = arith.addi %add3A_192, %add3A_194 : vector<16xi32>
      %mul3A_196 = arith.constant 16 : i32
      %mul3A_197 = arith.muli %scan3A_175, %mul3A_196 : i32
      %swap3A = arith.constant 4 : i32
      %swap3A_198 = arith.index_cast %swap3A : i32 to index
      %swap3A_199 = arith.index_cast %mul3A_197 : i32 to index
      %swap3A_200 = tpu.vector_load %arg7[%swap3A_198, %swap3A_199] {strides = array<i32>} : memref<8x128xi32, #tpu.memory_space<vmem>>, vector<16xi32>,
      tpu.vector_store %arg7[%swap3A_198, %swap3A_199], %add3A_195 {strides = array<i32>} : memref<8x128xi32, #tpu.memory_space<vmem>>, vector<16xi32>,
    }
    %scan3A_90 = arith.constant 8 : i32
    %dma_start3A_91 = arith.constant 4 : i32
    %dma_start3A_92 = arith.constant 4 : i32
    %dma_start3A_93 = arith.constant 4 : i32
    %dma_start3A_94 = arith.constant 0 : i32
    %dma_start3A_95 = arith.constant 0 : i32
    %dma_start3A_96 = tpu.memref_slice %arg8[%dma_start3A_92, %dma_start3A_94, %dma_start3A_95] : memref<8x128x16xf32, #tpu.memory_space<vmem>> -> memref<1x128x16xf32, #tpu.memory_space<vmem>>
    %dma_start3A_97 = tpu.memref_squeeze %dma_start3A_96 : memref<1x128x16xf32, #tpu.memory_space<vmem>> -> memref<128x16xf32, #tpu.memory_space<vmem>>
    %dma_start3A_98 = arith.constant 0 : i32
    %dma_start3A_99 = tpu.memref_slice %arg7[%dma_start3A_91, %dma_start3A_98] : memref<8x128xi32, #tpu.memory_space<vmem>> -> memref<1x128xi32, #tpu.memory_space<vmem>>
    %dma_start3A_100 = tpu.memref_squeeze %dma_start3A_99 : memref<1x128xi32, #tpu.memory_space<vmem>> -> memref<128xi32, #tpu.memory_space<vmem>>
    %dma_start3A_101 = arith.constant 0 : i32
    %dma_start3A_102 = arith.constant 0 : i32
    %dma_start3A_103 = tpu.memref_slice %arg3[%dma_start3A_101, %dma_start3A_102] : memref<500032x16xf32, #tpu.memory_space<hbm>> -> memref<500032x16xf32, #tpu.memory_space<hbm>>
    %dma_start3A_104 = tpu.memref_slice %arg11[%dma_start3A_93] : memref<8x!tpu.dma_semaphore, #tpu.memory_space<semaphore_mem>> -> memref<1x!tpu.dma_semaphore, #tpu.memory_space<semaphore_mem>>
    %dma_start3A_105 = tpu.memref_squeeze %dma_start3A_104 : memref<1x!tpu.dma_semaphore, #tpu.memory_space<semaphore_mem>> -> memref<!tpu.dma_semaphore, #tpu.memory_space<semaphore_mem>>
    tpu.enqueue_indirect_dma source(%dma_start3A_103 : memref<500032x16xf32, #tpu.memory_space<hbm>>) target(%dma_start3A_97 : memref<128x16xf32, #tpu.memory_space<vmem>>) offsets(%dma_start3A_100 : memref<128xi32, #tpu.memory_space<vmem>>) semaphore(%dma_start3A_105 : memref<!tpu.dma_semaphore, #tpu.memory_space<semaphore_mem>>)
    %scan3A_106 = arith.constant 0 : i32
    %scan3A_107 = arith.constant 0 : i32
    %scan3A_108 = arith.constant 8 : i32
    %scan3A_109 = arith.addi %scan3A_107, %scan3A_108 : i32
    %scan3A_110 = arith.constant 1 : i32
    scf.for %scan3A_175 = %scan3A_107 to %scan3A_109 step %scan3A_110  : i32 {
      %mul3A_176 = arith.constant 16 : i32
      %mul3A_177 = arith.muli %scan3A_175, %mul3A_176 : i32
      %add3A_178 = arith.constant 128 : i32
      %add3A_179 = arith.addi %add3A_178, %mul3A_177 : i32
      %get3A = arith.constant 1 : i32
      %get3A_180 = arith.index_cast %get3A : i32 to index
      %get3A_181 = arith.index_cast %add3A_179 : i32 to index
      %get3A_182 = tpu.vector_load %arg6[%get3A_180, %get3A_181] {strides = array<i32>} : memref<8x512xi32, #tpu.memory_space<vmem>>, vector<16xi32>,
      %shift_right_arithmetic3A = arith.constant 7 : i32
      %shift_right_arithmetic3A_183 = vector.broadcast %shift_right_arithmetic3A : i32 to vector<16xi32>
      %shift_right_arithmetic3A_184 = arith.shrsi %get3A_182, %shift_right_arithmetic3A_183 : vector<16xi32>
      %shift_left3A = arith.constant 6 : i32
      %shift_left3A_185 = vector.broadcast %shift_left3A : i32 to vector<16xi32>
      %shift_left3A_186 = arith.shli %shift_right_arithmetic3A_184, %shift_left3A_185 : vector<16xi32>
      %shift_right_arithmetic3A_187 = arith.constant 4 : i32
      %shift_right_arithmetic3A_188 = vector.broadcast %shift_right_arithmetic3A_187 : i32 to vector<16xi32>
      %shift_right_arithmetic3A_189 = arith.shrsi %get3A_182, %shift_right_arithmetic3A_188 : vector<16xi32>
      %and3A = arith.constant 7 : i32
      %and3A_190 = vector.broadcast %and3A : i32 to vector<16xi32>
      %and3A_191 = arith.andi %shift_right_arithmetic3A_189, %and3A_190 : vector<16xi32>
      %add3A_192 = arith.addi %shift_left3A_186, %and3A_191 : vector<16xi32>
      %add3A_193 = arith.constant 8 : i32
      %add3A_194 = vector.broadcast %add3A_193 : i32 to vector<16xi32>
      %add3A_195 = arith.addi %add3A_192, %add3A_194 : vector<16xi32>
      %mul3A_196 = arith.constant 16 : i32
      %mul3A_197 = arith.muli %scan3A_175, %mul3A_196 : i32
      %swap3A = arith.constant 5 : i32
      %swap3A_198 = arith.index_cast %swap3A : i32 to index
      %swap3A_199 = arith.index_cast %mul3A_197 : i32 to index
      %swap3A_200 = tpu.vector_load %arg7[%swap3A_198, %swap3A_199] {strides = array<i32>} : memref<8x128xi32, #tpu.memory_space<vmem>>, vector<16xi32>,
      tpu.vector_store %arg7[%swap3A_198, %swap3A_199], %add3A_195 {strides = array<i32>} : memref<8x128xi32, #tpu.memory_space<vmem>>, vector<16xi32>,
    }
    %scan3A_111 = arith.constant 8 : i32
    %dma_start3A_112 = arith.constant 5 : i32
    %dma_start3A_113 = arith.constant 5 : i32
    %dma_start3A_114 = arith.constant 5 : i32
    %dma_start3A_115 = arith.constant 0 : i32
    %dma_start3A_116 = arith.constant 0 : i32
    %dma_start3A_117 = tpu.memref_slice %arg8[%dma_start3A_113, %dma_start3A_115, %dma_start3A_116] : memref<8x128x16xf32, #tpu.memory_space<vmem>> -> memref<1x128x16xf32, #tpu.memory_space<vmem>>
    %dma_start3A_118 = tpu.memref_squeeze %dma_start3A_117 : memref<1x128x16xf32, #tpu.memory_space<vmem>> -> memref<128x16xf32, #tpu.memory_space<vmem>>
    %dma_start3A_119 = arith.constant 0 : i32
    %dma_start3A_120 = tpu.memref_slice %arg7[%dma_start3A_112, %dma_start3A_119] : memref<8x128xi32, #tpu.memory_space<vmem>> -> memref<1x128xi32, #tpu.memory_space<vmem>>
    %dma_start3A_121 = tpu.memref_squeeze %dma_start3A_120 : memref<1x128xi32, #tpu.memory_space<vmem>> -> memref<128xi32, #tpu.memory_space<vmem>>
    %dma_start3A_122 = arith.constant 0 : i32
    %dma_start3A_123 = arith.constant 0 : i32
    %dma_start3A_124 = tpu.memref_slice %arg3[%dma_start3A_122, %dma_start3A_123] : memref<500032x16xf32, #tpu.memory_space<hbm>> -> memref<500032x16xf32, #tpu.memory_space<hbm>>
    %dma_start3A_125 = tpu.memref_slice %arg11[%dma_start3A_114] : memref<8x!tpu.dma_semaphore, #tpu.memory_space<semaphore_mem>> -> memref<1x!tpu.dma_semaphore, #tpu.memory_space<semaphore_mem>>
    %dma_start3A_126 = tpu.memref_squeeze %dma_start3A_125 : memref<1x!tpu.dma_semaphore, #tpu.memory_space<semaphore_mem>> -> memref<!tpu.dma_semaphore, #tpu.memory_space<semaphore_mem>>
    tpu.enqueue_indirect_dma source(%dma_start3A_124 : memref<500032x16xf32, #tpu.memory_space<hbm>>) target(%dma_start3A_118 : memref<128x16xf32, #tpu.memory_space<vmem>>) offsets(%dma_start3A_121 : memref<128xi32, #tpu.memory_space<vmem>>) semaphore(%dma_start3A_126 : memref<!tpu.dma_semaphore, #tpu.memory_space<semaphore_mem>>)
    %scan3A_127 = arith.constant 0 : i32
    %scan3A_128 = arith.constant 0 : i32
    %scan3A_129 = arith.constant 8 : i32
    %scan3A_130 = arith.addi %scan3A_128, %scan3A_129 : i32
    %scan3A_131 = arith.constant 1 : i32
    scf.for %scan3A_175 = %scan3A_128 to %scan3A_130 step %scan3A_131  : i32 {
      %mul3A_176 = arith.constant 16 : i32
      %mul3A_177 = arith.muli %scan3A_175, %mul3A_176 : i32
      %add3A_178 = arith.constant 256 : i32
      %add3A_179 = arith.addi %add3A_178, %mul3A_177 : i32
      %get3A = arith.constant 1 : i32
      %get3A_180 = arith.index_cast %get3A : i32 to index
      %get3A_181 = arith.index_cast %add3A_179 : i32 to index
      %get3A_182 = tpu.vector_load %arg6[%get3A_180, %get3A_181] {strides = array<i32>} : memref<8x512xi32, #tpu.memory_space<vmem>>, vector<16xi32>,
      %shift_right_arithmetic3A = arith.constant 7 : i32
      %shift_right_arithmetic3A_183 = vector.broadcast %shift_right_arithmetic3A : i32 to vector<16xi32>
      %shift_right_arithmetic3A_184 = arith.shrsi %get3A_182, %shift_right_arithmetic3A_183 : vector<16xi32>
      %shift_left3A = arith.constant 6 : i32
      %shift_left3A_185 = vector.broadcast %shift_left3A : i32 to vector<16xi32>
      %shift_left3A_186 = arith.shli %shift_right_arithmetic3A_184, %shift_left3A_185 : vector<16xi32>
      %shift_right_arithmetic3A_187 = arith.constant 4 : i32
      %shift_right_arithmetic3A_188 = vector.broadcast %shift_right_arithmetic3A_187 : i32 to vector<16xi32>
      %shift_right_arithmetic3A_189 = arith.shrsi %get3A_182, %shift_right_arithmetic3A_188 : vector<16xi32>
      %and3A = arith.constant 7 : i32
      %and3A_190 = vector.broadcast %and3A : i32 to vector<16xi32>
      %and3A_191 = arith.andi %shift_right_arithmetic3A_189, %and3A_190 : vector<16xi32>
      %add3A_192 = arith.addi %shift_left3A_186, %and3A_191 : vector<16xi32>
      %add3A_193 = arith.constant 8 : i32
      %add3A_194 = vector.broadcast %add3A_193 : i32 to vector<16xi32>
      %add3A_195 = arith.addi %add3A_192, %add3A_194 : vector<16xi32>
      %mul3A_196 = arith.constant 16 : i32
      %mul3A_197 = arith.muli %scan3A_175, %mul3A_196 : i32
      %swap3A = arith.constant 6 : i32
      %swap3A_198 = arith.index_cast %swap3A : i32 to index
      %swap3A_199 = arith.index_cast %mul3A_197 : i32 to index
      %swap3A_200 = tpu.vector_load %arg7[%swap3A_198, %swap3A_199] {strides = array<i32>} : memref<8x128xi32, #tpu.memory_space<vmem>>, vector<16xi32>,
      tpu.vector_store %arg7[%swap3A_198, %swap3A_199], %add3A_195 {strides = array<i32>} : memref<8x128xi32, #tpu.memory_space<vmem>>, vector<16xi32>,
    }
    %scan3A_132 = arith.constant 8 : i32
    %dma_start3A_133 = arith.constant 6 : i32
    %dma_start3A_134 = arith.constant 6 : i32
    %dma_start3A_135 = arith.constant 6 : i32
    %dma_start3A_136 = arith.constant 0 : i32
    %dma_start3A_137 = arith.constant 0 : i32
    %dma_start3A_138 = tpu.memref_slice %arg8[%dma_start3A_134, %dma_start3A_136, %dma_start3A_137] : memref<8x128x16xf32, #tpu.memory_space<vmem>> -> memref<1x128x16xf32, #tpu.memory_space<vmem>>
    %dma_start3A_139 = tpu.memref_squeeze %dma_start3A_138 : memref<1x128x16xf32, #tpu.memory_space<vmem>> -> memref<128x16xf32, #tpu.memory_space<vmem>>
    %dma_start3A_140 = arith.constant 0 : i32
    %dma_start3A_141 = tpu.memref_slice %arg7[%dma_start3A_133, %dma_start3A_140] : memref<8x128xi32, #tpu.memory_space<vmem>> -> memref<1x128xi32, #tpu.memory_space<vmem>>
    %dma_start3A_142 = tpu.memref_squeeze %dma_start3A_141 : memref<1x128xi32, #tpu.memory_space<vmem>> -> memref<128xi32, #tpu.memory_space<vmem>>
    %dma_start3A_143 = arith.constant 0 : i32
    %dma_start3A_144 = arith.constant 0 : i32
    %dma_start3A_145 = tpu.memref_slice %arg3[%dma_start3A_143, %dma_start3A_144] : memref<500032x16xf32, #tpu.memory_space<hbm>> -> memref<500032x16xf32, #tpu.memory_space<hbm>>
    %dma_start3A_146 = tpu.memref_slice %arg11[%dma_start3A_135] : memref<8x!tpu.dma_semaphore, #tpu.memory_space<semaphore_mem>> -> memref<1x!tpu.dma_semaphore, #tpu.memory_space<semaphore_mem>>
    %dma_start3A_147 = tpu.memref_squeeze %dma_start3A_146 : memref<1x!tpu.dma_semaphore, #tpu.memory_space<semaphore_mem>> -> memref<!tpu.dma_semaphore, #tpu.memory_space<semaphore_mem>>
    tpu.enqueue_indirect_dma source(%dma_start3A_145 : memref<500032x16xf32, #tpu.memory_space<hbm>>) target(%dma_start3A_139 : memref<128x16xf32, #tpu.memory_space<vmem>>) offsets(%dma_start3A_142 : memref<128xi32, #tpu.memory_space<vmem>>) semaphore(%dma_start3A_147 : memref<!tpu.dma_semaphore, #tpu.memory_space<semaphore_mem>>)
    %scan3A_148 = arith.constant 0 : i32
    %scan3A_149 = arith.constant 0 : i32
    %scan3A_150 = arith.constant 8 : i32
    %scan3A_151 = arith.addi %scan3A_149, %scan3A_150 : i32
    %scan3A_152 = arith.constant 1 : i32
    scf.for %scan3A_175 = %scan3A_149 to %scan3A_151 step %scan3A_152  : i32 {
      %mul3A_176 = arith.constant 16 : i32
      %mul3A_177 = arith.muli %scan3A_175, %mul3A_176 : i32
      %add3A_178 = arith.constant 384 : i32
      %add3A_179 = arith.addi %add3A_178, %mul3A_177 : i32
      %get3A = arith.constant 1 : i32
      %get3A_180 = arith.index_cast %get3A : i32 to index
      %get3A_181 = arith.index_cast %add3A_179 : i32 to index
      %get3A_182 = tpu.vector_load %arg6[%get3A_180, %get3A_181] {strides = array<i32>} : memref<8x512xi32, #tpu.memory_space<vmem>>, vector<16xi32>,
      %shift_right_arithmetic3A = arith.constant 7 : i32
      %shift_right_arithmetic3A_183 = vector.broadcast %shift_right_arithmetic3A : i32 to vector<16xi32>
      %shift_right_arithmetic3A_184 = arith.shrsi %get3A_182, %shift_right_arithmetic3A_183 : vector<16xi32>
      %shift_left3A = arith.constant 6 : i32
      %shift_left3A_185 = vector.broadcast %shift_left3A : i32 to vector<16xi32>
      %shift_left3A_186 = arith.shli %shift_right_arithmetic3A_184, %shift_left3A_185 : vector<16xi32>
      %shift_right_arithmetic3A_187 = arith.constant 4 : i32
      %shift_right_arithmetic3A_188 = vector.broadcast %shift_right_arithmetic3A_187 : i32 to vector<16xi32>
      %shift_right_arithmetic3A_189 = arith.shrsi %get3A_182, %shift_right_arithmetic3A_188 : vector<16xi32>
      %and3A = arith.constant 7 : i32
      %and3A_190 = vector.broadcast %and3A : i32 to vector<16xi32>
      %and3A_191 = arith.andi %shift_right_arithmetic3A_189, %and3A_190 : vector<16xi32>
      %add3A_192 = arith.addi %shift_left3A_186, %and3A_191 : vector<16xi32>
      %add3A_193 = arith.constant 8 : i32
      %add3A_194 = vector.broadcast %add3A_193 : i32 to vector<16xi32>
      %add3A_195 = arith.addi %add3A_192, %add3A_194 : vector<16xi32>
      %mul3A_196 = arith.constant 16 : i32
      %mul3A_197 = arith.muli %scan3A_175, %mul3A_196 : i32
      %swap3A = arith.constant 7 : i32
      %swap3A_198 = arith.index_cast %swap3A : i32 to index
      %swap3A_199 = arith.index_cast %mul3A_197 : i32 to index
      %swap3A_200 = tpu.vector_load %arg7[%swap3A_198, %swap3A_199] {strides = array<i32>} : memref<8x128xi32, #tpu.memory_space<vmem>>, vector<16xi32>,
      tpu.vector_store %arg7[%swap3A_198, %swap3A_199], %add3A_195 {strides = array<i32>} : memref<8x128xi32, #tpu.memory_space<vmem>>, vector<16xi32>,
    }
    %scan3A_153 = arith.constant 8 : i32
    %dma_start3A_154 = arith.constant 7 : i32
    %dma_start3A_155 = arith.constant 7 : i32
    %dma_start3A_156 = arith.constant 7 : i32
    %dma_start3A_157 = arith.constant 0 : i32
    %dma_start3A_158 = arith.constant 0 : i32
    %dma_start3A_159 = tpu.memref_slice %arg8[%dma_start3A_155, %dma_start3A_157, %dma_start3A_158] : memref<8x128x16xf32, #tpu.memory_space<vmem>> -> memref<1x128x16xf32, #tpu.memory_space<vmem>>
    %dma_start3A_160 = tpu.memref_squeeze %dma_start3A_159 : memref<1x128x16xf32, #tpu.memory_space<vmem>> -> memref<128x16xf32, #tpu.memory_space<vmem>>
    %dma_start3A_161 = arith.constant 0 : i32
    %dma_start3A_162 = tpu.memref_slice %arg7[%dma_start3A_154, %dma_start3A_161] : memref<8x128xi32, #tpu.memory_space<vmem>> -> memref<1x128xi32, #tpu.memory_space<vmem>>
    %dma_start3A_163 = tpu.memref_squeeze %dma_start3A_162 : memref<1x128xi32, #tpu.memory_space<vmem>> -> memref<128xi32, #tpu.memory_space<vmem>>
    %dma_start3A_164 = arith.constant 0 : i32
    %dma_start3A_165 = arith.constant 0 : i32
    %dma_start3A_166 = tpu.memref_slice %arg3[%dma_start3A_164, %dma_start3A_165] : memref<500032x16xf32, #tpu.memory_space<hbm>> -> memref<500032x16xf32, #tpu.memory_space<hbm>>
    %dma_start3A_167 = tpu.memref_slice %arg11[%dma_start3A_156] : memref<8x!tpu.dma_semaphore, #tpu.memory_space<semaphore_mem>> -> memref<1x!tpu.dma_semaphore, #tpu.memory_space<semaphore_mem>>
    %dma_start3A_168 = tpu.memref_squeeze %dma_start3A_167 : memref<1x!tpu.dma_semaphore, #tpu.memory_space<semaphore_mem>> -> memref<!tpu.dma_semaphore, #tpu.memory_space<semaphore_mem>>
    tpu.enqueue_indirect_dma source(%dma_start3A_166 : memref<500032x16xf32, #tpu.memory_space<hbm>>) target(%dma_start3A_160 : memref<128x16xf32, #tpu.memory_space<vmem>>) offsets(%dma_start3A_163 : memref<128xi32, #tpu.memory_space<vmem>>) semaphore(%dma_start3A_168 : memref<!tpu.dma_semaphore, #tpu.memory_space<semaphore_mem>>)
    %scan3A_169 = arith.constant 0 : i32
    %scan3A_170 = arith.constant 0 : i32
    %scan3A_171 = arith.constant 32 : i32
    %scan3A_172 = arith.addi %scan3A_170, %scan3A_171 : i32
    %scan3A_173 = arith.constant 1 : i32
    scf.for %scan3A_175 = %scan3A_170 to %scan3A_172 step %scan3A_173  : i32 {
      %jit3A = arith.constant 8 : i32
      %eq3A = arith.constant 0 : i32
      %eq3A_176 = arith.cmpi eq, %jit3A, %eq3A : i32
      %jit3A_177 = arith.constant 1 : i32
      %select_n3A = arith.select %eq3A_176, %jit3A_177, %jit3A : i32
      %rem3A = arith.remsi %scan3A_175, %select_n3A : i32
      %ne3A = arith.constant 0 : i32
      %ne3A_178 = arith.cmpi ne, %rem3A, %ne3A : i32
      %lt3A = arith.constant 0 : i32
      %lt3A_179 = arith.cmpi slt, %rem3A, %lt3A : i32
      %lt3A_180 = arith.constant 0 : i32
      %lt3A_181 = arith.cmpi slt, %select_n3A, %lt3A_180 : i32
      %ne3A_182 = arith.xori %lt3A_179, %lt3A_181 : i1
      %and3A = arith.andi %ne3A_182, %ne3A_178 : i1
      %add3A_183 = arith.addi %rem3A, %select_n3A : i32
      %select_n3A_184 = arith.select %and3A, %add3A_183, %rem3A : i32
      %jit3A_185 = arith.constant 4 : i32
      %div3A = arith.divsi %scan3A_175, %jit3A_185 : i32
      %sign3A = arith.constant 0 : i32
      %sign3A_186 = arith.cmpi sgt, %scan3A_175, %sign3A : i32
      %sign3A_187 = arith.extui %sign3A_186 : i1 to i32
      %sign3A_188 = arith.constant 0 : i32
      %sign3A_189 = arith.cmpi slt, %scan3A_175, %sign3A_188 : i32
      %sign3A_190 = arith.extui %sign3A_189 : i1 to i32
      %sign3A_191 = arith.subi %sign3A_187, %sign3A_190 : i32
      %sign3A_192 = arith.constant 0 : i32
      %sign3A_193 = arith.cmpi sgt, %jit3A_185, %sign3A_192 : i32
      %sign3A_194 = arith.extui %sign3A_193 : i1 to i32
      %sign3A_195 = arith.constant 0 : i32
      %sign3A_196 = arith.cmpi slt, %jit3A_185, %sign3A_195 : i32
      %sign3A_197 = arith.extui %sign3A_196 : i1 to i32
      %sign3A_198 = arith.subi %sign3A_194, %sign3A_197 : i32
      %ne3A_199 = arith.cmpi ne, %sign3A_191, %sign3A_198 : i32
      %rem3A_200 = arith.remsi %scan3A_175, %jit3A_185 : i32
      %ne3A_201 = arith.constant 0 : i32
      %ne3A_202 = arith.cmpi ne, %rem3A_200, %ne3A_201 : i32
      %and3A_203 = arith.andi %ne3A_199, %ne3A_202 : i1
      %sub3A = arith.constant 1 : i32
      %sub3A_204 = arith.subi %div3A, %sub3A : i32
      %select_n3A_205 = arith.select %and3A_203, %sub3A_204, %div3A : i32
      %jit3A_206 = arith.constant 4 : i32
      %eq3A_207 = arith.constant 0 : i32
      %eq3A_208 = arith.cmpi eq, %jit3A_206, %eq3A_207 : i32
      %jit3A_209 = arith.constant 1 : i32
      %select_n3A_210 = arith.select %eq3A_208, %jit3A_209, %jit3A_206 : i32
      %rem3A_211 = arith.remsi %scan3A_175, %select_n3A_210 : i32
      %ne3A_212 = arith.constant 0 : i32
      %ne3A_213 = arith.cmpi ne, %rem3A_211, %ne3A_212 : i32
      %lt3A_214 = arith.constant 0 : i32
      %lt3A_215 = arith.cmpi slt, %rem3A_211, %lt3A_214 : i32
      %lt3A_216 = arith.constant 0 : i32
      %lt3A_217 = arith.cmpi slt, %select_n3A_210, %lt3A_216 : i32
      %ne3A_218 = arith.xori %lt3A_215, %lt3A_217 : i1
      %and3A_219 = arith.andi %ne3A_218, %ne3A_213 : i1
      %add3A_220 = arith.addi %rem3A_211, %select_n3A_210 : i32
      %select_n3A_221 = arith.select %and3A_219, %add3A_220, %rem3A_211 : i32
      %dma_wait3A = arith.constant 0 : i32
      %dma_wait3A_222 = arith.constant 0 : i32
      %dma_wait3A_223 = tpu.memref_slice %arg8[%select_n3A_184, %dma_wait3A, %dma_wait3A_222] : memref<8x128x16xf32, #tpu.memory_space<vmem>> -> memref<1x128x16xf32, #tpu.memory_space<vmem>>
      %dma_wait3A_224 = tpu.memref_squeeze %dma_wait3A_223 : memref<1x128x16xf32, #tpu.memory_space<vmem>> -> memref<128x16xf32, #tpu.memory_space<vmem>>
      %dma_wait3A_225 = arith.constant 0 : i32
      %dma_wait3A_226 = arith.constant 0 : i32
      %dma_wait3A_227 = tpu.memref_slice %arg3[%dma_wait3A_225, %dma_wait3A_226] : memref<500032x16xf32, #tpu.memory_space<hbm>> -> memref<128x16xf32, #tpu.memory_space<hbm>>
      %dma_wait3A_228 = tpu.memref_slice %arg11[%select_n3A_184] : memref<8x!tpu.dma_semaphore, #tpu.memory_space<semaphore_mem>> -> memref<1x!tpu.dma_semaphore, #tpu.memory_space<semaphore_mem>>
      %dma_wait3A_229 = tpu.memref_squeeze %dma_wait3A_228 : memref<1x!tpu.dma_semaphore, #tpu.memory_space<semaphore_mem>> -> memref<!tpu.dma_semaphore, #tpu.memory_space<semaphore_mem>>
      %dma_wait3A_230 = arith.constant 0 : i32
      %dma_wait3A_231 = arith.constant 0 : i32
      %dma_wait3A_232 = tpu.memref_slice %arg8[%select_n3A_184, %dma_wait3A_230, %dma_wait3A_231] : memref<8x128x16xf32, #tpu.memory_space<vmem>> -> memref<1x128x16xf32, #tpu.memory_space<vmem>>
      %dma_wait3A_233 = tpu.memref_squeeze %dma_wait3A_232 : memref<1x128x16xf32, #tpu.memory_space<vmem>> -> memref<128x16xf32, #tpu.memory_space<vmem>>
      %dma_wait3A_234 = arith.constant 0 : i32
      %dma_wait3A_235 = arith.constant 0 : i32
      %dma_wait3A_236 = tpu.memref_slice %arg3[%dma_wait3A_234, %dma_wait3A_235] : memref<500032x16xf32, #tpu.memory_space<hbm>> -> memref<128x16xf32, #tpu.memory_space<hbm>>
      tpu.wait_dma2 semaphore(%dma_wait3A_229 : memref<!tpu.dma_semaphore, #tpu.memory_space<semaphore_mem>>) src(%dma_wait3A_236 : memref<128x16xf32, #tpu.memory_space<hbm>>) dst(%dma_wait3A_233 : memref<128x16xf32, #tpu.memory_space<vmem>>)
      %scan3A_237 = arith.constant 0 : i32
      %scan3A_238 = arith.constant 0 : i32
      %scan3A_239 = arith.constant 8 : i32
      %scan3A_240 = arith.addi %scan3A_238, %scan3A_239 : i32
      %scan3A_241 = arith.constant 1 : i32
      scf.for %scan3A_248 = %scan3A_238 to %scan3A_240 step %scan3A_241  : i32 {
        %mul3A_249 = arith.constant 128 : i32
        %mul3A_250 = arith.muli %select_n3A_221, %mul3A_249 : i32
        %mul3A_251 = arith.constant 16 : i32
        %mul3A_252 = arith.muli %scan3A_248, %mul3A_251 : i32
        %add3A_253 = arith.addi %mul3A_250, %mul3A_252 : i32
        %get3A = arith.index_cast %select_n3A_205 : i32 to index
        %get3A_254 = arith.index_cast %add3A_253 : i32 to index
        %get3A_255 = tpu.vector_load %arg6[%get3A, %get3A_254] {strides = array<i32>} : memref<8x512xi32, #tpu.memory_space<vmem>>, vector<16xi32>,
        %mul3A_256 = arith.constant 16 : i32
        %mul3A_257 = arith.muli %scan3A_248, %mul3A_256 : i32
        %add3A_258 = vector.broadcast %mul3A_257 : i32 to vector<16xi32>
        %add3A_259 = arith.addi %iota3A, %add3A_258 : vector<16xi32>
        %and3A_260 = arith.constant 15 : i32
        %and3A_261 = vector.broadcast %and3A_260 : i32 to vector<16xi32>
        %and3A_262 = arith.andi %get3A_255, %and3A_261 : vector<16xi32>
        %gather3A = arith.constant 0 : i32
        %gather3A_263 = arith.constant 0 : i32
        %gather3A_264 = tpu.memref_slice %arg8[%select_n3A_184, %gather3A, %gather3A_263] : memref<8x128x16xf32, #tpu.memory_space<vmem>> -> memref<1x128x16xf32, #tpu.memory_space<vmem>>
        %gather3A_265 = tpu.memref_squeeze %gather3A_264 : memref<1x128x16xf32, #tpu.memory_space<vmem>> -> memref<128x16xf32, #tpu.memory_space<vmem>>
        %gather3A_266 = tpu.vector_load_idx %gather3A_265[%add3A_259, %and3A_262] : memref<128x16xf32, #tpu.memory_space<vmem>>[vector<16xi32>, vector<16xi32>], vector<16xf32>,
        %get3A_267 = arith.index_cast %add3A_253 : i32 to index
        %get3A_268 = tpu.vector_load %arg9[%get3A_267] {strides = array<i32>} : memref<512xf32, #tpu.memory_space<vmem>>, vector<16xf32>,
        %add3A_269 = arith.addf %get3A_268, %gather3A_266 : vector<16xf32>
        %swap3A = arith.index_cast %add3A_253 : i32 to index
        %swap3A_270 = tpu.vector_load %arg9[%swap3A] {strides = array<i32>} : memref<512xf32, #tpu.memory_space<vmem>>, vector<16xf32>,
        tpu.vector_store %arg9[%swap3A], %add3A_269 {strides = array<i32>} : memref<512xf32, #tpu.memory_space<vmem>>, vector<16xf32>,
      }
      %scan3A_242 = arith.constant 8 : i32
      %add3A_243 = arith.constant 8 : i32
      %add3A_244 = arith.addi %scan3A_175, %add3A_243 : i32
      %lt3A_245 = arith.constant 32 : i32
      %lt3A_246 = arith.cmpi slt, %add3A_244, %lt3A_245 : i32
      %convert_element_type3A = arith.extui %lt3A_246 : i1 to i32
      %cond3A = arith.constant 0 : i32
      %cond3A_247 = arith.cmpi ne, %convert_element_type3A, %cond3A : i32
      scf.if %cond3A_247 {
        %add3A_248 = arith.constant 8 : i32
        %add3A_249 = arith.addi %scan3A_175, %add3A_248 : i32
        %jit3A_250 = arith.constant 4 : i32
        %div3A_251 = arith.divsi %add3A_249, %jit3A_250 : i32
        %sign3A_252 = arith.constant 0 : i32
        %sign3A_253 = arith.cmpi sgt, %add3A_249, %sign3A_252 : i32
        %sign3A_254 = arith.extui %sign3A_253 : i1 to i32
        %sign3A_255 = arith.constant 0 : i32
        %sign3A_256 = arith.cmpi slt, %add3A_249, %sign3A_255 : i32
        %sign3A_257 = arith.extui %sign3A_256 : i1 to i32
        %sign3A_258 = arith.subi %sign3A_254, %sign3A_257 : i32
        %sign3A_259 = arith.constant 0 : i32
        %sign3A_260 = arith.cmpi sgt, %jit3A_250, %sign3A_259 : i32
        %sign3A_261 = arith.extui %sign3A_260 : i1 to i32
        %sign3A_262 = arith.constant 0 : i32
        %sign3A_263 = arith.cmpi slt, %jit3A_250, %sign3A_262 : i32
        %sign3A_264 = arith.extui %sign3A_263 : i1 to i32
        %sign3A_265 = arith.subi %sign3A_261, %sign3A_264 : i32
        %ne3A_266 = arith.cmpi ne, %sign3A_258, %sign3A_265 : i32
        %rem3A_267 = arith.remsi %add3A_249, %jit3A_250 : i32
        %ne3A_268 = arith.constant 0 : i32
        %ne3A_269 = arith.cmpi ne, %rem3A_267, %ne3A_268 : i32
        %and3A_270 = arith.andi %ne3A_266, %ne3A_269 : i1
        %sub3A_271 = arith.constant 1 : i32
        %sub3A_272 = arith.subi %div3A_251, %sub3A_271 : i32
        %select_n3A_273 = arith.select %and3A_270, %sub3A_272, %div3A_251 : i32
        %jit3A_274 = arith.constant 4 : i32
        %eq3A_275 = arith.constant 0 : i32
        %eq3A_276 = arith.cmpi eq, %jit3A_274, %eq3A_275 : i32
        %jit3A_277 = arith.constant 1 : i32
        %select_n3A_278 = arith.select %eq3A_276, %jit3A_277, %jit3A_274 : i32
        %rem3A_279 = arith.remsi %add3A_249, %select_n3A_278 : i32
        %ne3A_280 = arith.constant 0 : i32
        %ne3A_281 = arith.cmpi ne, %rem3A_279, %ne3A_280 : i32
        %lt3A_282 = arith.constant 0 : i32
        %lt3A_283 = arith.cmpi slt, %rem3A_279, %lt3A_282 : i32
        %lt3A_284 = arith.constant 0 : i32
        %lt3A_285 = arith.cmpi slt, %select_n3A_278, %lt3A_284 : i32
        %ne3A_286 = arith.xori %lt3A_283, %lt3A_285 : i1
        %and3A_287 = arith.andi %ne3A_286, %ne3A_281 : i1
        %add3A_288 = arith.addi %rem3A_279, %select_n3A_278 : i32
        %select_n3A_289 = arith.select %and3A_287, %add3A_288, %rem3A_279 : i32
        %jit3A_290 = arith.constant 8 : i32
        %eq3A_291 = arith.constant 0 : i32
        %eq3A_292 = arith.cmpi eq, %jit3A_290, %eq3A_291 : i32
        %jit3A_293 = arith.constant 1 : i32
        %select_n3A_294 = arith.select %eq3A_292, %jit3A_293, %jit3A_290 : i32
        %rem3A_295 = arith.remsi %add3A_249, %select_n3A_294 : i32
        %ne3A_296 = arith.constant 0 : i32
        %ne3A_297 = arith.cmpi ne, %rem3A_295, %ne3A_296 : i32
        %lt3A_298 = arith.constant 0 : i32
        %lt3A_299 = arith.cmpi slt, %rem3A_295, %lt3A_298 : i32
        %lt3A_300 = arith.constant 0 : i32
        %lt3A_301 = arith.cmpi slt, %select_n3A_294, %lt3A_300 : i32
        %ne3A_302 = arith.xori %lt3A_299, %lt3A_301 : i1
        %and3A_303 = arith.andi %ne3A_302, %ne3A_297 : i1
        %add3A_304 = arith.addi %rem3A_295, %select_n3A_294 : i32
        %select_n3A_305 = arith.select %and3A_303, %add3A_304, %rem3A_295 : i32
        %mul3A_306 = arith.constant 8 : i32
        %mul3A_307 = arith.muli %select_n3A_273, %mul3A_306 : i32
        %scan3A_308 = arith.constant 0 : i32
        %scan3A_309 = arith.constant 0 : i32
        %scan3A_310 = arith.constant 8 : i32
        %scan3A_311 = arith.addi %scan3A_309, %scan3A_310 : i32
        %scan3A_312 = arith.constant 1 : i32
        scf.for %scan3A_326 = %scan3A_309 to %scan3A_311 step %scan3A_312  : i32 {
          %mul3A_327 = arith.constant 128 : i32
          %mul3A_328 = arith.muli %select_n3A_289, %mul3A_327 : i32
          %mul3A_329 = arith.constant 16 : i32
          %mul3A_330 = arith.muli %scan3A_326, %mul3A_329 : i32
          %add3A_331 = arith.addi %mul3A_328, %mul3A_330 : i32
          %get3A = arith.index_cast %select_n3A_273 : i32 to index
          %get3A_332 = arith.index_cast %add3A_331 : i32 to index
          %get3A_333 = tpu.vector_load %arg6[%get3A, %get3A_332] {strides = array<i32>} : memref<8x512xi32, #tpu.memory_space<vmem>>, vector<16xi32>,
          %shift_right_arithmetic3A = arith.constant 7 : i32
          %shift_right_arithmetic3A_334 = vector.broadcast %shift_right_arithmetic3A : i32 to vector<16xi32>
          %shift_right_arithmetic3A_335 = arith.shrsi %get3A_333, %shift_right_arithmetic3A_334 : vector<16xi32>
          %shift_left3A = arith.constant 6 : i32
          %shift_left3A_336 = vector.broadcast %shift_left3A : i32 to vector<16xi32>
          %shift_left3A_337 = arith.shli %shift_right_arithmetic3A_335, %shift_left3A_336 : vector<16xi32>
          %shift_right_arithmetic3A_338 = arith.constant 4 : i32
          %shift_right_arithmetic3A_339 = vector.broadcast %shift_right_arithmetic3A_338 : i32 to vector<16xi32>
          %shift_right_arithmetic3A_340 = arith.shrsi %get3A_333, %shift_right_arithmetic3A_339 : vector<16xi32>
          %and3A_341 = arith.constant 7 : i32
          %and3A_342 = vector.broadcast %and3A_341 : i32 to vector<16xi32>
          %and3A_343 = arith.andi %shift_right_arithmetic3A_340, %and3A_342 : vector<16xi32>
          %add3A_344 = arith.addi %shift_left3A_337, %and3A_343 : vector<16xi32>
          %add3A_345 = vector.broadcast %mul3A_307 : i32 to vector<16xi32>
          %add3A_346 = arith.addi %add3A_344, %add3A_345 : vector<16xi32>
          %mul3A_347 = arith.constant 16 : i32
          %mul3A_348 = arith.muli %scan3A_326, %mul3A_347 : i32
          %swap3A = arith.index_cast %select_n3A_305 : i32 to index
          %swap3A_349 = arith.index_cast %mul3A_348 : i32 to index
          %swap3A_350 = tpu.vector_load %arg7[%swap3A, %swap3A_349] {strides = array<i32>} : memref<8x128xi32, #tpu.memory_space<vmem>>, vector<16xi32>,
          tpu.vector_store %arg7[%swap3A, %swap3A_349], %add3A_346 {strides = array<i32>} : memref<8x128xi32, #tpu.memory_space<vmem>>, vector<16xi32>,
        }
        %scan3A_313 = arith.constant 8 : i32
        %dma_start3A_314 = arith.constant 0 : i32
        %dma_start3A_315 = arith.constant 0 : i32
        %dma_start3A_316 = tpu.memref_slice %arg8[%select_n3A_305, %dma_start3A_314, %dma_start3A_315] : memref<8x128x16xf32, #tpu.memory_space<vmem>> -> memref<1x128x16xf32, #tpu.memory_space<vmem>>
        %dma_start3A_317 = tpu.memref_squeeze %dma_start3A_316 : memref<1x128x16xf32, #tpu.memory_space<vmem>> -> memref<128x16xf32, #tpu.memory_space<vmem>>
        %dma_start3A_318 = arith.constant 0 : i32
        %dma_start3A_319 = tpu.memref_slice %arg7[%select_n3A_305, %dma_start3A_318] : memref<8x128xi32, #tpu.memory_space<vmem>> -> memref<1x128xi32, #tpu.memory_space<vmem>>
        %dma_start3A_320 = tpu.memref_squeeze %dma_start3A_319 : memref<1x128xi32, #tpu.memory_space<vmem>> -> memref<128xi32, #tpu.memory_space<vmem>>
        %dma_start3A_321 = arith.constant 0 : i32
        %dma_start3A_322 = arith.constant 0 : i32
        %dma_start3A_323 = tpu.memref_slice %arg3[%dma_start3A_321, %dma_start3A_322] : memref<500032x16xf32, #tpu.memory_space<hbm>> -> memref<500032x16xf32, #tpu.memory_space<hbm>>
        %dma_start3A_324 = tpu.memref_slice %arg11[%select_n3A_305] : memref<8x!tpu.dma_semaphore, #tpu.memory_space<semaphore_mem>> -> memref<1x!tpu.dma_semaphore, #tpu.memory_space<semaphore_mem>>
        %dma_start3A_325 = tpu.memref_squeeze %dma_start3A_324 : memref<1x!tpu.dma_semaphore, #tpu.memory_space<semaphore_mem>> -> memref<!tpu.dma_semaphore, #tpu.memory_space<semaphore_mem>>
        tpu.enqueue_indirect_dma source(%dma_start3A_323 : memref<500032x16xf32, #tpu.memory_space<hbm>>) target(%dma_start3A_317 : memref<128x16xf32, #tpu.memory_space<vmem>>) offsets(%dma_start3A_320 : memref<128xi32, #tpu.memory_space<vmem>>) semaphore(%dma_start3A_325 : memref<!tpu.dma_semaphore, #tpu.memory_space<semaphore_mem>>)
      } else {
      }
    }
    %scan3A_174 = arith.constant 32 : i32
    "tpu.region"() ({
      %run_scoped3A = tpu.sem_alloc : memref<!tpu.dma_semaphore, #tpu.memory_space<semaphore_mem>>
      %dma_start3A_175 = tpu.memref_slice %arg5[%mul3A_2] : memref<16384xf32, #tpu.memory_space<hbm>> -> memref<512xf32, #tpu.memory_space<hbm>>
      %dma_start3A_176 = tpu.memref_slice %arg5[%mul3A_2] : memref<16384xf32, #tpu.memory_space<hbm>> -> memref<512xf32, #tpu.memory_space<hbm>>
      tpu.enqueue_dma source(%arg9 : memref<512xf32, #tpu.memory_space<vmem>>) target(%dma_start3A_176 : memref<512xf32, #tpu.memory_space<hbm>>) target_semaphore(%run_scoped3A : memref<!tpu.dma_semaphore, #tpu.memory_space<semaphore_mem>>)
      %dma_wait3A = tpu.memref_slice %arg5[%mul3A_2] : memref<16384xf32, #tpu.memory_space<hbm>> -> memref<512xf32, #tpu.memory_space<hbm>>
      %dma_wait3A_177 = tpu.memref_slice %arg5[%mul3A_2] : memref<16384xf32, #tpu.memory_space<hbm>> -> memref<512xf32, #tpu.memory_space<hbm>>
      tpu.wait_dma2 semaphore(%run_scoped3A : memref<!tpu.dma_semaphore, #tpu.memory_space<semaphore_mem>>) src(%arg9 : memref<512xf32, #tpu.memory_space<vmem>>) dst(%dma_wait3A_177 : memref<512xf32, #tpu.memory_space<hbm>>)
      tpu.yield
    }) : () -> ()
    return
  }
}

#map = affine_map<(d0, d1) -> (0, 0)>
#map1 = affine_map<(d0, d1) -> (0)>
module attributes {stable_mosaic.version = 14 : i64} {
  func.func @lookup_sum_f16_8(%arg0: i32, %arg1: i32, %arg2: memref<26x16384xi32, #tpu.memory_space<hbm>>, %arg3: memref<500032x16xf32, #tpu.memory_space<hbm>>, %arg4: memref<16384xf32, #tpu.memory_space<hbm>>, %arg5: memref<16384xf32, #tpu.memory_space<hbm>>, %arg6: memref<8x512xi32, #tpu.memory_space<vmem>>, %arg7: memref<8x128xi32, #tpu.memory_space<vmem>>, %arg8: memref<8x128x16xf32, #tpu.memory_space<vmem>>, %arg9: memref<512xf32, #tpu.memory_space<vmem>>, %arg10: memref<16xf32, #tpu.memory_space<vmem>>, %arg11: memref<8x!tpu.dma_semaphore, #tpu.memory_space<semaphore_mem>>) attributes {dimension_semantics = [#tpu.dimension_semantics<core_parallel>, #tpu.dimension_semantics<subcore_parallel>], iteration_bounds = array<i64: 2, 16>, scalar_prefetch = 0 : i64, scratch_operands = 6 : i64, tpu.core_type = #tpu.core_type<sc_vector_subcore>, window_params = [{transform_indices = #map}, {transform_indices = #map}, {transform_indices = #map1}, {transform_indices = #map1}]} {
    %mul3A = arith.constant 2 : i32
    %mul3A_0 = arith.muli %arg1, %mul3A : i32
    %add3A = arith.addi %mul3A_0, %arg0 : i32
    %mul3A_1 = arith.constant 512 : i32
    %mul3A_2 = arith.muli %add3A, %mul3A_1 : i32
    "tpu.region"() ({
      %run_scoped3A = tpu.sem_alloc : memref<!tpu.dma_semaphore, #tpu.memory_space<semaphore_mem>>
      %dma_start3A_175 = arith.constant 16 : i32
      %dma_start3A_176 = tpu.memref_slice %arg2[%dma_start3A_175, %mul3A_2] : memref<26x16384xi32, #tpu.memory_space<hbm>> -> memref<8x512xi32, #tpu.memory_space<hbm>>
      %dma_start3A_177 = arith.constant 16 : i32
      %dma_start3A_178 = tpu.memref_slice %arg2[%dma_start3A_177, %mul3A_2] : memref<26x16384xi32, #tpu.memory_space<hbm>> -> memref<8x512xi32, #tpu.memory_space<hbm>>
      tpu.enqueue_dma source(%dma_start3A_178 : memref<8x512xi32, #tpu.memory_space<hbm>>) target(%arg6 : memref<8x512xi32, #tpu.memory_space<vmem>>) target_semaphore(%run_scoped3A : memref<!tpu.dma_semaphore, #tpu.memory_space<semaphore_mem>>)
      %dma_wait3A = arith.constant 16 : i32
      %dma_wait3A_179 = tpu.memref_slice %arg2[%dma_wait3A, %mul3A_2] : memref<26x16384xi32, #tpu.memory_space<hbm>> -> memref<8x512xi32, #tpu.memory_space<hbm>>
      %dma_wait3A_180 = arith.constant 16 : i32
      %dma_wait3A_181 = tpu.memref_slice %arg2[%dma_wait3A_180, %mul3A_2] : memref<26x16384xi32, #tpu.memory_space<hbm>> -> memref<8x512xi32, #tpu.memory_space<hbm>>
      tpu.wait_dma2 semaphore(%run_scoped3A : memref<!tpu.dma_semaphore, #tpu.memory_space<semaphore_mem>>) src(%dma_wait3A_181 : memref<8x512xi32, #tpu.memory_space<hbm>>) dst(%arg6 : memref<8x512xi32, #tpu.memory_space<vmem>>)
      tpu.yield
    }) : () -> ()
    "tpu.region"() ({
      %run_scoped3A = tpu.sem_alloc : memref<!tpu.dma_semaphore, #tpu.memory_space<semaphore_mem>>
      %dma_start3A_175 = tpu.memref_slice %arg4[%mul3A_2] : memref<16384xf32, #tpu.memory_space<hbm>> -> memref<512xf32, #tpu.memory_space<hbm>>
      %dma_start3A_176 = tpu.memref_slice %arg4[%mul3A_2] : memref<16384xf32, #tpu.memory_space<hbm>> -> memref<512xf32, #tpu.memory_space<hbm>>
      tpu.enqueue_dma source(%dma_start3A_176 : memref<512xf32, #tpu.memory_space<hbm>>) target(%arg9 : memref<512xf32, #tpu.memory_space<vmem>>) target_semaphore(%run_scoped3A : memref<!tpu.dma_semaphore, #tpu.memory_space<semaphore_mem>>)
      %dma_wait3A = tpu.memref_slice %arg4[%mul3A_2] : memref<16384xf32, #tpu.memory_space<hbm>> -> memref<512xf32, #tpu.memory_space<hbm>>
      %dma_wait3A_177 = tpu.memref_slice %arg4[%mul3A_2] : memref<16384xf32, #tpu.memory_space<hbm>> -> memref<512xf32, #tpu.memory_space<hbm>>
      tpu.wait_dma2 semaphore(%run_scoped3A : memref<!tpu.dma_semaphore, #tpu.memory_space<semaphore_mem>>) src(%dma_wait3A_177 : memref<512xf32, #tpu.memory_space<hbm>>) dst(%arg9 : memref<512xf32, #tpu.memory_space<vmem>>)
      tpu.yield
    }) : () -> ()
    %iota3A = tpu.iota {dimensions = array<i32: 0>} : vector<16xi32>
    %scan3A = arith.constant 0 : i32
    %scan3A_3 = arith.constant 0 : i32
    %scan3A_4 = arith.constant 8 : i32
    %scan3A_5 = arith.addi %scan3A_3, %scan3A_4 : i32
    %scan3A_6 = arith.constant 1 : i32
    scf.for %scan3A_175 = %scan3A_3 to %scan3A_5 step %scan3A_6  : i32 {
      %mul3A_176 = arith.constant 16 : i32
      %mul3A_177 = arith.muli %scan3A_175, %mul3A_176 : i32
      %add3A_178 = arith.constant 0 : i32
      %add3A_179 = arith.addi %add3A_178, %mul3A_177 : i32
      %get3A = arith.constant 0 : i32
      %get3A_180 = arith.index_cast %get3A : i32 to index
      %get3A_181 = arith.index_cast %add3A_179 : i32 to index
      %get3A_182 = tpu.vector_load %arg6[%get3A_180, %get3A_181] {strides = array<i32>} : memref<8x512xi32, #tpu.memory_space<vmem>>, vector<16xi32>,
      %shift_right_arithmetic3A = arith.constant 7 : i32
      %shift_right_arithmetic3A_183 = vector.broadcast %shift_right_arithmetic3A : i32 to vector<16xi32>
      %shift_right_arithmetic3A_184 = arith.shrsi %get3A_182, %shift_right_arithmetic3A_183 : vector<16xi32>
      %shift_left3A = arith.constant 6 : i32
      %shift_left3A_185 = vector.broadcast %shift_left3A : i32 to vector<16xi32>
      %shift_left3A_186 = arith.shli %shift_right_arithmetic3A_184, %shift_left3A_185 : vector<16xi32>
      %shift_right_arithmetic3A_187 = arith.constant 4 : i32
      %shift_right_arithmetic3A_188 = vector.broadcast %shift_right_arithmetic3A_187 : i32 to vector<16xi32>
      %shift_right_arithmetic3A_189 = arith.shrsi %get3A_182, %shift_right_arithmetic3A_188 : vector<16xi32>
      %and3A = arith.constant 7 : i32
      %and3A_190 = vector.broadcast %and3A : i32 to vector<16xi32>
      %and3A_191 = arith.andi %shift_right_arithmetic3A_189, %and3A_190 : vector<16xi32>
      %add3A_192 = arith.addi %shift_left3A_186, %and3A_191 : vector<16xi32>
      %add3A_193 = arith.constant 0 : i32
      %add3A_194 = vector.broadcast %add3A_193 : i32 to vector<16xi32>
      %add3A_195 = arith.addi %add3A_192, %add3A_194 : vector<16xi32>
      %mul3A_196 = arith.constant 16 : i32
      %mul3A_197 = arith.muli %scan3A_175, %mul3A_196 : i32
      %swap3A = arith.constant 0 : i32
      %swap3A_198 = arith.index_cast %swap3A : i32 to index
      %swap3A_199 = arith.index_cast %mul3A_197 : i32 to index
      %swap3A_200 = tpu.vector_load %arg7[%swap3A_198, %swap3A_199] {strides = array<i32>} : memref<8x128xi32, #tpu.memory_space<vmem>>, vector<16xi32>,
      tpu.vector_store %arg7[%swap3A_198, %swap3A_199], %add3A_195 {strides = array<i32>} : memref<8x128xi32, #tpu.memory_space<vmem>>, vector<16xi32>,
    }
    %scan3A_7 = arith.constant 8 : i32
    %dma_start3A = arith.constant 0 : i32
    %dma_start3A_8 = arith.constant 0 : i32
    %dma_start3A_9 = arith.constant 0 : i32
    %dma_start3A_10 = arith.constant 0 : i32
    %dma_start3A_11 = arith.constant 0 : i32
    %dma_start3A_12 = tpu.memref_slice %arg8[%dma_start3A_8, %dma_start3A_10, %dma_start3A_11] : memref<8x128x16xf32, #tpu.memory_space<vmem>> -> memref<1x128x16xf32, #tpu.memory_space<vmem>>
    %dma_start3A_13 = tpu.memref_squeeze %dma_start3A_12 : memref<1x128x16xf32, #tpu.memory_space<vmem>> -> memref<128x16xf32, #tpu.memory_space<vmem>>
    %dma_start3A_14 = arith.constant 0 : i32
    %dma_start3A_15 = tpu.memref_slice %arg7[%dma_start3A, %dma_start3A_14] : memref<8x128xi32, #tpu.memory_space<vmem>> -> memref<1x128xi32, #tpu.memory_space<vmem>>
    %dma_start3A_16 = tpu.memref_squeeze %dma_start3A_15 : memref<1x128xi32, #tpu.memory_space<vmem>> -> memref<128xi32, #tpu.memory_space<vmem>>
    %dma_start3A_17 = arith.constant 0 : i32
    %dma_start3A_18 = arith.constant 0 : i32
    %dma_start3A_19 = tpu.memref_slice %arg3[%dma_start3A_17, %dma_start3A_18] : memref<500032x16xf32, #tpu.memory_space<hbm>> -> memref<500032x16xf32, #tpu.memory_space<hbm>>
    %dma_start3A_20 = tpu.memref_slice %arg11[%dma_start3A_9] : memref<8x!tpu.dma_semaphore, #tpu.memory_space<semaphore_mem>> -> memref<1x!tpu.dma_semaphore, #tpu.memory_space<semaphore_mem>>
    %dma_start3A_21 = tpu.memref_squeeze %dma_start3A_20 : memref<1x!tpu.dma_semaphore, #tpu.memory_space<semaphore_mem>> -> memref<!tpu.dma_semaphore, #tpu.memory_space<semaphore_mem>>
    tpu.enqueue_indirect_dma source(%dma_start3A_19 : memref<500032x16xf32, #tpu.memory_space<hbm>>) target(%dma_start3A_13 : memref<128x16xf32, #tpu.memory_space<vmem>>) offsets(%dma_start3A_16 : memref<128xi32, #tpu.memory_space<vmem>>) semaphore(%dma_start3A_21 : memref<!tpu.dma_semaphore, #tpu.memory_space<semaphore_mem>>)
    %scan3A_22 = arith.constant 0 : i32
    %scan3A_23 = arith.constant 0 : i32
    %scan3A_24 = arith.constant 8 : i32
    %scan3A_25 = arith.addi %scan3A_23, %scan3A_24 : i32
    %scan3A_26 = arith.constant 1 : i32
    scf.for %scan3A_175 = %scan3A_23 to %scan3A_25 step %scan3A_26  : i32 {
      %mul3A_176 = arith.constant 16 : i32
      %mul3A_177 = arith.muli %scan3A_175, %mul3A_176 : i32
      %add3A_178 = arith.constant 128 : i32
      %add3A_179 = arith.addi %add3A_178, %mul3A_177 : i32
      %get3A = arith.constant 0 : i32
      %get3A_180 = arith.index_cast %get3A : i32 to index
      %get3A_181 = arith.index_cast %add3A_179 : i32 to index
      %get3A_182 = tpu.vector_load %arg6[%get3A_180, %get3A_181] {strides = array<i32>} : memref<8x512xi32, #tpu.memory_space<vmem>>, vector<16xi32>,
      %shift_right_arithmetic3A = arith.constant 7 : i32
      %shift_right_arithmetic3A_183 = vector.broadcast %shift_right_arithmetic3A : i32 to vector<16xi32>
      %shift_right_arithmetic3A_184 = arith.shrsi %get3A_182, %shift_right_arithmetic3A_183 : vector<16xi32>
      %shift_left3A = arith.constant 6 : i32
      %shift_left3A_185 = vector.broadcast %shift_left3A : i32 to vector<16xi32>
      %shift_left3A_186 = arith.shli %shift_right_arithmetic3A_184, %shift_left3A_185 : vector<16xi32>
      %shift_right_arithmetic3A_187 = arith.constant 4 : i32
      %shift_right_arithmetic3A_188 = vector.broadcast %shift_right_arithmetic3A_187 : i32 to vector<16xi32>
      %shift_right_arithmetic3A_189 = arith.shrsi %get3A_182, %shift_right_arithmetic3A_188 : vector<16xi32>
      %and3A = arith.constant 7 : i32
      %and3A_190 = vector.broadcast %and3A : i32 to vector<16xi32>
      %and3A_191 = arith.andi %shift_right_arithmetic3A_189, %and3A_190 : vector<16xi32>
      %add3A_192 = arith.addi %shift_left3A_186, %and3A_191 : vector<16xi32>
      %add3A_193 = arith.constant 0 : i32
      %add3A_194 = vector.broadcast %add3A_193 : i32 to vector<16xi32>
      %add3A_195 = arith.addi %add3A_192, %add3A_194 : vector<16xi32>
      %mul3A_196 = arith.constant 16 : i32
      %mul3A_197 = arith.muli %scan3A_175, %mul3A_196 : i32
      %swap3A = arith.constant 1 : i32
      %swap3A_198 = arith.index_cast %swap3A : i32 to index
      %swap3A_199 = arith.index_cast %mul3A_197 : i32 to index
      %swap3A_200 = tpu.vector_load %arg7[%swap3A_198, %swap3A_199] {strides = array<i32>} : memref<8x128xi32, #tpu.memory_space<vmem>>, vector<16xi32>,
      tpu.vector_store %arg7[%swap3A_198, %swap3A_199], %add3A_195 {strides = array<i32>} : memref<8x128xi32, #tpu.memory_space<vmem>>, vector<16xi32>,
    }
    %scan3A_27 = arith.constant 8 : i32
    %dma_start3A_28 = arith.constant 1 : i32
    %dma_start3A_29 = arith.constant 1 : i32
    %dma_start3A_30 = arith.constant 1 : i32
    %dma_start3A_31 = arith.constant 0 : i32
    %dma_start3A_32 = arith.constant 0 : i32
    %dma_start3A_33 = tpu.memref_slice %arg8[%dma_start3A_29, %dma_start3A_31, %dma_start3A_32] : memref<8x128x16xf32, #tpu.memory_space<vmem>> -> memref<1x128x16xf32, #tpu.memory_space<vmem>>
    %dma_start3A_34 = tpu.memref_squeeze %dma_start3A_33 : memref<1x128x16xf32, #tpu.memory_space<vmem>> -> memref<128x16xf32, #tpu.memory_space<vmem>>
    %dma_start3A_35 = arith.constant 0 : i32
    %dma_start3A_36 = tpu.memref_slice %arg7[%dma_start3A_28, %dma_start3A_35] : memref<8x128xi32, #tpu.memory_space<vmem>> -> memref<1x128xi32, #tpu.memory_space<vmem>>
    %dma_start3A_37 = tpu.memref_squeeze %dma_start3A_36 : memref<1x128xi32, #tpu.memory_space<vmem>> -> memref<128xi32, #tpu.memory_space<vmem>>
    %dma_start3A_38 = arith.constant 0 : i32
    %dma_start3A_39 = arith.constant 0 : i32
    %dma_start3A_40 = tpu.memref_slice %arg3[%dma_start3A_38, %dma_start3A_39] : memref<500032x16xf32, #tpu.memory_space<hbm>> -> memref<500032x16xf32, #tpu.memory_space<hbm>>
    %dma_start3A_41 = tpu.memref_slice %arg11[%dma_start3A_30] : memref<8x!tpu.dma_semaphore, #tpu.memory_space<semaphore_mem>> -> memref<1x!tpu.dma_semaphore, #tpu.memory_space<semaphore_mem>>
    %dma_start3A_42 = tpu.memref_squeeze %dma_start3A_41 : memref<1x!tpu.dma_semaphore, #tpu.memory_space<semaphore_mem>> -> memref<!tpu.dma_semaphore, #tpu.memory_space<semaphore_mem>>
    tpu.enqueue_indirect_dma source(%dma_start3A_40 : memref<500032x16xf32, #tpu.memory_space<hbm>>) target(%dma_start3A_34 : memref<128x16xf32, #tpu.memory_space<vmem>>) offsets(%dma_start3A_37 : memref<128xi32, #tpu.memory_space<vmem>>) semaphore(%dma_start3A_42 : memref<!tpu.dma_semaphore, #tpu.memory_space<semaphore_mem>>)
    %scan3A_43 = arith.constant 0 : i32
    %scan3A_44 = arith.constant 0 : i32
    %scan3A_45 = arith.constant 8 : i32
    %scan3A_46 = arith.addi %scan3A_44, %scan3A_45 : i32
    %scan3A_47 = arith.constant 1 : i32
    scf.for %scan3A_175 = %scan3A_44 to %scan3A_46 step %scan3A_47  : i32 {
      %mul3A_176 = arith.constant 16 : i32
      %mul3A_177 = arith.muli %scan3A_175, %mul3A_176 : i32
      %add3A_178 = arith.constant 256 : i32
      %add3A_179 = arith.addi %add3A_178, %mul3A_177 : i32
      %get3A = arith.constant 0 : i32
      %get3A_180 = arith.index_cast %get3A : i32 to index
      %get3A_181 = arith.index_cast %add3A_179 : i32 to index
      %get3A_182 = tpu.vector_load %arg6[%get3A_180, %get3A_181] {strides = array<i32>} : memref<8x512xi32, #tpu.memory_space<vmem>>, vector<16xi32>,
      %shift_right_arithmetic3A = arith.constant 7 : i32
      %shift_right_arithmetic3A_183 = vector.broadcast %shift_right_arithmetic3A : i32 to vector<16xi32>
      %shift_right_arithmetic3A_184 = arith.shrsi %get3A_182, %shift_right_arithmetic3A_183 : vector<16xi32>
      %shift_left3A = arith.constant 6 : i32
      %shift_left3A_185 = vector.broadcast %shift_left3A : i32 to vector<16xi32>
      %shift_left3A_186 = arith.shli %shift_right_arithmetic3A_184, %shift_left3A_185 : vector<16xi32>
      %shift_right_arithmetic3A_187 = arith.constant 4 : i32
      %shift_right_arithmetic3A_188 = vector.broadcast %shift_right_arithmetic3A_187 : i32 to vector<16xi32>
      %shift_right_arithmetic3A_189 = arith.shrsi %get3A_182, %shift_right_arithmetic3A_188 : vector<16xi32>
      %and3A = arith.constant 7 : i32
      %and3A_190 = vector.broadcast %and3A : i32 to vector<16xi32>
      %and3A_191 = arith.andi %shift_right_arithmetic3A_189, %and3A_190 : vector<16xi32>
      %add3A_192 = arith.addi %shift_left3A_186, %and3A_191 : vector<16xi32>
      %add3A_193 = arith.constant 0 : i32
      %add3A_194 = vector.broadcast %add3A_193 : i32 to vector<16xi32>
      %add3A_195 = arith.addi %add3A_192, %add3A_194 : vector<16xi32>
      %mul3A_196 = arith.constant 16 : i32
      %mul3A_197 = arith.muli %scan3A_175, %mul3A_196 : i32
      %swap3A = arith.constant 2 : i32
      %swap3A_198 = arith.index_cast %swap3A : i32 to index
      %swap3A_199 = arith.index_cast %mul3A_197 : i32 to index
      %swap3A_200 = tpu.vector_load %arg7[%swap3A_198, %swap3A_199] {strides = array<i32>} : memref<8x128xi32, #tpu.memory_space<vmem>>, vector<16xi32>,
      tpu.vector_store %arg7[%swap3A_198, %swap3A_199], %add3A_195 {strides = array<i32>} : memref<8x128xi32, #tpu.memory_space<vmem>>, vector<16xi32>,
    }
    %scan3A_48 = arith.constant 8 : i32
    %dma_start3A_49 = arith.constant 2 : i32
    %dma_start3A_50 = arith.constant 2 : i32
    %dma_start3A_51 = arith.constant 2 : i32
    %dma_start3A_52 = arith.constant 0 : i32
    %dma_start3A_53 = arith.constant 0 : i32
    %dma_start3A_54 = tpu.memref_slice %arg8[%dma_start3A_50, %dma_start3A_52, %dma_start3A_53] : memref<8x128x16xf32, #tpu.memory_space<vmem>> -> memref<1x128x16xf32, #tpu.memory_space<vmem>>
    %dma_start3A_55 = tpu.memref_squeeze %dma_start3A_54 : memref<1x128x16xf32, #tpu.memory_space<vmem>> -> memref<128x16xf32, #tpu.memory_space<vmem>>
    %dma_start3A_56 = arith.constant 0 : i32
    %dma_start3A_57 = tpu.memref_slice %arg7[%dma_start3A_49, %dma_start3A_56] : memref<8x128xi32, #tpu.memory_space<vmem>> -> memref<1x128xi32, #tpu.memory_space<vmem>>
    %dma_start3A_58 = tpu.memref_squeeze %dma_start3A_57 : memref<1x128xi32, #tpu.memory_space<vmem>> -> memref<128xi32, #tpu.memory_space<vmem>>
    %dma_start3A_59 = arith.constant 0 : i32
    %dma_start3A_60 = arith.constant 0 : i32
    %dma_start3A_61 = tpu.memref_slice %arg3[%dma_start3A_59, %dma_start3A_60] : memref<500032x16xf32, #tpu.memory_space<hbm>> -> memref<500032x16xf32, #tpu.memory_space<hbm>>
    %dma_start3A_62 = tpu.memref_slice %arg11[%dma_start3A_51] : memref<8x!tpu.dma_semaphore, #tpu.memory_space<semaphore_mem>> -> memref<1x!tpu.dma_semaphore, #tpu.memory_space<semaphore_mem>>
    %dma_start3A_63 = tpu.memref_squeeze %dma_start3A_62 : memref<1x!tpu.dma_semaphore, #tpu.memory_space<semaphore_mem>> -> memref<!tpu.dma_semaphore, #tpu.memory_space<semaphore_mem>>
    tpu.enqueue_indirect_dma source(%dma_start3A_61 : memref<500032x16xf32, #tpu.memory_space<hbm>>) target(%dma_start3A_55 : memref<128x16xf32, #tpu.memory_space<vmem>>) offsets(%dma_start3A_58 : memref<128xi32, #tpu.memory_space<vmem>>) semaphore(%dma_start3A_63 : memref<!tpu.dma_semaphore, #tpu.memory_space<semaphore_mem>>)
    %scan3A_64 = arith.constant 0 : i32
    %scan3A_65 = arith.constant 0 : i32
    %scan3A_66 = arith.constant 8 : i32
    %scan3A_67 = arith.addi %scan3A_65, %scan3A_66 : i32
    %scan3A_68 = arith.constant 1 : i32
    scf.for %scan3A_175 = %scan3A_65 to %scan3A_67 step %scan3A_68  : i32 {
      %mul3A_176 = arith.constant 16 : i32
      %mul3A_177 = arith.muli %scan3A_175, %mul3A_176 : i32
      %add3A_178 = arith.constant 384 : i32
      %add3A_179 = arith.addi %add3A_178, %mul3A_177 : i32
      %get3A = arith.constant 0 : i32
      %get3A_180 = arith.index_cast %get3A : i32 to index
      %get3A_181 = arith.index_cast %add3A_179 : i32 to index
      %get3A_182 = tpu.vector_load %arg6[%get3A_180, %get3A_181] {strides = array<i32>} : memref<8x512xi32, #tpu.memory_space<vmem>>, vector<16xi32>,
      %shift_right_arithmetic3A = arith.constant 7 : i32
      %shift_right_arithmetic3A_183 = vector.broadcast %shift_right_arithmetic3A : i32 to vector<16xi32>
      %shift_right_arithmetic3A_184 = arith.shrsi %get3A_182, %shift_right_arithmetic3A_183 : vector<16xi32>
      %shift_left3A = arith.constant 6 : i32
      %shift_left3A_185 = vector.broadcast %shift_left3A : i32 to vector<16xi32>
      %shift_left3A_186 = arith.shli %shift_right_arithmetic3A_184, %shift_left3A_185 : vector<16xi32>
      %shift_right_arithmetic3A_187 = arith.constant 4 : i32
      %shift_right_arithmetic3A_188 = vector.broadcast %shift_right_arithmetic3A_187 : i32 to vector<16xi32>
      %shift_right_arithmetic3A_189 = arith.shrsi %get3A_182, %shift_right_arithmetic3A_188 : vector<16xi32>
      %and3A = arith.constant 7 : i32
      %and3A_190 = vector.broadcast %and3A : i32 to vector<16xi32>
      %and3A_191 = arith.andi %shift_right_arithmetic3A_189, %and3A_190 : vector<16xi32>
      %add3A_192 = arith.addi %shift_left3A_186, %and3A_191 : vector<16xi32>
      %add3A_193 = arith.constant 0 : i32
      %add3A_194 = vector.broadcast %add3A_193 : i32 to vector<16xi32>
      %add3A_195 = arith.addi %add3A_192, %add3A_194 : vector<16xi32>
      %mul3A_196 = arith.constant 16 : i32
      %mul3A_197 = arith.muli %scan3A_175, %mul3A_196 : i32
      %swap3A = arith.constant 3 : i32
      %swap3A_198 = arith.index_cast %swap3A : i32 to index
      %swap3A_199 = arith.index_cast %mul3A_197 : i32 to index
      %swap3A_200 = tpu.vector_load %arg7[%swap3A_198, %swap3A_199] {strides = array<i32>} : memref<8x128xi32, #tpu.memory_space<vmem>>, vector<16xi32>,
      tpu.vector_store %arg7[%swap3A_198, %swap3A_199], %add3A_195 {strides = array<i32>} : memref<8x128xi32, #tpu.memory_space<vmem>>, vector<16xi32>,
    }
    %scan3A_69 = arith.constant 8 : i32
    %dma_start3A_70 = arith.constant 3 : i32
    %dma_start3A_71 = arith.constant 3 : i32
    %dma_start3A_72 = arith.constant 3 : i32
    %dma_start3A_73 = arith.constant 0 : i32
    %dma_start3A_74 = arith.constant 0 : i32
    %dma_start3A_75 = tpu.memref_slice %arg8[%dma_start3A_71, %dma_start3A_73, %dma_start3A_74] : memref<8x128x16xf32, #tpu.memory_space<vmem>> -> memref<1x128x16xf32, #tpu.memory_space<vmem>>
    %dma_start3A_76 = tpu.memref_squeeze %dma_start3A_75 : memref<1x128x16xf32, #tpu.memory_space<vmem>> -> memref<128x16xf32, #tpu.memory_space<vmem>>
    %dma_start3A_77 = arith.constant 0 : i32
    %dma_start3A_78 = tpu.memref_slice %arg7[%dma_start3A_70, %dma_start3A_77] : memref<8x128xi32, #tpu.memory_space<vmem>> -> memref<1x128xi32, #tpu.memory_space<vmem>>
    %dma_start3A_79 = tpu.memref_squeeze %dma_start3A_78 : memref<1x128xi32, #tpu.memory_space<vmem>> -> memref<128xi32, #tpu.memory_space<vmem>>
    %dma_start3A_80 = arith.constant 0 : i32
    %dma_start3A_81 = arith.constant 0 : i32
    %dma_start3A_82 = tpu.memref_slice %arg3[%dma_start3A_80, %dma_start3A_81] : memref<500032x16xf32, #tpu.memory_space<hbm>> -> memref<500032x16xf32, #tpu.memory_space<hbm>>
    %dma_start3A_83 = tpu.memref_slice %arg11[%dma_start3A_72] : memref<8x!tpu.dma_semaphore, #tpu.memory_space<semaphore_mem>> -> memref<1x!tpu.dma_semaphore, #tpu.memory_space<semaphore_mem>>
    %dma_start3A_84 = tpu.memref_squeeze %dma_start3A_83 : memref<1x!tpu.dma_semaphore, #tpu.memory_space<semaphore_mem>> -> memref<!tpu.dma_semaphore, #tpu.memory_space<semaphore_mem>>
    tpu.enqueue_indirect_dma source(%dma_start3A_82 : memref<500032x16xf32, #tpu.memory_space<hbm>>) target(%dma_start3A_76 : memref<128x16xf32, #tpu.memory_space<vmem>>) offsets(%dma_start3A_79 : memref<128xi32, #tpu.memory_space<vmem>>) semaphore(%dma_start3A_84 : memref<!tpu.dma_semaphore, #tpu.memory_space<semaphore_mem>>)
    %scan3A_85 = arith.constant 0 : i32
    %scan3A_86 = arith.constant 0 : i32
    %scan3A_87 = arith.constant 8 : i32
    %scan3A_88 = arith.addi %scan3A_86, %scan3A_87 : i32
    %scan3A_89 = arith.constant 1 : i32
    scf.for %scan3A_175 = %scan3A_86 to %scan3A_88 step %scan3A_89  : i32 {
      %mul3A_176 = arith.constant 16 : i32
      %mul3A_177 = arith.muli %scan3A_175, %mul3A_176 : i32
      %add3A_178 = arith.constant 0 : i32
      %add3A_179 = arith.addi %add3A_178, %mul3A_177 : i32
      %get3A = arith.constant 1 : i32
      %get3A_180 = arith.index_cast %get3A : i32 to index
      %get3A_181 = arith.index_cast %add3A_179 : i32 to index
      %get3A_182 = tpu.vector_load %arg6[%get3A_180, %get3A_181] {strides = array<i32>} : memref<8x512xi32, #tpu.memory_space<vmem>>, vector<16xi32>,
      %shift_right_arithmetic3A = arith.constant 7 : i32
      %shift_right_arithmetic3A_183 = vector.broadcast %shift_right_arithmetic3A : i32 to vector<16xi32>
      %shift_right_arithmetic3A_184 = arith.shrsi %get3A_182, %shift_right_arithmetic3A_183 : vector<16xi32>
      %shift_left3A = arith.constant 6 : i32
      %shift_left3A_185 = vector.broadcast %shift_left3A : i32 to vector<16xi32>
      %shift_left3A_186 = arith.shli %shift_right_arithmetic3A_184, %shift_left3A_185 : vector<16xi32>
      %shift_right_arithmetic3A_187 = arith.constant 4 : i32
      %shift_right_arithmetic3A_188 = vector.broadcast %shift_right_arithmetic3A_187 : i32 to vector<16xi32>
      %shift_right_arithmetic3A_189 = arith.shrsi %get3A_182, %shift_right_arithmetic3A_188 : vector<16xi32>
      %and3A = arith.constant 7 : i32
      %and3A_190 = vector.broadcast %and3A : i32 to vector<16xi32>
      %and3A_191 = arith.andi %shift_right_arithmetic3A_189, %and3A_190 : vector<16xi32>
      %add3A_192 = arith.addi %shift_left3A_186, %and3A_191 : vector<16xi32>
      %add3A_193 = arith.constant 8 : i32
      %add3A_194 = vector.broadcast %add3A_193 : i32 to vector<16xi32>
      %add3A_195 = arith.addi %add3A_192, %add3A_194 : vector<16xi32>
      %mul3A_196 = arith.constant 16 : i32
      %mul3A_197 = arith.muli %scan3A_175, %mul3A_196 : i32
      %swap3A = arith.constant 4 : i32
      %swap3A_198 = arith.index_cast %swap3A : i32 to index
      %swap3A_199 = arith.index_cast %mul3A_197 : i32 to index
      %swap3A_200 = tpu.vector_load %arg7[%swap3A_198, %swap3A_199] {strides = array<i32>} : memref<8x128xi32, #tpu.memory_space<vmem>>, vector<16xi32>,
      tpu.vector_store %arg7[%swap3A_198, %swap3A_199], %add3A_195 {strides = array<i32>} : memref<8x128xi32, #tpu.memory_space<vmem>>, vector<16xi32>,
    }
    %scan3A_90 = arith.constant 8 : i32
    %dma_start3A_91 = arith.constant 4 : i32
    %dma_start3A_92 = arith.constant 4 : i32
    %dma_start3A_93 = arith.constant 4 : i32
    %dma_start3A_94 = arith.constant 0 : i32
    %dma_start3A_95 = arith.constant 0 : i32
    %dma_start3A_96 = tpu.memref_slice %arg8[%dma_start3A_92, %dma_start3A_94, %dma_start3A_95] : memref<8x128x16xf32, #tpu.memory_space<vmem>> -> memref<1x128x16xf32, #tpu.memory_space<vmem>>
    %dma_start3A_97 = tpu.memref_squeeze %dma_start3A_96 : memref<1x128x16xf32, #tpu.memory_space<vmem>> -> memref<128x16xf32, #tpu.memory_space<vmem>>
    %dma_start3A_98 = arith.constant 0 : i32
    %dma_start3A_99 = tpu.memref_slice %arg7[%dma_start3A_91, %dma_start3A_98] : memref<8x128xi32, #tpu.memory_space<vmem>> -> memref<1x128xi32, #tpu.memory_space<vmem>>
    %dma_start3A_100 = tpu.memref_squeeze %dma_start3A_99 : memref<1x128xi32, #tpu.memory_space<vmem>> -> memref<128xi32, #tpu.memory_space<vmem>>
    %dma_start3A_101 = arith.constant 0 : i32
    %dma_start3A_102 = arith.constant 0 : i32
    %dma_start3A_103 = tpu.memref_slice %arg3[%dma_start3A_101, %dma_start3A_102] : memref<500032x16xf32, #tpu.memory_space<hbm>> -> memref<500032x16xf32, #tpu.memory_space<hbm>>
    %dma_start3A_104 = tpu.memref_slice %arg11[%dma_start3A_93] : memref<8x!tpu.dma_semaphore, #tpu.memory_space<semaphore_mem>> -> memref<1x!tpu.dma_semaphore, #tpu.memory_space<semaphore_mem>>
    %dma_start3A_105 = tpu.memref_squeeze %dma_start3A_104 : memref<1x!tpu.dma_semaphore, #tpu.memory_space<semaphore_mem>> -> memref<!tpu.dma_semaphore, #tpu.memory_space<semaphore_mem>>
    tpu.enqueue_indirect_dma source(%dma_start3A_103 : memref<500032x16xf32, #tpu.memory_space<hbm>>) target(%dma_start3A_97 : memref<128x16xf32, #tpu.memory_space<vmem>>) offsets(%dma_start3A_100 : memref<128xi32, #tpu.memory_space<vmem>>) semaphore(%dma_start3A_105 : memref<!tpu.dma_semaphore, #tpu.memory_space<semaphore_mem>>)
    %scan3A_106 = arith.constant 0 : i32
    %scan3A_107 = arith.constant 0 : i32
    %scan3A_108 = arith.constant 8 : i32
    %scan3A_109 = arith.addi %scan3A_107, %scan3A_108 : i32
    %scan3A_110 = arith.constant 1 : i32
    scf.for %scan3A_175 = %scan3A_107 to %scan3A_109 step %scan3A_110  : i32 {
      %mul3A_176 = arith.constant 16 : i32
      %mul3A_177 = arith.muli %scan3A_175, %mul3A_176 : i32
      %add3A_178 = arith.constant 128 : i32
      %add3A_179 = arith.addi %add3A_178, %mul3A_177 : i32
      %get3A = arith.constant 1 : i32
      %get3A_180 = arith.index_cast %get3A : i32 to index
      %get3A_181 = arith.index_cast %add3A_179 : i32 to index
      %get3A_182 = tpu.vector_load %arg6[%get3A_180, %get3A_181] {strides = array<i32>} : memref<8x512xi32, #tpu.memory_space<vmem>>, vector<16xi32>,
      %shift_right_arithmetic3A = arith.constant 7 : i32
      %shift_right_arithmetic3A_183 = vector.broadcast %shift_right_arithmetic3A : i32 to vector<16xi32>
      %shift_right_arithmetic3A_184 = arith.shrsi %get3A_182, %shift_right_arithmetic3A_183 : vector<16xi32>
      %shift_left3A = arith.constant 6 : i32
      %shift_left3A_185 = vector.broadcast %shift_left3A : i32 to vector<16xi32>
      %shift_left3A_186 = arith.shli %shift_right_arithmetic3A_184, %shift_left3A_185 : vector<16xi32>
      %shift_right_arithmetic3A_187 = arith.constant 4 : i32
      %shift_right_arithmetic3A_188 = vector.broadcast %shift_right_arithmetic3A_187 : i32 to vector<16xi32>
      %shift_right_arithmetic3A_189 = arith.shrsi %get3A_182, %shift_right_arithmetic3A_188 : vector<16xi32>
      %and3A = arith.constant 7 : i32
      %and3A_190 = vector.broadcast %and3A : i32 to vector<16xi32>
      %and3A_191 = arith.andi %shift_right_arithmetic3A_189, %and3A_190 : vector<16xi32>
      %add3A_192 = arith.addi %shift_left3A_186, %and3A_191 : vector<16xi32>
      %add3A_193 = arith.constant 8 : i32
      %add3A_194 = vector.broadcast %add3A_193 : i32 to vector<16xi32>
      %add3A_195 = arith.addi %add3A_192, %add3A_194 : vector<16xi32>
      %mul3A_196 = arith.constant 16 : i32
      %mul3A_197 = arith.muli %scan3A_175, %mul3A_196 : i32
      %swap3A = arith.constant 5 : i32
      %swap3A_198 = arith.index_cast %swap3A : i32 to index
      %swap3A_199 = arith.index_cast %mul3A_197 : i32 to index
      %swap3A_200 = tpu.vector_load %arg7[%swap3A_198, %swap3A_199] {strides = array<i32>} : memref<8x128xi32, #tpu.memory_space<vmem>>, vector<16xi32>,
      tpu.vector_store %arg7[%swap3A_198, %swap3A_199], %add3A_195 {strides = array<i32>} : memref<8x128xi32, #tpu.memory_space<vmem>>, vector<16xi32>,
    }
    %scan3A_111 = arith.constant 8 : i32
    %dma_start3A_112 = arith.constant 5 : i32
    %dma_start3A_113 = arith.constant 5 : i32
    %dma_start3A_114 = arith.constant 5 : i32
    %dma_start3A_115 = arith.constant 0 : i32
    %dma_start3A_116 = arith.constant 0 : i32
    %dma_start3A_117 = tpu.memref_slice %arg8[%dma_start3A_113, %dma_start3A_115, %dma_start3A_116] : memref<8x128x16xf32, #tpu.memory_space<vmem>> -> memref<1x128x16xf32, #tpu.memory_space<vmem>>
    %dma_start3A_118 = tpu.memref_squeeze %dma_start3A_117 : memref<1x128x16xf32, #tpu.memory_space<vmem>> -> memref<128x16xf32, #tpu.memory_space<vmem>>
    %dma_start3A_119 = arith.constant 0 : i32
    %dma_start3A_120 = tpu.memref_slice %arg7[%dma_start3A_112, %dma_start3A_119] : memref<8x128xi32, #tpu.memory_space<vmem>> -> memref<1x128xi32, #tpu.memory_space<vmem>>
    %dma_start3A_121 = tpu.memref_squeeze %dma_start3A_120 : memref<1x128xi32, #tpu.memory_space<vmem>> -> memref<128xi32, #tpu.memory_space<vmem>>
    %dma_start3A_122 = arith.constant 0 : i32
    %dma_start3A_123 = arith.constant 0 : i32
    %dma_start3A_124 = tpu.memref_slice %arg3[%dma_start3A_122, %dma_start3A_123] : memref<500032x16xf32, #tpu.memory_space<hbm>> -> memref<500032x16xf32, #tpu.memory_space<hbm>>
    %dma_start3A_125 = tpu.memref_slice %arg11[%dma_start3A_114] : memref<8x!tpu.dma_semaphore, #tpu.memory_space<semaphore_mem>> -> memref<1x!tpu.dma_semaphore, #tpu.memory_space<semaphore_mem>>
    %dma_start3A_126 = tpu.memref_squeeze %dma_start3A_125 : memref<1x!tpu.dma_semaphore, #tpu.memory_space<semaphore_mem>> -> memref<!tpu.dma_semaphore, #tpu.memory_space<semaphore_mem>>
    tpu.enqueue_indirect_dma source(%dma_start3A_124 : memref<500032x16xf32, #tpu.memory_space<hbm>>) target(%dma_start3A_118 : memref<128x16xf32, #tpu.memory_space<vmem>>) offsets(%dma_start3A_121 : memref<128xi32, #tpu.memory_space<vmem>>) semaphore(%dma_start3A_126 : memref<!tpu.dma_semaphore, #tpu.memory_space<semaphore_mem>>)
    %scan3A_127 = arith.constant 0 : i32
    %scan3A_128 = arith.constant 0 : i32
    %scan3A_129 = arith.constant 8 : i32
    %scan3A_130 = arith.addi %scan3A_128, %scan3A_129 : i32
    %scan3A_131 = arith.constant 1 : i32
    scf.for %scan3A_175 = %scan3A_128 to %scan3A_130 step %scan3A_131  : i32 {
      %mul3A_176 = arith.constant 16 : i32
      %mul3A_177 = arith.muli %scan3A_175, %mul3A_176 : i32
      %add3A_178 = arith.constant 256 : i32
      %add3A_179 = arith.addi %add3A_178, %mul3A_177 : i32
      %get3A = arith.constant 1 : i32
      %get3A_180 = arith.index_cast %get3A : i32 to index
      %get3A_181 = arith.index_cast %add3A_179 : i32 to index
      %get3A_182 = tpu.vector_load %arg6[%get3A_180, %get3A_181] {strides = array<i32>} : memref<8x512xi32, #tpu.memory_space<vmem>>, vector<16xi32>,
      %shift_right_arithmetic3A = arith.constant 7 : i32
      %shift_right_arithmetic3A_183 = vector.broadcast %shift_right_arithmetic3A : i32 to vector<16xi32>
      %shift_right_arithmetic3A_184 = arith.shrsi %get3A_182, %shift_right_arithmetic3A_183 : vector<16xi32>
      %shift_left3A = arith.constant 6 : i32
      %shift_left3A_185 = vector.broadcast %shift_left3A : i32 to vector<16xi32>
      %shift_left3A_186 = arith.shli %shift_right_arithmetic3A_184, %shift_left3A_185 : vector<16xi32>
      %shift_right_arithmetic3A_187 = arith.constant 4 : i32
      %shift_right_arithmetic3A_188 = vector.broadcast %shift_right_arithmetic3A_187 : i32 to vector<16xi32>
      %shift_right_arithmetic3A_189 = arith.shrsi %get3A_182, %shift_right_arithmetic3A_188 : vector<16xi32>
      %and3A = arith.constant 7 : i32
      %and3A_190 = vector.broadcast %and3A : i32 to vector<16xi32>
      %and3A_191 = arith.andi %shift_right_arithmetic3A_189, %and3A_190 : vector<16xi32>
      %add3A_192 = arith.addi %shift_left3A_186, %and3A_191 : vector<16xi32>
      %add3A_193 = arith.constant 8 : i32
      %add3A_194 = vector.broadcast %add3A_193 : i32 to vector<16xi32>
      %add3A_195 = arith.addi %add3A_192, %add3A_194 : vector<16xi32>
      %mul3A_196 = arith.constant 16 : i32
      %mul3A_197 = arith.muli %scan3A_175, %mul3A_196 : i32
      %swap3A = arith.constant 6 : i32
      %swap3A_198 = arith.index_cast %swap3A : i32 to index
      %swap3A_199 = arith.index_cast %mul3A_197 : i32 to index
      %swap3A_200 = tpu.vector_load %arg7[%swap3A_198, %swap3A_199] {strides = array<i32>} : memref<8x128xi32, #tpu.memory_space<vmem>>, vector<16xi32>,
      tpu.vector_store %arg7[%swap3A_198, %swap3A_199], %add3A_195 {strides = array<i32>} : memref<8x128xi32, #tpu.memory_space<vmem>>, vector<16xi32>,
    }
    %scan3A_132 = arith.constant 8 : i32
    %dma_start3A_133 = arith.constant 6 : i32
    %dma_start3A_134 = arith.constant 6 : i32
    %dma_start3A_135 = arith.constant 6 : i32
    %dma_start3A_136 = arith.constant 0 : i32
    %dma_start3A_137 = arith.constant 0 : i32
    %dma_start3A_138 = tpu.memref_slice %arg8[%dma_start3A_134, %dma_start3A_136, %dma_start3A_137] : memref<8x128x16xf32, #tpu.memory_space<vmem>> -> memref<1x128x16xf32, #tpu.memory_space<vmem>>
    %dma_start3A_139 = tpu.memref_squeeze %dma_start3A_138 : memref<1x128x16xf32, #tpu.memory_space<vmem>> -> memref<128x16xf32, #tpu.memory_space<vmem>>
    %dma_start3A_140 = arith.constant 0 : i32
    %dma_start3A_141 = tpu.memref_slice %arg7[%dma_start3A_133, %dma_start3A_140] : memref<8x128xi32, #tpu.memory_space<vmem>> -> memref<1x128xi32, #tpu.memory_space<vmem>>
    %dma_start3A_142 = tpu.memref_squeeze %dma_start3A_141 : memref<1x128xi32, #tpu.memory_space<vmem>> -> memref<128xi32, #tpu.memory_space<vmem>>
    %dma_start3A_143 = arith.constant 0 : i32
    %dma_start3A_144 = arith.constant 0 : i32
    %dma_start3A_145 = tpu.memref_slice %arg3[%dma_start3A_143, %dma_start3A_144] : memref<500032x16xf32, #tpu.memory_space<hbm>> -> memref<500032x16xf32, #tpu.memory_space<hbm>>
    %dma_start3A_146 = tpu.memref_slice %arg11[%dma_start3A_135] : memref<8x!tpu.dma_semaphore, #tpu.memory_space<semaphore_mem>> -> memref<1x!tpu.dma_semaphore, #tpu.memory_space<semaphore_mem>>
    %dma_start3A_147 = tpu.memref_squeeze %dma_start3A_146 : memref<1x!tpu.dma_semaphore, #tpu.memory_space<semaphore_mem>> -> memref<!tpu.dma_semaphore, #tpu.memory_space<semaphore_mem>>
    tpu.enqueue_indirect_dma source(%dma_start3A_145 : memref<500032x16xf32, #tpu.memory_space<hbm>>) target(%dma_start3A_139 : memref<128x16xf32, #tpu.memory_space<vmem>>) offsets(%dma_start3A_142 : memref<128xi32, #tpu.memory_space<vmem>>) semaphore(%dma_start3A_147 : memref<!tpu.dma_semaphore, #tpu.memory_space<semaphore_mem>>)
    %scan3A_148 = arith.constant 0 : i32
    %scan3A_149 = arith.constant 0 : i32
    %scan3A_150 = arith.constant 8 : i32
    %scan3A_151 = arith.addi %scan3A_149, %scan3A_150 : i32
    %scan3A_152 = arith.constant 1 : i32
    scf.for %scan3A_175 = %scan3A_149 to %scan3A_151 step %scan3A_152  : i32 {
      %mul3A_176 = arith.constant 16 : i32
      %mul3A_177 = arith.muli %scan3A_175, %mul3A_176 : i32
      %add3A_178 = arith.constant 384 : i32
      %add3A_179 = arith.addi %add3A_178, %mul3A_177 : i32
      %get3A = arith.constant 1 : i32
      %get3A_180 = arith.index_cast %get3A : i32 to index
      %get3A_181 = arith.index_cast %add3A_179 : i32 to index
      %get3A_182 = tpu.vector_load %arg6[%get3A_180, %get3A_181] {strides = array<i32>} : memref<8x512xi32, #tpu.memory_space<vmem>>, vector<16xi32>,
      %shift_right_arithmetic3A = arith.constant 7 : i32
      %shift_right_arithmetic3A_183 = vector.broadcast %shift_right_arithmetic3A : i32 to vector<16xi32>
      %shift_right_arithmetic3A_184 = arith.shrsi %get3A_182, %shift_right_arithmetic3A_183 : vector<16xi32>
      %shift_left3A = arith.constant 6 : i32
      %shift_left3A_185 = vector.broadcast %shift_left3A : i32 to vector<16xi32>
      %shift_left3A_186 = arith.shli %shift_right_arithmetic3A_184, %shift_left3A_185 : vector<16xi32>
      %shift_right_arithmetic3A_187 = arith.constant 4 : i32
      %shift_right_arithmetic3A_188 = vector.broadcast %shift_right_arithmetic3A_187 : i32 to vector<16xi32>
      %shift_right_arithmetic3A_189 = arith.shrsi %get3A_182, %shift_right_arithmetic3A_188 : vector<16xi32>
      %and3A = arith.constant 7 : i32
      %and3A_190 = vector.broadcast %and3A : i32 to vector<16xi32>
      %and3A_191 = arith.andi %shift_right_arithmetic3A_189, %and3A_190 : vector<16xi32>
      %add3A_192 = arith.addi %shift_left3A_186, %and3A_191 : vector<16xi32>
      %add3A_193 = arith.constant 8 : i32
      %add3A_194 = vector.broadcast %add3A_193 : i32 to vector<16xi32>
      %add3A_195 = arith.addi %add3A_192, %add3A_194 : vector<16xi32>
      %mul3A_196 = arith.constant 16 : i32
      %mul3A_197 = arith.muli %scan3A_175, %mul3A_196 : i32
      %swap3A = arith.constant 7 : i32
      %swap3A_198 = arith.index_cast %swap3A : i32 to index
      %swap3A_199 = arith.index_cast %mul3A_197 : i32 to index
      %swap3A_200 = tpu.vector_load %arg7[%swap3A_198, %swap3A_199] {strides = array<i32>} : memref<8x128xi32, #tpu.memory_space<vmem>>, vector<16xi32>,
      tpu.vector_store %arg7[%swap3A_198, %swap3A_199], %add3A_195 {strides = array<i32>} : memref<8x128xi32, #tpu.memory_space<vmem>>, vector<16xi32>,
    }
    %scan3A_153 = arith.constant 8 : i32
    %dma_start3A_154 = arith.constant 7 : i32
    %dma_start3A_155 = arith.constant 7 : i32
    %dma_start3A_156 = arith.constant 7 : i32
    %dma_start3A_157 = arith.constant 0 : i32
    %dma_start3A_158 = arith.constant 0 : i32
    %dma_start3A_159 = tpu.memref_slice %arg8[%dma_start3A_155, %dma_start3A_157, %dma_start3A_158] : memref<8x128x16xf32, #tpu.memory_space<vmem>> -> memref<1x128x16xf32, #tpu.memory_space<vmem>>
    %dma_start3A_160 = tpu.memref_squeeze %dma_start3A_159 : memref<1x128x16xf32, #tpu.memory_space<vmem>> -> memref<128x16xf32, #tpu.memory_space<vmem>>
    %dma_start3A_161 = arith.constant 0 : i32
    %dma_start3A_162 = tpu.memref_slice %arg7[%dma_start3A_154, %dma_start3A_161] : memref<8x128xi32, #tpu.memory_space<vmem>> -> memref<1x128xi32, #tpu.memory_space<vmem>>
    %dma_start3A_163 = tpu.memref_squeeze %dma_start3A_162 : memref<1x128xi32, #tpu.memory_space<vmem>> -> memref<128xi32, #tpu.memory_space<vmem>>
    %dma_start3A_164 = arith.constant 0 : i32
    %dma_start3A_165 = arith.constant 0 : i32
    %dma_start3A_166 = tpu.memref_slice %arg3[%dma_start3A_164, %dma_start3A_165] : memref<500032x16xf32, #tpu.memory_space<hbm>> -> memref<500032x16xf32, #tpu.memory_space<hbm>>
    %dma_start3A_167 = tpu.memref_slice %arg11[%dma_start3A_156] : memref<8x!tpu.dma_semaphore, #tpu.memory_space<semaphore_mem>> -> memref<1x!tpu.dma_semaphore, #tpu.memory_space<semaphore_mem>>
    %dma_start3A_168 = tpu.memref_squeeze %dma_start3A_167 : memref<1x!tpu.dma_semaphore, #tpu.memory_space<semaphore_mem>> -> memref<!tpu.dma_semaphore, #tpu.memory_space<semaphore_mem>>
    tpu.enqueue_indirect_dma source(%dma_start3A_166 : memref<500032x16xf32, #tpu.memory_space<hbm>>) target(%dma_start3A_160 : memref<128x16xf32, #tpu.memory_space<vmem>>) offsets(%dma_start3A_163 : memref<128xi32, #tpu.memory_space<vmem>>) semaphore(%dma_start3A_168 : memref<!tpu.dma_semaphore, #tpu.memory_space<semaphore_mem>>)
    %scan3A_169 = arith.constant 0 : i32
    %scan3A_170 = arith.constant 0 : i32
    %scan3A_171 = arith.constant 32 : i32
    %scan3A_172 = arith.addi %scan3A_170, %scan3A_171 : i32
    %scan3A_173 = arith.constant 1 : i32
    scf.for %scan3A_175 = %scan3A_170 to %scan3A_172 step %scan3A_173  : i32 {
      %jit3A = arith.constant 8 : i32
      %eq3A = arith.constant 0 : i32
      %eq3A_176 = arith.cmpi eq, %jit3A, %eq3A : i32
      %jit3A_177 = arith.constant 1 : i32
      %select_n3A = arith.select %eq3A_176, %jit3A_177, %jit3A : i32
      %rem3A = arith.remsi %scan3A_175, %select_n3A : i32
      %ne3A = arith.constant 0 : i32
      %ne3A_178 = arith.cmpi ne, %rem3A, %ne3A : i32
      %lt3A = arith.constant 0 : i32
      %lt3A_179 = arith.cmpi slt, %rem3A, %lt3A : i32
      %lt3A_180 = arith.constant 0 : i32
      %lt3A_181 = arith.cmpi slt, %select_n3A, %lt3A_180 : i32
      %ne3A_182 = arith.xori %lt3A_179, %lt3A_181 : i1
      %and3A = arith.andi %ne3A_182, %ne3A_178 : i1
      %add3A_183 = arith.addi %rem3A, %select_n3A : i32
      %select_n3A_184 = arith.select %and3A, %add3A_183, %rem3A : i32
      %jit3A_185 = arith.constant 4 : i32
      %div3A = arith.divsi %scan3A_175, %jit3A_185 : i32
      %sign3A = arith.constant 0 : i32
      %sign3A_186 = arith.cmpi sgt, %scan3A_175, %sign3A : i32
      %sign3A_187 = arith.extui %sign3A_186 : i1 to i32
      %sign3A_188 = arith.constant 0 : i32
      %sign3A_189 = arith.cmpi slt, %scan3A_175, %sign3A_188 : i32
      %sign3A_190 = arith.extui %sign3A_189 : i1 to i32
      %sign3A_191 = arith.subi %sign3A_187, %sign3A_190 : i32
      %sign3A_192 = arith.constant 0 : i32
      %sign3A_193 = arith.cmpi sgt, %jit3A_185, %sign3A_192 : i32
      %sign3A_194 = arith.extui %sign3A_193 : i1 to i32
      %sign3A_195 = arith.constant 0 : i32
      %sign3A_196 = arith.cmpi slt, %jit3A_185, %sign3A_195 : i32
      %sign3A_197 = arith.extui %sign3A_196 : i1 to i32
      %sign3A_198 = arith.subi %sign3A_194, %sign3A_197 : i32
      %ne3A_199 = arith.cmpi ne, %sign3A_191, %sign3A_198 : i32
      %rem3A_200 = arith.remsi %scan3A_175, %jit3A_185 : i32
      %ne3A_201 = arith.constant 0 : i32
      %ne3A_202 = arith.cmpi ne, %rem3A_200, %ne3A_201 : i32
      %and3A_203 = arith.andi %ne3A_199, %ne3A_202 : i1
      %sub3A = arith.constant 1 : i32
      %sub3A_204 = arith.subi %div3A, %sub3A : i32
      %select_n3A_205 = arith.select %and3A_203, %sub3A_204, %div3A : i32
      %jit3A_206 = arith.constant 4 : i32
      %eq3A_207 = arith.constant 0 : i32
      %eq3A_208 = arith.cmpi eq, %jit3A_206, %eq3A_207 : i32
      %jit3A_209 = arith.constant 1 : i32
      %select_n3A_210 = arith.select %eq3A_208, %jit3A_209, %jit3A_206 : i32
      %rem3A_211 = arith.remsi %scan3A_175, %select_n3A_210 : i32
      %ne3A_212 = arith.constant 0 : i32
      %ne3A_213 = arith.cmpi ne, %rem3A_211, %ne3A_212 : i32
      %lt3A_214 = arith.constant 0 : i32
      %lt3A_215 = arith.cmpi slt, %rem3A_211, %lt3A_214 : i32
      %lt3A_216 = arith.constant 0 : i32
      %lt3A_217 = arith.cmpi slt, %select_n3A_210, %lt3A_216 : i32
      %ne3A_218 = arith.xori %lt3A_215, %lt3A_217 : i1
      %and3A_219 = arith.andi %ne3A_218, %ne3A_213 : i1
      %add3A_220 = arith.addi %rem3A_211, %select_n3A_210 : i32
      %select_n3A_221 = arith.select %and3A_219, %add3A_220, %rem3A_211 : i32
      %dma_wait3A = arith.constant 0 : i32
      %dma_wait3A_222 = arith.constant 0 : i32
      %dma_wait3A_223 = tpu.memref_slice %arg8[%select_n3A_184, %dma_wait3A, %dma_wait3A_222] : memref<8x128x16xf32, #tpu.memory_space<vmem>> -> memref<1x128x16xf32, #tpu.memory_space<vmem>>
      %dma_wait3A_224 = tpu.memref_squeeze %dma_wait3A_223 : memref<1x128x16xf32, #tpu.memory_space<vmem>> -> memref<128x16xf32, #tpu.memory_space<vmem>>
      %dma_wait3A_225 = arith.constant 0 : i32
      %dma_wait3A_226 = arith.constant 0 : i32
      %dma_wait3A_227 = tpu.memref_slice %arg3[%dma_wait3A_225, %dma_wait3A_226] : memref<500032x16xf32, #tpu.memory_space<hbm>> -> memref<128x16xf32, #tpu.memory_space<hbm>>
      %dma_wait3A_228 = tpu.memref_slice %arg11[%select_n3A_184] : memref<8x!tpu.dma_semaphore, #tpu.memory_space<semaphore_mem>> -> memref<1x!tpu.dma_semaphore, #tpu.memory_space<semaphore_mem>>
      %dma_wait3A_229 = tpu.memref_squeeze %dma_wait3A_228 : memref<1x!tpu.dma_semaphore, #tpu.memory_space<semaphore_mem>> -> memref<!tpu.dma_semaphore, #tpu.memory_space<semaphore_mem>>
      %dma_wait3A_230 = arith.constant 0 : i32
      %dma_wait3A_231 = arith.constant 0 : i32
      %dma_wait3A_232 = tpu.memref_slice %arg8[%select_n3A_184, %dma_wait3A_230, %dma_wait3A_231] : memref<8x128x16xf32, #tpu.memory_space<vmem>> -> memref<1x128x16xf32, #tpu.memory_space<vmem>>
      %dma_wait3A_233 = tpu.memref_squeeze %dma_wait3A_232 : memref<1x128x16xf32, #tpu.memory_space<vmem>> -> memref<128x16xf32, #tpu.memory_space<vmem>>
      %dma_wait3A_234 = arith.constant 0 : i32
      %dma_wait3A_235 = arith.constant 0 : i32
      %dma_wait3A_236 = tpu.memref_slice %arg3[%dma_wait3A_234, %dma_wait3A_235] : memref<500032x16xf32, #tpu.memory_space<hbm>> -> memref<128x16xf32, #tpu.memory_space<hbm>>
      tpu.wait_dma2 semaphore(%dma_wait3A_229 : memref<!tpu.dma_semaphore, #tpu.memory_space<semaphore_mem>>) src(%dma_wait3A_236 : memref<128x16xf32, #tpu.memory_space<hbm>>) dst(%dma_wait3A_233 : memref<128x16xf32, #tpu.memory_space<vmem>>)
      %scan3A_237 = arith.constant 0 : i32
      %scan3A_238 = arith.constant 0 : i32
      %scan3A_239 = arith.constant 8 : i32
      %scan3A_240 = arith.addi %scan3A_238, %scan3A_239 : i32
      %scan3A_241 = arith.constant 1 : i32
      scf.for %scan3A_248 = %scan3A_238 to %scan3A_240 step %scan3A_241  : i32 {
        %mul3A_249 = arith.constant 128 : i32
        %mul3A_250 = arith.muli %select_n3A_221, %mul3A_249 : i32
        %mul3A_251 = arith.constant 16 : i32
        %mul3A_252 = arith.muli %scan3A_248, %mul3A_251 : i32
        %add3A_253 = arith.addi %mul3A_250, %mul3A_252 : i32
        %get3A = arith.index_cast %select_n3A_205 : i32 to index
        %get3A_254 = arith.index_cast %add3A_253 : i32 to index
        %get3A_255 = tpu.vector_load %arg6[%get3A, %get3A_254] {strides = array<i32>} : memref<8x512xi32, #tpu.memory_space<vmem>>, vector<16xi32>,
        %mul3A_256 = arith.constant 16 : i32
        %mul3A_257 = arith.muli %scan3A_248, %mul3A_256 : i32
        %add3A_258 = vector.broadcast %mul3A_257 : i32 to vector<16xi32>
        %add3A_259 = arith.addi %iota3A, %add3A_258 : vector<16xi32>
        %and3A_260 = arith.constant 15 : i32
        %and3A_261 = vector.broadcast %and3A_260 : i32 to vector<16xi32>
        %and3A_262 = arith.andi %get3A_255, %and3A_261 : vector<16xi32>
        %gather3A = arith.constant 0 : i32
        %gather3A_263 = arith.constant 0 : i32
        %gather3A_264 = tpu.memref_slice %arg8[%select_n3A_184, %gather3A, %gather3A_263] : memref<8x128x16xf32, #tpu.memory_space<vmem>> -> memref<1x128x16xf32, #tpu.memory_space<vmem>>
        %gather3A_265 = tpu.memref_squeeze %gather3A_264 : memref<1x128x16xf32, #tpu.memory_space<vmem>> -> memref<128x16xf32, #tpu.memory_space<vmem>>
        %gather3A_266 = tpu.vector_load_idx %gather3A_265[%add3A_259, %and3A_262] : memref<128x16xf32, #tpu.memory_space<vmem>>[vector<16xi32>, vector<16xi32>], vector<16xf32>,
        %get3A_267 = arith.index_cast %add3A_253 : i32 to index
        %get3A_268 = tpu.vector_load %arg9[%get3A_267] {strides = array<i32>} : memref<512xf32, #tpu.memory_space<vmem>>, vector<16xf32>,
        %add3A_269 = arith.addf %get3A_268, %gather3A_266 : vector<16xf32>
        %swap3A = arith.index_cast %add3A_253 : i32 to index
        %swap3A_270 = tpu.vector_load %arg9[%swap3A] {strides = array<i32>} : memref<512xf32, #tpu.memory_space<vmem>>, vector<16xf32>,
        tpu.vector_store %arg9[%swap3A], %add3A_269 {strides = array<i32>} : memref<512xf32, #tpu.memory_space<vmem>>, vector<16xf32>,
      }
      %scan3A_242 = arith.constant 8 : i32
      %add3A_243 = arith.constant 8 : i32
      %add3A_244 = arith.addi %scan3A_175, %add3A_243 : i32
      %lt3A_245 = arith.constant 32 : i32
      %lt3A_246 = arith.cmpi slt, %add3A_244, %lt3A_245 : i32
      %convert_element_type3A = arith.extui %lt3A_246 : i1 to i32
      %cond3A = arith.constant 0 : i32
      %cond3A_247 = arith.cmpi ne, %convert_element_type3A, %cond3A : i32
      scf.if %cond3A_247 {
        %add3A_248 = arith.constant 8 : i32
        %add3A_249 = arith.addi %scan3A_175, %add3A_248 : i32
        %jit3A_250 = arith.constant 4 : i32
        %div3A_251 = arith.divsi %add3A_249, %jit3A_250 : i32
        %sign3A_252 = arith.constant 0 : i32
        %sign3A_253 = arith.cmpi sgt, %add3A_249, %sign3A_252 : i32
        %sign3A_254 = arith.extui %sign3A_253 : i1 to i32
        %sign3A_255 = arith.constant 0 : i32
        %sign3A_256 = arith.cmpi slt, %add3A_249, %sign3A_255 : i32
        %sign3A_257 = arith.extui %sign3A_256 : i1 to i32
        %sign3A_258 = arith.subi %sign3A_254, %sign3A_257 : i32
        %sign3A_259 = arith.constant 0 : i32
        %sign3A_260 = arith.cmpi sgt, %jit3A_250, %sign3A_259 : i32
        %sign3A_261 = arith.extui %sign3A_260 : i1 to i32
        %sign3A_262 = arith.constant 0 : i32
        %sign3A_263 = arith.cmpi slt, %jit3A_250, %sign3A_262 : i32
        %sign3A_264 = arith.extui %sign3A_263 : i1 to i32
        %sign3A_265 = arith.subi %sign3A_261, %sign3A_264 : i32
        %ne3A_266 = arith.cmpi ne, %sign3A_258, %sign3A_265 : i32
        %rem3A_267 = arith.remsi %add3A_249, %jit3A_250 : i32
        %ne3A_268 = arith.constant 0 : i32
        %ne3A_269 = arith.cmpi ne, %rem3A_267, %ne3A_268 : i32
        %and3A_270 = arith.andi %ne3A_266, %ne3A_269 : i1
        %sub3A_271 = arith.constant 1 : i32
        %sub3A_272 = arith.subi %div3A_251, %sub3A_271 : i32
        %select_n3A_273 = arith.select %and3A_270, %sub3A_272, %div3A_251 : i32
        %jit3A_274 = arith.constant 4 : i32
        %eq3A_275 = arith.constant 0 : i32
        %eq3A_276 = arith.cmpi eq, %jit3A_274, %eq3A_275 : i32
        %jit3A_277 = arith.constant 1 : i32
        %select_n3A_278 = arith.select %eq3A_276, %jit3A_277, %jit3A_274 : i32
        %rem3A_279 = arith.remsi %add3A_249, %select_n3A_278 : i32
        %ne3A_280 = arith.constant 0 : i32
        %ne3A_281 = arith.cmpi ne, %rem3A_279, %ne3A_280 : i32
        %lt3A_282 = arith.constant 0 : i32
        %lt3A_283 = arith.cmpi slt, %rem3A_279, %lt3A_282 : i32
        %lt3A_284 = arith.constant 0 : i32
        %lt3A_285 = arith.cmpi slt, %select_n3A_278, %lt3A_284 : i32
        %ne3A_286 = arith.xori %lt3A_283, %lt3A_285 : i1
        %and3A_287 = arith.andi %ne3A_286, %ne3A_281 : i1
        %add3A_288 = arith.addi %rem3A_279, %select_n3A_278 : i32
        %select_n3A_289 = arith.select %and3A_287, %add3A_288, %rem3A_279 : i32
        %jit3A_290 = arith.constant 8 : i32
        %eq3A_291 = arith.constant 0 : i32
        %eq3A_292 = arith.cmpi eq, %jit3A_290, %eq3A_291 : i32
        %jit3A_293 = arith.constant 1 : i32
        %select_n3A_294 = arith.select %eq3A_292, %jit3A_293, %jit3A_290 : i32
        %rem3A_295 = arith.remsi %add3A_249, %select_n3A_294 : i32
        %ne3A_296 = arith.constant 0 : i32
        %ne3A_297 = arith.cmpi ne, %rem3A_295, %ne3A_296 : i32
        %lt3A_298 = arith.constant 0 : i32
        %lt3A_299 = arith.cmpi slt, %rem3A_295, %lt3A_298 : i32
        %lt3A_300 = arith.constant 0 : i32
        %lt3A_301 = arith.cmpi slt, %select_n3A_294, %lt3A_300 : i32
        %ne3A_302 = arith.xori %lt3A_299, %lt3A_301 : i1
        %and3A_303 = arith.andi %ne3A_302, %ne3A_297 : i1
        %add3A_304 = arith.addi %rem3A_295, %select_n3A_294 : i32
        %select_n3A_305 = arith.select %and3A_303, %add3A_304, %rem3A_295 : i32
        %mul3A_306 = arith.constant 8 : i32
        %mul3A_307 = arith.muli %select_n3A_273, %mul3A_306 : i32
        %scan3A_308 = arith.constant 0 : i32
        %scan3A_309 = arith.constant 0 : i32
        %scan3A_310 = arith.constant 8 : i32
        %scan3A_311 = arith.addi %scan3A_309, %scan3A_310 : i32
        %scan3A_312 = arith.constant 1 : i32
        scf.for %scan3A_326 = %scan3A_309 to %scan3A_311 step %scan3A_312  : i32 {
          %mul3A_327 = arith.constant 128 : i32
          %mul3A_328 = arith.muli %select_n3A_289, %mul3A_327 : i32
          %mul3A_329 = arith.constant 16 : i32
          %mul3A_330 = arith.muli %scan3A_326, %mul3A_329 : i32
          %add3A_331 = arith.addi %mul3A_328, %mul3A_330 : i32
          %get3A = arith.index_cast %select_n3A_273 : i32 to index
          %get3A_332 = arith.index_cast %add3A_331 : i32 to index
          %get3A_333 = tpu.vector_load %arg6[%get3A, %get3A_332] {strides = array<i32>} : memref<8x512xi32, #tpu.memory_space<vmem>>, vector<16xi32>,
          %shift_right_arithmetic3A = arith.constant 7 : i32
          %shift_right_arithmetic3A_334 = vector.broadcast %shift_right_arithmetic3A : i32 to vector<16xi32>
          %shift_right_arithmetic3A_335 = arith.shrsi %get3A_333, %shift_right_arithmetic3A_334 : vector<16xi32>
          %shift_left3A = arith.constant 6 : i32
          %shift_left3A_336 = vector.broadcast %shift_left3A : i32 to vector<16xi32>
          %shift_left3A_337 = arith.shli %shift_right_arithmetic3A_335, %shift_left3A_336 : vector<16xi32>
          %shift_right_arithmetic3A_338 = arith.constant 4 : i32
          %shift_right_arithmetic3A_339 = vector.broadcast %shift_right_arithmetic3A_338 : i32 to vector<16xi32>
          %shift_right_arithmetic3A_340 = arith.shrsi %get3A_333, %shift_right_arithmetic3A_339 : vector<16xi32>
          %and3A_341 = arith.constant 7 : i32
          %and3A_342 = vector.broadcast %and3A_341 : i32 to vector<16xi32>
          %and3A_343 = arith.andi %shift_right_arithmetic3A_340, %and3A_342 : vector<16xi32>
          %add3A_344 = arith.addi %shift_left3A_337, %and3A_343 : vector<16xi32>
          %add3A_345 = vector.broadcast %mul3A_307 : i32 to vector<16xi32>
          %add3A_346 = arith.addi %add3A_344, %add3A_345 : vector<16xi32>
          %mul3A_347 = arith.constant 16 : i32
          %mul3A_348 = arith.muli %scan3A_326, %mul3A_347 : i32
          %swap3A = arith.index_cast %select_n3A_305 : i32 to index
          %swap3A_349 = arith.index_cast %mul3A_348 : i32 to index
          %swap3A_350 = tpu.vector_load %arg7[%swap3A, %swap3A_349] {strides = array<i32>} : memref<8x128xi32, #tpu.memory_space<vmem>>, vector<16xi32>,
          tpu.vector_store %arg7[%swap3A, %swap3A_349], %add3A_346 {strides = array<i32>} : memref<8x128xi32, #tpu.memory_space<vmem>>, vector<16xi32>,
        }
        %scan3A_313 = arith.constant 8 : i32
        %dma_start3A_314 = arith.constant 0 : i32
        %dma_start3A_315 = arith.constant 0 : i32
        %dma_start3A_316 = tpu.memref_slice %arg8[%select_n3A_305, %dma_start3A_314, %dma_start3A_315] : memref<8x128x16xf32, #tpu.memory_space<vmem>> -> memref<1x128x16xf32, #tpu.memory_space<vmem>>
        %dma_start3A_317 = tpu.memref_squeeze %dma_start3A_316 : memref<1x128x16xf32, #tpu.memory_space<vmem>> -> memref<128x16xf32, #tpu.memory_space<vmem>>
        %dma_start3A_318 = arith.constant 0 : i32
        %dma_start3A_319 = tpu.memref_slice %arg7[%select_n3A_305, %dma_start3A_318] : memref<8x128xi32, #tpu.memory_space<vmem>> -> memref<1x128xi32, #tpu.memory_space<vmem>>
        %dma_start3A_320 = tpu.memref_squeeze %dma_start3A_319 : memref<1x128xi32, #tpu.memory_space<vmem>> -> memref<128xi32, #tpu.memory_space<vmem>>
        %dma_start3A_321 = arith.constant 0 : i32
        %dma_start3A_322 = arith.constant 0 : i32
        %dma_start3A_323 = tpu.memref_slice %arg3[%dma_start3A_321, %dma_start3A_322] : memref<500032x16xf32, #tpu.memory_space<hbm>> -> memref<500032x16xf32, #tpu.memory_space<hbm>>
        %dma_start3A_324 = tpu.memref_slice %arg11[%select_n3A_305] : memref<8x!tpu.dma_semaphore, #tpu.memory_space<semaphore_mem>> -> memref<1x!tpu.dma_semaphore, #tpu.memory_space<semaphore_mem>>
        %dma_start3A_325 = tpu.memref_squeeze %dma_start3A_324 : memref<1x!tpu.dma_semaphore, #tpu.memory_space<semaphore_mem>> -> memref<!tpu.dma_semaphore, #tpu.memory_space<semaphore_mem>>
        tpu.enqueue_indirect_dma source(%dma_start3A_323 : memref<500032x16xf32, #tpu.memory_space<hbm>>) target(%dma_start3A_317 : memref<128x16xf32, #tpu.memory_space<vmem>>) offsets(%dma_start3A_320 : memref<128xi32, #tpu.memory_space<vmem>>) semaphore(%dma_start3A_325 : memref<!tpu.dma_semaphore, #tpu.memory_space<semaphore_mem>>)
      } else {
      }
    }
    %scan3A_174 = arith.constant 32 : i32
    "tpu.region"() ({
      %run_scoped3A = tpu.sem_alloc : memref<!tpu.dma_semaphore, #tpu.memory_space<semaphore_mem>>
      %dma_start3A_175 = tpu.memref_slice %arg5[%mul3A_2] : memref<16384xf32, #tpu.memory_space<hbm>> -> memref<512xf32, #tpu.memory_space<hbm>>
      %dma_start3A_176 = tpu.memref_slice %arg5[%mul3A_2] : memref<16384xf32, #tpu.memory_space<hbm>> -> memref<512xf32, #tpu.memory_space<hbm>>
      tpu.enqueue_dma source(%arg9 : memref<512xf32, #tpu.memory_space<vmem>>) target(%dma_start3A_176 : memref<512xf32, #tpu.memory_space<hbm>>) target_semaphore(%run_scoped3A : memref<!tpu.dma_semaphore, #tpu.memory_space<semaphore_mem>>)
      %dma_wait3A = tpu.memref_slice %arg5[%mul3A_2] : memref<16384xf32, #tpu.memory_space<hbm>> -> memref<512xf32, #tpu.memory_space<hbm>>
      %dma_wait3A_177 = tpu.memref_slice %arg5[%mul3A_2] : memref<16384xf32, #tpu.memory_space<hbm>> -> memref<512xf32, #tpu.memory_space<hbm>>
      tpu.wait_dma2 semaphore(%run_scoped3A : memref<!tpu.dma_semaphore, #tpu.memory_space<semaphore_mem>>) src(%arg9 : memref<512xf32, #tpu.memory_space<vmem>>) dst(%dma_wait3A_177 : memref<512xf32, #tpu.memory_space<hbm>>)
      tpu.yield
    }) : () -> ()
    return
  }
}

#map = affine_map<(d0, d1) -> (0, 0)>
#map1 = affine_map<(d0, d1) -> (0)>
module attributes {stable_mosaic.version = 14 : i64} {
  func.func @lookup_sum_f0_8(%arg0: i32, %arg1: i32, %arg2: memref<26x16384xi32, #tpu.memory_space<hbm>>, %arg3: memref<500032x16xf32, #tpu.memory_space<hbm>>, %arg4: memref<16xf32, #tpu.memory_space<hbm>>, %arg5: memref<16384xf32, #tpu.memory_space<hbm>>, %arg6: memref<8x512xi32, #tpu.memory_space<vmem>>, %arg7: memref<8x128xi32, #tpu.memory_space<vmem>>, %arg8: memref<8x128x16xf32, #tpu.memory_space<vmem>>, %arg9: memref<512xf32, #tpu.memory_space<vmem>>, %arg10: memref<16xf32, #tpu.memory_space<vmem>>, %arg11: memref<8x!tpu.dma_semaphore, #tpu.memory_space<semaphore_mem>>) attributes {dimension_semantics = [#tpu.dimension_semantics<core_parallel>, #tpu.dimension_semantics<subcore_parallel>], iteration_bounds = array<i64: 2, 16>, scalar_prefetch = 0 : i64, scratch_operands = 6 : i64, tpu.core_type = #tpu.core_type<sc_vector_subcore>, window_params = [{transform_indices = #map}, {transform_indices = #map}, {transform_indices = #map1}, {transform_indices = #map1}]} {
    %mul3A = arith.constant 2 : i32
    %mul3A_0 = arith.muli %arg1, %mul3A : i32
    %add3A = arith.addi %mul3A_0, %arg0 : i32
    %mul3A_1 = arith.constant 512 : i32
    %mul3A_2 = arith.muli %add3A, %mul3A_1 : i32
    "tpu.region"() ({
      %run_scoped3A = tpu.sem_alloc : memref<!tpu.dma_semaphore, #tpu.memory_space<semaphore_mem>>
      %dma_start3A_182 = arith.constant 0 : i32
      %dma_start3A_183 = tpu.memref_slice %arg2[%dma_start3A_182, %mul3A_2] : memref<26x16384xi32, #tpu.memory_space<hbm>> -> memref<8x512xi32, #tpu.memory_space<hbm>>
      %dma_start3A_184 = arith.constant 0 : i32
      %dma_start3A_185 = tpu.memref_slice %arg2[%dma_start3A_184, %mul3A_2] : memref<26x16384xi32, #tpu.memory_space<hbm>> -> memref<8x512xi32, #tpu.memory_space<hbm>>
      tpu.enqueue_dma source(%dma_start3A_185 : memref<8x512xi32, #tpu.memory_space<hbm>>) target(%arg6 : memref<8x512xi32, #tpu.memory_space<vmem>>) target_semaphore(%run_scoped3A : memref<!tpu.dma_semaphore, #tpu.memory_space<semaphore_mem>>)
      %dma_wait3A = arith.constant 0 : i32
      %dma_wait3A_186 = tpu.memref_slice %arg2[%dma_wait3A, %mul3A_2] : memref<26x16384xi32, #tpu.memory_space<hbm>> -> memref<8x512xi32, #tpu.memory_space<hbm>>
      %dma_wait3A_187 = arith.constant 0 : i32
      %dma_wait3A_188 = tpu.memref_slice %arg2[%dma_wait3A_187, %mul3A_2] : memref<26x16384xi32, #tpu.memory_space<hbm>> -> memref<8x512xi32, #tpu.memory_space<hbm>>
      tpu.wait_dma2 semaphore(%run_scoped3A : memref<!tpu.dma_semaphore, #tpu.memory_space<semaphore_mem>>) src(%dma_wait3A_188 : memref<8x512xi32, #tpu.memory_space<hbm>>) dst(%arg6 : memref<8x512xi32, #tpu.memory_space<vmem>>)
      tpu.yield
    }) : () -> ()
    "tpu.region"() ({
      %run_scoped3A = tpu.sem_alloc : memref<!tpu.dma_semaphore, #tpu.memory_space<semaphore_mem>>
      tpu.enqueue_dma source(%arg4 : memref<16xf32, #tpu.memory_space<hbm>>) target(%arg10 : memref<16xf32, #tpu.memory_space<vmem>>) target_semaphore(%run_scoped3A : memref<!tpu.dma_semaphore, #tpu.memory_space<semaphore_mem>>)
      tpu.wait_dma2 semaphore(%run_scoped3A : memref<!tpu.dma_semaphore, #tpu.memory_space<semaphore_mem>>) src(%arg4 : memref<16xf32, #tpu.memory_space<hbm>>) dst(%arg10 : memref<16xf32, #tpu.memory_space<vmem>>)
      tpu.yield
    }) : () -> ()
    %get3A = arith.constant 0 : index
    %get3A_3 = tpu.vector_load %arg10[%get3A] {strides = array<i32>} : memref<16xf32, #tpu.memory_space<vmem>>, vector<16xf32>,
    %scan3A = arith.constant 0 : i32
    %scan3A_4 = arith.constant 0 : i32
    %scan3A_5 = arith.constant 32 : i32
    %scan3A_6 = arith.addi %scan3A_4, %scan3A_5 : i32
    %scan3A_7 = arith.constant 1 : i32
    scf.for %scan3A_182 = %scan3A_4 to %scan3A_6 step %scan3A_7  : i32 {
      %mul3A_183 = arith.constant 16 : i32
      %mul3A_184 = arith.muli %scan3A_182, %mul3A_183 : i32
      %swap3A = arith.index_cast %mul3A_184 : i32 to index
      %swap3A_185 = tpu.vector_load %arg9[%swap3A] {strides = array<i32>} : memref<512xf32, #tpu.memory_space<vmem>>, vector<16xf32>,
      tpu.vector_store %arg9[%swap3A], %get3A_3 {strides = array<i32>} : memref<512xf32, #tpu.memory_space<vmem>>, vector<16xf32>,
    }
    %scan3A_8 = arith.constant 32 : i32
    %iota3A = tpu.iota {dimensions = array<i32: 0>} : vector<16xi32>
    %scan3A_9 = arith.constant 0 : i32
    %scan3A_10 = arith.constant 0 : i32
    %scan3A_11 = arith.constant 8 : i32
    %scan3A_12 = arith.addi %scan3A_10, %scan3A_11 : i32
    %scan3A_13 = arith.constant 1 : i32
    scf.for %scan3A_182 = %scan3A_10 to %scan3A_12 step %scan3A_13  : i32 {
      %mul3A_183 = arith.constant 16 : i32
      %mul3A_184 = arith.muli %scan3A_182, %mul3A_183 : i32
      %add3A_185 = arith.constant 0 : i32
      %add3A_186 = arith.addi %add3A_185, %mul3A_184 : i32
      %get3A_187 = arith.constant 0 : i32
      %get3A_188 = arith.index_cast %get3A_187 : i32 to index
      %get3A_189 = arith.index_cast %add3A_186 : i32 to index
      %get3A_190 = tpu.vector_load %arg6[%get3A_188, %get3A_189] {strides = array<i32>} : memref<8x512xi32, #tpu.memory_space<vmem>>, vector<16xi32>,
      %shift_right_arithmetic3A = arith.constant 7 : i32
      %shift_right_arithmetic3A_191 = vector.broadcast %shift_right_arithmetic3A : i32 to vector<16xi32>
      %shift_right_arithmetic3A_192 = arith.shrsi %get3A_190, %shift_right_arithmetic3A_191 : vector<16xi32>
      %shift_left3A = arith.constant 6 : i32
      %shift_left3A_193 = vector.broadcast %shift_left3A : i32 to vector<16xi32>
      %shift_left3A_194 = arith.shli %shift_right_arithmetic3A_192, %shift_left3A_193 : vector<16xi32>
      %shift_right_arithmetic3A_195 = arith.constant 4 : i32
      %shift_right_arithmetic3A_196 = vector.broadcast %shift_right_arithmetic3A_195 : i32 to vector<16xi32>
      %shift_right_arithmetic3A_197 = arith.shrsi %get3A_190, %shift_right_arithmetic3A_196 : vector<16xi32>
      %and3A = arith.constant 7 : i32
      %and3A_198 = vector.broadcast %and3A : i32 to vector<16xi32>
      %and3A_199 = arith.andi %shift_right_arithmetic3A_197, %and3A_198 : vector<16xi32>
      %add3A_200 = arith.addi %shift_left3A_194, %and3A_199 : vector<16xi32>
      %add3A_201 = arith.constant 0 : i32
      %add3A_202 = vector.broadcast %add3A_201 : i32 to vector<16xi32>
      %add3A_203 = arith.addi %add3A_200, %add3A_202 : vector<16xi32>
      %mul3A_204 = arith.constant 16 : i32
      %mul3A_205 = arith.muli %scan3A_182, %mul3A_204 : i32
      %swap3A = arith.constant 0 : i32
      %swap3A_206 = arith.index_cast %swap3A : i32 to index
      %swap3A_207 = arith.index_cast %mul3A_205 : i32 to index
      %swap3A_208 = tpu.vector_load %arg7[%swap3A_206, %swap3A_207] {strides = array<i32>} : memref<8x128xi32, #tpu.memory_space<vmem>>, vector<16xi32>,
      tpu.vector_store %arg7[%swap3A_206, %swap3A_207], %add3A_203 {strides = array<i32>} : memref<8x128xi32, #tpu.memory_space<vmem>>, vector<16xi32>,
    }
    %scan3A_14 = arith.constant 8 : i32
    %dma_start3A = arith.constant 0 : i32
    %dma_start3A_15 = arith.constant 0 : i32
    %dma_start3A_16 = arith.constant 0 : i32
    %dma_start3A_17 = arith.constant 0 : i32
    %dma_start3A_18 = arith.constant 0 : i32
    %dma_start3A_19 = tpu.memref_slice %arg8[%dma_start3A_15, %dma_start3A_17, %dma_start3A_18] : memref<8x128x16xf32, #tpu.memory_space<vmem>> -> memref<1x128x16xf32, #tpu.memory_space<vmem>>
    %dma_start3A_20 = tpu.memref_squeeze %dma_start3A_19 : memref<1x128x16xf32, #tpu.memory_space<vmem>> -> memref<128x16xf32, #tpu.memory_space<vmem>>
    %dma_start3A_21 = arith.constant 0 : i32
    %dma_start3A_22 = tpu.memref_slice %arg7[%dma_start3A, %dma_start3A_21] : memref<8x128xi32, #tpu.memory_space<vmem>> -> memref<1x128xi32, #tpu.memory_space<vmem>>
    %dma_start3A_23 = tpu.memref_squeeze %dma_start3A_22 : memref<1x128xi32, #tpu.memory_space<vmem>> -> memref<128xi32, #tpu.memory_space<vmem>>
    %dma_start3A_24 = arith.constant 0 : i32
    %dma_start3A_25 = arith.constant 0 : i32
    %dma_start3A_26 = tpu.memref_slice %arg3[%dma_start3A_24, %dma_start3A_25] : memref<500032x16xf32, #tpu.memory_space<hbm>> -> memref<500032x16xf32, #tpu.memory_space<hbm>>
    %dma_start3A_27 = tpu.memref_slice %arg11[%dma_start3A_16] : memref<8x!tpu.dma_semaphore, #tpu.memory_space<semaphore_mem>> -> memref<1x!tpu.dma_semaphore, #tpu.memory_space<semaphore_mem>>
    %dma_start3A_28 = tpu.memref_squeeze %dma_start3A_27 : memref<1x!tpu.dma_semaphore, #tpu.memory_space<semaphore_mem>> -> memref<!tpu.dma_semaphore, #tpu.memory_space<semaphore_mem>>
    tpu.enqueue_indirect_dma source(%dma_start3A_26 : memref<500032x16xf32, #tpu.memory_space<hbm>>) target(%dma_start3A_20 : memref<128x16xf32, #tpu.memory_space<vmem>>) offsets(%dma_start3A_23 : memref<128xi32, #tpu.memory_space<vmem>>) semaphore(%dma_start3A_28 : memref<!tpu.dma_semaphore, #tpu.memory_space<semaphore_mem>>)
    %scan3A_29 = arith.constant 0 : i32
    %scan3A_30 = arith.constant 0 : i32
    %scan3A_31 = arith.constant 8 : i32
    %scan3A_32 = arith.addi %scan3A_30, %scan3A_31 : i32
    %scan3A_33 = arith.constant 1 : i32
    scf.for %scan3A_182 = %scan3A_30 to %scan3A_32 step %scan3A_33  : i32 {
      %mul3A_183 = arith.constant 16 : i32
      %mul3A_184 = arith.muli %scan3A_182, %mul3A_183 : i32
      %add3A_185 = arith.constant 128 : i32
      %add3A_186 = arith.addi %add3A_185, %mul3A_184 : i32
      %get3A_187 = arith.constant 0 : i32
      %get3A_188 = arith.index_cast %get3A_187 : i32 to index
      %get3A_189 = arith.index_cast %add3A_186 : i32 to index
      %get3A_190 = tpu.vector_load %arg6[%get3A_188, %get3A_189] {strides = array<i32>} : memref<8x512xi32, #tpu.memory_space<vmem>>, vector<16xi32>,
      %shift_right_arithmetic3A = arith.constant 7 : i32
      %shift_right_arithmetic3A_191 = vector.broadcast %shift_right_arithmetic3A : i32 to vector<16xi32>
      %shift_right_arithmetic3A_192 = arith.shrsi %get3A_190, %shift_right_arithmetic3A_191 : vector<16xi32>
      %shift_left3A = arith.constant 6 : i32
      %shift_left3A_193 = vector.broadcast %shift_left3A : i32 to vector<16xi32>
      %shift_left3A_194 = arith.shli %shift_right_arithmetic3A_192, %shift_left3A_193 : vector<16xi32>
      %shift_right_arithmetic3A_195 = arith.constant 4 : i32
      %shift_right_arithmetic3A_196 = vector.broadcast %shift_right_arithmetic3A_195 : i32 to vector<16xi32>
      %shift_right_arithmetic3A_197 = arith.shrsi %get3A_190, %shift_right_arithmetic3A_196 : vector<16xi32>
      %and3A = arith.constant 7 : i32
      %and3A_198 = vector.broadcast %and3A : i32 to vector<16xi32>
      %and3A_199 = arith.andi %shift_right_arithmetic3A_197, %and3A_198 : vector<16xi32>
      %add3A_200 = arith.addi %shift_left3A_194, %and3A_199 : vector<16xi32>
      %add3A_201 = arith.constant 0 : i32
      %add3A_202 = vector.broadcast %add3A_201 : i32 to vector<16xi32>
      %add3A_203 = arith.addi %add3A_200, %add3A_202 : vector<16xi32>
      %mul3A_204 = arith.constant 16 : i32
      %mul3A_205 = arith.muli %scan3A_182, %mul3A_204 : i32
      %swap3A = arith.constant 1 : i32
      %swap3A_206 = arith.index_cast %swap3A : i32 to index
      %swap3A_207 = arith.index_cast %mul3A_205 : i32 to index
      %swap3A_208 = tpu.vector_load %arg7[%swap3A_206, %swap3A_207] {strides = array<i32>} : memref<8x128xi32, #tpu.memory_space<vmem>>, vector<16xi32>,
      tpu.vector_store %arg7[%swap3A_206, %swap3A_207], %add3A_203 {strides = array<i32>} : memref<8x128xi32, #tpu.memory_space<vmem>>, vector<16xi32>,
    }
    %scan3A_34 = arith.constant 8 : i32
    %dma_start3A_35 = arith.constant 1 : i32
    %dma_start3A_36 = arith.constant 1 : i32
    %dma_start3A_37 = arith.constant 1 : i32
    %dma_start3A_38 = arith.constant 0 : i32
    %dma_start3A_39 = arith.constant 0 : i32
    %dma_start3A_40 = tpu.memref_slice %arg8[%dma_start3A_36, %dma_start3A_38, %dma_start3A_39] : memref<8x128x16xf32, #tpu.memory_space<vmem>> -> memref<1x128x16xf32, #tpu.memory_space<vmem>>
    %dma_start3A_41 = tpu.memref_squeeze %dma_start3A_40 : memref<1x128x16xf32, #tpu.memory_space<vmem>> -> memref<128x16xf32, #tpu.memory_space<vmem>>
    %dma_start3A_42 = arith.constant 0 : i32
    %dma_start3A_43 = tpu.memref_slice %arg7[%dma_start3A_35, %dma_start3A_42] : memref<8x128xi32, #tpu.memory_space<vmem>> -> memref<1x128xi32, #tpu.memory_space<vmem>>
    %dma_start3A_44 = tpu.memref_squeeze %dma_start3A_43 : memref<1x128xi32, #tpu.memory_space<vmem>> -> memref<128xi32, #tpu.memory_space<vmem>>
    %dma_start3A_45 = arith.constant 0 : i32
    %dma_start3A_46 = arith.constant 0 : i32
    %dma_start3A_47 = tpu.memref_slice %arg3[%dma_start3A_45, %dma_start3A_46] : memref<500032x16xf32, #tpu.memory_space<hbm>> -> memref<500032x16xf32, #tpu.memory_space<hbm>>
    %dma_start3A_48 = tpu.memref_slice %arg11[%dma_start3A_37] : memref<8x!tpu.dma_semaphore, #tpu.memory_space<semaphore_mem>> -> memref<1x!tpu.dma_semaphore, #tpu.memory_space<semaphore_mem>>
    %dma_start3A_49 = tpu.memref_squeeze %dma_start3A_48 : memref<1x!tpu.dma_semaphore, #tpu.memory_space<semaphore_mem>> -> memref<!tpu.dma_semaphore, #tpu.memory_space<semaphore_mem>>
    tpu.enqueue_indirect_dma source(%dma_start3A_47 : memref<500032x16xf32, #tpu.memory_space<hbm>>) target(%dma_start3A_41 : memref<128x16xf32, #tpu.memory_space<vmem>>) offsets(%dma_start3A_44 : memref<128xi32, #tpu.memory_space<vmem>>) semaphore(%dma_start3A_49 : memref<!tpu.dma_semaphore, #tpu.memory_space<semaphore_mem>>)
    %scan3A_50 = arith.constant 0 : i32
    %scan3A_51 = arith.constant 0 : i32
    %scan3A_52 = arith.constant 8 : i32
    %scan3A_53 = arith.addi %scan3A_51, %scan3A_52 : i32
    %scan3A_54 = arith.constant 1 : i32
    scf.for %scan3A_182 = %scan3A_51 to %scan3A_53 step %scan3A_54  : i32 {
      %mul3A_183 = arith.constant 16 : i32
      %mul3A_184 = arith.muli %scan3A_182, %mul3A_183 : i32
      %add3A_185 = arith.constant 256 : i32
      %add3A_186 = arith.addi %add3A_185, %mul3A_184 : i32
      %get3A_187 = arith.constant 0 : i32
      %get3A_188 = arith.index_cast %get3A_187 : i32 to index
      %get3A_189 = arith.index_cast %add3A_186 : i32 to index
      %get3A_190 = tpu.vector_load %arg6[%get3A_188, %get3A_189] {strides = array<i32>} : memref<8x512xi32, #tpu.memory_space<vmem>>, vector<16xi32>,
      %shift_right_arithmetic3A = arith.constant 7 : i32
      %shift_right_arithmetic3A_191 = vector.broadcast %shift_right_arithmetic3A : i32 to vector<16xi32>
      %shift_right_arithmetic3A_192 = arith.shrsi %get3A_190, %shift_right_arithmetic3A_191 : vector<16xi32>
      %shift_left3A = arith.constant 6 : i32
      %shift_left3A_193 = vector.broadcast %shift_left3A : i32 to vector<16xi32>
      %shift_left3A_194 = arith.shli %shift_right_arithmetic3A_192, %shift_left3A_193 : vector<16xi32>
      %shift_right_arithmetic3A_195 = arith.constant 4 : i32
      %shift_right_arithmetic3A_196 = vector.broadcast %shift_right_arithmetic3A_195 : i32 to vector<16xi32>
      %shift_right_arithmetic3A_197 = arith.shrsi %get3A_190, %shift_right_arithmetic3A_196 : vector<16xi32>
      %and3A = arith.constant 7 : i32
      %and3A_198 = vector.broadcast %and3A : i32 to vector<16xi32>
      %and3A_199 = arith.andi %shift_right_arithmetic3A_197, %and3A_198 : vector<16xi32>
      %add3A_200 = arith.addi %shift_left3A_194, %and3A_199 : vector<16xi32>
      %add3A_201 = arith.constant 0 : i32
      %add3A_202 = vector.broadcast %add3A_201 : i32 to vector<16xi32>
      %add3A_203 = arith.addi %add3A_200, %add3A_202 : vector<16xi32>
      %mul3A_204 = arith.constant 16 : i32
      %mul3A_205 = arith.muli %scan3A_182, %mul3A_204 : i32
      %swap3A = arith.constant 2 : i32
      %swap3A_206 = arith.index_cast %swap3A : i32 to index
      %swap3A_207 = arith.index_cast %mul3A_205 : i32 to index
      %swap3A_208 = tpu.vector_load %arg7[%swap3A_206, %swap3A_207] {strides = array<i32>} : memref<8x128xi32, #tpu.memory_space<vmem>>, vector<16xi32>,
      tpu.vector_store %arg7[%swap3A_206, %swap3A_207], %add3A_203 {strides = array<i32>} : memref<8x128xi32, #tpu.memory_space<vmem>>, vector<16xi32>,
    }
    %scan3A_55 = arith.constant 8 : i32
    %dma_start3A_56 = arith.constant 2 : i32
    %dma_start3A_57 = arith.constant 2 : i32
    %dma_start3A_58 = arith.constant 2 : i32
    %dma_start3A_59 = arith.constant 0 : i32
    %dma_start3A_60 = arith.constant 0 : i32
    %dma_start3A_61 = tpu.memref_slice %arg8[%dma_start3A_57, %dma_start3A_59, %dma_start3A_60] : memref<8x128x16xf32, #tpu.memory_space<vmem>> -> memref<1x128x16xf32, #tpu.memory_space<vmem>>
    %dma_start3A_62 = tpu.memref_squeeze %dma_start3A_61 : memref<1x128x16xf32, #tpu.memory_space<vmem>> -> memref<128x16xf32, #tpu.memory_space<vmem>>
    %dma_start3A_63 = arith.constant 0 : i32
    %dma_start3A_64 = tpu.memref_slice %arg7[%dma_start3A_56, %dma_start3A_63] : memref<8x128xi32, #tpu.memory_space<vmem>> -> memref<1x128xi32, #tpu.memory_space<vmem>>
    %dma_start3A_65 = tpu.memref_squeeze %dma_start3A_64 : memref<1x128xi32, #tpu.memory_space<vmem>> -> memref<128xi32, #tpu.memory_space<vmem>>
    %dma_start3A_66 = arith.constant 0 : i32
    %dma_start3A_67 = arith.constant 0 : i32
    %dma_start3A_68 = tpu.memref_slice %arg3[%dma_start3A_66, %dma_start3A_67] : memref<500032x16xf32, #tpu.memory_space<hbm>> -> memref<500032x16xf32, #tpu.memory_space<hbm>>
    %dma_start3A_69 = tpu.memref_slice %arg11[%dma_start3A_58] : memref<8x!tpu.dma_semaphore, #tpu.memory_space<semaphore_mem>> -> memref<1x!tpu.dma_semaphore, #tpu.memory_space<semaphore_mem>>
    %dma_start3A_70 = tpu.memref_squeeze %dma_start3A_69 : memref<1x!tpu.dma_semaphore, #tpu.memory_space<semaphore_mem>> -> memref<!tpu.dma_semaphore, #tpu.memory_space<semaphore_mem>>
    tpu.enqueue_indirect_dma source(%dma_start3A_68 : memref<500032x16xf32, #tpu.memory_space<hbm>>) target(%dma_start3A_62 : memref<128x16xf32, #tpu.memory_space<vmem>>) offsets(%dma_start3A_65 : memref<128xi32, #tpu.memory_space<vmem>>) semaphore(%dma_start3A_70 : memref<!tpu.dma_semaphore, #tpu.memory_space<semaphore_mem>>)
    %scan3A_71 = arith.constant 0 : i32
    %scan3A_72 = arith.constant 0 : i32
    %scan3A_73 = arith.constant 8 : i32
    %scan3A_74 = arith.addi %scan3A_72, %scan3A_73 : i32
    %scan3A_75 = arith.constant 1 : i32
    scf.for %scan3A_182 = %scan3A_72 to %scan3A_74 step %scan3A_75  : i32 {
      %mul3A_183 = arith.constant 16 : i32
      %mul3A_184 = arith.muli %scan3A_182, %mul3A_183 : i32
      %add3A_185 = arith.constant 384 : i32
      %add3A_186 = arith.addi %add3A_185, %mul3A_184 : i32
      %get3A_187 = arith.constant 0 : i32
      %get3A_188 = arith.index_cast %get3A_187 : i32 to index
      %get3A_189 = arith.index_cast %add3A_186 : i32 to index
      %get3A_190 = tpu.vector_load %arg6[%get3A_188, %get3A_189] {strides = array<i32>} : memref<8x512xi32, #tpu.memory_space<vmem>>, vector<16xi32>,
      %shift_right_arithmetic3A = arith.constant 7 : i32
      %shift_right_arithmetic3A_191 = vector.broadcast %shift_right_arithmetic3A : i32 to vector<16xi32>
      %shift_right_arithmetic3A_192 = arith.shrsi %get3A_190, %shift_right_arithmetic3A_191 : vector<16xi32>
      %shift_left3A = arith.constant 6 : i32
      %shift_left3A_193 = vector.broadcast %shift_left3A : i32 to vector<16xi32>
      %shift_left3A_194 = arith.shli %shift_right_arithmetic3A_192, %shift_left3A_193 : vector<16xi32>
      %shift_right_arithmetic3A_195 = arith.constant 4 : i32
      %shift_right_arithmetic3A_196 = vector.broadcast %shift_right_arithmetic3A_195 : i32 to vector<16xi32>
      %shift_right_arithmetic3A_197 = arith.shrsi %get3A_190, %shift_right_arithmetic3A_196 : vector<16xi32>
      %and3A = arith.constant 7 : i32
      %and3A_198 = vector.broadcast %and3A : i32 to vector<16xi32>
      %and3A_199 = arith.andi %shift_right_arithmetic3A_197, %and3A_198 : vector<16xi32>
      %add3A_200 = arith.addi %shift_left3A_194, %and3A_199 : vector<16xi32>
      %add3A_201 = arith.constant 0 : i32
      %add3A_202 = vector.broadcast %add3A_201 : i32 to vector<16xi32>
      %add3A_203 = arith.addi %add3A_200, %add3A_202 : vector<16xi32>
      %mul3A_204 = arith.constant 16 : i32
      %mul3A_205 = arith.muli %scan3A_182, %mul3A_204 : i32
      %swap3A = arith.constant 3 : i32
      %swap3A_206 = arith.index_cast %swap3A : i32 to index
      %swap3A_207 = arith.index_cast %mul3A_205 : i32 to index
      %swap3A_208 = tpu.vector_load %arg7[%swap3A_206, %swap3A_207] {strides = array<i32>} : memref<8x128xi32, #tpu.memory_space<vmem>>, vector<16xi32>,
      tpu.vector_store %arg7[%swap3A_206, %swap3A_207], %add3A_203 {strides = array<i32>} : memref<8x128xi32, #tpu.memory_space<vmem>>, vector<16xi32>,
    }
    %scan3A_76 = arith.constant 8 : i32
    %dma_start3A_77 = arith.constant 3 : i32
    %dma_start3A_78 = arith.constant 3 : i32
    %dma_start3A_79 = arith.constant 3 : i32
    %dma_start3A_80 = arith.constant 0 : i32
    %dma_start3A_81 = arith.constant 0 : i32
    %dma_start3A_82 = tpu.memref_slice %arg8[%dma_start3A_78, %dma_start3A_80, %dma_start3A_81] : memref<8x128x16xf32, #tpu.memory_space<vmem>> -> memref<1x128x16xf32, #tpu.memory_space<vmem>>
    %dma_start3A_83 = tpu.memref_squeeze %dma_start3A_82 : memref<1x128x16xf32, #tpu.memory_space<vmem>> -> memref<128x16xf32, #tpu.memory_space<vmem>>
    %dma_start3A_84 = arith.constant 0 : i32
    %dma_start3A_85 = tpu.memref_slice %arg7[%dma_start3A_77, %dma_start3A_84] : memref<8x128xi32, #tpu.memory_space<vmem>> -> memref<1x128xi32, #tpu.memory_space<vmem>>
    %dma_start3A_86 = tpu.memref_squeeze %dma_start3A_85 : memref<1x128xi32, #tpu.memory_space<vmem>> -> memref<128xi32, #tpu.memory_space<vmem>>
    %dma_start3A_87 = arith.constant 0 : i32
    %dma_start3A_88 = arith.constant 0 : i32
    %dma_start3A_89 = tpu.memref_slice %arg3[%dma_start3A_87, %dma_start3A_88] : memref<500032x16xf32, #tpu.memory_space<hbm>> -> memref<500032x16xf32, #tpu.memory_space<hbm>>
    %dma_start3A_90 = tpu.memref_slice %arg11[%dma_start3A_79] : memref<8x!tpu.dma_semaphore, #tpu.memory_space<semaphore_mem>> -> memref<1x!tpu.dma_semaphore, #tpu.memory_space<semaphore_mem>>
    %dma_start3A_91 = tpu.memref_squeeze %dma_start3A_90 : memref<1x!tpu.dma_semaphore, #tpu.memory_space<semaphore_mem>> -> memref<!tpu.dma_semaphore, #tpu.memory_space<semaphore_mem>>
    tpu.enqueue_indirect_dma source(%dma_start3A_89 : memref<500032x16xf32, #tpu.memory_space<hbm>>) target(%dma_start3A_83 : memref<128x16xf32, #tpu.memory_space<vmem>>) offsets(%dma_start3A_86 : memref<128xi32, #tpu.memory_space<vmem>>) semaphore(%dma_start3A_91 : memref<!tpu.dma_semaphore, #tpu.memory_space<semaphore_mem>>)
    %scan3A_92 = arith.constant 0 : i32
    %scan3A_93 = arith.constant 0 : i32
    %scan3A_94 = arith.constant 8 : i32
    %scan3A_95 = arith.addi %scan3A_93, %scan3A_94 : i32
    %scan3A_96 = arith.constant 1 : i32
    scf.for %scan3A_182 = %scan3A_93 to %scan3A_95 step %scan3A_96  : i32 {
      %mul3A_183 = arith.constant 16 : i32
      %mul3A_184 = arith.muli %scan3A_182, %mul3A_183 : i32
      %add3A_185 = arith.constant 0 : i32
      %add3A_186 = arith.addi %add3A_185, %mul3A_184 : i32
      %get3A_187 = arith.constant 1 : i32
      %get3A_188 = arith.index_cast %get3A_187 : i32 to index
      %get3A_189 = arith.index_cast %add3A_186 : i32 to index
      %get3A_190 = tpu.vector_load %arg6[%get3A_188, %get3A_189] {strides = array<i32>} : memref<8x512xi32, #tpu.memory_space<vmem>>, vector<16xi32>,
      %shift_right_arithmetic3A = arith.constant 7 : i32
      %shift_right_arithmetic3A_191 = vector.broadcast %shift_right_arithmetic3A : i32 to vector<16xi32>
      %shift_right_arithmetic3A_192 = arith.shrsi %get3A_190, %shift_right_arithmetic3A_191 : vector<16xi32>
      %shift_left3A = arith.constant 6 : i32
      %shift_left3A_193 = vector.broadcast %shift_left3A : i32 to vector<16xi32>
      %shift_left3A_194 = arith.shli %shift_right_arithmetic3A_192, %shift_left3A_193 : vector<16xi32>
      %shift_right_arithmetic3A_195 = arith.constant 4 : i32
      %shift_right_arithmetic3A_196 = vector.broadcast %shift_right_arithmetic3A_195 : i32 to vector<16xi32>
      %shift_right_arithmetic3A_197 = arith.shrsi %get3A_190, %shift_right_arithmetic3A_196 : vector<16xi32>
      %and3A = arith.constant 7 : i32
      %and3A_198 = vector.broadcast %and3A : i32 to vector<16xi32>
      %and3A_199 = arith.andi %shift_right_arithmetic3A_197, %and3A_198 : vector<16xi32>
      %add3A_200 = arith.addi %shift_left3A_194, %and3A_199 : vector<16xi32>
      %add3A_201 = arith.constant 8 : i32
      %add3A_202 = vector.broadcast %add3A_201 : i32 to vector<16xi32>
      %add3A_203 = arith.addi %add3A_200, %add3A_202 : vector<16xi32>
      %mul3A_204 = arith.constant 16 : i32
      %mul3A_205 = arith.muli %scan3A_182, %mul3A_204 : i32
      %swap3A = arith.constant 4 : i32
      %swap3A_206 = arith.index_cast %swap3A : i32 to index
      %swap3A_207 = arith.index_cast %mul3A_205 : i32 to index
      %swap3A_208 = tpu.vector_load %arg7[%swap3A_206, %swap3A_207] {strides = array<i32>} : memref<8x128xi32, #tpu.memory_space<vmem>>, vector<16xi32>,
      tpu.vector_store %arg7[%swap3A_206, %swap3A_207], %add3A_203 {strides = array<i32>} : memref<8x128xi32, #tpu.memory_space<vmem>>, vector<16xi32>,
    }
    %scan3A_97 = arith.constant 8 : i32
    %dma_start3A_98 = arith.constant 4 : i32
    %dma_start3A_99 = arith.constant 4 : i32
    %dma_start3A_100 = arith.constant 4 : i32
    %dma_start3A_101 = arith.constant 0 : i32
    %dma_start3A_102 = arith.constant 0 : i32
    %dma_start3A_103 = tpu.memref_slice %arg8[%dma_start3A_99, %dma_start3A_101, %dma_start3A_102] : memref<8x128x16xf32, #tpu.memory_space<vmem>> -> memref<1x128x16xf32, #tpu.memory_space<vmem>>
    %dma_start3A_104 = tpu.memref_squeeze %dma_start3A_103 : memref<1x128x16xf32, #tpu.memory_space<vmem>> -> memref<128x16xf32, #tpu.memory_space<vmem>>
    %dma_start3A_105 = arith.constant 0 : i32
    %dma_start3A_106 = tpu.memref_slice %arg7[%dma_start3A_98, %dma_start3A_105] : memref<8x128xi32, #tpu.memory_space<vmem>> -> memref<1x128xi32, #tpu.memory_space<vmem>>
    %dma_start3A_107 = tpu.memref_squeeze %dma_start3A_106 : memref<1x128xi32, #tpu.memory_space<vmem>> -> memref<128xi32, #tpu.memory_space<vmem>>
    %dma_start3A_108 = arith.constant 0 : i32
    %dma_start3A_109 = arith.constant 0 : i32
    %dma_start3A_110 = tpu.memref_slice %arg3[%dma_start3A_108, %dma_start3A_109] : memref<500032x16xf32, #tpu.memory_space<hbm>> -> memref<500032x16xf32, #tpu.memory_space<hbm>>
    %dma_start3A_111 = tpu.memref_slice %arg11[%dma_start3A_100] : memref<8x!tpu.dma_semaphore, #tpu.memory_space<semaphore_mem>> -> memref<1x!tpu.dma_semaphore, #tpu.memory_space<semaphore_mem>>
    %dma_start3A_112 = tpu.memref_squeeze %dma_start3A_111 : memref<1x!tpu.dma_semaphore, #tpu.memory_space<semaphore_mem>> -> memref<!tpu.dma_semaphore, #tpu.memory_space<semaphore_mem>>
    tpu.enqueue_indirect_dma source(%dma_start3A_110 : memref<500032x16xf32, #tpu.memory_space<hbm>>) target(%dma_start3A_104 : memref<128x16xf32, #tpu.memory_space<vmem>>) offsets(%dma_start3A_107 : memref<128xi32, #tpu.memory_space<vmem>>) semaphore(%dma_start3A_112 : memref<!tpu.dma_semaphore, #tpu.memory_space<semaphore_mem>>)
    %scan3A_113 = arith.constant 0 : i32
    %scan3A_114 = arith.constant 0 : i32
    %scan3A_115 = arith.constant 8 : i32
    %scan3A_116 = arith.addi %scan3A_114, %scan3A_115 : i32
    %scan3A_117 = arith.constant 1 : i32
    scf.for %scan3A_182 = %scan3A_114 to %scan3A_116 step %scan3A_117  : i32 {
      %mul3A_183 = arith.constant 16 : i32
      %mul3A_184 = arith.muli %scan3A_182, %mul3A_183 : i32
      %add3A_185 = arith.constant 128 : i32
      %add3A_186 = arith.addi %add3A_185, %mul3A_184 : i32
      %get3A_187 = arith.constant 1 : i32
      %get3A_188 = arith.index_cast %get3A_187 : i32 to index
      %get3A_189 = arith.index_cast %add3A_186 : i32 to index
      %get3A_190 = tpu.vector_load %arg6[%get3A_188, %get3A_189] {strides = array<i32>} : memref<8x512xi32, #tpu.memory_space<vmem>>, vector<16xi32>,
      %shift_right_arithmetic3A = arith.constant 7 : i32
      %shift_right_arithmetic3A_191 = vector.broadcast %shift_right_arithmetic3A : i32 to vector<16xi32>
      %shift_right_arithmetic3A_192 = arith.shrsi %get3A_190, %shift_right_arithmetic3A_191 : vector<16xi32>
      %shift_left3A = arith.constant 6 : i32
      %shift_left3A_193 = vector.broadcast %shift_left3A : i32 to vector<16xi32>
      %shift_left3A_194 = arith.shli %shift_right_arithmetic3A_192, %shift_left3A_193 : vector<16xi32>
      %shift_right_arithmetic3A_195 = arith.constant 4 : i32
      %shift_right_arithmetic3A_196 = vector.broadcast %shift_right_arithmetic3A_195 : i32 to vector<16xi32>
      %shift_right_arithmetic3A_197 = arith.shrsi %get3A_190, %shift_right_arithmetic3A_196 : vector<16xi32>
      %and3A = arith.constant 7 : i32
      %and3A_198 = vector.broadcast %and3A : i32 to vector<16xi32>
      %and3A_199 = arith.andi %shift_right_arithmetic3A_197, %and3A_198 : vector<16xi32>
      %add3A_200 = arith.addi %shift_left3A_194, %and3A_199 : vector<16xi32>
      %add3A_201 = arith.constant 8 : i32
      %add3A_202 = vector.broadcast %add3A_201 : i32 to vector<16xi32>
      %add3A_203 = arith.addi %add3A_200, %add3A_202 : vector<16xi32>
      %mul3A_204 = arith.constant 16 : i32
      %mul3A_205 = arith.muli %scan3A_182, %mul3A_204 : i32
      %swap3A = arith.constant 5 : i32
      %swap3A_206 = arith.index_cast %swap3A : i32 to index
      %swap3A_207 = arith.index_cast %mul3A_205 : i32 to index
      %swap3A_208 = tpu.vector_load %arg7[%swap3A_206, %swap3A_207] {strides = array<i32>} : memref<8x128xi32, #tpu.memory_space<vmem>>, vector<16xi32>,
      tpu.vector_store %arg7[%swap3A_206, %swap3A_207], %add3A_203 {strides = array<i32>} : memref<8x128xi32, #tpu.memory_space<vmem>>, vector<16xi32>,
    }
    %scan3A_118 = arith.constant 8 : i32
    %dma_start3A_119 = arith.constant 5 : i32
    %dma_start3A_120 = arith.constant 5 : i32
    %dma_start3A_121 = arith.constant 5 : i32
    %dma_start3A_122 = arith.constant 0 : i32
    %dma_start3A_123 = arith.constant 0 : i32
    %dma_start3A_124 = tpu.memref_slice %arg8[%dma_start3A_120, %dma_start3A_122, %dma_start3A_123] : memref<8x128x16xf32, #tpu.memory_space<vmem>> -> memref<1x128x16xf32, #tpu.memory_space<vmem>>
    %dma_start3A_125 = tpu.memref_squeeze %dma_start3A_124 : memref<1x128x16xf32, #tpu.memory_space<vmem>> -> memref<128x16xf32, #tpu.memory_space<vmem>>
    %dma_start3A_126 = arith.constant 0 : i32
    %dma_start3A_127 = tpu.memref_slice %arg7[%dma_start3A_119, %dma_start3A_126] : memref<8x128xi32, #tpu.memory_space<vmem>> -> memref<1x128xi32, #tpu.memory_space<vmem>>
    %dma_start3A_128 = tpu.memref_squeeze %dma_start3A_127 : memref<1x128xi32, #tpu.memory_space<vmem>> -> memref<128xi32, #tpu.memory_space<vmem>>
    %dma_start3A_129 = arith.constant 0 : i32
    %dma_start3A_130 = arith.constant 0 : i32
    %dma_start3A_131 = tpu.memref_slice %arg3[%dma_start3A_129, %dma_start3A_130] : memref<500032x16xf32, #tpu.memory_space<hbm>> -> memref<500032x16xf32, #tpu.memory_space<hbm>>
    %dma_start3A_132 = tpu.memref_slice %arg11[%dma_start3A_121] : memref<8x!tpu.dma_semaphore, #tpu.memory_space<semaphore_mem>> -> memref<1x!tpu.dma_semaphore, #tpu.memory_space<semaphore_mem>>
    %dma_start3A_133 = tpu.memref_squeeze %dma_start3A_132 : memref<1x!tpu.dma_semaphore, #tpu.memory_space<semaphore_mem>> -> memref<!tpu.dma_semaphore, #tpu.memory_space<semaphore_mem>>
    tpu.enqueue_indirect_dma source(%dma_start3A_131 : memref<500032x16xf32, #tpu.memory_space<hbm>>) target(%dma_start3A_125 : memref<128x16xf32, #tpu.memory_space<vmem>>) offsets(%dma_start3A_128 : memref<128xi32, #tpu.memory_space<vmem>>) semaphore(%dma_start3A_133 : memref<!tpu.dma_semaphore, #tpu.memory_space<semaphore_mem>>)
    %scan3A_134 = arith.constant 0 : i32
    %scan3A_135 = arith.constant 0 : i32
    %scan3A_136 = arith.constant 8 : i32
    %scan3A_137 = arith.addi %scan3A_135, %scan3A_136 : i32
    %scan3A_138 = arith.constant 1 : i32
    scf.for %scan3A_182 = %scan3A_135 to %scan3A_137 step %scan3A_138  : i32 {
      %mul3A_183 = arith.constant 16 : i32
      %mul3A_184 = arith.muli %scan3A_182, %mul3A_183 : i32
      %add3A_185 = arith.constant 256 : i32
      %add3A_186 = arith.addi %add3A_185, %mul3A_184 : i32
      %get3A_187 = arith.constant 1 : i32
      %get3A_188 = arith.index_cast %get3A_187 : i32 to index
      %get3A_189 = arith.index_cast %add3A_186 : i32 to index
      %get3A_190 = tpu.vector_load %arg6[%get3A_188, %get3A_189] {strides = array<i32>} : memref<8x512xi32, #tpu.memory_space<vmem>>, vector<16xi32>,
      %shift_right_arithmetic3A = arith.constant 7 : i32
      %shift_right_arithmetic3A_191 = vector.broadcast %shift_right_arithmetic3A : i32 to vector<16xi32>
      %shift_right_arithmetic3A_192 = arith.shrsi %get3A_190, %shift_right_arithmetic3A_191 : vector<16xi32>
      %shift_left3A = arith.constant 6 : i32
      %shift_left3A_193 = vector.broadcast %shift_left3A : i32 to vector<16xi32>
      %shift_left3A_194 = arith.shli %shift_right_arithmetic3A_192, %shift_left3A_193 : vector<16xi32>
      %shift_right_arithmetic3A_195 = arith.constant 4 : i32
      %shift_right_arithmetic3A_196 = vector.broadcast %shift_right_arithmetic3A_195 : i32 to vector<16xi32>
      %shift_right_arithmetic3A_197 = arith.shrsi %get3A_190, %shift_right_arithmetic3A_196 : vector<16xi32>
      %and3A = arith.constant 7 : i32
      %and3A_198 = vector.broadcast %and3A : i32 to vector<16xi32>
      %and3A_199 = arith.andi %shift_right_arithmetic3A_197, %and3A_198 : vector<16xi32>
      %add3A_200 = arith.addi %shift_left3A_194, %and3A_199 : vector<16xi32>
      %add3A_201 = arith.constant 8 : i32
      %add3A_202 = vector.broadcast %add3A_201 : i32 to vector<16xi32>
      %add3A_203 = arith.addi %add3A_200, %add3A_202 : vector<16xi32>
      %mul3A_204 = arith.constant 16 : i32
      %mul3A_205 = arith.muli %scan3A_182, %mul3A_204 : i32
      %swap3A = arith.constant 6 : i32
      %swap3A_206 = arith.index_cast %swap3A : i32 to index
      %swap3A_207 = arith.index_cast %mul3A_205 : i32 to index
      %swap3A_208 = tpu.vector_load %arg7[%swap3A_206, %swap3A_207] {strides = array<i32>} : memref<8x128xi32, #tpu.memory_space<vmem>>, vector<16xi32>,
      tpu.vector_store %arg7[%swap3A_206, %swap3A_207], %add3A_203 {strides = array<i32>} : memref<8x128xi32, #tpu.memory_space<vmem>>, vector<16xi32>,
    }
    %scan3A_139 = arith.constant 8 : i32
    %dma_start3A_140 = arith.constant 6 : i32
    %dma_start3A_141 = arith.constant 6 : i32
    %dma_start3A_142 = arith.constant 6 : i32
    %dma_start3A_143 = arith.constant 0 : i32
    %dma_start3A_144 = arith.constant 0 : i32
    %dma_start3A_145 = tpu.memref_slice %arg8[%dma_start3A_141, %dma_start3A_143, %dma_start3A_144] : memref<8x128x16xf32, #tpu.memory_space<vmem>> -> memref<1x128x16xf32, #tpu.memory_space<vmem>>
    %dma_start3A_146 = tpu.memref_squeeze %dma_start3A_145 : memref<1x128x16xf32, #tpu.memory_space<vmem>> -> memref<128x16xf32, #tpu.memory_space<vmem>>
    %dma_start3A_147 = arith.constant 0 : i32
    %dma_start3A_148 = tpu.memref_slice %arg7[%dma_start3A_140, %dma_start3A_147] : memref<8x128xi32, #tpu.memory_space<vmem>> -> memref<1x128xi32, #tpu.memory_space<vmem>>
    %dma_start3A_149 = tpu.memref_squeeze %dma_start3A_148 : memref<1x128xi32, #tpu.memory_space<vmem>> -> memref<128xi32, #tpu.memory_space<vmem>>
    %dma_start3A_150 = arith.constant 0 : i32
    %dma_start3A_151 = arith.constant 0 : i32
    %dma_start3A_152 = tpu.memref_slice %arg3[%dma_start3A_150, %dma_start3A_151] : memref<500032x16xf32, #tpu.memory_space<hbm>> -> memref<500032x16xf32, #tpu.memory_space<hbm>>
    %dma_start3A_153 = tpu.memref_slice %arg11[%dma_start3A_142] : memref<8x!tpu.dma_semaphore, #tpu.memory_space<semaphore_mem>> -> memref<1x!tpu.dma_semaphore, #tpu.memory_space<semaphore_mem>>
    %dma_start3A_154 = tpu.memref_squeeze %dma_start3A_153 : memref<1x!tpu.dma_semaphore, #tpu.memory_space<semaphore_mem>> -> memref<!tpu.dma_semaphore, #tpu.memory_space<semaphore_mem>>
    tpu.enqueue_indirect_dma source(%dma_start3A_152 : memref<500032x16xf32, #tpu.memory_space<hbm>>) target(%dma_start3A_146 : memref<128x16xf32, #tpu.memory_space<vmem>>) offsets(%dma_start3A_149 : memref<128xi32, #tpu.memory_space<vmem>>) semaphore(%dma_start3A_154 : memref<!tpu.dma_semaphore, #tpu.memory_space<semaphore_mem>>)
    %scan3A_155 = arith.constant 0 : i32
    %scan3A_156 = arith.constant 0 : i32
    %scan3A_157 = arith.constant 8 : i32
    %scan3A_158 = arith.addi %scan3A_156, %scan3A_157 : i32
    %scan3A_159 = arith.constant 1 : i32
    scf.for %scan3A_182 = %scan3A_156 to %scan3A_158 step %scan3A_159  : i32 {
      %mul3A_183 = arith.constant 16 : i32
      %mul3A_184 = arith.muli %scan3A_182, %mul3A_183 : i32
      %add3A_185 = arith.constant 384 : i32
      %add3A_186 = arith.addi %add3A_185, %mul3A_184 : i32
      %get3A_187 = arith.constant 1 : i32
      %get3A_188 = arith.index_cast %get3A_187 : i32 to index
      %get3A_189 = arith.index_cast %add3A_186 : i32 to index
      %get3A_190 = tpu.vector_load %arg6[%get3A_188, %get3A_189] {strides = array<i32>} : memref<8x512xi32, #tpu.memory_space<vmem>>, vector<16xi32>,
      %shift_right_arithmetic3A = arith.constant 7 : i32
      %shift_right_arithmetic3A_191 = vector.broadcast %shift_right_arithmetic3A : i32 to vector<16xi32>
      %shift_right_arithmetic3A_192 = arith.shrsi %get3A_190, %shift_right_arithmetic3A_191 : vector<16xi32>
      %shift_left3A = arith.constant 6 : i32
      %shift_left3A_193 = vector.broadcast %shift_left3A : i32 to vector<16xi32>
      %shift_left3A_194 = arith.shli %shift_right_arithmetic3A_192, %shift_left3A_193 : vector<16xi32>
      %shift_right_arithmetic3A_195 = arith.constant 4 : i32
      %shift_right_arithmetic3A_196 = vector.broadcast %shift_right_arithmetic3A_195 : i32 to vector<16xi32>
      %shift_right_arithmetic3A_197 = arith.shrsi %get3A_190, %shift_right_arithmetic3A_196 : vector<16xi32>
      %and3A = arith.constant 7 : i32
      %and3A_198 = vector.broadcast %and3A : i32 to vector<16xi32>
      %and3A_199 = arith.andi %shift_right_arithmetic3A_197, %and3A_198 : vector<16xi32>
      %add3A_200 = arith.addi %shift_left3A_194, %and3A_199 : vector<16xi32>
      %add3A_201 = arith.constant 8 : i32
      %add3A_202 = vector.broadcast %add3A_201 : i32 to vector<16xi32>
      %add3A_203 = arith.addi %add3A_200, %add3A_202 : vector<16xi32>
      %mul3A_204 = arith.constant 16 : i32
      %mul3A_205 = arith.muli %scan3A_182, %mul3A_204 : i32
      %swap3A = arith.constant 7 : i32
      %swap3A_206 = arith.index_cast %swap3A : i32 to index
      %swap3A_207 = arith.index_cast %mul3A_205 : i32 to index
      %swap3A_208 = tpu.vector_load %arg7[%swap3A_206, %swap3A_207] {strides = array<i32>} : memref<8x128xi32, #tpu.memory_space<vmem>>, vector<16xi32>,
      tpu.vector_store %arg7[%swap3A_206, %swap3A_207], %add3A_203 {strides = array<i32>} : memref<8x128xi32, #tpu.memory_space<vmem>>, vector<16xi32>,
    }
    %scan3A_160 = arith.constant 8 : i32
    %dma_start3A_161 = arith.constant 7 : i32
    %dma_start3A_162 = arith.constant 7 : i32
    %dma_start3A_163 = arith.constant 7 : i32
    %dma_start3A_164 = arith.constant 0 : i32
    %dma_start3A_165 = arith.constant 0 : i32
    %dma_start3A_166 = tpu.memref_slice %arg8[%dma_start3A_162, %dma_start3A_164, %dma_start3A_165] : memref<8x128x16xf32, #tpu.memory_space<vmem>> -> memref<1x128x16xf32, #tpu.memory_space<vmem>>
    %dma_start3A_167 = tpu.memref_squeeze %dma_start3A_166 : memref<1x128x16xf32, #tpu.memory_space<vmem>> -> memref<128x16xf32, #tpu.memory_space<vmem>>
    %dma_start3A_168 = arith.constant 0 : i32
    %dma_start3A_169 = tpu.memref_slice %arg7[%dma_start3A_161, %dma_start3A_168] : memref<8x128xi32, #tpu.memory_space<vmem>> -> memref<1x128xi32, #tpu.memory_space<vmem>>
    %dma_start3A_170 = tpu.memref_squeeze %dma_start3A_169 : memref<1x128xi32, #tpu.memory_space<vmem>> -> memref<128xi32, #tpu.memory_space<vmem>>
    %dma_start3A_171 = arith.constant 0 : i32
    %dma_start3A_172 = arith.constant 0 : i32
    %dma_start3A_173 = tpu.memref_slice %arg3[%dma_start3A_171, %dma_start3A_172] : memref<500032x16xf32, #tpu.memory_space<hbm>> -> memref<500032x16xf32, #tpu.memory_space<hbm>>
    %dma_start3A_174 = tpu.memref_slice %arg11[%dma_start3A_163] : memref<8x!tpu.dma_semaphore, #tpu.memory_space<semaphore_mem>> -> memref<1x!tpu.dma_semaphore, #tpu.memory_space<semaphore_mem>>
    %dma_start3A_175 = tpu.memref_squeeze %dma_start3A_174 : memref<1x!tpu.dma_semaphore, #tpu.memory_space<semaphore_mem>> -> memref<!tpu.dma_semaphore, #tpu.memory_space<semaphore_mem>>
    tpu.enqueue_indirect_dma source(%dma_start3A_173 : memref<500032x16xf32, #tpu.memory_space<hbm>>) target(%dma_start3A_167 : memref<128x16xf32, #tpu.memory_space<vmem>>) offsets(%dma_start3A_170 : memref<128xi32, #tpu.memory_space<vmem>>) semaphore(%dma_start3A_175 : memref<!tpu.dma_semaphore, #tpu.memory_space<semaphore_mem>>)
    %scan3A_176 = arith.constant 0 : i32
    %scan3A_177 = arith.constant 0 : i32
    %scan3A_178 = arith.constant 32 : i32
    %scan3A_179 = arith.addi %scan3A_177, %scan3A_178 : i32
    %scan3A_180 = arith.constant 1 : i32
    scf.for %scan3A_182 = %scan3A_177 to %scan3A_179 step %scan3A_180  : i32 {
      %jit3A = arith.constant 8 : i32
      %eq3A = arith.constant 0 : i32
      %eq3A_183 = arith.cmpi eq, %jit3A, %eq3A : i32
      %jit3A_184 = arith.constant 1 : i32
      %select_n3A = arith.select %eq3A_183, %jit3A_184, %jit3A : i32
      %rem3A = arith.remsi %scan3A_182, %select_n3A : i32
      %ne3A = arith.constant 0 : i32
      %ne3A_185 = arith.cmpi ne, %rem3A, %ne3A : i32
      %lt3A = arith.constant 0 : i32
      %lt3A_186 = arith.cmpi slt, %rem3A, %lt3A : i32
      %lt3A_187 = arith.constant 0 : i32
      %lt3A_188 = arith.cmpi slt, %select_n3A, %lt3A_187 : i32
      %ne3A_189 = arith.xori %lt3A_186, %lt3A_188 : i1
      %and3A = arith.andi %ne3A_189, %ne3A_185 : i1
      %add3A_190 = arith.addi %rem3A, %select_n3A : i32
      %select_n3A_191 = arith.select %and3A, %add3A_190, %rem3A : i32
      %jit3A_192 = arith.constant 4 : i32
      %div3A = arith.divsi %scan3A_182, %jit3A_192 : i32
      %sign3A = arith.constant 0 : i32
      %sign3A_193 = arith.cmpi sgt, %scan3A_182, %sign3A : i32
      %sign3A_194 = arith.extui %sign3A_193 : i1 to i32
      %sign3A_195 = arith.constant 0 : i32
      %sign3A_196 = arith.cmpi slt, %scan3A_182, %sign3A_195 : i32
      %sign3A_197 = arith.extui %sign3A_196 : i1 to i32
      %sign3A_198 = arith.subi %sign3A_194, %sign3A_197 : i32
      %sign3A_199 = arith.constant 0 : i32
      %sign3A_200 = arith.cmpi sgt, %jit3A_192, %sign3A_199 : i32
      %sign3A_201 = arith.extui %sign3A_200 : i1 to i32
      %sign3A_202 = arith.constant 0 : i32
      %sign3A_203 = arith.cmpi slt, %jit3A_192, %sign3A_202 : i32
      %sign3A_204 = arith.extui %sign3A_203 : i1 to i32
      %sign3A_205 = arith.subi %sign3A_201, %sign3A_204 : i32
      %ne3A_206 = arith.cmpi ne, %sign3A_198, %sign3A_205 : i32
      %rem3A_207 = arith.remsi %scan3A_182, %jit3A_192 : i32
      %ne3A_208 = arith.constant 0 : i32
      %ne3A_209 = arith.cmpi ne, %rem3A_207, %ne3A_208 : i32
      %and3A_210 = arith.andi %ne3A_206, %ne3A_209 : i1
      %sub3A = arith.constant 1 : i32
      %sub3A_211 = arith.subi %div3A, %sub3A : i32
      %select_n3A_212 = arith.select %and3A_210, %sub3A_211, %div3A : i32
      %jit3A_213 = arith.constant 4 : i32
      %eq3A_214 = arith.constant 0 : i32
      %eq3A_215 = arith.cmpi eq, %jit3A_213, %eq3A_214 : i32
      %jit3A_216 = arith.constant 1 : i32
      %select_n3A_217 = arith.select %eq3A_215, %jit3A_216, %jit3A_213 : i32
      %rem3A_218 = arith.remsi %scan3A_182, %select_n3A_217 : i32
      %ne3A_219 = arith.constant 0 : i32
      %ne3A_220 = arith.cmpi ne, %rem3A_218, %ne3A_219 : i32
      %lt3A_221 = arith.constant 0 : i32
      %lt3A_222 = arith.cmpi slt, %rem3A_218, %lt3A_221 : i32
      %lt3A_223 = arith.constant 0 : i32
      %lt3A_224 = arith.cmpi slt, %select_n3A_217, %lt3A_223 : i32
      %ne3A_225 = arith.xori %lt3A_222, %lt3A_224 : i1
      %and3A_226 = arith.andi %ne3A_225, %ne3A_220 : i1
      %add3A_227 = arith.addi %rem3A_218, %select_n3A_217 : i32
      %select_n3A_228 = arith.select %and3A_226, %add3A_227, %rem3A_218 : i32
      %dma_wait3A = arith.constant 0 : i32
      %dma_wait3A_229 = arith.constant 0 : i32
      %dma_wait3A_230 = tpu.memref_slice %arg8[%select_n3A_191, %dma_wait3A, %dma_wait3A_229] : memref<8x128x16xf32, #tpu.memory_space<vmem>> -> memref<1x128x16xf32, #tpu.memory_space<vmem>>
      %dma_wait3A_231 = tpu.memref_squeeze %dma_wait3A_230 : memref<1x128x16xf32, #tpu.memory_space<vmem>> -> memref<128x16xf32, #tpu.memory_space<vmem>>
      %dma_wait3A_232 = arith.constant 0 : i32
      %dma_wait3A_233 = arith.constant 0 : i32
      %dma_wait3A_234 = tpu.memref_slice %arg3[%dma_wait3A_232, %dma_wait3A_233] : memref<500032x16xf32, #tpu.memory_space<hbm>> -> memref<128x16xf32, #tpu.memory_space<hbm>>
      %dma_wait3A_235 = tpu.memref_slice %arg11[%select_n3A_191] : memref<8x!tpu.dma_semaphore, #tpu.memory_space<semaphore_mem>> -> memref<1x!tpu.dma_semaphore, #tpu.memory_space<semaphore_mem>>
      %dma_wait3A_236 = tpu.memref_squeeze %dma_wait3A_235 : memref<1x!tpu.dma_semaphore, #tpu.memory_space<semaphore_mem>> -> memref<!tpu.dma_semaphore, #tpu.memory_space<semaphore_mem>>
      %dma_wait3A_237 = arith.constant 0 : i32
      %dma_wait3A_238 = arith.constant 0 : i32
      %dma_wait3A_239 = tpu.memref_slice %arg8[%select_n3A_191, %dma_wait3A_237, %dma_wait3A_238] : memref<8x128x16xf32, #tpu.memory_space<vmem>> -> memref<1x128x16xf32, #tpu.memory_space<vmem>>
      %dma_wait3A_240 = tpu.memref_squeeze %dma_wait3A_239 : memref<1x128x16xf32, #tpu.memory_space<vmem>> -> memref<128x16xf32, #tpu.memory_space<vmem>>
      %dma_wait3A_241 = arith.constant 0 : i32
      %dma_wait3A_242 = arith.constant 0 : i32
      %dma_wait3A_243 = tpu.memref_slice %arg3[%dma_wait3A_241, %dma_wait3A_242] : memref<500032x16xf32, #tpu.memory_space<hbm>> -> memref<128x16xf32, #tpu.memory_space<hbm>>
      tpu.wait_dma2 semaphore(%dma_wait3A_236 : memref<!tpu.dma_semaphore, #tpu.memory_space<semaphore_mem>>) src(%dma_wait3A_243 : memref<128x16xf32, #tpu.memory_space<hbm>>) dst(%dma_wait3A_240 : memref<128x16xf32, #tpu.memory_space<vmem>>)
      %scan3A_244 = arith.constant 0 : i32
      %scan3A_245 = arith.constant 0 : i32
      %scan3A_246 = arith.constant 8 : i32
      %scan3A_247 = arith.addi %scan3A_245, %scan3A_246 : i32
      %scan3A_248 = arith.constant 1 : i32
      scf.for %scan3A_255 = %scan3A_245 to %scan3A_247 step %scan3A_248  : i32 {
        %mul3A_256 = arith.constant 128 : i32
        %mul3A_257 = arith.muli %select_n3A_228, %mul3A_256 : i32
        %mul3A_258 = arith.constant 16 : i32
        %mul3A_259 = arith.muli %scan3A_255, %mul3A_258 : i32
        %add3A_260 = arith.addi %mul3A_257, %mul3A_259 : i32
        %get3A_261 = arith.index_cast %select_n3A_212 : i32 to index
        %get3A_262 = arith.index_cast %add3A_260 : i32 to index
        %get3A_263 = tpu.vector_load %arg6[%get3A_261, %get3A_262] {strides = array<i32>} : memref<8x512xi32, #tpu.memory_space<vmem>>, vector<16xi32>,
        %mul3A_264 = arith.constant 16 : i32
        %mul3A_265 = arith.muli %scan3A_255, %mul3A_264 : i32
        %add3A_266 = vector.broadcast %mul3A_265 : i32 to vector<16xi32>
        %add3A_267 = arith.addi %iota3A, %add3A_266 : vector<16xi32>
        %and3A_268 = arith.constant 15 : i32
        %and3A_269 = vector.broadcast %and3A_268 : i32 to vector<16xi32>
        %and3A_270 = arith.andi %get3A_263, %and3A_269 : vector<16xi32>
        %gather3A = arith.constant 0 : i32
        %gather3A_271 = arith.constant 0 : i32
        %gather3A_272 = tpu.memref_slice %arg8[%select_n3A_191, %gather3A, %gather3A_271] : memref<8x128x16xf32, #tpu.memory_space<vmem>> -> memref<1x128x16xf32, #tpu.memory_space<vmem>>
        %gather3A_273 = tpu.memref_squeeze %gather3A_272 : memref<1x128x16xf32, #tpu.memory_space<vmem>> -> memref<128x16xf32, #tpu.memory_space<vmem>>
        %gather3A_274 = tpu.vector_load_idx %gather3A_273[%add3A_267, %and3A_270] : memref<128x16xf32, #tpu.memory_space<vmem>>[vector<16xi32>, vector<16xi32>], vector<16xf32>,
        %get3A_275 = arith.index_cast %add3A_260 : i32 to index
        %get3A_276 = tpu.vector_load %arg9[%get3A_275] {strides = array<i32>} : memref<512xf32, #tpu.memory_space<vmem>>, vector<16xf32>,
        %add3A_277 = arith.addf %get3A_276, %gather3A_274 : vector<16xf32>
        %swap3A = arith.index_cast %add3A_260 : i32 to index
        %swap3A_278 = tpu.vector_load %arg9[%swap3A] {strides = array<i32>} : memref<512xf32, #tpu.memory_space<vmem>>, vector<16xf32>,
        tpu.vector_store %arg9[%swap3A], %add3A_277 {strides = array<i32>} : memref<512xf32, #tpu.memory_space<vmem>>, vector<16xf32>,
      }
      %scan3A_249 = arith.constant 8 : i32
      %add3A_250 = arith.constant 8 : i32
      %add3A_251 = arith.addi %scan3A_182, %add3A_250 : i32
      %lt3A_252 = arith.constant 32 : i32
      %lt3A_253 = arith.cmpi slt, %add3A_251, %lt3A_252 : i32
      %convert_element_type3A = arith.extui %lt3A_253 : i1 to i32
      %cond3A = arith.constant 0 : i32
      %cond3A_254 = arith.cmpi ne, %convert_element_type3A, %cond3A : i32
      scf.if %cond3A_254 {
        %add3A_255 = arith.constant 8 : i32
        %add3A_256 = arith.addi %scan3A_182, %add3A_255 : i32
        %jit3A_257 = arith.constant 4 : i32
        %div3A_258 = arith.divsi %add3A_256, %jit3A_257 : i32
        %sign3A_259 = arith.constant 0 : i32
        %sign3A_260 = arith.cmpi sgt, %add3A_256, %sign3A_259 : i32
        %sign3A_261 = arith.extui %sign3A_260 : i1 to i32
        %sign3A_262 = arith.constant 0 : i32
        %sign3A_263 = arith.cmpi slt, %add3A_256, %sign3A_262 : i32
        %sign3A_264 = arith.extui %sign3A_263 : i1 to i32
        %sign3A_265 = arith.subi %sign3A_261, %sign3A_264 : i32
        %sign3A_266 = arith.constant 0 : i32
        %sign3A_267 = arith.cmpi sgt, %jit3A_257, %sign3A_266 : i32
        %sign3A_268 = arith.extui %sign3A_267 : i1 to i32
        %sign3A_269 = arith.constant 0 : i32
        %sign3A_270 = arith.cmpi slt, %jit3A_257, %sign3A_269 : i32
        %sign3A_271 = arith.extui %sign3A_270 : i1 to i32
        %sign3A_272 = arith.subi %sign3A_268, %sign3A_271 : i32
        %ne3A_273 = arith.cmpi ne, %sign3A_265, %sign3A_272 : i32
        %rem3A_274 = arith.remsi %add3A_256, %jit3A_257 : i32
        %ne3A_275 = arith.constant 0 : i32
        %ne3A_276 = arith.cmpi ne, %rem3A_274, %ne3A_275 : i32
        %and3A_277 = arith.andi %ne3A_273, %ne3A_276 : i1
        %sub3A_278 = arith.constant 1 : i32
        %sub3A_279 = arith.subi %div3A_258, %sub3A_278 : i32
        %select_n3A_280 = arith.select %and3A_277, %sub3A_279, %div3A_258 : i32
        %jit3A_281 = arith.constant 4 : i32
        %eq3A_282 = arith.constant 0 : i32
        %eq3A_283 = arith.cmpi eq, %jit3A_281, %eq3A_282 : i32
        %jit3A_284 = arith.constant 1 : i32
        %select_n3A_285 = arith.select %eq3A_283, %jit3A_284, %jit3A_281 : i32
        %rem3A_286 = arith.remsi %add3A_256, %select_n3A_285 : i32
        %ne3A_287 = arith.constant 0 : i32
        %ne3A_288 = arith.cmpi ne, %rem3A_286, %ne3A_287 : i32
        %lt3A_289 = arith.constant 0 : i32
        %lt3A_290 = arith.cmpi slt, %rem3A_286, %lt3A_289 : i32
        %lt3A_291 = arith.constant 0 : i32
        %lt3A_292 = arith.cmpi slt, %select_n3A_285, %lt3A_291 : i32
        %ne3A_293 = arith.xori %lt3A_290, %lt3A_292 : i1
        %and3A_294 = arith.andi %ne3A_293, %ne3A_288 : i1
        %add3A_295 = arith.addi %rem3A_286, %select_n3A_285 : i32
        %select_n3A_296 = arith.select %and3A_294, %add3A_295, %rem3A_286 : i32
        %jit3A_297 = arith.constant 8 : i32
        %eq3A_298 = arith.constant 0 : i32
        %eq3A_299 = arith.cmpi eq, %jit3A_297, %eq3A_298 : i32
        %jit3A_300 = arith.constant 1 : i32
        %select_n3A_301 = arith.select %eq3A_299, %jit3A_300, %jit3A_297 : i32
        %rem3A_302 = arith.remsi %add3A_256, %select_n3A_301 : i32
        %ne3A_303 = arith.constant 0 : i32
        %ne3A_304 = arith.cmpi ne, %rem3A_302, %ne3A_303 : i32
        %lt3A_305 = arith.constant 0 : i32
        %lt3A_306 = arith.cmpi slt, %rem3A_302, %lt3A_305 : i32
        %lt3A_307 = arith.constant 0 : i32
        %lt3A_308 = arith.cmpi slt, %select_n3A_301, %lt3A_307 : i32
        %ne3A_309 = arith.xori %lt3A_306, %lt3A_308 : i1
        %and3A_310 = arith.andi %ne3A_309, %ne3A_304 : i1
        %add3A_311 = arith.addi %rem3A_302, %select_n3A_301 : i32
        %select_n3A_312 = arith.select %and3A_310, %add3A_311, %rem3A_302 : i32
        %mul3A_313 = arith.constant 8 : i32
        %mul3A_314 = arith.muli %select_n3A_280, %mul3A_313 : i32
        %scan3A_315 = arith.constant 0 : i32
        %scan3A_316 = arith.constant 0 : i32
        %scan3A_317 = arith.constant 8 : i32
        %scan3A_318 = arith.addi %scan3A_316, %scan3A_317 : i32
        %scan3A_319 = arith.constant 1 : i32
        scf.for %scan3A_333 = %scan3A_316 to %scan3A_318 step %scan3A_319  : i32 {
          %mul3A_334 = arith.constant 128 : i32
          %mul3A_335 = arith.muli %select_n3A_296, %mul3A_334 : i32
          %mul3A_336 = arith.constant 16 : i32
          %mul3A_337 = arith.muli %scan3A_333, %mul3A_336 : i32
          %add3A_338 = arith.addi %mul3A_335, %mul3A_337 : i32
          %get3A_339 = arith.index_cast %select_n3A_280 : i32 to index
          %get3A_340 = arith.index_cast %add3A_338 : i32 to index
          %get3A_341 = tpu.vector_load %arg6[%get3A_339, %get3A_340] {strides = array<i32>} : memref<8x512xi32, #tpu.memory_space<vmem>>, vector<16xi32>,
          %shift_right_arithmetic3A = arith.constant 7 : i32
          %shift_right_arithmetic3A_342 = vector.broadcast %shift_right_arithmetic3A : i32 to vector<16xi32>
          %shift_right_arithmetic3A_343 = arith.shrsi %get3A_341, %shift_right_arithmetic3A_342 : vector<16xi32>
          %shift_left3A = arith.constant 6 : i32
          %shift_left3A_344 = vector.broadcast %shift_left3A : i32 to vector<16xi32>
          %shift_left3A_345 = arith.shli %shift_right_arithmetic3A_343, %shift_left3A_344 : vector<16xi32>
          %shift_right_arithmetic3A_346 = arith.constant 4 : i32
          %shift_right_arithmetic3A_347 = vector.broadcast %shift_right_arithmetic3A_346 : i32 to vector<16xi32>
          %shift_right_arithmetic3A_348 = arith.shrsi %get3A_341, %shift_right_arithmetic3A_347 : vector<16xi32>
          %and3A_349 = arith.constant 7 : i32
          %and3A_350 = vector.broadcast %and3A_349 : i32 to vector<16xi32>
          %and3A_351 = arith.andi %shift_right_arithmetic3A_348, %and3A_350 : vector<16xi32>
          %add3A_352 = arith.addi %shift_left3A_345, %and3A_351 : vector<16xi32>
          %add3A_353 = vector.broadcast %mul3A_314 : i32 to vector<16xi32>
          %add3A_354 = arith.addi %add3A_352, %add3A_353 : vector<16xi32>
          %mul3A_355 = arith.constant 16 : i32
          %mul3A_356 = arith.muli %scan3A_333, %mul3A_355 : i32
          %swap3A = arith.index_cast %select_n3A_312 : i32 to index
          %swap3A_357 = arith.index_cast %mul3A_356 : i32 to index
          %swap3A_358 = tpu.vector_load %arg7[%swap3A, %swap3A_357] {strides = array<i32>} : memref<8x128xi32, #tpu.memory_space<vmem>>, vector<16xi32>,
          tpu.vector_store %arg7[%swap3A, %swap3A_357], %add3A_354 {strides = array<i32>} : memref<8x128xi32, #tpu.memory_space<vmem>>, vector<16xi32>,
        }
        %scan3A_320 = arith.constant 8 : i32
        %dma_start3A_321 = arith.constant 0 : i32
        %dma_start3A_322 = arith.constant 0 : i32
        %dma_start3A_323 = tpu.memref_slice %arg8[%select_n3A_312, %dma_start3A_321, %dma_start3A_322] : memref<8x128x16xf32, #tpu.memory_space<vmem>> -> memref<1x128x16xf32, #tpu.memory_space<vmem>>
        %dma_start3A_324 = tpu.memref_squeeze %dma_start3A_323 : memref<1x128x16xf32, #tpu.memory_space<vmem>> -> memref<128x16xf32, #tpu.memory_space<vmem>>
        %dma_start3A_325 = arith.constant 0 : i32
        %dma_start3A_326 = tpu.memref_slice %arg7[%select_n3A_312, %dma_start3A_325] : memref<8x128xi32, #tpu.memory_space<vmem>> -> memref<1x128xi32, #tpu.memory_space<vmem>>
        %dma_start3A_327 = tpu.memref_squeeze %dma_start3A_326 : memref<1x128xi32, #tpu.memory_space<vmem>> -> memref<128xi32, #tpu.memory_space<vmem>>
        %dma_start3A_328 = arith.constant 0 : i32
        %dma_start3A_329 = arith.constant 0 : i32
        %dma_start3A_330 = tpu.memref_slice %arg3[%dma_start3A_328, %dma_start3A_329] : memref<500032x16xf32, #tpu.memory_space<hbm>> -> memref<500032x16xf32, #tpu.memory_space<hbm>>
        %dma_start3A_331 = tpu.memref_slice %arg11[%select_n3A_312] : memref<8x!tpu.dma_semaphore, #tpu.memory_space<semaphore_mem>> -> memref<1x!tpu.dma_semaphore, #tpu.memory_space<semaphore_mem>>
        %dma_start3A_332 = tpu.memref_squeeze %dma_start3A_331 : memref<1x!tpu.dma_semaphore, #tpu.memory_space<semaphore_mem>> -> memref<!tpu.dma_semaphore, #tpu.memory_space<semaphore_mem>>
        tpu.enqueue_indirect_dma source(%dma_start3A_330 : memref<500032x16xf32, #tpu.memory_space<hbm>>) target(%dma_start3A_324 : memref<128x16xf32, #tpu.memory_space<vmem>>) offsets(%dma_start3A_327 : memref<128xi32, #tpu.memory_space<vmem>>) semaphore(%dma_start3A_332 : memref<!tpu.dma_semaphore, #tpu.memory_space<semaphore_mem>>)
      } else {
      }
    }
    %scan3A_181 = arith.constant 32 : i32
    "tpu.region"() ({
      %run_scoped3A = tpu.sem_alloc : memref<!tpu.dma_semaphore, #tpu.memory_space<semaphore_mem>>
      %dma_start3A_182 = tpu.memref_slice %arg5[%mul3A_2] : memref<16384xf32, #tpu.memory_space<hbm>> -> memref<512xf32, #tpu.memory_space<hbm>>
      %dma_start3A_183 = tpu.memref_slice %arg5[%mul3A_2] : memref<16384xf32, #tpu.memory_space<hbm>> -> memref<512xf32, #tpu.memory_space<hbm>>
      tpu.enqueue_dma source(%arg9 : memref<512xf32, #tpu.memory_space<vmem>>) target(%dma_start3A_183 : memref<512xf32, #tpu.memory_space<hbm>>) target_semaphore(%run_scoped3A : memref<!tpu.dma_semaphore, #tpu.memory_space<semaphore_mem>>)
      %dma_wait3A = tpu.memref_slice %arg5[%mul3A_2] : memref<16384xf32, #tpu.memory_space<hbm>> -> memref<512xf32, #tpu.memory_space<hbm>>
      %dma_wait3A_184 = tpu.memref_slice %arg5[%mul3A_2] : memref<16384xf32, #tpu.memory_space<hbm>> -> memref<512xf32, #tpu.memory_space<hbm>>
      tpu.wait_dma2 semaphore(%run_scoped3A : memref<!tpu.dma_semaphore, #tpu.memory_space<semaphore_mem>>) src(%arg9 : memref<512xf32, #tpu.memory_space<vmem>>) dst(%dma_wait3A_184 : memref<512xf32, #tpu.memory_space<hbm>>)
      tpu.yield
    }) : () -> ()
    return
  }
}

</mosaic_0001>

<sc_bundles>
// kernel: lookup_sum_f0_8.3.cloned.1.call-start
scs
__scs_entry_jumppad:
0x0: {  	(pc) =	sbr.rel $0x88, $3  }
0x1: {  	(tag) =	ssettag $0x0;
	lr =	simm.s32 $0x1  }
0x2: {  	[smem:$0x3F9E] =	sst lr;
	_ =	strace $0xD0000000  }
0x3: {  	_ = 	snop  }
0x4: {  	_ = 	snop  }
0x5: {  	_ = 	snop  }
0x6: {  	_ = 	snop  }
0x7: {  	_ = 	snop  }
__scs_overlays_trampoline_lowered:
0x8: {  	[smem:$0x3FAD] =	sst s0  }
0x9: {  	[smem:$0x3FAE] =	sst s1  }
0xa: {  	[smem:$0x3FAF] =	sst s2  }
0xb: {  	[smem:$0x3FB0] =	sst s3  }
0xc: {  	[smem:$0x3FB1] =	sst s4  }
0xd: {  	[smem:$0x3FB2] =	sst s5  }
0xe: {  	[smem:$0x3FB3] =	sst s6  }
0xf: {  	[smem:$0x3FB4] =	sst s7  }
0x10: {  	[smem:$0x3FB5] =	sst s8  }
0x11: {  	[smem:$0x3FB6] =	sst s9;
	s0 =	simm.s32 @!p0 $0x0  }
0x12: {  	s1 =	sld [smem:$0x3F9C];
	s0 =	simm.s32 @p0 $0x1  }
0x13: {  	[smem:$0x3FB7] =	sst s0;
	s0 =	simm.s32 @!p1 $0x0  }
0x14: {  	s2 =	sld [smem:$0x3F9B];
	s0 =	simm.s32 @p1 $0x1  }
0x15: {  	[smem:$0x3FB8] =	sst s0;
	s0 =	simm.s32 @!p2 $0x0  }
0x16: {  	s3 =	sld [smem:$0x3FDB];
	s0 =	simm.s32 @p2 $0x1  }
0x17: {  	s4 =	simm.s32 $0x1BF5;
	[smem:$0x3FBA] =	sst s0  }
0x18: {  	s0 =	sld [smem:$0x3F9D];
	_ =	swait.ge [sflag:s4], $0x0  }
0x19: {  	s7 =	sld [smem:$0x3F9E]  }
0x1a: {  	s8 =	sadd.s32 $0xFFFFE003, lr  }
0x1b: {  	s9 =	sadd.s32 $0xFFFFFEF7, lr;
	s5 =	simm.s32 $0xFFFFFFFF;
	p2 =	slt.u32 s8, $0xFFFFF086  }
0x1c: {  	p1 =	slt.u32 s9, $0xF7A;
	s5 =	simm.s32 @!p2 $0x0  }
0x1d: {  	s5 =	simm.s32 @p1 $0x1;
	p0 =	seq.s32 s7, s2  }
0x1e: {  	s7 =	smul.u32 @!p0 $0xF7A, s2;
	p2 =	seq.s32 @!p0 s5, $0x0  }
0x1f: {  	s9 =	smul.u32 $0xF7A, s1;
	s8 =	simm.s32 @!p0 $0x1BF5;
	p2 =	por !p2, p0  }
0x20: {  	[sflag:s8] =	ssyncset.s32 @!p0 $0xFFFFF086;
	s6 =	sadd.s32 @!p0 s3, s7;
	s7 =	simm.s32 @!p0 $0x108  }
0x21: {  	s3 =	sadd.s32 s3, s9;
	s6 =	sadd.s32 @!p0 $0x88, s6;
	s7 =	simm.s32 @p2 $0x1082  }
0x22: {  	[simem:s7], [sflag:s8] =	dma.local @!p0 [hbm:s6], $0xF7A  }
0x23: {  	s9 =	sor.u32 $0xD0000000, s2;
	s6 =	simm.s32 $0x108;
	_ =	swait.ge @!p0 [sflag:s8], $0x0  }
0x24: {  	s3 =	sadd.s32 $0x88, s3;
	s6 =	simm.s32 @!p1 $0x1082;
	[sflag:s4] =	ssyncset.s32 $0xFFFFF086  }
0x25: {  	[simem:s6], [sflag:s4] =	dma.local [hbm:s3], $0xF7A  }
0x26: {  	[smem:$0x3F9E] =	sst s1;
	(tag) =	ssettag s2;
	_ =	strace s9  }
0x27: {  	s1 =	sld [smem:$0x3FAE]  }
0x28: {  	s2 =	sld [smem:$0x3FAF]  }
0x29: {  	s4 =	sld [smem:$0x3FB1]  }
0x2a: {  	p0 =	seq.s32 s5, $0x0;
	s5 =	sld [smem:$0x3FB2]  }
0x2b: {  	s6 =	sld [smem:$0x3FB3]  }
0x2c: {  	s7 =	sld [smem:$0x3FB4]  }
0x2d: {  	s3 =	simm.s32 $0x108;
	s8 =	sld [smem:$0x3FB5]  }
0x2e: {  	s3 =	simm.s32 @!p0 $0x1082;
	s9 =	sld [smem:$0x3FB6]  }
0x2f: {  	lr =	sadd.s32 s0, s3;
	s0 =	sld [smem:$0x3FAD]  }
0x30: {  	s3 =	sld [smem:$0x3FB0]  }
0x31: {  	[smem:$0x3FB9] =	sst s10  }
0x32: {  	s10 =	sld [smem:$0x3FB7];
	_ =	sdelay $0x3  }
0x33: {  	p0 =	seq.s32 s10, $0x1;
	s10 =	sld [smem:$0x3FB9];
	_ =	sdelay $0x3  }
0x34: {  	[smem:$0x3FB9] =	sst s10  }
0x35: {  	s10 =	sld [smem:$0x3FB8];
	_ =	sdelay $0x3  }
0x36: {  	p1 =	seq.s32 s10, $0x1;
	s10 =	sld [smem:$0x3FB9];
	_ =	sdelay $0x3  }
0x37: {  	[smem:$0x3FB9] =	sst s10  }
0x38: {  	s10 =	sld [smem:$0x3FBA]  }
0x39: {  	_ = 	snop;
	(pc) =	sbr.ind lr, $3  }
0x3a: {  	_ = 	snop  }
0x3b: {  	_ = 	snop  }
0x3c: {  	p2 =	seq.s32 s10, $0x1;
	s10 =	sld [smem:$0x3FB9]  }
0x3d: {  	_ =	shalt  }
0x3e: {  	_ =	shalt  }
0x3f: {  	_ =	shalt  }
0x40: {  	_ =	shalt  }
0x41: {  	_ =	shalt  }
0x42: {  	_ =	shalt  }
0x43: {  	_ =	shalt  }
0x44: {  	_ =	shalt  }
0x45: {  	_ =	shalt  }
0x46: {  	_ =	shalt  }
0x47: {  	_ =	shalt  }
0x48: {  	_ =	shalt  }
0x49: {  	_ =	shalt  }
0x4a: {  	_ =	shalt  }
0x4b: {  	_ =	shalt  }
0x4c: {  	_ =	shalt  }
0x4d: {  	_ =	shalt  }
0x4e: {  	_ =	shalt  }
0x4f: {  	_ =	shalt  }
0x50: {  	_ =	shalt  }
0x51: {  	_ =	shalt  }
0x52: {  	_ =	shalt  }
0x53: {  	_ =	shalt  }
0x54: {  	_ =	shalt  }
0x55: {  	_ =	shalt  }
0x56: {  	_ =	shalt  }
0x57: {  	_ =	shalt  }
0x58: {  	_ =	shalt  }
0x59: {  	_ =	shalt  }
0x5a: {  	_ =	shalt  }
0x5b: {  	_ =	shalt  }
0x5c: {  	_ =	shalt  }
0x5d: {  	_ =	shalt  }
0x5e: {  	_ =	shalt  }
0x5f: {  	_ =	shalt  }
0x60: {  	_ =	shalt  }
0x61: {  	_ =	shalt  }
0x62: {  	_ =	shalt  }
0x63: {  	_ =	shalt  }
0x64: {  	_ =	shalt  }
0x65: {  	_ =	shalt  }
0x66: {  	_ =	shalt  }
0x67: {  	_ =	shalt  }
0x68: {  	_ =	shalt  }
0x69: {  	_ =	shalt  }
0x6a: {  	_ =	shalt  }
0x6b: {  	_ =	shalt  }
0x6c: {  	_ =	shalt  }
0x6d: {  	_ =	shalt  }
0x6e: {  	_ =	shalt  }
0x6f: {  	_ =	shalt  }
0x70: {  	_ =	shalt  }
0x71: {  	_ =	shalt  }
0x72: {  	_ =	shalt  }
0x73: {  	_ =	shalt  }
0x74: {  	_ =	shalt  }
0x75: {  	_ =	shalt  }
0x76: {  	_ =	shalt  }
0x77: {  	_ =	shalt  }
0x78: {  	_ =	shalt  }
0x79: {  	_ =	shalt  }
0x7a: {  	_ =	shalt  }
0x7b: {  	_ =	shalt  }
0x7c: {  	_ =	shalt  }
0x7d: {  	_ =	shalt  }
0x7e: {  	_ =	shalt  }
0x7f: {  	_ =	shalt  }
0x80: {  	_ =	shalt  }
0x81: {  	_ =	shalt  }
0x82: {  	_ =	shalt  }
0x83: {  	_ =	shalt  }
0x84: {  	_ =	shalt  }
0x85: {  	_ =	shalt  }
0x86: {  	_ =	shalt  }
0x87: {  	_ =	shalt  }
.Lfunc_end0:
.L_simem_size_0:
called_computation_lowered:
.L_overlay_start_0:
0x88: {  	s2 =	sld [smem:$0x3FD9]  }
0x89: {  	s3 =	sld [smem:$0x3FFE];
	_ =	sdelay $0x1  }
0x8a: {  	s1 =	srdreg.scid  }
0x8b: {  	s0 =	sand.u32 $0x1, s1  }
0x8c: {  	s17 =	sshll.u32 s0, $0xA;
	s2 =	sadd.s32 s3, s2  }
0x8d: {  	s2 =	sadd.s32 s2, s17  }
0x8e: {  	[smem:$0x3FC5] =	sst s2  }
0x8f: {  	_ = 	snop  }
0x90: {  	s2 =	sld [smem:$0x3FC7];
	(tm) =	ssettm $0x1  }
0x91: {  	s18 =	sld [smem:$0x3FFB];
	_ =	sdelay $0x3  }
0x92: {  	_ =	strace s18  }
0x93: {  	s3 =	sld [smem:$0x3FFC];
	_ =	sdelay $0x3  }
0x94: {  	_ =	strace s3  }
0x95: {  	s3 =	sld [smem:$0x3FFD];
	_ =	sdelay $0x3  }
0x96: {  	_ =	strace s3  }
0x97: {  	_ =	strace $0x8FFFFFFF  }
0x98: {  	s19 =	sld [smem:$0x3FDB];
	_ =	sdelay $0x1  }
0x99: {  	s4 =	simm.s32 $_scs_section_size  }
0x9a: {  	s5 =	simm.s32 $_size__tile_overlayer_lowered;
	s6 =	simm.s32 $_tile_overlayer_lowered  }
0x9b: {  	s22 =	simm.s32 $0x1BFF;
	s21 =	sshll.u32 s6, $0x1;
	s3 =	sadd.s32 s4, s19  }
0x9c: {  	s7 =	simm.s32 $0x0;
	s20 =	sshll.u32 s5, $0x1;
	s5 =	sadd.s32 s21, s3  }
0x9d: {  	[timem:s7], [sflag:s22] =	dma.local [hbm:s5], s20  }
0x9e: {  	_ =	swait.ge [sflag:s22], s20  }
0x9f: {  	s4 =	ssub.s32 $0x0, s20;
	[sflag:s22] =	ssyncset.done $0x0  }
0xa0: {  	[sflag:s22] =	ssyncadd.s32 s4;
	_ =	sdelay $0x1  }
0xa1: {  	s23 =	simm.s32 $0x1B8B  }
0xa2: {  	_ =	swait.ge [sflag:s23], $0x1  }
0xa3: {  	[sflag:s23] =	ssyncset.done $0x0  }
0xa4: {  	s25 =	simm.s32 $0x1B8E;
	s24 =	sld [smem:$0x3FFE];
	[sflag:s23] =	ssyncadd.s32 $0xFFFFFFFF  }
0xa5: {  	s26 =	simm.s32 $execute0_lowered;
	[smem:$0x3FD2] =	sst s25  }
0xa6: {  	s5 =	sshll.u32 s26, $0x1;
	_ =	strace $0x80000046;
	[dreg:$0x1] =	wrdreg $0xFFFFFFFF  }
0xa7: {  	s28 =	simm.s32 $_size_execute0_lowered;
	s3 =	sadd.s32 s3, s5;
	[dreg:$0x0] =	wrdreg $0x0  }
0xa8: {  	s5 =	sshll.u32 s28, $0x1;
	[dreg:$0x2] =	wrdreg s3  }
0xa9: {  	[dreg:$0x3] =	wrdreg s5  }
0xaa: {  	[dreg:$0x4] =	wrdreg $0xC0  }
0xab: {  	_ =	task [dreg:s7], $0x5FFFF  }
0xac: {  	[dreg:$0x1] =	wrdreg $0xFFFFFFFF  }
0xad: {  	[dreg:$0x0] =	wrdreg $0x60  }
0xae: {  	[dreg:$0x2] =	wrdreg s24  }
0xaf: {  	[dreg:$0x3] =	wrdreg s2  }
0xb0: {  	[dreg:$0x4] =	wrdreg $0x9  }
0xb1: {  	_ =	task.clear_ibuf [dreg:s7], $0x5FFFF;
	_ =	strace $0x90000046  }
0xb2: {  	s29 =	simm.s32 $0x9;
	_ =	strace $0x80000048  }
0xb3: {  	_ =	swait.ge [sflag:s29], $0x1  }
0xb4: {  	[sflag:s29] =	ssyncadd.s32 $0xFFFFFFFF  }
0xb5: {  	_ =	strace $0x90000048  }
0xb6: {  	_ =	sfence  }
0xb7: {  	s30 =	sld [smem:$0x0];
	_ =	sdelay $0x2  }
0xb8: {  	s31 =	sshll.u32 s1, $0xD;
	s1 =	sshrl.u32 s1, $0x2  }
0xb9: {  	s3 =	sand.u32 $0x4000, s31;
	s1 =	sadd.s32 s1, s30  }
0xba: {  	s0 =	sor.u32 s3, s0;
	s1 =	sshll.u32 s1, $0x11  }
0xbb: {  	s0 =	sor.u32 s1, s0  }
0xbc: {  	s0 =	sadd.s32 $0x8F2B, s0  }
0xbd: {  	[sflag:s0] =	ssyncadd.remote.s32 $0x1  }
0xbe: {  	_ =	sfence.sel $0xFFFF  }
0xbf: {  	[dreg:$0x0] =	wrdreg $0xFFFFFFFF;
	(pc) =	sbr.abs _section_cstart, $3  }
0xc0: {  	[dreg:$0x1] =	wrdreg $0xFFFFFFFF  }
0xc1: {  	_ =	task.clear_ibuf [dreg:s7], $0x2FFFF;
	_ =	strace $0x9FFFFFFF  }
0xc2: {  	(tm) =	ssettm $0x7FFFFFFF  }
0xc3: {  	_ =	shalt  }
tec
execute0_lowered:
.L_overlay_start_1:
0x0: {  	(tag) =	ssettag $0x1  }
0x1: {  	s0 =	rddreg [dreg:$0x0]  }
0x2: {  	s1 =	srdreg.scid;
	s3 =	simm.s32 $0x0;
	s2 =	stileid.u32  }
0x3: {  	s10 =	simm.s32 $0x9;
	s12 =	simm.s32 $0x80;
	s18 =	simm.s32 $0x2400  }
0x4: {  	s19 =	simm.s32 $0x1180;
	s20 =	simm.s32 $0x2C00;
	s21 =	simm.s32 $0x1200  }
0x5: {  	s22 =	simm.s32 $0x3400;
	s23 =	simm.s32 $0x1280;
	s24 =	simm.s32 $0x3C00  }
0x6: {  	s25 =	simm.s32 $0x1300;
	s28 =	simm.s32 $0x1380;
	s29 =	simm.s32 $0x4C00  }
0x7: {  	s30 =	simm.s32 $0x5400;
	s31 =	simm.s32 $0x0;
	s1 =	sand.u32 $0x1, s1  }
.Ltmp0:
0x8: {  	[smem:$0x7FF] =	sst s3;
	s2 =	sshll.u32 s2, $0x7;
	(pc) =	sbr.rel .LBB2_1-.Ltmp0, $4  }
0x9: {  	s4 =	sshll.u32 s1, $0x6;
	_ =	strace $0x80000047;
	s1 =	ssub.s32 $0x2, s1  }
0xa: {  	s2 =	sor.u32 s4, s2;
	s4 =	sadd.s32 $0xE000, s0;
	s26 =	sshrl.u32 s1, $0x1  }
0xb: {  	v0 =	vlaneseq.u32;
	s0 =	sadd.s32 s2, s0;
	s1 =	ssub.s32 s1, s26;
	s26 =	simm.s32 $0x4400  }
0xc: {  	v0 =	vmul.u32 $0x10, v0;
	s5 =	sadd.s32 $0x1000, s0;
	s6 =	sadd.s32 $0x102400, s0;
	s7 =	smax.u32 s1, $0x1  }
.LBB2_7:
0xd: {  	s31 =	sadd.s32 $0x1, s31  }
0xe: {  	p0 =	sne.s32 s31, s7  }
.Ltmp1:
0xf: {  	_ = 	snop;
	(pc) =	sbr.rel @!p0 .LBB2_8-.Ltmp1, $4  }
0x10: {  	[hbm4b:s6+s3] =	stream.linear.scatter [tilespmem:s30], [sflag:$0x9], $0x200, $0x38;
	[tilespmem:$0x5610] =	vst v63  }
0x11: {  	_ =	swait.ge [sflag:s10], $0x200  }
0x12: {  	[sflag:s10] =	ssyncset.done $0x0  }
0x13: {  	[sflag:s10] =	ssyncadd.s32 $0xFFFFFE00  }
.LBB2_1:
0x14: {  	s0 =	simm.s32 $0x200;
	s1 =	simm.s32 $0x4000  }
0x15: {  	[tilespmem:s3], [sflag:$0x9] =	stream.strided.gather [hbm4b:s5+s0], $0x1000, s1, s0, $0x38;
	[tilespmem:$0x5610] =	vst v63  }
0x16: {  	_ =	swait.ge [sflag:s10], $0x1000  }
0x17: {  	[sflag:s10] =	ssyncset.done $0x0  }
0x18: {  	[sflag:s10] =	ssyncadd.s32 $0xFFFFF000  }
0x19: {  	s11 =	simm.s32 $0x5600;
	s9 =	rddreg [dreg:$0x1]  }
0x1a: {  	[tilespmem:s11], [sflag:$0x9] =	stream.linear.gather [hbm4b:s9+s3], $0x10, $0x38;
	[tilespmem:$0x5610] =	vst v63  }
0x1b: {  	_ =	swait.ge [sflag:s10], $0x10  }
0x1c: {  	[sflag:s10] =	ssyncset.done $0x0  }
0x1d: {  	[sflag:s10] =	ssyncadd.s32 $0xFFFFFFF0  }
0x1e: {  	v1 =	vld [tilespmem:$0x5600];
	_ =	sdelay $0x4  }
0x1f: {  	[tilespmem:$0x5400] =	vst v1  }
0x20: {  	[tilespmem:$0x5410] =	vst v1  }
0x21: {  	[tilespmem:$0x5420] =	vst v1  }
0x22: {  	[tilespmem:$0x5430] =	vst v1  }
0x23: {  	[tilespmem:$0x5440] =	vst v1  }
0x24: {  	[tilespmem:$0x5450] =	vst v1  }
0x25: {  	[tilespmem:$0x5460] =	vst v1  }
0x26: {  	[tilespmem:$0x5470] =	vst v1  }
0x27: {  	[tilespmem:$0x5480] =	vst v1  }
0x28: {  	[tilespmem:$0x5490] =	vst v1  }
0x29: {  	[tilespmem:$0x54A0] =	vst v1  }
0x2a: {  	[tilespmem:$0x54B0] =	vst v1  }
0x2b: {  	[tilespmem:$0x54C0] =	vst v1  }
0x2c: {  	[tilespmem:$0x54D0] =	vst v1  }
0x2d: {  	[tilespmem:$0x54E0] =	vst v1  }
0x2e: {  	[tilespmem:$0x54F0] =	vst v1  }
0x2f: {  	[tilespmem:$0x5500] =	vst v1  }
0x30: {  	v2 =	vld [tilespmem:$0x0];
	[tilespmem:$0x5510] =	vst v1  }
0x31: {  	v3 =	vld [tilespmem:$0x10];
	[tilespmem:$0x5520] =	vst v1  }
0x32: {  	v4 =	vld [tilespmem:$0x20];
	[tilespmem:$0x5530] =	vst v1  }
0x33: {  	v6 =	vld [tilespmem:$0x30];
	[tilespmem:$0x5540] =	vst v1  }
0x34: {  	v8 =	vld [tilespmem:$0x40];
	[tilespmem:$0x5550] =	vst v1  }
0x35: {  	v14 =	vld [tilespmem:$0x50];
	[tilespmem:$0x5560] =	vst v1  }
0x36: {  	v10 =	vld [tilespmem:$0x60];
	[tilespmem:$0x5570] =	vst v1  }
0x37: {  	v17 =	vld [tilespmem:$0x70];
	[tilespmem:$0x5580] =	vst v1  }
0x38: {  	v5 =	vshra.s32 v2, $0x1;
	[tilespmem:$0x5590] =	vst v1;
	v2 =	vshrl.u32 v2, $0x4;
	v7 =	vshra.s32 v3, $0x1  }
0x39: {  	[tilespmem:$0x55A0] =	vst v1;
	v3 =	vshrl.u32 v3, $0x4;
	v13 =	vshra.s32 v4, $0x1;
	v4 =	vshrl.u32 v4, $0x4  }
0x3a: {  	[tilespmem:$0x55B0] =	vst v1;
	v9 =	vshra.s32 v6, $0x1;
	v6 =	vshrl.u32 v6, $0x4;
	v16 =	vshra.s32 v8, $0x1  }
0x3b: {  	[tilespmem:$0x55C0] =	vst v1;
	v8 =	vshrl.u32 v8, $0x4;
	v19 =	vshrl.u32 v14, $0x4;
	v21 =	vshra.s32 v10, $0x1  }
0x3c: {  	[tilespmem:$0x55D0] =	vst v1;
	v22 =	vshrl.u32 v10, $0x4;
	v23 =	vshra.s32 v17, $0x1;
	v24 =	vshrl.u32 v17, $0x4  }
0x3d: {  	[tilespmem:$0x55E0] =	vst v1;
	v5 =	vand.u32 $0xFFFFFFC0, v5;
	v2 =	vand.u32 $0x7, v2;
	v12 =	vand.u32 $0xFFFFFFC0, v7  }
0x3e: {  	[tilespmem:$0x55F0] =	vst v1;
	v3 =	vand.u32 $0x7, v3;
	v4 =	vand.u32 $0x7, v4;
	v2 =	vor.u32 v2, v5  }
0x3f: {  	v15 =	vand.u32 $0xFFFFFFC0, v9;
	v1 =	vand.u32 $0x7, v6;
	v3 =	vor.u32 v3, v12;
	[tilespmem:$0x1000] =	vst v2  }
0x40: {  	v18 =	vand.u32 $0x7, v8;
	v5 =	vand.u32 $0xFFFFFFC0, v13;
	v1 =	vor.u32 v1, v15;
	[tilespmem:$0x1010] =	vst v3  }
0x41: {  	v4 =	vor.u32 v4, v5;
	v2 =	vand.u32 $0xFFFFFFC0, v16;
	v3 =	vshra.s32 v14, $0x1;
	[tilespmem:$0x1030] =	vst v1  }
0x42: {  	v20 =	vand.u32 $0x7, v19;
	v2 =	vor.u32 v18, v2;
	[tilespmem:$0x1020] =	vst v4;
	v3 =	vand.u32 $0xFFFFFFC0, v3  }
0x43: {  	v1 =	vor.u32 v20, v3;
	v3 =	vand.u32 $0xFFFFFFC0, v21;
	[tilespmem:$0x1040] =	vst v2;
	v2 =	vand.u32 $0x7, v22  }
0x44: {  	[tilespmem:$0x1050] =	vst v1;
	v1 =	vor.u32 v2, v3;
	v2 =	vand.u32 $0xFFFFFFC0, v23;
	v3 =	vand.u32 $0x7, v24  }
0x45: {  	[tilespmem:$0x1060] =	vst v1;
	v1 =	vor.u32 v3, v2  }
0x46: {  	s13 =	simm.s32 $0x1000;
	s14 =	simm.s32 $0x1400;
	[tilespmem:$0x1070] =	vst v1  }
0x47: {  	[tilespmem:s14], [sflag:$0x1] =	stream.indirect.gather [hbm4b:s4+s12], $0x10, s13, s12, $0xb8;
	[tilespmem:$0x5610] =	vst v63  }
0x48: {  	v1 =	vld [tilespmem:$0x80]  }
0x49: {  	v2 =	vld [tilespmem:$0x90]  }
0x4a: {  	v3 =	vld [tilespmem:$0xA0]  }
0x4b: {  	v26 =	vld [tilespmem:$0xB0]  }
0x4c: {  	v28 =	vld [tilespmem:$0xC0]  }
0x4d: {  	v31 =	vld [tilespmem:$0xD0]  }
0x4e: {  	v33 =	vld [tilespmem:$0xE0]  }
0x4f: {  	v36 =	vld [tilespmem:$0xF0]  }
0x50: {  	v25 =	vshra.s32 v1, $0x1;
	v1 =	vshrl.u32 v1, $0x4;
	v27 =	vshra.s32 v2, $0x1  }
0x51: {  	v2 =	vshrl.u32 v2, $0x4;
	v30 =	vshra.s32 v3, $0x1;
	v3 =	vshrl.u32 v3, $0x4  }
0x52: {  	v32 =	vshra.s32 v26, $0x1;
	v5 =	vshrl.u32 v26, $0x4;
	v35 =	vshra.s32 v28, $0x1  }
0x53: {  	v7 =	vshrl.u32 v28, $0x4;
	v39 =	vshra.s32 v31, $0x1;
	v40 =	vshrl.u32 v31, $0x4  }
0x54: {  	v42 =	vshra.s32 v33, $0x1;
	v43 =	vshrl.u32 v33, $0x4;
	v44 =	vshra.s32 v36, $0x1  }
0x55: {  	v45 =	vshrl.u32 v36, $0x4;
	v4 =	vand.u32 $0xFFFFFFC0, v25;
	v1 =	vand.u32 $0x7, v1  }
0x56: {  	v29 =	vand.u32 $0xFFFFFFC0, v27;
	v2 =	vand.u32 $0x7, v2;
	v1 =	vor.u32 v1, v4  }
0x57: {  	v3 =	vand.u32 $0x7, v3;
	v2 =	vor.u32 v2, v29;
	v4 =	vand.u32 $0xFFFFFFC0, v30;
	[tilespmem:$0x1080] =	vst v1  }
0x58: {  	v34 =	vand.u32 $0xFFFFFFC0, v32;
	v5 =	vand.u32 $0x7, v5;
	v3 =	vor.u32 v3, v4;
	[tilespmem:$0x1090] =	vst v2  }
0x59: {  	v37 =	vand.u32 $0xFFFFFFC0, v35;
	v38 =	vand.u32 $0x7, v7;
	v1 =	vor.u32 v5, v34;
	[tilespmem:$0x10A0] =	vst v3  }
0x5a: {  	v41 =	vand.u32 $0x7, v40;
	v2 =	vor.u32 v38, v37;
	v3 =	vand.u32 $0xFFFFFFC0, v39;
	[tilespmem:$0x10B0] =	vst v1  }
0x5b: {  	[tilespmem:$0x10C0] =	vst v2;
	v2 =	vand.u32 $0x7, v43;
	v1 =	vor.u32 v41, v3;
	v3 =	vand.u32 $0xFFFFFFC0, v42  }
0x5c: {  	[tilespmem:$0x10D0] =	vst v1;
	v1 =	vor.u32 v2, v3;
	v2 =	vand.u32 $0xFFFFFFC0, v44;
	v3 =	vand.u32 $0x7, v45  }
0x5d: {  	[tilespmem:$0x10E0] =	vst v1;
	v1 =	vor.u32 v3, v2  }
0x5e: {  	s15 =	simm.s32 $0x1080;
	s16 =	simm.s32 $0x1C00;
	[tilespmem:$0x10F0] =	vst v1  }
0x5f: {  	[tilespmem:s16], [sflag:$0x2] =	stream.indirect.gather [hbm4b:s4+s12], $0x10, s15, s12, $0xb8;
	[tilespmem:$0x5610] =	vst v63  }
0x60: {  	v1 =	vld [tilespmem:$0x100]  }
0x61: {  	v2 =	vld [tilespmem:$0x110]  }
0x62: {  	v3 =	vld [tilespmem:$0x120]  }
0x63: {  	v47 =	vld [tilespmem:$0x130]  }
0x64: {  	v49 =	vld [tilespmem:$0x140]  }
0x65: {  	v52 =	vld [tilespmem:$0x150]  }
0x66: {  	v54 =	vld [tilespmem:$0x160]  }
0x67: {  	v57 =	vld [tilespmem:$0x170]  }
0x68: {  	v46 =	vshra.s32 v1, $0x1;
	v1 =	vshrl.u32 v1, $0x4;
	v48 =	vshra.s32 v2, $0x1  }
0x69: {  	v2 =	vshrl.u32 v2, $0x4;
	v51 =	vshra.s32 v3, $0x1;
	v3 =	vshrl.u32 v3, $0x4  }
0x6a: {  	v53 =	vshra.s32 v47, $0x1;
	v5 =	vshrl.u32 v47, $0x4;
	v56 =	vshra.s32 v49, $0x1  }
0x6b: {  	v7 =	vshrl.u32 v49, $0x4;
	v60 =	vshra.s32 v52, $0x1;
	v61 =	vshrl.u32 v52, $0x4  }
0x6c: {  	v63 =	vshra.s32 v54, $0x1;
	v8 =	vshrl.u32 v54, $0x4;
	v9 =	vshra.s32 v57, $0x1  }
0x6d: {  	v11 =	vshrl.u32 v57, $0x4;
	v4 =	vand.u32 $0xFFFFFFC0, v46;
	v1 =	vand.u32 $0x7, v1  }
0x6e: {  	v50 =	vand.u32 $0xFFFFFFC0, v48;
	v2 =	vand.u32 $0x7, v2;
	v1 =	vor.u32 v1, v4  }
0x6f: {  	v3 =	vand.u32 $0x7, v3;
	v2 =	vor.u32 v2, v50;
	v4 =	vand.u32 $0xFFFFFFC0, v51;
	[tilespmem:$0x1100] =	vst v1  }
0x70: {  	v55 =	vand.u32 $0xFFFFFFC0, v53;
	v5 =	vand.u32 $0x7, v5;
	v3 =	vor.u32 v3, v4;
	[tilespmem:$0x1110] =	vst v2  }
0x71: {  	v58 =	vand.u32 $0xFFFFFFC0, v56;
	v59 =	vand.u32 $0x7, v7;
	v1 =	vor.u32 v5, v55;
	[tilespmem:$0x1120] =	vst v3  }
0x72: {  	v62 =	vand.u32 $0x7, v61;
	v2 =	vor.u32 v59, v58;
	v3 =	vand.u32 $0xFFFFFFC0, v60;
	[tilespmem:$0x1130] =	vst v1  }
0x73: {  	[tilespmem:$0x1140] =	vst v2;
	v2 =	vand.u32 $0x7, v8;
	v1 =	vor.u32 v62, v3;
	v3 =	vand.u32 $0xFFFFFFC0, v63  }
0x74: {  	[tilespmem:$0x1150] =	vst v1;
	v1 =	vor.u32 v2, v3;
	v2 =	vand.u32 $0xFFFFFFC0, v9;
	v3 =	vand.u32 $0x7, v11  }
0x75: {  	[tilespmem:$0x1160] =	vst v1;
	v1 =	vor.u32 v3, v2  }
0x76: {  	s17 =	simm.s32 $0x1100;
	[tilespmem:$0x1170] =	vst v1  }
0x77: {  	[tilespmem:s18], [sflag:$0x3] =	stream.indirect.gather [hbm4b:s4+s12], $0x10, s17, s12, $0xb8;
	[tilespmem:$0x5610] =	vst v63  }
0x78: {  	v1 =	vld [tilespmem:$0x180]  }
0x79: {  	v2 =	vld [tilespmem:$0x190]  }
0x7a: {  	v3 =	vld [tilespmem:$0x1A0]  }
0x7b: {  	v13 =	vld [tilespmem:$0x1B0]  }
0x7c: {  	v15 =	vld [tilespmem:$0x1C0]  }
0x7d: {  	v18 =	vld [tilespmem:$0x1D0]  }
0x7e: {  	v20 =	vld [tilespmem:$0x1E0]  }
0x7f: {  	v23 =	vld [tilespmem:$0x1F0]  }
0x80: {  	v12 =	vshra.s32 v1, $0x1;
	v1 =	vshrl.u32 v1, $0x4;
	v14 =	vshra.s32 v2, $0x1  }
0x81: {  	v2 =	vshrl.u32 v2, $0x4;
	v17 =	vshra.s32 v3, $0x1;
	v3 =	vshrl.u32 v3, $0x4  }
0x82: {  	v19 =	vshra.s32 v13, $0x1;
	v5 =	vshrl.u32 v13, $0x4;
	v22 =	vshra.s32 v15, $0x1  }
0x83: {  	v7 =	vshrl.u32 v15, $0x4;
	v26 =	vshra.s32 v18, $0x1;
	v27 =	vshrl.u32 v18, $0x4  }
0x84: {  	v29 =	vshra.s32 v20, $0x1;
	v30 =	vshrl.u32 v20, $0x4;
	v31 =	vshra.s32 v23, $0x1  }
0x85: {  	v32 =	vshrl.u32 v23, $0x4;
	v4 =	vand.u32 $0xFFFFFFC0, v12;
	v1 =	vand.u32 $0x7, v1  }
0x86: {  	v16 =	vand.u32 $0xFFFFFFC0, v14;
	v2 =	vand.u32 $0x7, v2;
	v1 =	vor.u32 v1, v4  }
0x87: {  	v3 =	vand.u32 $0x7, v3;
	v2 =	vor.u32 v2, v16;
	v4 =	vand.u32 $0xFFFFFFC0, v17;
	[tilespmem:$0x1180] =	vst v1  }
0x88: {  	v21 =	vand.u32 $0xFFFFFFC0, v19;
	v5 =	vand.u32 $0x7, v5;
	v3 =	vor.u32 v3, v4;
	[tilespmem:$0x1190] =	vst v2  }
0x89: {  	v24 =	vand.u32 $0xFFFFFFC0, v22;
	v25 =	vand.u32 $0x7, v7;
	v1 =	vor.u32 v5, v21;
	[tilespmem:$0x11A0] =	vst v3  }
0x8a: {  	v28 =	vand.u32 $0x7, v27;
	v2 =	vor.u32 v25, v24;
	v3 =	vand.u32 $0xFFFFFFC0, v26;
	[tilespmem:$0x11B0] =	vst v1  }
0x8b: {  	[tilespmem:$0x11C0] =	vst v2;
	v2 =	vand.u32 $0x7, v30;
	v1 =	vor.u32 v28, v3;
	v3 =	vand.u32 $0xFFFFFFC0, v29  }
0x8c: {  	[tilespmem:$0x11D0] =	vst v1;
	v1 =	vor.u32 v2, v3;
	v2 =	vand.u32 $0xFFFFFFC0, v31;
	v3 =	vand.u32 $0x7, v32  }
0x8d: {  	[tilespmem:$0x11E0] =	vst v1;
	v1 =	vor.u32 v3, v2  }
0x8e: {  	[tilespmem:$0x11F0] =	vst v1  }
0x8f: {  	[tilespmem:s20], [sflag:$0x4] =	stream.indirect.gather [hbm4b:s4+s12], $0x10, s19, s12, $0xb8;
	[tilespmem:$0x5610] =	vst v63  }
0x90: {  	v1 =	vld [tilespmem:$0x200]  }
0x91: {  	v2 =	vld [tilespmem:$0x210]  }
0x92: {  	v3 =	vld [tilespmem:$0x220]  }
0x93: {  	v34 =	vld [tilespmem:$0x230]  }
0x94: {  	v37 =	vld [tilespmem:$0x240]  }
0x95: {  	v39 =	vld [tilespmem:$0x250]  }
0x96: {  	v42 =	vld [tilespmem:$0x260]  }
0x97: {  	v44 =	vld [tilespmem:$0x270]  }
0x98: {  	v33 =	vshra.s32 v1, $0x1;
	v1 =	vshrl.u32 v1, $0x4;
	v35 =	vshra.s32 v2, $0x1  }
0x99: {  	v2 =	vshrl.u32 v2, $0x4;
	v38 =	vshra.s32 v3, $0x1;
	v3 =	vshrl.u32 v3, $0x4  }
0x9a: {  	v40 =	vshra.s32 v34, $0x1;
	v5 =	vshrl.u32 v34, $0x4;
	v43 =	vshra.s32 v37, $0x1  }
0x9b: {  	v6 =	vshrl.u32 v37, $0x4;
	v45 =	vshra.s32 v39, $0x1;
	v7 =	vshrl.u32 v39, $0x4  }
0x9c: {  	v48 =	vshra.s32 v42, $0x1;
	v49 =	vshrl.u32 v42, $0x4;
	v51 =	vshra.s32 v44, $0x1  }
0x9d: {  	v52 =	vshrl.u32 v44, $0x4;
	v4 =	vand.u32 $0xFFFFFFC0, v33;
	v1 =	vand.u32 $0x7, v1  }
0x9e: {  	v36 =	vand.u32 $0xFFFFFFC0, v35;
	v2 =	vand.u32 $0x7, v2;
	v3 =	vand.u32 $0x7, v3  }
0x9f: {  	v41 =	vand.u32 $0xFFFFFFC0, v40;
	v5 =	vand.u32 $0x7, v5;
	v6 =	vand.u32 $0x7, v6  }
0xa0: {  	v46 =	vand.u32 $0xFFFFFFC0, v45;
	v47 =	vand.u32 $0x7, v7;
	v1 =	vor.u32 v4, v1  }
0xa1: {  	v2 =	vor.u32 v36, v2;
	v4 =	vand.u32 $0xFFFFFFC0, v38;
	v1 =	vor.u32 $0x8, v1  }
0xa2: {  	v50 =	vand.u32 $0x7, v49;
	v2 =	vor.u32 $0x8, v2;
	v3 =	vor.u32 v4, v3;
	[tilespmem:$0x1200] =	vst v1  }
0xa3: {  	v4 =	vor.u32 v41, v5;
	v5 =	vand.u32 $0xFFFFFFC0, v43;
	v3 =	vor.u32 $0x8, v3;
	[tilespmem:$0x1210] =	vst v2  }
0xa4: {  	v53 =	vand.u32 $0x7, v52;
	v4 =	vor.u32 $0x8, v4;
	v1 =	vor.u32 v5, v6;
	[tilespmem:$0x1220] =	vst v3  }
0xa5: {  	v2 =	vor.u32 v46, v47;
	v1 =	vor.u32 $0x8, v1;
	v3 =	vand.u32 $0xFFFFFFC0, v48;
	[tilespmem:$0x1230] =	vst v4  }
0xa6: {  	v2 =	vor.u32 $0x8, v2;
	[tilespmem:$0x1240] =	vst v1;
	v1 =	vor.u32 v3, v50;
	v3 =	vand.u32 $0xFFFFFFC0, v51  }
0xa7: {  	[tilespmem:$0x1250] =	vst v2;
	v1 =	vor.u32 $0x8, v1;
	v2 =	vor.u32 v3, v53  }
0xa8: {  	[tilespmem:$0x1260] =	vst v1;
	v1 =	vor.u32 $0x8, v2  }
0xa9: {  	[tilespmem:$0x1270] =	vst v1  }
0xaa: {  	[tilespmem:s22], [sflag:$0x5] =	stream.indirect.gather [hbm4b:s4+s12], $0x10, s21, s12, $0xb8;
	[tilespmem:$0x5610] =	vst v63  }
0xab: {  	v1 =	vld [tilespmem:$0x280]  }
0xac: {  	v2 =	vld [tilespmem:$0x290]  }
0xad: {  	v3 =	vld [tilespmem:$0x2A0]  }
0xae: {  	v55 =	vld [tilespmem:$0x2B0]  }
0xaf: {  	v58 =	vld [tilespmem:$0x2C0]  }
0xb0: {  	v60 =	vld [tilespmem:$0x2D0]  }
0xb1: {  	v63 =	vld [tilespmem:$0x2E0]  }
0xb2: {  	v12 =	vld [tilespmem:$0x2F0]  }
0xb3: {  	v54 =	vshra.s32 v1, $0x1;
	v1 =	vshrl.u32 v1, $0x4;
	v56 =	vshra.s32 v2, $0x1  }
0xb4: {  	v2 =	vshrl.u32 v2, $0x4;
	v59 =	vshra.s32 v3, $0x1;
	v3 =	vshrl.u32 v3, $0x4  }
0xb5: {  	v61 =	vshra.s32 v55, $0x1;
	v5 =	vshrl.u32 v55, $0x4;
	v11 =	vshra.s32 v58, $0x1  }
0xb6: {  	v6 =	vshrl.u32 v58, $0x4;
	v13 =	vshra.s32 v60, $0x1;
	v7 =	vshrl.u32 v60, $0x4  }
0xb7: {  	v16 =	vshra.s32 v63, $0x1;
	v17 =	vshrl.u32 v63, $0x4;
	v19 =	vshra.s32 v12, $0x1  }
0xb8: {  	v20 =	vshrl.u32 v12, $0x4;
	v4 =	vand.u32 $0xFFFFFFC0, v54;
	v1 =	vand.u32 $0x7, v1  }
0xb9: {  	v57 =	vand.u32 $0xFFFFFFC0, v56;
	v2 =	vand.u32 $0x7, v2;
	v3 =	vand.u32 $0x7, v3  }
0xba: {  	v62 =	vand.u32 $0xFFFFFFC0, v61;
	v5 =	vand.u32 $0x7, v5;
	v6 =	vand.u32 $0x7, v6  }
0xbb: {  	v14 =	vand.u32 $0xFFFFFFC0, v13;
	v15 =	vand.u32 $0x7, v7;
	v1 =	vor.u32 v4, v1  }
0xbc: {  	v2 =	vor.u32 v57, v2;
	v4 =	vand.u32 $0xFFFFFFC0, v59;
	v1 =	vor.u32 $0x8, v1  }
0xbd: {  	v18 =	vand.u32 $0x7, v17;
	v2 =	vor.u32 $0x8, v2;
	v3 =	vor.u32 v4, v3;
	[tilespmem:$0x1280] =	vst v1  }
0xbe: {  	v4 =	vor.u32 v62, v5;
	v5 =	vand.u32 $0xFFFFFFC0, v11;
	v3 =	vor.u32 $0x8, v3;
	[tilespmem:$0x1290] =	vst v2  }
0xbf: {  	v21 =	vand.u32 $0x7, v20;
	v4 =	vor.u32 $0x8, v4;
	v1 =	vor.u32 v5, v6;
	[tilespmem:$0x12A0] =	vst v3  }
0xc0: {  	v2 =	vor.u32 v14, v15;
	v1 =	vor.u32 $0x8, v1;
	v3 =	vand.u32 $0xFFFFFFC0, v16;
	[tilespmem:$0x12B0] =	vst v4  }
0xc1: {  	v2 =	vor.u32 $0x8, v2;
	[tilespmem:$0x12C0] =	vst v1;
	v1 =	vor.u32 v3, v18;
	v3 =	vand.u32 $0xFFFFFFC0, v19  }
0xc2: {  	[tilespmem:$0x12D0] =	vst v2;
	v1 =	vor.u32 $0x8, v1;
	v2 =	vor.u32 v3, v21  }
0xc3: {  	[tilespmem:$0x12E0] =	vst v1;
	v1 =	vor.u32 $0x8, v2  }
0xc4: {  	[tilespmem:$0x12F0] =	vst v1  }
0xc5: {  	[tilespmem:s24], [sflag:$0x6] =	stream.indirect.gather [hbm4b:s4+s12], $0x10, s23, s12, $0xb8;
	[tilespmem:$0x5610] =	vst v63  }
0xc6: {  	v1 =	vld [tilespmem:$0x300]  }
0xc7: {  	v2 =	vld [tilespmem:$0x310]  }
0xc8: {  	v3 =	vld [tilespmem:$0x320]  }
0xc9: {  	v23 =	vld [tilespmem:$0x330]  }
0xca: {  	v26 =	vld [tilespmem:$0x340]  }
0xcb: {  	v28 =	vld [tilespmem:$0x350]  }
0xcc: {  	v31 =	vld [tilespmem:$0x360]  }
0xcd: {  	v33 =	vld [tilespmem:$0x370]  }
0xce: {  	v22 =	vshra.s32 v1, $0x1;
	v1 =	vshrl.u32 v1, $0x4;
	v24 =	vshra.s32 v2, $0x1  }
0xcf: {  	v2 =	vshrl.u32 v2, $0x4;
	v27 =	vshra.s32 v3, $0x1;
	v3 =	vshrl.u32 v3, $0x4  }
0xd0: {  	v29 =	vshra.s32 v23, $0x1;
	v5 =	vshrl.u32 v23, $0x4;
	v32 =	vshra.s32 v26, $0x1  }
0xd1: {  	v6 =	vshrl.u32 v26, $0x4;
	v34 =	vshra.s32 v28, $0x1;
	v7 =	vshrl.u32 v28, $0x4  }
0xd2: {  	v37 =	vshra.s32 v31, $0x1;
	v38 =	vshrl.u32 v31, $0x4;
	v40 =	vshra.s32 v33, $0x1  }
0xd3: {  	v41 =	vshrl.u32 v33, $0x4;
	v4 =	vand.u32 $0xFFFFFFC0, v22;
	v1 =	vand.u32 $0x7, v1  }
0xd4: {  	v25 =	vand.u32 $0xFFFFFFC0, v24;
	v2 =	vand.u32 $0x7, v2;
	v3 =	vand.u32 $0x7, v3  }
0xd5: {  	v30 =	vand.u32 $0xFFFFFFC0, v29;
	v5 =	vand.u32 $0x7, v5;
	v6 =	vand.u32 $0x7, v6  }
0xd6: {  	v35 =	vand.u32 $0xFFFFFFC0, v34;
	v36 =	vand.u32 $0x7, v7;
	v1 =	vor.u32 v4, v1  }
0xd7: {  	v2 =	vor.u32 v25, v2;
	v4 =	vand.u32 $0xFFFFFFC0, v27;
	v1 =	vor.u32 $0x8, v1  }
0xd8: {  	v39 =	vand.u32 $0x7, v38;
	v2 =	vor.u32 $0x8, v2;
	v3 =	vor.u32 v4, v3;
	[tilespmem:$0x1300] =	vst v1  }
0xd9: {  	v4 =	vor.u32 v30, v5;
	v5 =	vand.u32 $0xFFFFFFC0, v32;
	v3 =	vor.u32 $0x8, v3;
	[tilespmem:$0x1310] =	vst v2  }
0xda: {  	v42 =	vand.u32 $0x7, v41;
	v4 =	vor.u32 $0x8, v4;
	v1 =	vor.u32 v5, v6;
	[tilespmem:$0x1320] =	vst v3  }
0xdb: {  	v2 =	vor.u32 v35, v36;
	v1 =	vor.u32 $0x8, v1;
	v3 =	vand.u32 $0xFFFFFFC0, v37;
	[tilespmem:$0x1330] =	vst v4  }
0xdc: {  	v2 =	vor.u32 $0x8, v2;
	[tilespmem:$0x1340] =	vst v1;
	v1 =	vor.u32 v3, v39;
	v3 =	vand.u32 $0xFFFFFFC0, v40  }
0xdd: {  	[tilespmem:$0x1350] =	vst v2;
	v1 =	vor.u32 $0x8, v1;
	v2 =	vor.u32 v3, v42  }
0xde: {  	[tilespmem:$0x1360] =	vst v1;
	v1 =	vor.u32 $0x8, v2  }
0xdf: {  	[tilespmem:$0x1370] =	vst v1  }
0xe0: {  	[tilespmem:s26], [sflag:$0x7] =	stream.indirect.gather [hbm4b:s4+s12], $0x10, s25, s12, $0xb8;
	[tilespmem:$0x5610] =	vst v63  }
0xe1: {  	v1 =	vld [tilespmem:$0x380]  }
0xe2: {  	v2 =	vld [tilespmem:$0x390]  }
0xe3: {  	v3 =	vld [tilespmem:$0x3A0]  }
0xe4: {  	v44 =	vld [tilespmem:$0x3B0]  }
0xe5: {  	v46 =	vld [tilespmem:$0x3C0]  }
0xe6: {  	v49 =	vld [tilespmem:$0x3D0]  }
0xe7: {  	v51 =	vld [tilespmem:$0x3E0]  }
0xe8: {  	v54 =	vld [tilespmem:$0x3F0]  }
0xe9: {  	v43 =	vshra.s32 v1, $0x1;
	v1 =	vshrl.u32 v1, $0x4;
	v45 =	vshra.s32 v2, $0x1  }
0xea: {  	v2 =	vshrl.u32 v2, $0x4;
	v47 =	vshra.s32 v3, $0x1;
	v3 =	vshrl.u32 v3, $0x4  }
0xeb: {  	v50 =	vshra.s32 v44, $0x1;
	v5 =	vshrl.u32 v44, $0x4;
	v52 =	vshra.s32 v46, $0x1  }
0xec: {  	v6 =	vshrl.u32 v46, $0x4;
	v55 =	vshra.s32 v49, $0x1;
	v7 =	vshrl.u32 v49, $0x4  }
0xed: {  	v58 =	vshra.s32 v51, $0x1;
	v59 =	vshrl.u32 v51, $0x4;
	v61 =	vshra.s32 v54, $0x1  }
0xee: {  	v62 =	vshrl.u32 v54, $0x4;
	v4 =	vand.u32 $0xFFFFFFC0, v43;
	v1 =	vand.u32 $0x7, v1  }
0xef: {  	v2 =	vand.u32 $0x7, v2;
	v48 =	vand.u32 $0xFFFFFFC0, v47;
	v3 =	vand.u32 $0x7, v3  }
0xf0: {  	v5 =	vand.u32 $0x7, v5;
	v53 =	vand.u32 $0xFFFFFFC0, v52;
	v6 =	vand.u32 $0x7, v6  }
0xf1: {  	v56 =	vand.u32 $0xFFFFFFC0, v55;
	v57 =	vand.u32 $0x7, v7;
	v1 =	vor.u32 v4, v1  }
0xf2: {  	v4 =	vand.u32 $0xFFFFFFC0, v45;
	v3 =	vor.u32 v48, v3;
	v1 =	vor.u32 $0x8, v1  }
0xf3: {  	v2 =	vor.u32 v4, v2;
	v3 =	vor.u32 $0x8, v3;
	v4 =	vand.u32 $0xFFFFFFC0, v50;
	[tilespmem:$0x1380] =	vst v1  }
0xf4: {  	v60 =	vand.u32 $0x7, v59;
	v2 =	vor.u32 $0x8, v2;
	v4 =	vor.u32 v4, v5;
	[tilespmem:$0x13A0] =	vst v3  }
0xf5: {  	v63 =	vand.u32 $0x7, v62;
	v5 =	vor.u32 v53, v6;
	v1 =	vor.u32 $0x8, v4;
	[tilespmem:$0x1390] =	vst v2  }
0xf6: {  	v2 =	vor.u32 v56, v57;
	v3 =	vor.u32 $0x8, v5;
	v4 =	vand.u32 $0xFFFFFFC0, v58;
	[tilespmem:$0x13B0] =	vst v1  }
.Ltmp2:
0xf7: {  	v1 =	vor.u32 v4, v60;
	[tilespmem:$0x13C0] =	vst v3;
	v2 =	vor.u32 $0x8, v2;
	v3 =	vand.u32 $0xFFFFFFC0, v61;
	(pc) =	sbr.rel .LBB2_2-.Ltmp2, $4  }
0xf8: {  	[tilespmem:$0x13D0] =	vst v2;
	v2 =	vor.u32 v3, v63;
	v1 =	vor.u32 $0x8, v1  }
0xf9: {  	[tilespmem:$0x13E0] =	vst v1;
	v1 =	vor.u32 $0x8, v2  }
0xfa: {  	s2 =	simm.s32 $0x0;
	s0 =	simm.s32 $0x0;
	s1 =	simm.s32 $0x0;
	[tilespmem:$0x13F0] =	vst v1  }
0xfb: {  	[tilespmem:s29], [sflag:$0x8] =	stream.indirect.gather [hbm4b:s4+s12], $0x10, s28, s12, $0xb8;
	[tilespmem:$0x5610] =	vst v63  }
.LBB2_6:
0xfc: {  	s2 =	sadd.s32 $0x1, s2  }
0xfd: {  	p0 =	sne.s32 s2, $0x20  }
.Ltmp3:
0xfe: {  	_ = 	snop;
	(pc) =	sbr.rel @!p0 .LBB2_7-.Ltmp3, $2  }
0xff: {  	_ =	sdelay $0x2  }
0x100: {  	s1 =	sadd.s32 $0x200, s1;
	s0 =	sadd.s32 $0x1, s0  }
.LBB2_2:
0x101: {  	s11 =	sand.u32 $0x7, s2  }
0x102: {  	s9 =	sshll.u32 s0, $0x9;
	s8 =	sadd.s32 $0x1, s11  }
0x103: {  	s13 =	sand.u32 $0xFFFFF800, s1;
	s9 =	sand.u32 $0x600, s9;
	_ =	swait.ge [sflag:s8], $0x800  }
0x104: {  	s13 =	sor.u32 s9, s13;
	[sflag:s8] =	ssyncset.done $0x0  }
0x105: {  	s13 =	sshrl.u32 s13, $0x2;
	[sflag:s8] =	ssyncadd.s32 $0xFFFFF800  }
0x106: {  	v1 =	vld [tilespmem:s13+$0x0];
	_ =	sdelay $0x1  }
0x107: {  	s14 =	simm.s32 $0x0  }
0x108: {  	v2 =	vmov s14  }
0x109: {  	v2 =	vshll.u32 v2, $0x4  }
0x10a: {  	v2 =	vor.u32 v0, v2;
	v1 =	vand.u32 $0xF, v1  }
0x10b: {  	v1 =	vor.u32 v2, v1;
	_ =	sdelay $0x1  }
0x10c: {  	s15 =	sshrl.u32 s9, $0x2  }
0x10d: {  	s17 =	sshll.u32 s11, $0xB;
	s14 =	sor.u32 $0x5400, s15  }
0x10e: {  	s9 =	sadd.s32 $0x1400, s17;
	v2 =	vld [tilespmem:s14+$0x0]  }
0x10f: {  	v1 =	vld.idx.msk [tilespmem:v1+s9+$0x0], $0xffff;
	_ =	sdelay $0x4  }
0x110: {  	v1 =	vadd.f32 v2, v1;
	_ =	sdelay $0x1  }
0x111: {  	s16 =	sshll.u32 s2, $0x7;
	s15 =	sadd.s32 $0x10, s13;
	[tilespmem:s14+$0x0] =	vst v1  }
0x112: {  	s17 =	simm.s32 $0x20;
	s13 =	sand.u32 $0x180, s16;
	s16 =	simm.s32 $0x10;
	v1 =	vld [tilespmem:s15+$0x0]  }
.LBB2_3:
0x113: {  	p0 =	sne.s32 s17, $0x70;
	_ =	sdelay $0x1  }
0x114: {  	v2 =	vmov s16;
	s16 =	smov.u32 s17  }
0x115: {  	v2 =	vshll.u32 v2, $0x4  }
0x116: {  	v2 =	vor.u32 v0, v2;
	v1 =	vand.u32 $0xF, v1  }
0x117: {  	v1 =	vor.u32 v2, v1;
	_ =	sdelay $0x4  }
0x118: {  	s14 =	sadd.s32 $0x10, s14;
	v1 =	vld.idx.msk [tilespmem:v1+s9+$0x0], $0xffff  }
0x119: {  	v2 =	vld [tilespmem:s14+$0x0];
	_ =	sdelay $0x3  }
.Ltmp4:
0x11a: {  	(pc) =	sbr.rel @p0 .LBB2_3-.Ltmp4, $3  }
0x11b: {  	v1 =	vadd.f32 v2, v1;
	_ =	sdelay $0x1  }
0x11c: {  	s15 =	sadd.s32 $0x10, s15;
	[tilespmem:s14+$0x0] =	vst v1  }
0x11d: {  	s17 =	sadd.s32 $0x10, s17;
	v1 =	vld [tilespmem:s15+$0x0]  }
0x11e: {  	_ =	sdelay $0x1  }
0x11f: {  	v2 =	vmov s16  }
0x120: {  	v2 =	vshll.u32 v2, $0x4  }
0x121: {  	v2 =	vor.u32 v0, v2;
	v1 =	vand.u32 $0xF, v1  }
0x122: {  	v1 =	vor.u32 v2, v1;
	_ =	sdelay $0x2  }
0x123: {  	s14 =	sadd.s32 $0x10, s14  }
0x124: {  	v2 =	vld [tilespmem:s14+$0x0]  }
0x125: {  	v1 =	vld.idx.msk [tilespmem:v1+s9+$0x0], $0xffff;
	_ =	sdelay $0x1  }
0x126: {  	p0 =	sgt.u32 s2, $0x17  }
.Ltmp5:
0x127: {  	_ = 	snop;
	(pc) =	sbr.rel @p0 .LBB2_6-.Ltmp5, $3  }
0x128: {  	_ = 	snop  }
0x129: {  	v1 =	vadd.f32 v2, v1;
	_ =	sdelay $0x1  }
0x12a: {  	[tilespmem:s14+$0x0] =	vst v1  }
0x12b: {  	s14 =	sadd.s32 $0x8, s2  }
0x12c: {  	s15 =	sshll.u32 s14, $0x7  }
0x12d: {  	s15 =	sand.u32 $0x3FFFFE00, s15  }
0x12e: {  	s13 =	sor.u32 s13, s15  }
0x12f: {  	v1 =	vld [tilespmem:s13+$0x0];
	_ =	sdelay $0x4  }
0x130: {  	s14 =	sshll.u32 s14, $0x1;
	v2 =	vshrl.u32 v1, $0x4  }
0x131: {  	s14 =	sand.u32 $0xFFFFFFF8, s14;
	v1 =	vshra.s32 v1, $0x1;
	v2 =	vand.u32 $0x7, v2  }
0x132: {  	v1 =	vand.u32 $0xFFFFFFC0, v1;
	v2 =	vor.u32 s14, v2  }
0x133: {  	s11 =	sshll.u32 s11, $0x7;
	v1 =	vadd.s32 v1, v2  }
0x134: {  	[tilespmem:s11+$0x1000] =	vst v1  }
0x135: {  	v1 =	vld [tilespmem:s13+$0x10];
	_ =	sdelay $0x4  }
0x136: {  	v2 =	vshrl.u32 v1, $0x4  }
0x137: {  	v1 =	vshra.s32 v1, $0x1;
	v2 =	vand.u32 $0x7, v2  }
0x138: {  	v1 =	vand.u32 $0xFFFFFFC0, v1;
	v2 =	vor.u32 s14, v2  }
0x139: {  	v1 =	vadd.s32 v1, v2  }
0x13a: {  	[tilespmem:s11+$0x1010] =	vst v1  }
0x13b: {  	v1 =	vld [tilespmem:s13+$0x20];
	_ =	sdelay $0x4  }
0x13c: {  	v2 =	vshrl.u32 v1, $0x4  }
0x13d: {  	v1 =	vshra.s32 v1, $0x1;
	v2 =	vand.u32 $0x7, v2  }
0x13e: {  	v1 =	vand.u32 $0xFFFFFFC0, v1;
	v2 =	vor.u32 s14, v2  }
0x13f: {  	v1 =	vadd.s32 v1, v2  }
0x140: {  	[tilespmem:s11+$0x1020] =	vst v1  }
0x141: {  	v1 =	vld [tilespmem:s13+$0x30];
	_ =	sdelay $0x4  }
0x142: {  	v2 =	vshrl.u32 v1, $0x4  }
0x143: {  	v1 =	vshra.s32 v1, $0x1;
	v2 =	vand.u32 $0x7, v2  }
0x144: {  	v1 =	vand.u32 $0xFFFFFFC0, v1;
	v2 =	vor.u32 s14, v2  }
0x145: {  	v1 =	vadd.s32 v1, v2  }
0x146: {  	[tilespmem:s11+$0x1030] =	vst v1  }
0x147: {  	v1 =	vld [tilespmem:s13+$0x40];
	_ =	sdelay $0x4  }
0x148: {  	v2 =	vshrl.u32 v1, $0x4  }
0x149: {  	v1 =	vshra.s32 v1, $0x1;
	v2 =	vand.u32 $0x7, v2  }
0x14a: {  	v1 =	vand.u32 $0xFFFFFFC0, v1;
	v2 =	vor.u32 s14, v2  }
0x14b: {  	v1 =	vadd.s32 v1, v2  }
0x14c: {  	[tilespmem:s11+$0x1040] =	vst v1  }
0x14d: {  	v1 =	vld [tilespmem:s13+$0x50];
	_ =	sdelay $0x4  }
0x14e: {  	v2 =	vshrl.u32 v1, $0x4  }
0x14f: {  	v1 =	vshra.s32 v1, $0x1;
	v2 =	vand.u32 $0x7, v2  }
0x150: {  	v1 =	vand.u32 $0xFFFFFFC0, v1;
	v2 =	vor.u32 s14, v2  }
0x151: {  	v1 =	vadd.s32 v1, v2  }
0x152: {  	[tilespmem:s11+$0x1050] =	vst v1  }
0x153: {  	v1 =	vld [tilespmem:s13+$0x60];
	_ =	sdelay $0x4  }
0x154: {  	v2 =	vshrl.u32 v1, $0x4  }
0x155: {  	v1 =	vshra.s32 v1, $0x1;
	v2 =	vand.u32 $0x7, v2  }
0x156: {  	v1 =	vand.u32 $0xFFFFFFC0, v1;
	v2 =	vor.u32 s14, v2  }
0x157: {  	v1 =	vadd.s32 v1, v2  }
0x158: {  	[tilespmem:s11+$0x1060] =	vst v1  }
0x159: {  	v1 =	vld [tilespmem:s13+$0x70];
	_ =	sdelay $0x4  }
0x15a: {  	v2 =	vshrl.u32 v1, $0x4  }
.Ltmp6:
0x15b: {  	v1 =	vshra.s32 v1, $0x1;
	v2 =	vand.u32 $0x7, v2;
	(pc) =	sbr.rel .LBB2_6-.Ltmp6, $4  }
0x15c: {  	v1 =	vand.u32 $0xFFFFFFC0, v1;
	v2 =	vor.u32 s14, v2  }
0x15d: {  	v1 =	vadd.s32 v1, v2  }
0x15e: {  	s17 =	sor.u32 $0x1000, s11;
	[tilespmem:s11+$0x1070] =	vst v1  }
0x15f: {  	[tilespmem:s9], [sflag:s8] =	stream.indirect.gather [hbm4b:s4+s12], $0x10, s17, s12, $0xb8;
	[tilespmem:$0x5610] =	vst v63  }
.LBB2_8:
0x160: {  	_ =	sfence.sel $0x180000  }
0x161: {  	[bflag:$0x0] =	sbarrier.arrive $0xFFFF  }
0x162: {  	_ =	strace $0x90000047  }
0x163: {  	s0 =	stileid.u32;
	[bflag:$0x2] =	sbarrier.arrive $0xFFFF  }
0x164: {  	p0 =	sne.s32 s0, $0x0;
	s0 =	rddreg [dreg:$0x2]  }
0x165: {  	s0 =	sadd.s32 @!p0 $0x100000, s0  }
0x166: {  	[sflag:s0] =	ssyncadd.tile.s32 @!p0 $0x1;
	_ =	shalt  }
.Lfunc_end2:
_tile_overlayer_lowered:
.L_overlay_start_2:
0x167: {  	(tag) =	ssettag $0x2  }
0x168: {  	s0 =	rddreg [dreg:$0x0];
	s2 =	stileid.u32  }
0x169: {  	s1 =	rddreg [dreg:$0x1];
	p0 =	sne.s32 s2, $0x0  }
0x16a: {  	s3 =	rddreg [dreg:$0x2];
	[bflag:$0x3] =	sbarrier.arrive $0xFFFF;
	s2 =	simm.s32 @!p0 $0x1C09  }
0x16b: {  	[timem:s3], [sflag:s2] =	dma.local @!p0 [hbm:s0], s1  }
0x16c: {  	s0 =	simm.s32 @!p0 $0x9  }
0x16d: {  	_ =	swait.ge @!p0 [sflag:s0], s1  }
0x16e: {  	s1 =	ssub.s32 @!p0 $0x0, s1;
	[sflag:s0] =	ssyncset.done @!p0 $0x0  }
0x16f: {  	[sflag:s0] =	ssyncadd.s32 @!p0 s1  }
0x170: {  	[bflag:$0x3] =	sbarrier.arrive $0xFFFF  }
0x171: {  	_ =	shalt  }

// kernel: lookup_sum_f16_8.3.cloned.1.call-start
scs
__scs_entry_jumppad:
0x0: {  	(pc) =	sbr.rel $0x88, $3  }
0x1: {  	(tag) =	ssettag $0x0;
	lr =	simm.s32 $0x1  }
0x2: {  	[smem:$0x3F9E] =	sst lr;
	_ =	strace $0xD0000000  }
0x3: {  	_ = 	snop  }
0x4: {  	_ = 	snop  }
0x5: {  	_ = 	snop  }
0x6: {  	_ = 	snop  }
0x7: {  	_ = 	snop  }
__scs_overlays_trampoline_lowered:
0x8: {  	[smem:$0x3FAD] =	sst s0  }
0x9: {  	[smem:$0x3FAE] =	sst s1  }
0xa: {  	[smem:$0x3FAF] =	sst s2  }
0xb: {  	[smem:$0x3FB0] =	sst s3  }
0xc: {  	[smem:$0x3FB1] =	sst s4  }
0xd: {  	[smem:$0x3FB2] =	sst s5  }
0xe: {  	[smem:$0x3FB3] =	sst s6  }
0xf: {  	[smem:$0x3FB4] =	sst s7  }
0x10: {  	[smem:$0x3FB5] =	sst s8  }
0x11: {  	[smem:$0x3FB6] =	sst s9;
	s0 =	simm.s32 @!p0 $0x0  }
0x12: {  	s1 =	sld [smem:$0x3F9C];
	s0 =	simm.s32 @p0 $0x1  }
0x13: {  	[smem:$0x3FB7] =	sst s0;
	s0 =	simm.s32 @!p1 $0x0  }
0x14: {  	s2 =	sld [smem:$0x3F9B];
	s0 =	simm.s32 @p1 $0x1  }
0x15: {  	[smem:$0x3FB8] =	sst s0;
	s0 =	simm.s32 @!p2 $0x0  }
0x16: {  	s3 =	sld [smem:$0x3FDB];
	s0 =	simm.s32 @p2 $0x1  }
0x17: {  	s4 =	simm.s32 $0x1BF5;
	[smem:$0x3FBA] =	sst s0  }
0x18: {  	s0 =	sld [smem:$0x3F9D];
	_ =	swait.ge [sflag:s4], $0x0  }
0x19: {  	s7 =	sld [smem:$0x3F9E]  }
0x1a: {  	s8 =	sadd.s32 $0xFFFFE003, lr  }
0x1b: {  	s9 =	sadd.s32 $0xFFFFFEF7, lr;
	s5 =	simm.s32 $0xFFFFFFFF;
	p2 =	slt.u32 s8, $0xFFFFF086  }
0x1c: {  	p1 =	slt.u32 s9, $0xF7A;
	s5 =	simm.s32 @!p2 $0x0  }
0x1d: {  	s5 =	simm.s32 @p1 $0x1;
	p0 =	seq.s32 s7, s2  }
0x1e: {  	s7 =	smul.u32 @!p0 $0xF7A, s2;
	p2 =	seq.s32 @!p0 s5, $0x0  }
0x1f: {  	s9 =	smul.u32 $0xF7A, s1;
	s8 =	simm.s32 @!p0 $0x1BF5;
	p2 =	por !p2, p0  }
0x20: {  	[sflag:s8] =	ssyncset.s32 @!p0 $0xFFFFF086;
	s6 =	sadd.s32 @!p0 s3, s7;
	s7 =	simm.s32 @!p0 $0x108  }
0x21: {  	s3 =	sadd.s32 s3, s9;
	s6 =	sadd.s32 @!p0 $0x88, s6;
	s7 =	simm.s32 @p2 $0x1082  }
0x22: {  	[simem:s7], [sflag:s8] =	dma.local @!p0 [hbm:s6], $0xF7A  }
0x23: {  	s9 =	sor.u32 $0xD0000000, s2;
	s6 =	simm.s32 $0x108;
	_ =	swait.ge @!p0 [sflag:s8], $0x0  }
0x24: {  	s3 =	sadd.s32 $0x88, s3;
	s6 =	simm.s32 @!p1 $0x1082;
	[sflag:s4] =	ssyncset.s32 $0xFFFFF086  }
0x25: {  	[simem:s6], [sflag:s4] =	dma.local [hbm:s3], $0xF7A  }
0x26: {  	[smem:$0x3F9E] =	sst s1;
	(tag) =	ssettag s2;
	_ =	strace s9  }
0x27: {  	s1 =	sld [smem:$0x3FAE]  }
0x28: {  	s2 =	sld [smem:$0x3FAF]  }
0x29: {  	s4 =	sld [smem:$0x3FB1]  }
0x2a: {  	p0 =	seq.s32 s5, $0x0;
	s5 =	sld [smem:$0x3FB2]  }
0x2b: {  	s6 =	sld [smem:$0x3FB3]  }
0x2c: {  	s7 =	sld [smem:$0x3FB4]  }
0x2d: {  	s3 =	simm.s32 $0x108;
	s8 =	sld [smem:$0x3FB5]  }
0x2e: {  	s3 =	simm.s32 @!p0 $0x1082;
	s9 =	sld [smem:$0x3FB6]  }
0x2f: {  	lr =	sadd.s32 s0, s3;
	s0 =	sld [smem:$0x3FAD]  }
0x30: {  	s3 =	sld [smem:$0x3FB0]  }
0x31: {  	[smem:$0x3FB9] =	sst s10  }
0x32: {  	s10 =	sld [smem:$0x3FB7];
	_ =	sdelay $0x3  }
0x33: {  	p0 =	seq.s32 s10, $0x1;
	s10 =	sld [smem:$0x3FB9];
	_ =	sdelay $0x3  }
0x34: {  	[smem:$0x3FB9] =	sst s10  }
0x35: {  	s10 =	sld [smem:$0x3FB8];
	_ =	sdelay $0x3  }
0x36: {  	p1 =	seq.s32 s10, $0x1;
	s10 =	sld [smem:$0x3FB9];
	_ =	sdelay $0x3  }
0x37: {  	[smem:$0x3FB9] =	sst s10  }
0x38: {  	s10 =	sld [smem:$0x3FBA]  }
0x39: {  	_ = 	snop;
	(pc) =	sbr.ind lr, $3  }
0x3a: {  	_ = 	snop  }
0x3b: {  	_ = 	snop  }
0x3c: {  	p2 =	seq.s32 s10, $0x1;
	s10 =	sld [smem:$0x3FB9]  }
0x3d: {  	_ =	shalt  }
0x3e: {  	_ =	shalt  }
0x3f: {  	_ =	shalt  }
0x40: {  	_ =	shalt  }
0x41: {  	_ =	shalt  }
0x42: {  	_ =	shalt  }
0x43: {  	_ =	shalt  }
0x44: {  	_ =	shalt  }
0x45: {  	_ =	shalt  }
0x46: {  	_ =	shalt  }
0x47: {  	_ =	shalt  }
0x48: {  	_ =	shalt  }
0x49: {  	_ =	shalt  }
0x4a: {  	_ =	shalt  }
0x4b: {  	_ =	shalt  }
0x4c: {  	_ =	shalt  }
0x4d: {  	_ =	shalt  }
0x4e: {  	_ =	shalt  }
0x4f: {  	_ =	shalt  }
0x50: {  	_ =	shalt  }
0x51: {  	_ =	shalt  }
0x52: {  	_ =	shalt  }
0x53: {  	_ =	shalt  }
0x54: {  	_ =	shalt  }
0x55: {  	_ =	shalt  }
0x56: {  	_ =	shalt  }
0x57: {  	_ =	shalt  }
0x58: {  	_ =	shalt  }
0x59: {  	_ =	shalt  }
0x5a: {  	_ =	shalt  }
0x5b: {  	_ =	shalt  }
0x5c: {  	_ =	shalt  }
0x5d: {  	_ =	shalt  }
0x5e: {  	_ =	shalt  }
0x5f: {  	_ =	shalt  }
0x60: {  	_ =	shalt  }
0x61: {  	_ =	shalt  }
0x62: {  	_ =	shalt  }
0x63: {  	_ =	shalt  }
0x64: {  	_ =	shalt  }
0x65: {  	_ =	shalt  }
0x66: {  	_ =	shalt  }
0x67: {  	_ =	shalt  }
0x68: {  	_ =	shalt  }
0x69: {  	_ =	shalt  }
0x6a: {  	_ =	shalt  }
0x6b: {  	_ =	shalt  }
0x6c: {  	_ =	shalt  }
0x6d: {  	_ =	shalt  }
0x6e: {  	_ =	shalt  }
0x6f: {  	_ =	shalt  }
0x70: {  	_ =	shalt  }
0x71: {  	_ =	shalt  }
0x72: {  	_ =	shalt  }
0x73: {  	_ =	shalt  }
0x74: {  	_ =	shalt  }
0x75: {  	_ =	shalt  }
0x76: {  	_ =	shalt  }
0x77: {  	_ =	shalt  }
0x78: {  	_ =	shalt  }
0x79: {  	_ =	shalt  }
0x7a: {  	_ =	shalt  }
0x7b: {  	_ =	shalt  }
0x7c: {  	_ =	shalt  }
0x7d: {  	_ =	shalt  }
0x7e: {  	_ =	shalt  }
0x7f: {  	_ =	shalt  }
0x80: {  	_ =	shalt  }
0x81: {  	_ =	shalt  }
0x82: {  	_ =	shalt  }
0x83: {  	_ =	shalt  }
0x84: {  	_ =	shalt  }
0x85: {  	_ =	shalt  }
0x86: {  	_ =	shalt  }
0x87: {  	_ =	shalt  }
.Lfunc_end0:
.L_simem_size_0:
called_computation.2_lowered:
.L_overlay_start_0:
0x88: {  	s2 =	sld [smem:$0x3FD9]  }
0x89: {  	s3 =	sld [smem:$0x3FFE];
	_ =	sdelay $0x1  }
0x8a: {  	s1 =	srdreg.scid  }
0x8b: {  	s0 =	sand.u32 $0x1, s1  }
0x8c: {  	s17 =	sshll.u32 s0, $0xA;
	s2 =	sadd.s32 s3, s2  }
0x8d: {  	s2 =	sadd.s32 s2, s17  }
0x8e: {  	[smem:$0x3FC5] =	sst s2  }
0x8f: {  	_ = 	snop  }
0x90: {  	s2 =	sld [smem:$0x3FD0];
	(tm) =	ssettm $0x1  }
0x91: {  	s18 =	sld [smem:$0x3FFB];
	_ =	sdelay $0x3  }
0x92: {  	_ =	strace s18  }
0x93: {  	s3 =	sld [smem:$0x3FFC];
	_ =	sdelay $0x3  }
0x94: {  	_ =	strace s3  }
0x95: {  	s3 =	sld [smem:$0x3FFD];
	_ =	sdelay $0x3  }
0x96: {  	_ =	strace s3  }
0x97: {  	_ =	strace $0x8FFFFFFF  }
0x98: {  	s19 =	sld [smem:$0x3FDB];
	_ =	sdelay $0x1  }
0x99: {  	s4 =	simm.s32 $_scs_section_size  }
0x9a: {  	s5 =	simm.s32 $_size__tile_overlayer_lowered;
	s6 =	simm.s32 $_tile_overlayer_lowered  }
0x9b: {  	s22 =	simm.s32 $0x1BFF;
	s21 =	sshll.u32 s6, $0x1;
	s3 =	sadd.s32 s4, s19  }
0x9c: {  	s7 =	simm.s32 $0x0;
	s20 =	sshll.u32 s5, $0x1;
	s5 =	sadd.s32 s21, s3  }
0x9d: {  	[timem:s7], [sflag:s22] =	dma.local [hbm:s5], s20  }
0x9e: {  	_ =	swait.ge [sflag:s22], s20  }
0x9f: {  	s4 =	ssub.s32 $0x0, s20;
	[sflag:s22] =	ssyncset.done $0x0  }
0xa0: {  	[sflag:s22] =	ssyncadd.s32 s4;
	_ =	sdelay $0x1  }
0xa1: {  	s23 =	simm.s32 $0x1B8B  }
0xa2: {  	_ =	swait.ge [sflag:s23], $0x1  }
0xa3: {  	[sflag:s23] =	ssyncset.done $0x0  }
0xa4: {  	s25 =	simm.s32 $0x1B8E;
	s24 =	sld [smem:$0x3FFE];
	[sflag:s23] =	ssyncadd.s32 $0xFFFFFFFF  }
0xa5: {  	s26 =	simm.s32 $execute0_lowered;
	[smem:$0x3FD2] =	sst s25  }
0xa6: {  	s5 =	sshll.u32 s26, $0x1;
	_ =	strace $0x8000004C;
	[dreg:$0x1] =	wrdreg $0xFFFFFFFF  }
0xa7: {  	s28 =	simm.s32 $_size_execute0_lowered;
	s3 =	sadd.s32 s3, s5;
	[dreg:$0x0] =	wrdreg $0x0  }
0xa8: {  	s5 =	sshll.u32 s28, $0x1;
	[dreg:$0x2] =	wrdreg s3  }
0xa9: {  	[dreg:$0x3] =	wrdreg s5  }
0xaa: {  	[dreg:$0x4] =	wrdreg $0xC0  }
0xab: {  	_ =	task [dreg:s7], $0x5FFFF  }
0xac: {  	[dreg:$0x1] =	wrdreg $0xFFFFFFFF  }
0xad: {  	[dreg:$0x0] =	wrdreg $0x60  }
0xae: {  	[dreg:$0x2] =	wrdreg s24  }
0xaf: {  	[dreg:$0x3] =	wrdreg s2  }
0xb0: {  	[dreg:$0x4] =	wrdreg $0x9  }
0xb1: {  	_ =	task.clear_ibuf [dreg:s7], $0x5FFFF;
	_ =	strace $0x9000004C  }
0xb2: {  	s29 =	simm.s32 $0x9;
	_ =	strace $0x8000004E  }
0xb3: {  	_ =	swait.ge [sflag:s29], $0x1  }
0xb4: {  	[sflag:s29] =	ssyncadd.s32 $0xFFFFFFFF  }
0xb5: {  	_ =	strace $0x9000004E  }
0xb6: {  	_ =	sfence  }
0xb7: {  	s30 =	sld [smem:$0x0];
	_ =	sdelay $0x2  }
0xb8: {  	s31 =	sshll.u32 s1, $0xD;
	s1 =	sshrl.u32 s1, $0x2  }
0xb9: {  	s3 =	sand.u32 $0x4000, s31;
	s1 =	sadd.s32 s1, s30  }
0xba: {  	s0 =	sor.u32 s3, s0;
	s1 =	sshll.u32 s1, $0x11  }
0xbb: {  	s0 =	sor.u32 s1, s0  }
0xbc: {  	s0 =	sadd.s32 $0x8F2B, s0  }
0xbd: {  	[sflag:s0] =	ssyncadd.remote.s32 $0x1  }
0xbe: {  	_ =	sfence.sel $0xFFFF  }
0xbf: {  	[dreg:$0x0] =	wrdreg $0xFFFFFFFF;
	(pc) =	sbr.abs _section_cstart, $3  }
0xc0: {  	[dreg:$0x1] =	wrdreg $0xFFFFFFFF  }
0xc1: {  	_ =	task.clear_ibuf [dreg:s7], $0x2FFFF;
	_ =	strace $0x9FFFFFFF  }
0xc2: {  	(tm) =	ssettm $0x7FFFFFFF  }
0xc3: {  	_ =	shalt  }
tec
execute0_lowered:
.L_overlay_start_1:
0x0: {  	(tag) =	ssettag $0x1  }
0x1: {  	s0 =	rddreg [dreg:$0x0]  }
0x2: {  	s1 =	rddreg [dreg:$0x1]  }
0x3: {  	s3 =	srdreg.scid;
	s2 =	simm.s32 $0x0;
	s4 =	stileid.u32  }
0x4: {  	s10 =	simm.s32 $0x9;
	s11 =	simm.s32 $0x5400;
	s12 =	simm.s32 $0x80  }
0x5: {  	s19 =	simm.s32 $0x1180;
	s20 =	simm.s32 $0x2C00;
	s21 =	simm.s32 $0x1200  }
0x6: {  	s22 =	simm.s32 $0x3400;
	s23 =	simm.s32 $0x1280;
	s24 =	simm.s32 $0x3C00  }
0x7: {  	s25 =	simm.s32 $0x1300;
	s26 =	simm.s32 $0x4400;
	s28 =	simm.s32 $0x1380  }
0x8: {  	s29 =	simm.s32 $0x4C00;
	s30 =	simm.s32 $0x0;
	s3 =	sand.u32 $0x1, s3  }
.Ltmp0:
0x9: {  	[smem:$0x7FF] =	sst s2;
	s4 =	sshll.u32 s4, $0x7;
	(pc) =	sbr.rel .LBB2_1-.Ltmp0, $4  }
0xa: {  	s5 =	sshll.u32 s3, $0x6;
	_ =	strace $0x8000004D;
	s31 =	ssub.s32 $0x2, s3  }
0xb: {  	s3 =	sadd.s32 $0xE000, s0;
	s5 =	sor.u32 s5, s4;
	s6 =	sshrl.u32 s31, $0x1  }
0xc: {  	v0 =	vlaneseq.u32;
	s0 =	sadd.s32 s5, s0;
	s7 =	ssub.s32 s31, s6;
	s5 =	sadd.s32 s1, s5  }
0xd: {  	v0 =	vmul.u32 $0x10, v0;
	s4 =	sadd.s32 $0x9000, s0;
	s6 =	sadd.s32 $0x102400, s0;
	s7 =	smax.u32 s7, $0x1  }
.LBB2_7:
0xe: {  	s30 =	sadd.s32 $0x1, s30  }
0xf: {  	p0 =	sne.s32 s30, s7  }
.Ltmp1:
0x10: {  	_ = 	snop;
	(pc) =	sbr.rel @!p0 .LBB2_8-.Ltmp1, $4  }
0x11: {  	[hbm4b:s6+s2] =	stream.linear.scatter [tilespmem:s11], [sflag:$0x9], $0x200, $0x38;
	[tilespmem:$0x5600] =	vst v63  }
0x12: {  	_ =	swait.ge [sflag:s10], $0x200  }
0x13: {  	[sflag:s10] =	ssyncset.done $0x0  }
0x14: {  	[sflag:s10] =	ssyncadd.s32 $0xFFFFFE00  }
.LBB2_1:
0x15: {  	s0 =	simm.s32 $0x200;
	s1 =	simm.s32 $0x4000  }
0x16: {  	[tilespmem:s2], [sflag:$0x9] =	stream.strided.gather [hbm4b:s4+s0], $0x1000, s1, s0, $0x38;
	[tilespmem:$0x5600] =	vst v63  }
0x17: {  	_ =	swait.ge [sflag:s10], $0x1000  }
0x18: {  	[sflag:s10] =	ssyncset.done $0x0  }
0x19: {  	[sflag:s10] =	ssyncadd.s32 $0xFFFFF000  }
0x1a: {  	[tilespmem:s11], [sflag:$0x9] =	stream.linear.gather [hbm4b:s5+s2], $0x200, $0x38;
	[tilespmem:$0x5600] =	vst v63  }
0x1b: {  	_ =	swait.ge [sflag:s10], $0x200  }
0x1c: {  	[sflag:s10] =	ssyncset.done $0x0  }
0x1d: {  	[sflag:s10] =	ssyncadd.s32 $0xFFFFFE00  }
0x1e: {  	v1 =	vld [tilespmem:$0x0]  }
0x1f: {  	v2 =	vld [tilespmem:$0x10]  }
0x20: {  	v3 =	vld [tilespmem:$0x20]  }
0x21: {  	v5 =	vld [tilespmem:$0x30]  }
0x22: {  	v7 =	vld [tilespmem:$0x40]  }
0x23: {  	v13 =	vld [tilespmem:$0x50]  }
0x24: {  	v9 =	vld [tilespmem:$0x60]  }
0x25: {  	v10 =	vld [tilespmem:$0x70]  }
0x26: {  	v4 =	vshra.s32 v1, $0x1;
	v1 =	vshrl.u32 v1, $0x4;
	v6 =	vshra.s32 v2, $0x1  }
0x27: {  	v2 =	vshrl.u32 v2, $0x4;
	v12 =	vshra.s32 v3, $0x1;
	v3 =	vshrl.u32 v3, $0x4  }
0x28: {  	v8 =	vshra.s32 v5, $0x1;
	v5 =	vshrl.u32 v5, $0x4;
	v15 =	vshra.s32 v7, $0x1  }
0x29: {  	v7 =	vshrl.u32 v7, $0x4;
	v18 =	vshra.s32 v13, $0x1;
	v19 =	vshrl.u32 v13, $0x4  }
0x2a: {  	v21 =	vshra.s32 v9, $0x1;
	v22 =	vshrl.u32 v9, $0x4;
	v23 =	vshra.s32 v10, $0x1  }
0x2b: {  	v24 =	vshrl.u32 v10, $0x4;
	v4 =	vand.u32 $0xFFFFFFC0, v4;
	v1 =	vand.u32 $0x7, v1  }
0x2c: {  	v11 =	vand.u32 $0xFFFFFFC0, v6;
	v2 =	vand.u32 $0x7, v2;
	v1 =	vor.u32 v1, v4  }
0x2d: {  	v3 =	vand.u32 $0x7, v3;
	v2 =	vor.u32 v2, v11;
	v4 =	vand.u32 $0xFFFFFFC0, v12;
	[tilespmem:$0x1000] =	vst v1  }
0x2e: {  	v14 =	vand.u32 $0xFFFFFFC0, v8;
	v5 =	vand.u32 $0x7, v5;
	v3 =	vor.u32 v3, v4;
	[tilespmem:$0x1010] =	vst v2  }
0x2f: {  	v16 =	vand.u32 $0xFFFFFFC0, v15;
	v17 =	vand.u32 $0x7, v7;
	v1 =	vor.u32 v5, v14;
	[tilespmem:$0x1020] =	vst v3  }
0x30: {  	v20 =	vand.u32 $0x7, v19;
	v2 =	vor.u32 v17, v16;
	v3 =	vand.u32 $0xFFFFFFC0, v18;
	[tilespmem:$0x1030] =	vst v1  }
0x31: {  	[tilespmem:$0x1040] =	vst v2;
	v2 =	vand.u32 $0x7, v22;
	v1 =	vor.u32 v20, v3;
	v3 =	vand.u32 $0xFFFFFFC0, v21  }
0x32: {  	[tilespmem:$0x1050] =	vst v1;
	v1 =	vor.u32 v2, v3;
	v2 =	vand.u32 $0xFFFFFFC0, v23;
	v3 =	vand.u32 $0x7, v24  }
0x33: {  	[tilespmem:$0x1060] =	vst v1;
	v1 =	vor.u32 v3, v2  }
0x34: {  	s13 =	simm.s32 $0x1000;
	s14 =	simm.s32 $0x1400;
	[tilespmem:$0x1070] =	vst v1  }
0x35: {  	[tilespmem:s14], [sflag:$0x1] =	stream.indirect.gather [hbm4b:s3+s12], $0x10, s13, s12, $0xb8;
	[tilespmem:$0x5600] =	vst v63  }
0x36: {  	v1 =	vld [tilespmem:$0x80]  }
0x37: {  	v2 =	vld [tilespmem:$0x90]  }
0x38: {  	v3 =	vld [tilespmem:$0xA0]  }
0x39: {  	v26 =	vld [tilespmem:$0xB0]  }
0x3a: {  	v28 =	vld [tilespmem:$0xC0]  }
0x3b: {  	v31 =	vld [tilespmem:$0xD0]  }
0x3c: {  	v33 =	vld [tilespmem:$0xE0]  }
0x3d: {  	v36 =	vld [tilespmem:$0xF0]  }
0x3e: {  	v25 =	vshra.s32 v1, $0x1;
	v1 =	vshrl.u32 v1, $0x4;
	v27 =	vshra.s32 v2, $0x1  }
0x3f: {  	v2 =	vshrl.u32 v2, $0x4;
	v30 =	vshra.s32 v3, $0x1;
	v3 =	vshrl.u32 v3, $0x4  }
0x40: {  	v32 =	vshra.s32 v26, $0x1;
	v5 =	vshrl.u32 v26, $0x4;
	v35 =	vshra.s32 v28, $0x1  }
0x41: {  	v7 =	vshrl.u32 v28, $0x4;
	v39 =	vshra.s32 v31, $0x1;
	v40 =	vshrl.u32 v31, $0x4  }
0x42: {  	v42 =	vshra.s32 v33, $0x1;
	v43 =	vshrl.u32 v33, $0x4;
	v44 =	vshra.s32 v36, $0x1  }
0x43: {  	v45 =	vshrl.u32 v36, $0x4;
	v4 =	vand.u32 $0xFFFFFFC0, v25;
	v1 =	vand.u32 $0x7, v1  }
0x44: {  	v29 =	vand.u32 $0xFFFFFFC0, v27;
	v2 =	vand.u32 $0x7, v2;
	v1 =	vor.u32 v1, v4  }
0x45: {  	v3 =	vand.u32 $0x7, v3;
	v2 =	vor.u32 v2, v29;
	v4 =	vand.u32 $0xFFFFFFC0, v30;
	[tilespmem:$0x1080] =	vst v1  }
0x46: {  	v34 =	vand.u32 $0xFFFFFFC0, v32;
	v5 =	vand.u32 $0x7, v5;
	v3 =	vor.u32 v3, v4;
	[tilespmem:$0x1090] =	vst v2  }
0x47: {  	v37 =	vand.u32 $0xFFFFFFC0, v35;
	v38 =	vand.u32 $0x7, v7;
	v1 =	vor.u32 v5, v34;
	[tilespmem:$0x10A0] =	vst v3  }
0x48: {  	v41 =	vand.u32 $0x7, v40;
	v2 =	vor.u32 v38, v37;
	v3 =	vand.u32 $0xFFFFFFC0, v39;
	[tilespmem:$0x10B0] =	vst v1  }
0x49: {  	[tilespmem:$0x10C0] =	vst v2;
	v2 =	vand.u32 $0x7, v43;
	v1 =	vor.u32 v41, v3;
	v3 =	vand.u32 $0xFFFFFFC0, v42  }
0x4a: {  	[tilespmem:$0x10D0] =	vst v1;
	v1 =	vor.u32 v2, v3;
	v2 =	vand.u32 $0xFFFFFFC0, v44;
	v3 =	vand.u32 $0x7, v45  }
0x4b: {  	[tilespmem:$0x10E0] =	vst v1;
	v1 =	vor.u32 v3, v2  }
0x4c: {  	s15 =	simm.s32 $0x1080;
	s16 =	simm.s32 $0x1C00;
	[tilespmem:$0x10F0] =	vst v1  }
0x4d: {  	[tilespmem:s16], [sflag:$0x2] =	stream.indirect.gather [hbm4b:s3+s12], $0x10, s15, s12, $0xb8;
	[tilespmem:$0x5600] =	vst v63  }
0x4e: {  	v1 =	vld [tilespmem:$0x100]  }
0x4f: {  	v2 =	vld [tilespmem:$0x110]  }
0x50: {  	v3 =	vld [tilespmem:$0x120]  }
0x51: {  	v47 =	vld [tilespmem:$0x130]  }
0x52: {  	v49 =	vld [tilespmem:$0x140]  }
0x53: {  	v52 =	vld [tilespmem:$0x150]  }
0x54: {  	v54 =	vld [tilespmem:$0x160]  }
0x55: {  	v57 =	vld [tilespmem:$0x170]  }
0x56: {  	v46 =	vshra.s32 v1, $0x1;
	v1 =	vshrl.u32 v1, $0x4;
	v48 =	vshra.s32 v2, $0x1  }
0x57: {  	v2 =	vshrl.u32 v2, $0x4;
	v51 =	vshra.s32 v3, $0x1;
	v3 =	vshrl.u32 v3, $0x4  }
0x58: {  	v53 =	vshra.s32 v47, $0x1;
	v5 =	vshrl.u32 v47, $0x4;
	v56 =	vshra.s32 v49, $0x1  }
0x59: {  	v7 =	vshrl.u32 v49, $0x4;
	v60 =	vshra.s32 v52, $0x1;
	v61 =	vshrl.u32 v52, $0x4  }
0x5a: {  	v63 =	vshra.s32 v54, $0x1;
	v8 =	vshrl.u32 v54, $0x4;
	v9 =	vshra.s32 v57, $0x1  }
0x5b: {  	v11 =	vshrl.u32 v57, $0x4;
	v4 =	vand.u32 $0xFFFFFFC0, v46;
	v1 =	vand.u32 $0x7, v1  }
0x5c: {  	v50 =	vand.u32 $0xFFFFFFC0, v48;
	v2 =	vand.u32 $0x7, v2;
	v1 =	vor.u32 v1, v4  }
0x5d: {  	v3 =	vand.u32 $0x7, v3;
	v2 =	vor.u32 v2, v50;
	v4 =	vand.u32 $0xFFFFFFC0, v51;
	[tilespmem:$0x1100] =	vst v1  }
0x5e: {  	v55 =	vand.u32 $0xFFFFFFC0, v53;
	v5 =	vand.u32 $0x7, v5;
	v3 =	vor.u32 v3, v4;
	[tilespmem:$0x1110] =	vst v2  }
0x5f: {  	v58 =	vand.u32 $0xFFFFFFC0, v56;
	v59 =	vand.u32 $0x7, v7;
	v1 =	vor.u32 v5, v55;
	[tilespmem:$0x1120] =	vst v3  }
0x60: {  	v62 =	vand.u32 $0x7, v61;
	v2 =	vor.u32 v59, v58;
	v3 =	vand.u32 $0xFFFFFFC0, v60;
	[tilespmem:$0x1130] =	vst v1  }
0x61: {  	[tilespmem:$0x1140] =	vst v2;
	v2 =	vand.u32 $0x7, v8;
	v1 =	vor.u32 v62, v3;
	v3 =	vand.u32 $0xFFFFFFC0, v63  }
0x62: {  	[tilespmem:$0x1150] =	vst v1;
	v1 =	vor.u32 v2, v3;
	v2 =	vand.u32 $0xFFFFFFC0, v9;
	v3 =	vand.u32 $0x7, v11  }
0x63: {  	[tilespmem:$0x1160] =	vst v1;
	v1 =	vor.u32 v3, v2  }
0x64: {  	s17 =	simm.s32 $0x1100;
	s18 =	simm.s32 $0x2400;
	[tilespmem:$0x1170] =	vst v1  }
0x65: {  	[tilespmem:s18], [sflag:$0x3] =	stream.indirect.gather [hbm4b:s3+s12], $0x10, s17, s12, $0xb8;
	[tilespmem:$0x5600] =	vst v63  }
0x66: {  	v1 =	vld [tilespmem:$0x180]  }
0x67: {  	v2 =	vld [tilespmem:$0x190]  }
0x68: {  	v3 =	vld [tilespmem:$0x1A0]  }
0x69: {  	v13 =	vld [tilespmem:$0x1B0]  }
0x6a: {  	v15 =	vld [tilespmem:$0x1C0]  }
0x6b: {  	v18 =	vld [tilespmem:$0x1D0]  }
0x6c: {  	v20 =	vld [tilespmem:$0x1E0]  }
0x6d: {  	v23 =	vld [tilespmem:$0x1F0]  }
0x6e: {  	v12 =	vshra.s32 v1, $0x1;
	v1 =	vshrl.u32 v1, $0x4;
	v14 =	vshra.s32 v2, $0x1  }
0x6f: {  	v2 =	vshrl.u32 v2, $0x4;
	v17 =	vshra.s32 v3, $0x1;
	v3 =	vshrl.u32 v3, $0x4  }
0x70: {  	v19 =	vshra.s32 v13, $0x1;
	v5 =	vshrl.u32 v13, $0x4;
	v22 =	vshra.s32 v15, $0x1  }
0x71: {  	v7 =	vshrl.u32 v15, $0x4;
	v26 =	vshra.s32 v18, $0x1;
	v27 =	vshrl.u32 v18, $0x4  }
0x72: {  	v29 =	vshra.s32 v20, $0x1;
	v30 =	vshrl.u32 v20, $0x4;
	v31 =	vshra.s32 v23, $0x1  }
0x73: {  	v32 =	vshrl.u32 v23, $0x4;
	v4 =	vand.u32 $0xFFFFFFC0, v12;
	v1 =	vand.u32 $0x7, v1  }
0x74: {  	v16 =	vand.u32 $0xFFFFFFC0, v14;
	v2 =	vand.u32 $0x7, v2;
	v1 =	vor.u32 v1, v4  }
0x75: {  	v3 =	vand.u32 $0x7, v3;
	v2 =	vor.u32 v2, v16;
	v4 =	vand.u32 $0xFFFFFFC0, v17;
	[tilespmem:$0x1180] =	vst v1  }
0x76: {  	v21 =	vand.u32 $0xFFFFFFC0, v19;
	v5 =	vand.u32 $0x7, v5;
	v3 =	vor.u32 v3, v4;
	[tilespmem:$0x1190] =	vst v2  }
0x77: {  	v24 =	vand.u32 $0xFFFFFFC0, v22;
	v25 =	vand.u32 $0x7, v7;
	v1 =	vor.u32 v5, v21;
	[tilespmem:$0x11A0] =	vst v3  }
0x78: {  	v28 =	vand.u32 $0x7, v27;
	v2 =	vor.u32 v25, v24;
	v3 =	vand.u32 $0xFFFFFFC0, v26;
	[tilespmem:$0x11B0] =	vst v1  }
0x79: {  	[tilespmem:$0x11C0] =	vst v2;
	v2 =	vand.u32 $0x7, v30;
	v1 =	vor.u32 v28, v3;
	v3 =	vand.u32 $0xFFFFFFC0, v29  }
0x7a: {  	[tilespmem:$0x11D0] =	vst v1;
	v1 =	vor.u32 v2, v3;
	v2 =	vand.u32 $0xFFFFFFC0, v31;
	v3 =	vand.u32 $0x7, v32  }
0x7b: {  	[tilespmem:$0x11E0] =	vst v1;
	v1 =	vor.u32 v3, v2  }
0x7c: {  	[tilespmem:$0x11F0] =	vst v1  }
0x7d: {  	[tilespmem:s20], [sflag:$0x4] =	stream.indirect.gather [hbm4b:s3+s12], $0x10, s19, s12, $0xb8;
	[tilespmem:$0x5600] =	vst v63  }
0x7e: {  	v1 =	vld [tilespmem:$0x200]  }
0x7f: {  	v2 =	vld [tilespmem:$0x210]  }
0x80: {  	v3 =	vld [tilespmem:$0x220]  }
0x81: {  	v34 =	vld [tilespmem:$0x230]  }
0x82: {  	v37 =	vld [tilespmem:$0x240]  }
0x83: {  	v39 =	vld [tilespmem:$0x250]  }
0x84: {  	v42 =	vld [tilespmem:$0x260]  }
0x85: {  	v44 =	vld [tilespmem:$0x270]  }
0x86: {  	v33 =	vshra.s32 v1, $0x1;
	v1 =	vshrl.u32 v1, $0x4;
	v35 =	vshra.s32 v2, $0x1  }
0x87: {  	v2 =	vshrl.u32 v2, $0x4;
	v38 =	vshra.s32 v3, $0x1;
	v3 =	vshrl.u32 v3, $0x4  }
0x88: {  	v40 =	vshra.s32 v34, $0x1;
	v5 =	vshrl.u32 v34, $0x4;
	v43 =	vshra.s32 v37, $0x1  }
0x89: {  	v6 =	vshrl.u32 v37, $0x4;
	v45 =	vshra.s32 v39, $0x1;
	v7 =	vshrl.u32 v39, $0x4  }
0x8a: {  	v48 =	vshra.s32 v42, $0x1;
	v49 =	vshrl.u32 v42, $0x4;
	v51 =	vshra.s32 v44, $0x1  }
0x8b: {  	v52 =	vshrl.u32 v44, $0x4;
	v4 =	vand.u32 $0xFFFFFFC0, v33;
	v1 =	vand.u32 $0x7, v1  }
0x8c: {  	v36 =	vand.u32 $0xFFFFFFC0, v35;
	v2 =	vand.u32 $0x7, v2;
	v3 =	vand.u32 $0x7, v3  }
0x8d: {  	v41 =	vand.u32 $0xFFFFFFC0, v40;
	v5 =	vand.u32 $0x7, v5;
	v6 =	vand.u32 $0x7, v6  }
0x8e: {  	v46 =	vand.u32 $0xFFFFFFC0, v45;
	v47 =	vand.u32 $0x7, v7;
	v1 =	vor.u32 v4, v1  }
0x8f: {  	v2 =	vor.u32 v36, v2;
	v4 =	vand.u32 $0xFFFFFFC0, v38;
	v1 =	vor.u32 $0x8, v1  }
0x90: {  	v50 =	vand.u32 $0x7, v49;
	v2 =	vor.u32 $0x8, v2;
	v3 =	vor.u32 v4, v3;
	[tilespmem:$0x1200] =	vst v1  }
0x91: {  	v4 =	vor.u32 v41, v5;
	v5 =	vand.u32 $0xFFFFFFC0, v43;
	v3 =	vor.u32 $0x8, v3;
	[tilespmem:$0x1210] =	vst v2  }
0x92: {  	v53 =	vand.u32 $0x7, v52;
	v4 =	vor.u32 $0x8, v4;
	v1 =	vor.u32 v5, v6;
	[tilespmem:$0x1220] =	vst v3  }
0x93: {  	v2 =	vor.u32 v46, v47;
	v1 =	vor.u32 $0x8, v1;
	v3 =	vand.u32 $0xFFFFFFC0, v48;
	[tilespmem:$0x1230] =	vst v4  }
0x94: {  	v2 =	vor.u32 $0x8, v2;
	[tilespmem:$0x1240] =	vst v1;
	v1 =	vor.u32 v3, v50;
	v3 =	vand.u32 $0xFFFFFFC0, v51  }
0x95: {  	[tilespmem:$0x1250] =	vst v2;
	v1 =	vor.u32 $0x8, v1;
	v2 =	vor.u32 v3, v53  }
0x96: {  	[tilespmem:$0x1260] =	vst v1;
	v1 =	vor.u32 $0x8, v2  }
0x97: {  	[tilespmem:$0x1270] =	vst v1  }
0x98: {  	[tilespmem:s22], [sflag:$0x5] =	stream.indirect.gather [hbm4b:s3+s12], $0x10, s21, s12, $0xb8;
	[tilespmem:$0x5600] =	vst v63  }
0x99: {  	v1 =	vld [tilespmem:$0x280]  }
0x9a: {  	v2 =	vld [tilespmem:$0x290]  }
0x9b: {  	v3 =	vld [tilespmem:$0x2A0]  }
0x9c: {  	v55 =	vld [tilespmem:$0x2B0]  }
0x9d: {  	v58 =	vld [tilespmem:$0x2C0]  }
0x9e: {  	v60 =	vld [tilespmem:$0x2D0]  }
0x9f: {  	v63 =	vld [tilespmem:$0x2E0]  }
0xa0: {  	v12 =	vld [tilespmem:$0x2F0]  }
0xa1: {  	v54 =	vshra.s32 v1, $0x1;
	v1 =	vshrl.u32 v1, $0x4;
	v56 =	vshra.s32 v2, $0x1  }
0xa2: {  	v2 =	vshrl.u32 v2, $0x4;
	v59 =	vshra.s32 v3, $0x1;
	v3 =	vshrl.u32 v3, $0x4  }
0xa3: {  	v61 =	vshra.s32 v55, $0x1;
	v5 =	vshrl.u32 v55, $0x4;
	v11 =	vshra.s32 v58, $0x1  }
0xa4: {  	v6 =	vshrl.u32 v58, $0x4;
	v13 =	vshra.s32 v60, $0x1;
	v7 =	vshrl.u32 v60, $0x4  }
0xa5: {  	v16 =	vshra.s32 v63, $0x1;
	v17 =	vshrl.u32 v63, $0x4;
	v19 =	vshra.s32 v12, $0x1  }
0xa6: {  	v20 =	vshrl.u32 v12, $0x4;
	v4 =	vand.u32 $0xFFFFFFC0, v54;
	v1 =	vand.u32 $0x7, v1  }
0xa7: {  	v57 =	vand.u32 $0xFFFFFFC0, v56;
	v2 =	vand.u32 $0x7, v2;
	v3 =	vand.u32 $0x7, v3  }
0xa8: {  	v62 =	vand.u32 $0xFFFFFFC0, v61;
	v5 =	vand.u32 $0x7, v5;
	v6 =	vand.u32 $0x7, v6  }
0xa9: {  	v14 =	vand.u32 $0xFFFFFFC0, v13;
	v15 =	vand.u32 $0x7, v7;
	v1 =	vor.u32 v4, v1  }
0xaa: {  	v2 =	vor.u32 v57, v2;
	v4 =	vand.u32 $0xFFFFFFC0, v59;
	v1 =	vor.u32 $0x8, v1  }
0xab: {  	v18 =	vand.u32 $0x7, v17;
	v2 =	vor.u32 $0x8, v2;
	v3 =	vor.u32 v4, v3;
	[tilespmem:$0x1280] =	vst v1  }
0xac: {  	v4 =	vor.u32 v62, v5;
	v5 =	vand.u32 $0xFFFFFFC0, v11;
	v3 =	vor.u32 $0x8, v3;
	[tilespmem:$0x1290] =	vst v2  }
0xad: {  	v21 =	vand.u32 $0x7, v20;
	v4 =	vor.u32 $0x8, v4;
	v1 =	vor.u32 v5, v6;
	[tilespmem:$0x12A0] =	vst v3  }
0xae: {  	v2 =	vor.u32 v14, v15;
	v1 =	vor.u32 $0x8, v1;
	v3 =	vand.u32 $0xFFFFFFC0, v16;
	[tilespmem:$0x12B0] =	vst v4  }
0xaf: {  	v2 =	vor.u32 $0x8, v2;
	[tilespmem:$0x12C0] =	vst v1;
	v1 =	vor.u32 v3, v18;
	v3 =	vand.u32 $0xFFFFFFC0, v19  }
0xb0: {  	[tilespmem:$0x12D0] =	vst v2;
	v1 =	vor.u32 $0x8, v1;
	v2 =	vor.u32 v3, v21  }
0xb1: {  	[tilespmem:$0x12E0] =	vst v1;
	v1 =	vor.u32 $0x8, v2  }
0xb2: {  	[tilespmem:$0x12F0] =	vst v1  }
0xb3: {  	[tilespmem:s24], [sflag:$0x6] =	stream.indirect.gather [hbm4b:s3+s12], $0x10, s23, s12, $0xb8;
	[tilespmem:$0x5600] =	vst v63  }
0xb4: {  	v1 =	vld [tilespmem:$0x300]  }
0xb5: {  	v2 =	vld [tilespmem:$0x310]  }
0xb6: {  	v3 =	vld [tilespmem:$0x320]  }
0xb7: {  	v23 =	vld [tilespmem:$0x330]  }
0xb8: {  	v26 =	vld [tilespmem:$0x340]  }
0xb9: {  	v28 =	vld [tilespmem:$0x350]  }
0xba: {  	v31 =	vld [tilespmem:$0x360]  }
0xbb: {  	v33 =	vld [tilespmem:$0x370]  }
0xbc: {  	v22 =	vshra.s32 v1, $0x1;
	v1 =	vshrl.u32 v1, $0x4;
	v24 =	vshra.s32 v2, $0x1  }
0xbd: {  	v2 =	vshrl.u32 v2, $0x4;
	v27 =	vshra.s32 v3, $0x1;
	v3 =	vshrl.u32 v3, $0x4  }
0xbe: {  	v29 =	vshra.s32 v23, $0x1;
	v5 =	vshrl.u32 v23, $0x4;
	v32 =	vshra.s32 v26, $0x1  }
0xbf: {  	v6 =	vshrl.u32 v26, $0x4;
	v34 =	vshra.s32 v28, $0x1;
	v7 =	vshrl.u32 v28, $0x4  }
0xc0: {  	v37 =	vshra.s32 v31, $0x1;
	v38 =	vshrl.u32 v31, $0x4;
	v40 =	vshra.s32 v33, $0x1  }
0xc1: {  	v41 =	vshrl.u32 v33, $0x4;
	v4 =	vand.u32 $0xFFFFFFC0, v22;
	v1 =	vand.u32 $0x7, v1  }
0xc2: {  	v25 =	vand.u32 $0xFFFFFFC0, v24;
	v2 =	vand.u32 $0x7, v2;
	v3 =	vand.u32 $0x7, v3  }
0xc3: {  	v30 =	vand.u32 $0xFFFFFFC0, v29;
	v5 =	vand.u32 $0x7, v5;
	v6 =	vand.u32 $0x7, v6  }
0xc4: {  	v35 =	vand.u32 $0xFFFFFFC0, v34;
	v36 =	vand.u32 $0x7, v7;
	v1 =	vor.u32 v4, v1  }
0xc5: {  	v2 =	vor.u32 v25, v2;
	v4 =	vand.u32 $0xFFFFFFC0, v27;
	v1 =	vor.u32 $0x8, v1  }
0xc6: {  	v39 =	vand.u32 $0x7, v38;
	v2 =	vor.u32 $0x8, v2;
	v3 =	vor.u32 v4, v3;
	[tilespmem:$0x1300] =	vst v1  }
0xc7: {  	v4 =	vor.u32 v30, v5;
	v5 =	vand.u32 $0xFFFFFFC0, v32;
	v3 =	vor.u32 $0x8, v3;
	[tilespmem:$0x1310] =	vst v2  }
0xc8: {  	v42 =	vand.u32 $0x7, v41;
	v4 =	vor.u32 $0x8, v4;
	v1 =	vor.u32 v5, v6;
	[tilespmem:$0x1320] =	vst v3  }
0xc9: {  	v2 =	vor.u32 v35, v36;
	v1 =	vor.u32 $0x8, v1;
	v3 =	vand.u32 $0xFFFFFFC0, v37;
	[tilespmem:$0x1330] =	vst v4  }
0xca: {  	v2 =	vor.u32 $0x8, v2;
	[tilespmem:$0x1340] =	vst v1;
	v1 =	vor.u32 v3, v39;
	v3 =	vand.u32 $0xFFFFFFC0, v40  }
0xcb: {  	[tilespmem:$0x1350] =	vst v2;
	v1 =	vor.u32 $0x8, v1;
	v2 =	vor.u32 v3, v42  }
0xcc: {  	[tilespmem:$0x1360] =	vst v1;
	v1 =	vor.u32 $0x8, v2  }
0xcd: {  	[tilespmem:$0x1370] =	vst v1  }
0xce: {  	[tilespmem:s26], [sflag:$0x7] =	stream.indirect.gather [hbm4b:s3+s12], $0x10, s25, s12, $0xb8;
	[tilespmem:$0x5600] =	vst v63  }
0xcf: {  	v1 =	vld [tilespmem:$0x380]  }
0xd0: {  	v2 =	vld [tilespmem:$0x390]  }
0xd1: {  	v3 =	vld [tilespmem:$0x3A0]  }
0xd2: {  	v44 =	vld [tilespmem:$0x3B0]  }
0xd3: {  	v46 =	vld [tilespmem:$0x3C0]  }
0xd4: {  	v49 =	vld [tilespmem:$0x3D0]  }
0xd5: {  	v51 =	vld [tilespmem:$0x3E0]  }
0xd6: {  	v54 =	vld [tilespmem:$0x3F0]  }
0xd7: {  	v43 =	vshra.s32 v1, $0x1;
	v1 =	vshrl.u32 v1, $0x4;
	v45 =	vshra.s32 v2, $0x1  }
0xd8: {  	v2 =	vshrl.u32 v2, $0x4;
	v47 =	vshra.s32 v3, $0x1;
	v3 =	vshrl.u32 v3, $0x4  }
0xd9: {  	v50 =	vshra.s32 v44, $0x1;
	v5 =	vshrl.u32 v44, $0x4;
	v52 =	vshra.s32 v46, $0x1  }
0xda: {  	v6 =	vshrl.u32 v46, $0x4;
	v55 =	vshra.s32 v49, $0x1;
	v7 =	vshrl.u32 v49, $0x4  }
0xdb: {  	v58 =	vshra.s32 v51, $0x1;
	v59 =	vshrl.u32 v51, $0x4;
	v61 =	vshra.s32 v54, $0x1  }
0xdc: {  	v62 =	vshrl.u32 v54, $0x4;
	v4 =	vand.u32 $0xFFFFFFC0, v43;
	v1 =	vand.u32 $0x7, v1  }
0xdd: {  	v2 =	vand.u32 $0x7, v2;
	v48 =	vand.u32 $0xFFFFFFC0, v47;
	v3 =	vand.u32 $0x7, v3  }
0xde: {  	v5 =	vand.u32 $0x7, v5;
	v53 =	vand.u32 $0xFFFFFFC0, v52;
	v6 =	vand.u32 $0x7, v6  }
0xdf: {  	v56 =	vand.u32 $0xFFFFFFC0, v55;
	v57 =	vand.u32 $0x7, v7;
	v1 =	vor.u32 v4, v1  }
0xe0: {  	v4 =	vand.u32 $0xFFFFFFC0, v45;
	v3 =	vor.u32 v48, v3;
	v1 =	vor.u32 $0x8, v1  }
0xe1: {  	v2 =	vor.u32 v4, v2;
	v3 =	vor.u32 $0x8, v3;
	v4 =	vand.u32 $0xFFFFFFC0, v50;
	[tilespmem:$0x1380] =	vst v1  }
0xe2: {  	v60 =	vand.u32 $0x7, v59;
	v2 =	vor.u32 $0x8, v2;
	v4 =	vor.u32 v4, v5;
	[tilespmem:$0x13A0] =	vst v3  }
0xe3: {  	v63 =	vand.u32 $0x7, v62;
	v5 =	vor.u32 v53, v6;
	v1 =	vor.u32 $0x8, v4;
	[tilespmem:$0x1390] =	vst v2  }
0xe4: {  	v2 =	vor.u32 v56, v57;
	v3 =	vor.u32 $0x8, v5;
	v4 =	vand.u32 $0xFFFFFFC0, v58;
	[tilespmem:$0x13B0] =	vst v1  }
.Ltmp2:
0xe5: {  	v1 =	vor.u32 v4, v60;
	[tilespmem:$0x13C0] =	vst v3;
	v2 =	vor.u32 $0x8, v2;
	v3 =	vand.u32 $0xFFFFFFC0, v61;
	(pc) =	sbr.rel .LBB2_2-.Ltmp2, $4  }
0xe6: {  	[tilespmem:$0x13D0] =	vst v2;
	v2 =	vor.u32 v3, v63;
	v1 =	vor.u32 $0x8, v1  }
0xe7: {  	[tilespmem:$0x13E0] =	vst v1;
	v1 =	vor.u32 $0x8, v2  }
0xe8: {  	s31 =	simm.s32 $0x0;
	s0 =	simm.s32 $0x0;
	s1 =	simm.s32 $0x0;
	[tilespmem:$0x13F0] =	vst v1  }
0xe9: {  	[tilespmem:s29], [sflag:$0x8] =	stream.indirect.gather [hbm4b:s3+s12], $0x10, s28, s12, $0xb8;
	[tilespmem:$0x5600] =	vst v63  }
.LBB2_6:
0xea: {  	s1 =	sadd.s32 $0x1, s1  }
0xeb: {  	p0 =	sne.s32 s1, $0x20  }
.Ltmp3:
0xec: {  	_ = 	snop;
	(pc) =	sbr.rel @!p0 .LBB2_7-.Ltmp3, $2  }
0xed: {  	_ =	sdelay $0x2  }
0xee: {  	s0 =	sadd.s32 $0x200, s0;
	s31 =	sadd.s32 $0x1, s31  }
.LBB2_2:
0xef: {  	s13 =	sand.u32 $0x7, s1  }
0xf0: {  	s9 =	sshll.u32 s31, $0x9;
	s8 =	sadd.s32 $0x1, s13  }
0xf1: {  	s14 =	sand.u32 $0xFFFFF800, s0;
	s9 =	sand.u32 $0x600, s9;
	_ =	swait.ge [sflag:s8], $0x800  }
0xf2: {  	s14 =	sor.u32 s9, s14;
	[sflag:s8] =	ssyncset.done $0x0  }
0xf3: {  	s14 =	sshrl.u32 s14, $0x2;
	[sflag:s8] =	ssyncadd.s32 $0xFFFFF800  }
0xf4: {  	v1 =	vld [tilespmem:s14+$0x0];
	_ =	sdelay $0x1  }
0xf5: {  	s15 =	simm.s32 $0x0  }
0xf6: {  	v2 =	vmov s15  }
0xf7: {  	v2 =	vshll.u32 v2, $0x4  }
0xf8: {  	v2 =	vor.u32 v0, v2;
	v1 =	vand.u32 $0xF, v1  }
0xf9: {  	v1 =	vor.u32 v2, v1;
	_ =	sdelay $0x1  }
0xfa: {  	s16 =	sshrl.u32 s9, $0x2  }
0xfb: {  	s18 =	sshll.u32 s13, $0xB;
	s15 =	sor.u32 $0x5400, s16  }
0xfc: {  	s9 =	sadd.s32 $0x1400, s18;
	v2 =	vld [tilespmem:s15+$0x0]  }
0xfd: {  	v1 =	vld.idx.msk [tilespmem:v1+s9+$0x0], $0xffff;
	_ =	sdelay $0x4  }
0xfe: {  	v1 =	vadd.f32 v2, v1;
	_ =	sdelay $0x1  }
0xff: {  	s17 =	sshll.u32 s1, $0x7;
	s16 =	sadd.s32 $0x10, s14;
	[tilespmem:s15+$0x0] =	vst v1  }
0x100: {  	s18 =	simm.s32 $0x20;
	s14 =	sand.u32 $0x180, s17;
	s17 =	simm.s32 $0x10;
	v1 =	vld [tilespmem:s16+$0x0]  }
.LBB2_3:
0x101: {  	p0 =	sne.s32 s18, $0x70;
	_ =	sdelay $0x1  }
0x102: {  	v2 =	vmov s17;
	s17 =	smov.u32 s18  }
0x103: {  	v2 =	vshll.u32 v2, $0x4  }
0x104: {  	v2 =	vor.u32 v0, v2;
	v1 =	vand.u32 $0xF, v1  }
0x105: {  	v1 =	vor.u32 v2, v1;
	_ =	sdelay $0x4  }
0x106: {  	s15 =	sadd.s32 $0x10, s15;
	v1 =	vld.idx.msk [tilespmem:v1+s9+$0x0], $0xffff  }
0x107: {  	v2 =	vld [tilespmem:s15+$0x0];
	_ =	sdelay $0x3  }
.Ltmp4:
0x108: {  	(pc) =	sbr.rel @p0 .LBB2_3-.Ltmp4, $3  }
0x109: {  	v1 =	vadd.f32 v2, v1;
	_ =	sdelay $0x1  }
0x10a: {  	s16 =	sadd.s32 $0x10, s16;
	[tilespmem:s15+$0x0] =	vst v1  }
0x10b: {  	s18 =	sadd.s32 $0x10, s18;
	v1 =	vld [tilespmem:s16+$0x0]  }
0x10c: {  	_ =	sdelay $0x1  }
0x10d: {  	v2 =	vmov s17  }
0x10e: {  	v2 =	vshll.u32 v2, $0x4  }
0x10f: {  	v2 =	vor.u32 v0, v2;
	v1 =	vand.u32 $0xF, v1  }
0x110: {  	v1 =	vor.u32 v2, v1;
	_ =	sdelay $0x2  }
0x111: {  	s15 =	sadd.s32 $0x10, s15  }
0x112: {  	v2 =	vld [tilespmem:s15+$0x0]  }
0x113: {  	v1 =	vld.idx.msk [tilespmem:v1+s9+$0x0], $0xffff;
	_ =	sdelay $0x1  }
0x114: {  	p0 =	sgt.u32 s1, $0x17  }
.Ltmp5:
0x115: {  	_ = 	snop;
	(pc) =	sbr.rel @p0 .LBB2_6-.Ltmp5, $3  }
0x116: {  	_ = 	snop  }
0x117: {  	v1 =	vadd.f32 v2, v1;
	_ =	sdelay $0x1  }
0x118: {  	[tilespmem:s15+$0x0] =	vst v1  }
0x119: {  	s15 =	sadd.s32 $0x8, s1  }
0x11a: {  	s16 =	sshll.u32 s15, $0x7  }
0x11b: {  	s16 =	sand.u32 $0x3FFFFE00, s16  }
0x11c: {  	s14 =	sor.u32 s14, s16  }
0x11d: {  	v1 =	vld [tilespmem:s14+$0x0];
	_ =	sdelay $0x4  }
0x11e: {  	s15 =	sshll.u32 s15, $0x1;
	v2 =	vshrl.u32 v1, $0x4  }
0x11f: {  	s15 =	sand.u32 $0xFFFFFFF8, s15;
	v1 =	vshra.s32 v1, $0x1;
	v2 =	vand.u32 $0x7, v2  }
0x120: {  	v1 =	vand.u32 $0xFFFFFFC0, v1;
	v2 =	vor.u32 s15, v2  }
0x121: {  	s13 =	sshll.u32 s13, $0x7;
	v1 =	vadd.s32 v1, v2  }
0x122: {  	[tilespmem:s13+$0x1000] =	vst v1  }
0x123: {  	v1 =	vld [tilespmem:s14+$0x10];
	_ =	sdelay $0x4  }
0x124: {  	v2 =	vshrl.u32 v1, $0x4  }
0x125: {  	v1 =	vshra.s32 v1, $0x1;
	v2 =	vand.u32 $0x7, v2  }
0x126: {  	v1 =	vand.u32 $0xFFFFFFC0, v1;
	v2 =	vor.u32 s15, v2  }
0x127: {  	v1 =	vadd.s32 v1, v2  }
0x128: {  	[tilespmem:s13+$0x1010] =	vst v1  }
0x129: {  	v1 =	vld [tilespmem:s14+$0x20];
	_ =	sdelay $0x4  }
0x12a: {  	v2 =	vshrl.u32 v1, $0x4  }
0x12b: {  	v1 =	vshra.s32 v1, $0x1;
	v2 =	vand.u32 $0x7, v2  }
0x12c: {  	v1 =	vand.u32 $0xFFFFFFC0, v1;
	v2 =	vor.u32 s15, v2  }
0x12d: {  	v1 =	vadd.s32 v1, v2  }
0x12e: {  	[tilespmem:s13+$0x1020] =	vst v1  }
0x12f: {  	v1 =	vld [tilespmem:s14+$0x30];
	_ =	sdelay $0x4  }
0x130: {  	v2 =	vshrl.u32 v1, $0x4  }
0x131: {  	v1 =	vshra.s32 v1, $0x1;
	v2 =	vand.u32 $0x7, v2  }
0x132: {  	v1 =	vand.u32 $0xFFFFFFC0, v1;
	v2 =	vor.u32 s15, v2  }
0x133: {  	v1 =	vadd.s32 v1, v2  }
0x134: {  	[tilespmem:s13+$0x1030] =	vst v1  }
0x135: {  	v1 =	vld [tilespmem:s14+$0x40];
	_ =	sdelay $0x4  }
0x136: {  	v2 =	vshrl.u32 v1, $0x4  }
0x137: {  	v1 =	vshra.s32 v1, $0x1;
	v2 =	vand.u32 $0x7, v2  }
0x138: {  	v1 =	vand.u32 $0xFFFFFFC0, v1;
	v2 =	vor.u32 s15, v2  }
0x139: {  	v1 =	vadd.s32 v1, v2  }
0x13a: {  	[tilespmem:s13+$0x1040] =	vst v1  }
0x13b: {  	v1 =	vld [tilespmem:s14+$0x50];
	_ =	sdelay $0x4  }
0x13c: {  	v2 =	vshrl.u32 v1, $0x4  }
0x13d: {  	v1 =	vshra.s32 v1, $0x1;
	v2 =	vand.u32 $0x7, v2  }
0x13e: {  	v1 =	vand.u32 $0xFFFFFFC0, v1;
	v2 =	vor.u32 s15, v2  }
0x13f: {  	v1 =	vadd.s32 v1, v2  }
0x140: {  	[tilespmem:s13+$0x1050] =	vst v1  }
0x141: {  	v1 =	vld [tilespmem:s14+$0x60];
	_ =	sdelay $0x4  }
0x142: {  	v2 =	vshrl.u32 v1, $0x4  }
0x143: {  	v1 =	vshra.s32 v1, $0x1;
	v2 =	vand.u32 $0x7, v2  }
0x144: {  	v1 =	vand.u32 $0xFFFFFFC0, v1;
	v2 =	vor.u32 s15, v2  }
0x145: {  	v1 =	vadd.s32 v1, v2  }
0x146: {  	[tilespmem:s13+$0x1060] =	vst v1  }
0x147: {  	v1 =	vld [tilespmem:s14+$0x70];
	_ =	sdelay $0x4  }
0x148: {  	v2 =	vshrl.u32 v1, $0x4  }
.Ltmp6:
0x149: {  	v1 =	vshra.s32 v1, $0x1;
	v2 =	vand.u32 $0x7, v2;
	(pc) =	sbr.rel .LBB2_6-.Ltmp6, $4  }
0x14a: {  	v1 =	vand.u32 $0xFFFFFFC0, v1;
	v2 =	vor.u32 s15, v2  }
0x14b: {  	v1 =	vadd.s32 v1, v2  }
0x14c: {  	s18 =	sor.u32 $0x1000, s13;
	[tilespmem:s13+$0x1070] =	vst v1  }
0x14d: {  	[tilespmem:s9], [sflag:s8] =	stream.indirect.gather [hbm4b:s3+s12], $0x10, s18, s12, $0xb8;
	[tilespmem:$0x5600] =	vst v63  }
.LBB2_8:
0x14e: {  	_ =	sfence.sel $0x180000  }
0x14f: {  	[bflag:$0x0] =	sbarrier.arrive $0xFFFF  }
0x150: {  	_ =	strace $0x9000004D  }
0x151: {  	s0 =	stileid.u32;
	[bflag:$0x2] =	sbarrier.arrive $0xFFFF  }
0x152: {  	p0 =	sne.s32 s0, $0x0;
	s0 =	rddreg [dreg:$0x2]  }
0x153: {  	s0 =	sadd.s32 @!p0 $0x100000, s0  }
0x154: {  	[sflag:s0] =	ssyncadd.tile.s32 @!p0 $0x1;
	_ =	shalt  }
.Lfunc_end2:
_tile_overlayer_lowered:
.L_overlay_start_2:
0x155: {  	(tag) =	ssettag $0x2  }
0x156: {  	s0 =	rddreg [dreg:$0x0];
	s2 =	stileid.u32  }
0x157: {  	s1 =	rddreg [dreg:$0x1];
	p0 =	sne.s32 s2, $0x0  }
0x158: {  	s3 =	rddreg [dreg:$0x2];
	[bflag:$0x3] =	sbarrier.arrive $0xFFFF;
	s2 =	simm.s32 @!p0 $0x1C09  }
0x159: {  	[timem:s3], [sflag:s2] =	dma.local @!p0 [hbm:s0], s1  }
0x15a: {  	s0 =	simm.s32 @!p0 $0x9  }
0x15b: {  	_ =	swait.ge @!p0 [sflag:s0], s1  }
0x15c: {  	s1 =	ssub.s32 @!p0 $0x0, s1;
	[sflag:s0] =	ssyncset.done @!p0 $0x0  }
0x15d: {  	[sflag:s0] =	ssyncadd.s32 @!p0 s1  }
0x15e: {  	[bflag:$0x3] =	sbarrier.arrive $0xFFFF  }
0x15f: {  	_ =	shalt  }

// kernel: lookup_sum_f24_2.3.cloned.1.call-start
scs
__scs_entry_jumppad:
0x0: {  	(pc) =	sbr.rel $0x88, $3  }
0x1: {  	(tag) =	ssettag $0x0;
	lr =	simm.s32 $0x1  }
0x2: {  	[smem:$0x3F9E] =	sst lr;
	_ =	strace $0xD0000000  }
0x3: {  	_ = 	snop  }
0x4: {  	_ = 	snop  }
0x5: {  	_ = 	snop  }
0x6: {  	_ = 	snop  }
0x7: {  	_ = 	snop  }
__scs_overlays_trampoline_lowered:
0x8: {  	[smem:$0x3FAD] =	sst s0  }
0x9: {  	[smem:$0x3FAE] =	sst s1  }
0xa: {  	[smem:$0x3FAF] =	sst s2  }
0xb: {  	[smem:$0x3FB0] =	sst s3  }
0xc: {  	[smem:$0x3FB1] =	sst s4  }
0xd: {  	[smem:$0x3FB2] =	sst s5  }
0xe: {  	[smem:$0x3FB3] =	sst s6  }
0xf: {  	[smem:$0x3FB4] =	sst s7  }
0x10: {  	[smem:$0x3FB5] =	sst s8  }
0x11: {  	[smem:$0x3FB6] =	sst s9;
	s0 =	simm.s32 @!p0 $0x0  }
0x12: {  	s1 =	sld [smem:$0x3F9C];
	s0 =	simm.s32 @p0 $0x1  }
0x13: {  	[smem:$0x3FB7] =	sst s0;
	s0 =	simm.s32 @!p1 $0x0  }
0x14: {  	s2 =	sld [smem:$0x3F9B];
	s0 =	simm.s32 @p1 $0x1  }
0x15: {  	[smem:$0x3FB8] =	sst s0;
	s0 =	simm.s32 @!p2 $0x0  }
0x16: {  	s3 =	sld [smem:$0x3FDB];
	s0 =	simm.s32 @p2 $0x1  }
0x17: {  	s4 =	simm.s32 $0x1BF5;
	[smem:$0x3FBA] =	sst s0  }
0x18: {  	s0 =	sld [smem:$0x3F9D];
	_ =	swait.ge [sflag:s4], $0x0  }
0x19: {  	s7 =	sld [smem:$0x3F9E]  }
0x1a: {  	s8 =	sadd.s32 $0xFFFFE003, lr  }
0x1b: {  	s9 =	sadd.s32 $0xFFFFFEF7, lr;
	s5 =	simm.s32 $0xFFFFFFFF;
	p2 =	slt.u32 s8, $0xFFFFF086  }
0x1c: {  	p1 =	slt.u32 s9, $0xF7A;
	s5 =	simm.s32 @!p2 $0x0  }
0x1d: {  	s5 =	simm.s32 @p1 $0x1;
	p0 =	seq.s32 s7, s2  }
0x1e: {  	s7 =	smul.u32 @!p0 $0xF7A, s2;
	p2 =	seq.s32 @!p0 s5, $0x0  }
0x1f: {  	s9 =	smul.u32 $0xF7A, s1;
	s8 =	simm.s32 @!p0 $0x1BF5;
	p2 =	por !p2, p0  }
0x20: {  	[sflag:s8] =	ssyncset.s32 @!p0 $0xFFFFF086;
	s6 =	sadd.s32 @!p0 s3, s7;
	s7 =	simm.s32 @!p0 $0x108  }
0x21: {  	s3 =	sadd.s32 s3, s9;
	s6 =	sadd.s32 @!p0 $0x88, s6;
	s7 =	simm.s32 @p2 $0x1082  }
0x22: {  	[simem:s7], [sflag:s8] =	dma.local @!p0 [hbm:s6], $0xF7A  }
0x23: {  	s9 =	sor.u32 $0xD0000000, s2;
	s6 =	simm.s32 $0x108;
	_ =	swait.ge @!p0 [sflag:s8], $0x0  }
0x24: {  	s3 =	sadd.s32 $0x88, s3;
	s6 =	simm.s32 @!p1 $0x1082;
	[sflag:s4] =	ssyncset.s32 $0xFFFFF086  }
0x25: {  	[simem:s6], [sflag:s4] =	dma.local [hbm:s3], $0xF7A  }
0x26: {  	[smem:$0x3F9E] =	sst s1;
	(tag) =	ssettag s2;
	_ =	strace s9  }
0x27: {  	s1 =	sld [smem:$0x3FAE]  }
0x28: {  	s2 =	sld [smem:$0x3FAF]  }
0x29: {  	s4 =	sld [smem:$0x3FB1]  }
0x2a: {  	p0 =	seq.s32 s5, $0x0;
	s5 =	sld [smem:$0x3FB2]  }
0x2b: {  	s6 =	sld [smem:$0x3FB3]  }
0x2c: {  	s7 =	sld [smem:$0x3FB4]  }
0x2d: {  	s3 =	simm.s32 $0x108;
	s8 =	sld [smem:$0x3FB5]  }
0x2e: {  	s3 =	simm.s32 @!p0 $0x1082;
	s9 =	sld [smem:$0x3FB6]  }
0x2f: {  	lr =	sadd.s32 s0, s3;
	s0 =	sld [smem:$0x3FAD]  }
0x30: {  	s3 =	sld [smem:$0x3FB0]  }
0x31: {  	[smem:$0x3FB9] =	sst s10  }
0x32: {  	s10 =	sld [smem:$0x3FB7];
	_ =	sdelay $0x3  }
0x33: {  	p0 =	seq.s32 s10, $0x1;
	s10 =	sld [smem:$0x3FB9];
	_ =	sdelay $0x3  }
0x34: {  	[smem:$0x3FB9] =	sst s10  }
0x35: {  	s10 =	sld [smem:$0x3FB8];
	_ =	sdelay $0x3  }
0x36: {  	p1 =	seq.s32 s10, $0x1;
	s10 =	sld [smem:$0x3FB9];
	_ =	sdelay $0x3  }
0x37: {  	[smem:$0x3FB9] =	sst s10  }
0x38: {  	s10 =	sld [smem:$0x3FBA]  }
0x39: {  	_ = 	snop;
	(pc) =	sbr.ind lr, $3  }
0x3a: {  	_ = 	snop  }
0x3b: {  	_ = 	snop  }
0x3c: {  	p2 =	seq.s32 s10, $0x1;
	s10 =	sld [smem:$0x3FB9]  }
0x3d: {  	_ =	shalt  }
0x3e: {  	_ =	shalt  }
0x3f: {  	_ =	shalt  }
0x40: {  	_ =	shalt  }
0x41: {  	_ =	shalt  }
0x42: {  	_ =	shalt  }
0x43: {  	_ =	shalt  }
0x44: {  	_ =	shalt  }
0x45: {  	_ =	shalt  }
0x46: {  	_ =	shalt  }
0x47: {  	_ =	shalt  }
0x48: {  	_ =	shalt  }
0x49: {  	_ =	shalt  }
0x4a: {  	_ =	shalt  }
0x4b: {  	_ =	shalt  }
0x4c: {  	_ =	shalt  }
0x4d: {  	_ =	shalt  }
0x4e: {  	_ =	shalt  }
0x4f: {  	_ =	shalt  }
0x50: {  	_ =	shalt  }
0x51: {  	_ =	shalt  }
0x52: {  	_ =	shalt  }
0x53: {  	_ =	shalt  }
0x54: {  	_ =	shalt  }
0x55: {  	_ =	shalt  }
0x56: {  	_ =	shalt  }
0x57: {  	_ =	shalt  }
0x58: {  	_ =	shalt  }
0x59: {  	_ =	shalt  }
0x5a: {  	_ =	shalt  }
0x5b: {  	_ =	shalt  }
0x5c: {  	_ =	shalt  }
0x5d: {  	_ =	shalt  }
0x5e: {  	_ =	shalt  }
0x5f: {  	_ =	shalt  }
0x60: {  	_ =	shalt  }
0x61: {  	_ =	shalt  }
0x62: {  	_ =	shalt  }
0x63: {  	_ =	shalt  }
0x64: {  	_ =	shalt  }
0x65: {  	_ =	shalt  }
0x66: {  	_ =	shalt  }
0x67: {  	_ =	shalt  }
0x68: {  	_ =	shalt  }
0x69: {  	_ =	shalt  }
0x6a: {  	_ =	shalt  }
0x6b: {  	_ =	shalt  }
0x6c: {  	_ =	shalt  }
0x6d: {  	_ =	shalt  }
0x6e: {  	_ =	shalt  }
0x6f: {  	_ =	shalt  }
0x70: {  	_ =	shalt  }
0x71: {  	_ =	shalt  }
0x72: {  	_ =	shalt  }
0x73: {  	_ =	shalt  }
0x74: {  	_ =	shalt  }
0x75: {  	_ =	shalt  }
0x76: {  	_ =	shalt  }
0x77: {  	_ =	shalt  }
0x78: {  	_ =	shalt  }
0x79: {  	_ =	shalt  }
0x7a: {  	_ =	shalt  }
0x7b: {  	_ =	shalt  }
0x7c: {  	_ =	shalt  }
0x7d: {  	_ =	shalt  }
0x7e: {  	_ =	shalt  }
0x7f: {  	_ =	shalt  }
0x80: {  	_ =	shalt  }
0x81: {  	_ =	shalt  }
0x82: {  	_ =	shalt  }
0x83: {  	_ =	shalt  }
0x84: {  	_ =	shalt  }
0x85: {  	_ =	shalt  }
0x86: {  	_ =	shalt  }
0x87: {  	_ =	shalt  }
.Lfunc_end0:
.L_simem_size_0:
called_computation.3_lowered:
.L_overlay_start_0:
0x88: {  	s2 =	sld [smem:$0x3FD9]  }
0x89: {  	s3 =	sld [smem:$0x3FFE];
	_ =	sdelay $0x1  }
0x8a: {  	s1 =	srdreg.scid  }
0x8b: {  	s0 =	sand.u32 $0x1, s1  }
0x8c: {  	s17 =	sshll.u32 s0, $0xA;
	s2 =	sadd.s32 s3, s2  }
0x8d: {  	s2 =	sadd.s32 s2, s17  }
0x8e: {  	[smem:$0x3FC5] =	sst s2  }
0x8f: {  	_ = 	snop  }
0x90: {  	s2 =	sld [smem:$0x3FD0];
	(tm) =	ssettm $0x1  }
0x91: {  	s18 =	sld [smem:$0x3FFB];
	_ =	sdelay $0x3  }
0x92: {  	_ =	strace s18  }
0x93: {  	s3 =	sld [smem:$0x3FFC];
	_ =	sdelay $0x3  }
0x94: {  	_ =	strace s3  }
0x95: {  	s3 =	sld [smem:$0x3FFD];
	_ =	sdelay $0x3  }
0x96: {  	_ =	strace s3  }
0x97: {  	_ =	strace $0x8FFFFFFF  }
0x98: {  	s19 =	sld [smem:$0x3FDB];
	_ =	sdelay $0x1  }
0x99: {  	s4 =	simm.s32 $_scs_section_size  }
0x9a: {  	s5 =	simm.s32 $_size__tile_overlayer_lowered;
	s6 =	simm.s32 $_tile_overlayer_lowered  }
0x9b: {  	s22 =	simm.s32 $0x1BFF;
	s21 =	sshll.u32 s6, $0x1;
	s3 =	sadd.s32 s4, s19  }
0x9c: {  	s7 =	simm.s32 $0x0;
	s20 =	sshll.u32 s5, $0x1;
	s5 =	sadd.s32 s21, s3  }
0x9d: {  	[timem:s7], [sflag:s22] =	dma.local [hbm:s5], s20  }
0x9e: {  	_ =	swait.ge [sflag:s22], s20  }
0x9f: {  	s4 =	ssub.s32 $0x0, s20;
	[sflag:s22] =	ssyncset.done $0x0  }
0xa0: {  	[sflag:s22] =	ssyncadd.s32 s4;
	_ =	sdelay $0x1  }
0xa1: {  	s23 =	simm.s32 $0x1B8B  }
0xa2: {  	_ =	swait.ge [sflag:s23], $0x1  }
0xa3: {  	[sflag:s23] =	ssyncset.done $0x0  }
0xa4: {  	s25 =	simm.s32 $0x1B8E;
	s24 =	sld [smem:$0x3FFE];
	[sflag:s23] =	ssyncadd.s32 $0xFFFFFFFF  }
0xa5: {  	s26 =	simm.s32 $execute0_lowered;
	[smem:$0x3FD2] =	sst s25  }
0xa6: {  	s5 =	sshll.u32 s26, $0x1;
	_ =	strace $0x8000004F;
	[dreg:$0x1] =	wrdreg $0xFFFFFFFF  }
0xa7: {  	s28 =	simm.s32 $_size_execute0_lowered;
	s3 =	sadd.s32 s3, s5;
	[dreg:$0x0] =	wrdreg $0x0  }
0xa8: {  	s5 =	sshll.u32 s28, $0x1;
	[dreg:$0x2] =	wrdreg s3  }
0xa9: {  	[dreg:$0x3] =	wrdreg s5  }
0xaa: {  	[dreg:$0x4] =	wrdreg $0xC0  }
0xab: {  	_ =	task [dreg:s7], $0x5FFFF  }
0xac: {  	[dreg:$0x1] =	wrdreg $0xFFFFFFFF  }
0xad: {  	[dreg:$0x0] =	wrdreg $0x60  }
0xae: {  	[dreg:$0x2] =	wrdreg s24  }
0xaf: {  	[dreg:$0x3] =	wrdreg s2  }
0xb0: {  	[dreg:$0x4] =	wrdreg $0x9  }
0xb1: {  	_ =	task.clear_ibuf [dreg:s7], $0x5FFFF;
	_ =	strace $0x9000004F  }
0xb2: {  	s29 =	simm.s32 $0x9;
	_ =	strace $0x80000051  }
0xb3: {  	_ =	swait.ge [sflag:s29], $0x1  }
0xb4: {  	[sflag:s29] =	ssyncadd.s32 $0xFFFFFFFF  }
0xb5: {  	_ =	strace $0x90000051  }
0xb6: {  	_ =	sfence  }
0xb7: {  	s30 =	sld [smem:$0x0];
	_ =	sdelay $0x2  }
0xb8: {  	s31 =	sshll.u32 s1, $0xD;
	s1 =	sshrl.u32 s1, $0x2  }
0xb9: {  	s3 =	sand.u32 $0x4000, s31;
	s1 =	sadd.s32 s1, s30  }
0xba: {  	s0 =	sor.u32 s3, s0;
	s1 =	sshll.u32 s1, $0x11  }
0xbb: {  	s0 =	sor.u32 s1, s0  }
0xbc: {  	s0 =	sadd.s32 $0x8F2B, s0  }
0xbd: {  	[sflag:s0] =	ssyncadd.remote.s32 $0x1  }
0xbe: {  	_ =	sfence.sel $0xFFFF  }
0xbf: {  	[dreg:$0x0] =	wrdreg $0xFFFFFFFF;
	(pc) =	sbr.abs _section_cstart, $3  }
0xc0: {  	[dreg:$0x1] =	wrdreg $0xFFFFFFFF  }
0xc1: {  	_ =	task.clear_ibuf [dreg:s7], $0x2FFFF;
	_ =	strace $0x9FFFFFFF  }
0xc2: {  	(tm) =	ssettm $0x7FFFFFFF  }
0xc3: {  	_ =	shalt  }
tec
execute0_lowered:
.L_overlay_start_1:
0x0: {  	(tag) =	ssettag $0x1  }
0x1: {  	s0 =	rddreg [dreg:$0x0]  }
0x2: {  	s1 =	rddreg [dreg:$0x1]  }
0x3: {  	s2 =	srdreg.scid;
	s4 =	stileid.u32  }
0x4: {  	s9 =	simm.s32 $0x4000;
	s10 =	simm.s32 $0x9;
	s11 =	simm.s32 $0x4800  }
0x5: {  	s12 =	simm.s32 $0x80;
	s16 =	simm.s32 $0x1000;
	s17 =	simm.s32 $0x500  }
0x6: {  	s18 =	simm.s32 $0x1800;
	s19 =	simm.s32 $0x580;
	s20 =	simm.s32 $0x2000  }
0x7: {  	s21 =	simm.s32 $0x600;
	s22 =	simm.s32 $0x2800;
	s23 =	simm.s32 $0x680  }
0x8: {  	s24 =	simm.s32 $0x3000;
	s25 =	simm.s32 $0x700;
	s26 =	simm.s32 $0x3800  }
0x9: {  	s28 =	simm.s32 $0x780;
	s29 =	simm.s32 $0x0;
	s3 =	sand.u32 $0x1, s2  }
0xa: {  	s2 =	simm.s32 $0x0;
	s4 =	sshll.u32 s4, $0x7;
	s5 =	sshll.u32 s3, $0x6  }
0xb: {  	[smem:$0x7FF] =	sst s2;
	s30 =	ssub.s32 $0x2, s3;
	s3 =	sadd.s32 $0x102C00, s0  }
0xc: {  	s6 =	sor.u32 s5, s4;
	_ =	strace $0x80000050;
	s7 =	sshrl.u32 s30, $0x1  }
0xd: {  	v0 =	vlaneseq.u32;
	s5 =	sadd.s32 s6, s0;
	s31 =	ssub.s32 s30, s7;
	s6 =	sadd.s32 s1, s6  }
0xe: {  	v0 =	vmul.u32 $0x10, v0;
	s4 =	sadd.s32 $0xD000, s5;
	s5 =	sadd.s32 $0x102400, s5;
	s7 =	smax.u32 s31, $0x1  }
.LBB2_1:
0xf: {  	s0 =	simm.s32 $0x200  }
0x10: {  	[tilespmem:s2], [sflag:$0x9] =	stream.strided.gather [hbm4b:s4+s0], $0x400, s9, s0, $0x38;
	[tilespmem:$0x4A00] =	vst v63  }
0x11: {  	_ =	swait.ge [sflag:s10], $0x400  }
0x12: {  	[sflag:s10] =	ssyncset.done $0x0  }
0x13: {  	[sflag:s10] =	ssyncadd.s32 $0xFFFFFC00  }
0x14: {  	[tilespmem:s11], [sflag:$0x9] =	stream.linear.gather [hbm4b:s5+s2], $0x200, $0x38;
	[tilespmem:$0x4A00] =	vst v63  }
0x15: {  	_ =	swait.ge [sflag:s10], $0x200  }
0x16: {  	[sflag:s10] =	ssyncset.done $0x0  }
0x17: {  	[sflag:s10] =	ssyncadd.s32 $0xFFFFFE00  }
0x18: {  	v1 =	vld [tilespmem:$0x0]  }
0x19: {  	v2 =	vld [tilespmem:$0x10]  }
0x1a: {  	v3 =	vld [tilespmem:$0x20]  }
0x1b: {  	v5 =	vld [tilespmem:$0x30]  }
0x1c: {  	v7 =	vld [tilespmem:$0x40]  }
0x1d: {  	v13 =	vld [tilespmem:$0x50]  }
0x1e: {  	v9 =	vld [tilespmem:$0x60]  }
0x1f: {  	v10 =	vld [tilespmem:$0x70]  }
0x20: {  	v4 =	vshra.s32 v1, $0x1;
	v1 =	vshrl.u32 v1, $0x4;
	v6 =	vshra.s32 v2, $0x1  }
0x21: {  	v2 =	vshrl.u32 v2, $0x4;
	v12 =	vshra.s32 v3, $0x1;
	v3 =	vshrl.u32 v3, $0x4  }
0x22: {  	v8 =	vshra.s32 v5, $0x1;
	v5 =	vshrl.u32 v5, $0x4;
	v15 =	vshra.s32 v7, $0x1  }
0x23: {  	v7 =	vshrl.u32 v7, $0x4;
	v18 =	vshra.s32 v13, $0x1;
	v19 =	vshrl.u32 v13, $0x4  }
0x24: {  	v21 =	vshra.s32 v9, $0x1;
	v22 =	vshrl.u32 v9, $0x4;
	v23 =	vshra.s32 v10, $0x1  }
0x25: {  	v24 =	vshrl.u32 v10, $0x4;
	v4 =	vand.u32 $0xFFFFFFC0, v4;
	v1 =	vand.u32 $0x7, v1  }
0x26: {  	v11 =	vand.u32 $0xFFFFFFC0, v6;
	v2 =	vand.u32 $0x7, v2;
	v1 =	vor.u32 v1, v4  }
0x27: {  	v3 =	vand.u32 $0x7, v3;
	v2 =	vor.u32 v2, v11;
	v4 =	vand.u32 $0xFFFFFFC0, v12;
	[tilespmem:$0x400] =	vst v1  }
0x28: {  	v14 =	vand.u32 $0xFFFFFFC0, v8;
	v5 =	vand.u32 $0x7, v5;
	v3 =	vor.u32 v3, v4;
	[tilespmem:$0x410] =	vst v2  }
0x29: {  	v16 =	vand.u32 $0xFFFFFFC0, v15;
	v17 =	vand.u32 $0x7, v7;
	v1 =	vor.u32 v5, v14;
	[tilespmem:$0x420] =	vst v3  }
0x2a: {  	v20 =	vand.u32 $0x7, v19;
	v2 =	vor.u32 v17, v16;
	v3 =	vand.u32 $0xFFFFFFC0, v18;
	[tilespmem:$0x430] =	vst v1  }
0x2b: {  	[tilespmem:$0x440] =	vst v2;
	v2 =	vand.u32 $0x7, v22;
	v1 =	vor.u32 v20, v3;
	v3 =	vand.u32 $0xFFFFFFC0, v21  }
0x2c: {  	[tilespmem:$0x450] =	vst v1;
	v1 =	vor.u32 v2, v3;
	v2 =	vand.u32 $0xFFFFFFC0, v23;
	v3 =	vand.u32 $0x7, v24  }
0x2d: {  	[tilespmem:$0x460] =	vst v1;
	v1 =	vor.u32 v3, v2  }
0x2e: {  	s14 =	simm.s32 $0x400;
	s1 =	simm.s32 $0x800;
	[tilespmem:$0x470] =	vst v1  }
0x2f: {  	[tilespmem:s1], [sflag:$0x1] =	stream.indirect.gather [hbm4b:s3+s12], $0x10, s14, s12, $0xb8;
	[tilespmem:$0x4A00] =	vst v63  }
0x30: {  	v1 =	vld [tilespmem:$0x80]  }
0x31: {  	v2 =	vld [tilespmem:$0x90]  }
0x32: {  	v3 =	vld [tilespmem:$0xA0]  }
0x33: {  	v26 =	vld [tilespmem:$0xB0]  }
0x34: {  	v28 =	vld [tilespmem:$0xC0]  }
0x35: {  	v31 =	vld [tilespmem:$0xD0]  }
0x36: {  	v33 =	vld [tilespmem:$0xE0]  }
0x37: {  	v36 =	vld [tilespmem:$0xF0]  }
0x38: {  	v25 =	vshra.s32 v1, $0x1;
	v1 =	vshrl.u32 v1, $0x4;
	v27 =	vshra.s32 v2, $0x1  }
0x39: {  	v2 =	vshrl.u32 v2, $0x4;
	v30 =	vshra.s32 v3, $0x1;
	v3 =	vshrl.u32 v3, $0x4  }
0x3a: {  	v32 =	vshra.s32 v26, $0x1;
	v5 =	vshrl.u32 v26, $0x4;
	v35 =	vshra.s32 v28, $0x1  }
0x3b: {  	v7 =	vshrl.u32 v28, $0x4;
	v39 =	vshra.s32 v31, $0x1;
	v40 =	vshrl.u32 v31, $0x4  }
0x3c: {  	v42 =	vshra.s32 v33, $0x1;
	v43 =	vshrl.u32 v33, $0x4;
	v44 =	vshra.s32 v36, $0x1  }
0x3d: {  	v45 =	vshrl.u32 v36, $0x4;
	v4 =	vand.u32 $0xFFFFFFC0, v25;
	v1 =	vand.u32 $0x7, v1  }
0x3e: {  	v29 =	vand.u32 $0xFFFFFFC0, v27;
	v2 =	vand.u32 $0x7, v2;
	v1 =	vor.u32 v1, v4  }
0x3f: {  	v3 =	vand.u32 $0x7, v3;
	v2 =	vor.u32 v2, v29;
	v4 =	vand.u32 $0xFFFFFFC0, v30;
	[tilespmem:$0x480] =	vst v1  }
0x40: {  	v34 =	vand.u32 $0xFFFFFFC0, v32;
	v5 =	vand.u32 $0x7, v5;
	v3 =	vor.u32 v3, v4;
	[tilespmem:$0x490] =	vst v2  }
0x41: {  	v37 =	vand.u32 $0xFFFFFFC0, v35;
	v38 =	vand.u32 $0x7, v7;
	v1 =	vor.u32 v5, v34;
	[tilespmem:$0x4A0] =	vst v3  }
0x42: {  	v41 =	vand.u32 $0x7, v40;
	v2 =	vor.u32 v38, v37;
	v3 =	vand.u32 $0xFFFFFFC0, v39;
	[tilespmem:$0x4B0] =	vst v1  }
0x43: {  	[tilespmem:$0x4C0] =	vst v2;
	v2 =	vand.u32 $0x7, v43;
	v1 =	vor.u32 v41, v3;
	v3 =	vand.u32 $0xFFFFFFC0, v42  }
0x44: {  	[tilespmem:$0x4D0] =	vst v1;
	v1 =	vor.u32 v2, v3;
	v2 =	vand.u32 $0xFFFFFFC0, v44;
	v3 =	vand.u32 $0x7, v45  }
0x45: {  	[tilespmem:$0x4E0] =	vst v1;
	v1 =	vor.u32 v3, v2  }
0x46: {  	s15 =	simm.s32 $0x480;
	[tilespmem:$0x4F0] =	vst v1  }
0x47: {  	[tilespmem:s16], [sflag:$0x2] =	stream.indirect.gather [hbm4b:s3+s12], $0x10, s15, s12, $0xb8;
	[tilespmem:$0x4A00] =	vst v63  }
0x48: {  	v1 =	vld [tilespmem:$0x100]  }
0x49: {  	v2 =	vld [tilespmem:$0x110]  }
0x4a: {  	v3 =	vld [tilespmem:$0x120]  }
0x4b: {  	v47 =	vld [tilespmem:$0x130]  }
0x4c: {  	v49 =	vld [tilespmem:$0x140]  }
0x4d: {  	v52 =	vld [tilespmem:$0x150]  }
0x4e: {  	v54 =	vld [tilespmem:$0x160]  }
0x4f: {  	v57 =	vld [tilespmem:$0x170]  }
0x50: {  	v46 =	vshra.s32 v1, $0x1;
	v1 =	vshrl.u32 v1, $0x4;
	v48 =	vshra.s32 v2, $0x1  }
0x51: {  	v2 =	vshrl.u32 v2, $0x4;
	v51 =	vshra.s32 v3, $0x1;
	v3 =	vshrl.u32 v3, $0x4  }
0x52: {  	v53 =	vshra.s32 v47, $0x1;
	v5 =	vshrl.u32 v47, $0x4;
	v56 =	vshra.s32 v49, $0x1  }
0x53: {  	v7 =	vshrl.u32 v49, $0x4;
	v60 =	vshra.s32 v52, $0x1;
	v61 =	vshrl.u32 v52, $0x4  }
0x54: {  	v63 =	vshra.s32 v54, $0x1;
	v8 =	vshrl.u32 v54, $0x4;
	v9 =	vshra.s32 v57, $0x1  }
0x55: {  	v11 =	vshrl.u32 v57, $0x4;
	v4 =	vand.u32 $0xFFFFFFC0, v46;
	v1 =	vand.u32 $0x7, v1  }
0x56: {  	v50 =	vand.u32 $0xFFFFFFC0, v48;
	v2 =	vand.u32 $0x7, v2;
	v1 =	vor.u32 v1, v4  }
0x57: {  	v3 =	vand.u32 $0x7, v3;
	v2 =	vor.u32 v2, v50;
	v4 =	vand.u32 $0xFFFFFFC0, v51;
	[tilespmem:$0x500] =	vst v1  }
0x58: {  	v55 =	vand.u32 $0xFFFFFFC0, v53;
	v5 =	vand.u32 $0x7, v5;
	v3 =	vor.u32 v3, v4;
	[tilespmem:$0x510] =	vst v2  }
0x59: {  	v58 =	vand.u32 $0xFFFFFFC0, v56;
	v59 =	vand.u32 $0x7, v7;
	v1 =	vor.u32 v5, v55;
	[tilespmem:$0x520] =	vst v3  }
0x5a: {  	v62 =	vand.u32 $0x7, v61;
	v2 =	vor.u32 v59, v58;
	v3 =	vand.u32 $0xFFFFFFC0, v60;
	[tilespmem:$0x530] =	vst v1  }
0x5b: {  	[tilespmem:$0x540] =	vst v2;
	v2 =	vand.u32 $0x7, v8;
	v1 =	vor.u32 v62, v3;
	v3 =	vand.u32 $0xFFFFFFC0, v63  }
0x5c: {  	[tilespmem:$0x550] =	vst v1;
	v1 =	vor.u32 v2, v3;
	v2 =	vand.u32 $0xFFFFFFC0, v9;
	v3 =	vand.u32 $0x7, v11  }
0x5d: {  	[tilespmem:$0x560] =	vst v1;
	v1 =	vor.u32 v3, v2  }
0x5e: {  	[tilespmem:$0x570] =	vst v1  }
0x5f: {  	[tilespmem:s18], [sflag:$0x3] =	stream.indirect.gather [hbm4b:s3+s12], $0x10, s17, s12, $0xb8;
	[tilespmem:$0x4A00] =	vst v63  }
0x60: {  	v1 =	vld [tilespmem:$0x180]  }
0x61: {  	v2 =	vld [tilespmem:$0x190]  }
0x62: {  	v3 =	vld [tilespmem:$0x1A0]  }
0x63: {  	v13 =	vld [tilespmem:$0x1B0]  }
0x64: {  	v15 =	vld [tilespmem:$0x1C0]  }
0x65: {  	v18 =	vld [tilespmem:$0x1D0]  }
0x66: {  	v20 =	vld [tilespmem:$0x1E0]  }
0x67: {  	v23 =	vld [tilespmem:$0x1F0]  }
0x68: {  	v12 =	vshra.s32 v1, $0x1;
	v1 =	vshrl.u32 v1, $0x4;
	v14 =	vshra.s32 v2, $0x1  }
0x69: {  	v2 =	vshrl.u32 v2, $0x4;
	v17 =	vshra.s32 v3, $0x1;
	v3 =	vshrl.u32 v3, $0x4  }
0x6a: {  	v19 =	vshra.s32 v13, $0x1;
	v5 =	vshrl.u32 v13, $0x4;
	v22 =	vshra.s32 v15, $0x1  }
0x6b: {  	v7 =	vshrl.u32 v15, $0x4;
	v26 =	vshra.s32 v18, $0x1;
	v27 =	vshrl.u32 v18, $0x4  }
0x6c: {  	v29 =	vshra.s32 v20, $0x1;
	v30 =	vshrl.u32 v20, $0x4;
	v31 =	vshra.s32 v23, $0x1  }
0x6d: {  	v32 =	vshrl.u32 v23, $0x4;
	v4 =	vand.u32 $0xFFFFFFC0, v12;
	v1 =	vand.u32 $0x7, v1  }
0x6e: {  	v16 =	vand.u32 $0xFFFFFFC0, v14;
	v2 =	vand.u32 $0x7, v2;
	v1 =	vor.u32 v1, v4  }
0x6f: {  	v3 =	vand.u32 $0x7, v3;
	v2 =	vor.u32 v2, v16;
	v4 =	vand.u32 $0xFFFFFFC0, v17;
	[tilespmem:$0x580] =	vst v1  }
0x70: {  	v21 =	vand.u32 $0xFFFFFFC0, v19;
	v5 =	vand.u32 $0x7, v5;
	v3 =	vor.u32 v3, v4;
	[tilespmem:$0x590] =	vst v2  }
0x71: {  	v24 =	vand.u32 $0xFFFFFFC0, v22;
	v25 =	vand.u32 $0x7, v7;
	v1 =	vor.u32 v5, v21;
	[tilespmem:$0x5A0] =	vst v3  }
0x72: {  	v28 =	vand.u32 $0x7, v27;
	v2 =	vor.u32 v25, v24;
	v3 =	vand.u32 $0xFFFFFFC0, v26;
	[tilespmem:$0x5B0] =	vst v1  }
0x73: {  	[tilespmem:$0x5C0] =	vst v2;
	v2 =	vand.u32 $0x7, v30;
	v1 =	vor.u32 v28, v3;
	v3 =	vand.u32 $0xFFFFFFC0, v29  }
0x74: {  	[tilespmem:$0x5D0] =	vst v1;
	v1 =	vor.u32 v2, v3;
	v2 =	vand.u32 $0xFFFFFFC0, v31;
	v3 =	vand.u32 $0x7, v32  }
0x75: {  	[tilespmem:$0x5E0] =	vst v1;
	v1 =	vor.u32 v3, v2  }
0x76: {  	[tilespmem:$0x5F0] =	vst v1  }
0x77: {  	[tilespmem:s20], [sflag:$0x4] =	stream.indirect.gather [hbm4b:s3+s12], $0x10, s19, s12, $0xb8;
	[tilespmem:$0x4A00] =	vst v63  }
0x78: {  	v1 =	vld [tilespmem:$0x200]  }
0x79: {  	v2 =	vld [tilespmem:$0x210]  }
0x7a: {  	v3 =	vld [tilespmem:$0x220]  }
0x7b: {  	v34 =	vld [tilespmem:$0x230]  }
0x7c: {  	v37 =	vld [tilespmem:$0x240]  }
0x7d: {  	v39 =	vld [tilespmem:$0x250]  }
0x7e: {  	v42 =	vld [tilespmem:$0x260]  }
0x7f: {  	v44 =	vld [tilespmem:$0x270]  }
0x80: {  	v33 =	vshra.s32 v1, $0x1;
	v1 =	vshrl.u32 v1, $0x4;
	v35 =	vshra.s32 v2, $0x1  }
0x81: {  	v2 =	vshrl.u32 v2, $0x4;
	v38 =	vshra.s32 v3, $0x1;
	v3 =	vshrl.u32 v3, $0x4  }
0x82: {  	v40 =	vshra.s32 v34, $0x1;
	v5 =	vshrl.u32 v34, $0x4;
	v43 =	vshra.s32 v37, $0x1  }
0x83: {  	v6 =	vshrl.u32 v37, $0x4;
	v45 =	vshra.s32 v39, $0x1;
	v7 =	vshrl.u32 v39, $0x4  }
0x84: {  	v48 =	vshra.s32 v42, $0x1;
	v49 =	vshrl.u32 v42, $0x4;
	v51 =	vshra.s32 v44, $0x1  }
0x85: {  	v52 =	vshrl.u32 v44, $0x4;
	v4 =	vand.u32 $0xFFFFFFC0, v33;
	v1 =	vand.u32 $0x7, v1  }
0x86: {  	v36 =	vand.u32 $0xFFFFFFC0, v35;
	v2 =	vand.u32 $0x7, v2;
	v3 =	vand.u32 $0x7, v3  }
0x87: {  	v41 =	vand.u32 $0xFFFFFFC0, v40;
	v5 =	vand.u32 $0x7, v5;
	v6 =	vand.u32 $0x7, v6  }
0x88: {  	v46 =	vand.u32 $0xFFFFFFC0, v45;
	v47 =	vand.u32 $0x7, v7;
	v1 =	vor.u32 v4, v1  }
0x89: {  	v2 =	vor.u32 v36, v2;
	v4 =	vand.u32 $0xFFFFFFC0, v38;
	v1 =	vor.u32 $0x8, v1  }
0x8a: {  	v50 =	vand.u32 $0x7, v49;
	v2 =	vor.u32 $0x8, v2;
	v3 =	vor.u32 v4, v3;
	[tilespmem:$0x600] =	vst v1  }
0x8b: {  	v4 =	vor.u32 v41, v5;
	v5 =	vand.u32 $0xFFFFFFC0, v43;
	v3 =	vor.u32 $0x8, v3;
	[tilespmem:$0x610] =	vst v2  }
0x8c: {  	v53 =	vand.u32 $0x7, v52;
	v4 =	vor.u32 $0x8, v4;
	v1 =	vor.u32 v5, v6;
	[tilespmem:$0x620] =	vst v3  }
0x8d: {  	v2 =	vor.u32 v46, v47;
	v1 =	vor.u32 $0x8, v1;
	v3 =	vand.u32 $0xFFFFFFC0, v48;
	[tilespmem:$0x630] =	vst v4  }
0x8e: {  	v2 =	vor.u32 $0x8, v2;
	[tilespmem:$0x640] =	vst v1;
	v1 =	vor.u32 v3, v50;
	v3 =	vand.u32 $0xFFFFFFC0, v51  }
0x8f: {  	[tilespmem:$0x650] =	vst v2;
	v1 =	vor.u32 $0x8, v1;
	v2 =	vor.u32 v3, v53  }
0x90: {  	[tilespmem:$0x660] =	vst v1;
	v1 =	vor.u32 $0x8, v2  }
0x91: {  	[tilespmem:$0x670] =	vst v1  }
0x92: {  	[tilespmem:s22], [sflag:$0x5] =	stream.indirect.gather [hbm4b:s3+s12], $0x10, s21, s12, $0xb8;
	[tilespmem:$0x4A00] =	vst v63  }
0x93: {  	v1 =	vld [tilespmem:$0x280]  }
0x94: {  	v2 =	vld [tilespmem:$0x290]  }
0x95: {  	v3 =	vld [tilespmem:$0x2A0]  }
0x96: {  	v55 =	vld [tilespmem:$0x2B0]  }
0x97: {  	v58 =	vld [tilespmem:$0x2C0]  }
0x98: {  	v60 =	vld [tilespmem:$0x2D0]  }
0x99: {  	v63 =	vld [tilespmem:$0x2E0]  }
0x9a: {  	v12 =	vld [tilespmem:$0x2F0]  }
0x9b: {  	v54 =	vshra.s32 v1, $0x1;
	v1 =	vshrl.u32 v1, $0x4;
	v56 =	vshra.s32 v2, $0x1  }
0x9c: {  	v2 =	vshrl.u32 v2, $0x4;
	v59 =	vshra.s32 v3, $0x1;
	v3 =	vshrl.u32 v3, $0x4  }
0x9d: {  	v61 =	vshra.s32 v55, $0x1;
	v5 =	vshrl.u32 v55, $0x4;
	v11 =	vshra.s32 v58, $0x1  }
0x9e: {  	v6 =	vshrl.u32 v58, $0x4;
	v13 =	vshra.s32 v60, $0x1;
	v7 =	vshrl.u32 v60, $0x4  }
0x9f: {  	v16 =	vshra.s32 v63, $0x1;
	v17 =	vshrl.u32 v63, $0x4;
	v19 =	vshra.s32 v12, $0x1  }
0xa0: {  	v20 =	vshrl.u32 v12, $0x4;
	v4 =	vand.u32 $0xFFFFFFC0, v54;
	v1 =	vand.u32 $0x7, v1  }
0xa1: {  	v57 =	vand.u32 $0xFFFFFFC0, v56;
	v2 =	vand.u32 $0x7, v2;
	v3 =	vand.u32 $0x7, v3  }
0xa2: {  	v62 =	vand.u32 $0xFFFFFFC0, v61;
	v5 =	vand.u32 $0x7, v5;
	v6 =	vand.u32 $0x7, v6  }
0xa3: {  	v14 =	vand.u32 $0xFFFFFFC0, v13;
	v15 =	vand.u32 $0x7, v7;
	v1 =	vor.u32 v4, v1  }
0xa4: {  	v2 =	vor.u32 v57, v2;
	v4 =	vand.u32 $0xFFFFFFC0, v59;
	v1 =	vor.u32 $0x8, v1  }
0xa5: {  	v18 =	vand.u32 $0x7, v17;
	v2 =	vor.u32 $0x8, v2;
	v3 =	vor.u32 v4, v3;
	[tilespmem:$0x680] =	vst v1  }
0xa6: {  	v4 =	vor.u32 v62, v5;
	v5 =	vand.u32 $0xFFFFFFC0, v11;
	v3 =	vor.u32 $0x8, v3;
	[tilespmem:$0x690] =	vst v2  }
0xa7: {  	v21 =	vand.u32 $0x7, v20;
	v4 =	vor.u32 $0x8, v4;
	v1 =	vor.u32 v5, v6;
	[tilespmem:$0x6A0] =	vst v3  }
0xa8: {  	v2 =	vor.u32 v14, v15;
	v1 =	vor.u32 $0x8, v1;
	v3 =	vand.u32 $0xFFFFFFC0, v16;
	[tilespmem:$0x6B0] =	vst v4  }
0xa9: {  	v2 =	vor.u32 $0x8, v2;
	[tilespmem:$0x6C0] =	vst v1;
	v1 =	vor.u32 v3, v18;
	v3 =	vand.u32 $0xFFFFFFC0, v19  }
0xaa: {  	[tilespmem:$0x6D0] =	vst v2;
	v1 =	vor.u32 $0x8, v1;
	v2 =	vor.u32 v3, v21  }
0xab: {  	[tilespmem:$0x6E0] =	vst v1;
	v1 =	vor.u32 $0x8, v2  }
0xac: {  	[tilespmem:$0x6F0] =	vst v1  }
0xad: {  	[tilespmem:s24], [sflag:$0x6] =	stream.indirect.gather [hbm4b:s3+s12], $0x10, s23, s12, $0xb8;
	[tilespmem:$0x4A00] =	vst v63  }
0xae: {  	v1 =	vld [tilespmem:$0x300]  }
0xaf: {  	v2 =	vld [tilespmem:$0x310]  }
0xb0: {  	v3 =	vld [tilespmem:$0x320]  }
0xb1: {  	v23 =	vld [tilespmem:$0x330]  }
0xb2: {  	v26 =	vld [tilespmem:$0x340]  }
0xb3: {  	v28 =	vld [tilespmem:$0x350]  }
0xb4: {  	v31 =	vld [tilespmem:$0x360]  }
0xb5: {  	v33 =	vld [tilespmem:$0x370]  }
0xb6: {  	v22 =	vshra.s32 v1, $0x1;
	v1 =	vshrl.u32 v1, $0x4;
	v24 =	vshra.s32 v2, $0x1  }
0xb7: {  	v2 =	vshrl.u32 v2, $0x4;
	v27 =	vshra.s32 v3, $0x1;
	v3 =	vshrl.u32 v3, $0x4  }
0xb8: {  	v29 =	vshra.s32 v23, $0x1;
	v5 =	vshrl.u32 v23, $0x4;
	v32 =	vshra.s32 v26, $0x1  }
0xb9: {  	v6 =	vshrl.u32 v26, $0x4;
	v34 =	vshra.s32 v28, $0x1;
	v7 =	vshrl.u32 v28, $0x4  }
0xba: {  	v37 =	vshra.s32 v31, $0x1;
	v38 =	vshrl.u32 v31, $0x4;
	v40 =	vshra.s32 v33, $0x1  }
0xbb: {  	v41 =	vshrl.u32 v33, $0x4;
	v4 =	vand.u32 $0xFFFFFFC0, v22;
	v1 =	vand.u32 $0x7, v1  }
0xbc: {  	v25 =	vand.u32 $0xFFFFFFC0, v24;
	v2 =	vand.u32 $0x7, v2;
	v3 =	vand.u32 $0x7, v3  }
0xbd: {  	v30 =	vand.u32 $0xFFFFFFC0, v29;
	v5 =	vand.u32 $0x7, v5;
	v6 =	vand.u32 $0x7, v6  }
0xbe: {  	v35 =	vand.u32 $0xFFFFFFC0, v34;
	v36 =	vand.u32 $0x7, v7;
	v1 =	vor.u32 v4, v1  }
0xbf: {  	v2 =	vor.u32 v25, v2;
	v4 =	vand.u32 $0xFFFFFFC0, v27;
	v1 =	vor.u32 $0x8, v1  }
0xc0: {  	v39 =	vand.u32 $0x7, v38;
	v2 =	vor.u32 $0x8, v2;
	v3 =	vor.u32 v4, v3;
	[tilespmem:$0x700] =	vst v1  }
0xc1: {  	v4 =	vor.u32 v30, v5;
	v5 =	vand.u32 $0xFFFFFFC0, v32;
	v3 =	vor.u32 $0x8, v3;
	[tilespmem:$0x710] =	vst v2  }
0xc2: {  	v42 =	vand.u32 $0x7, v41;
	v4 =	vor.u32 $0x8, v4;
	v1 =	vor.u32 v5, v6;
	[tilespmem:$0x720] =	vst v3  }
0xc3: {  	v2 =	vor.u32 v35, v36;
	v1 =	vor.u32 $0x8, v1;
	v3 =	vand.u32 $0xFFFFFFC0, v37;
	[tilespmem:$0x730] =	vst v4  }
0xc4: {  	v2 =	vor.u32 $0x8, v2;
	[tilespmem:$0x740] =	vst v1;
	v1 =	vor.u32 v3, v39;
	v3 =	vand.u32 $0xFFFFFFC0, v40  }
0xc5: {  	[tilespmem:$0x750] =	vst v2;
	v1 =	vor.u32 $0x8, v1;
	v2 =	vor.u32 v3, v42  }
0xc6: {  	[tilespmem:$0x760] =	vst v1;
	v1 =	vor.u32 $0x8, v2  }
0xc7: {  	[tilespmem:$0x770] =	vst v1  }
0xc8: {  	[tilespmem:s26], [sflag:$0x7] =	stream.indirect.gather [hbm4b:s3+s12], $0x10, s25, s12, $0xb8;
	[tilespmem:$0x4A00] =	vst v63  }
0xc9: {  	v1 =	vld [tilespmem:$0x380]  }
0xca: {  	v2 =	vld [tilespmem:$0x390]  }
0xcb: {  	v3 =	vld [tilespmem:$0x3A0]  }
0xcc: {  	v44 =	vld [tilespmem:$0x3B0]  }
0xcd: {  	v46 =	vld [tilespmem:$0x3C0]  }
0xce: {  	v49 =	vld [tilespmem:$0x3D0]  }
0xcf: {  	v51 =	vld [tilespmem:$0x3E0]  }
0xd0: {  	v54 =	vld [tilespmem:$0x3F0]  }
0xd1: {  	v43 =	vshra.s32 v1, $0x1;
	v1 =	vshrl.u32 v1, $0x4;
	v45 =	vshra.s32 v2, $0x1  }
0xd2: {  	v2 =	vshrl.u32 v2, $0x4;
	v47 =	vshra.s32 v3, $0x1;
	v3 =	vshrl.u32 v3, $0x4  }
0xd3: {  	v50 =	vshra.s32 v44, $0x1;
	v5 =	vshrl.u32 v44, $0x4;
	v52 =	vshra.s32 v46, $0x1  }
0xd4: {  	v6 =	vshrl.u32 v46, $0x4;
	v55 =	vshra.s32 v49, $0x1;
	v7 =	vshrl.u32 v49, $0x4  }
0xd5: {  	v58 =	vshra.s32 v51, $0x1;
	v59 =	vshrl.u32 v51, $0x4;
	v61 =	vshra.s32 v54, $0x1  }
0xd6: {  	v62 =	vshrl.u32 v54, $0x4;
	v4 =	vand.u32 $0xFFFFFFC0, v43;
	v1 =	vand.u32 $0x7, v1  }
0xd7: {  	v2 =	vand.u32 $0x7, v2;
	v48 =	vand.u32 $0xFFFFFFC0, v47;
	v3 =	vand.u32 $0x7, v3  }
0xd8: {  	v5 =	vand.u32 $0x7, v5;
	v53 =	vand.u32 $0xFFFFFFC0, v52;
	v6 =	vand.u32 $0x7, v6  }
0xd9: {  	v56 =	vand.u32 $0xFFFFFFC0, v55;
	v57 =	vand.u32 $0x7, v7;
	v1 =	vor.u32 v4, v1  }
0xda: {  	v4 =	vand.u32 $0xFFFFFFC0, v45;
	v3 =	vor.u32 v48, v3;
	v1 =	vor.u32 $0x8, v1  }
0xdb: {  	v2 =	vor.u32 v4, v2;
	v3 =	vor.u32 $0x8, v3;
	v4 =	vand.u32 $0xFFFFFFC0, v50;
	[tilespmem:$0x780] =	vst v1  }
0xdc: {  	v60 =	vand.u32 $0x7, v59;
	v2 =	vor.u32 $0x8, v2;
	v4 =	vor.u32 v4, v5;
	[tilespmem:$0x7A0] =	vst v3  }
0xdd: {  	v63 =	vand.u32 $0x7, v62;
	v5 =	vor.u32 v53, v6;
	v1 =	vor.u32 $0x8, v4;
	[tilespmem:$0x790] =	vst v2  }
0xde: {  	v2 =	vor.u32 v56, v57;
	v3 =	vor.u32 $0x8, v5;
	v4 =	vand.u32 $0xFFFFFFC0, v58;
	[tilespmem:$0x7B0] =	vst v1  }
0xdf: {  	v1 =	vor.u32 v4, v60;
	[tilespmem:$0x7C0] =	vst v3;
	v2 =	vor.u32 $0x8, v2;
	v3 =	vand.u32 $0xFFFFFFC0, v61  }
0xe0: {  	[tilespmem:$0x7D0] =	vst v2;
	v2 =	vor.u32 v3, v63;
	v1 =	vor.u32 $0x8, v1  }
0xe1: {  	[tilespmem:$0x7E0] =	vst v1;
	v1 =	vor.u32 $0x8, v2  }
0xe2: {  	s30 =	simm.s32 $0x0;
	s31 =	simm.s32 $0x0;
	s0 =	simm.s32 $0x0;
	[tilespmem:$0x7F0] =	vst v1  }
0xe3: {  	[tilespmem:s9], [sflag:$0x8] =	stream.indirect.gather [hbm4b:s3+s12], $0x10, s28, s12, $0xb8;
	[tilespmem:$0x4A00] =	vst v63  }
.LBB2_2:
0xe4: {  	s1 =	smov.u32 s0;
	s8 =	sshll.u32 s30, $0x9;
	s0 =	sadd.s32 $0x1, s0  }
0xe5: {  	s13 =	sand.u32 $0xFFFFF800, s31;
	s8 =	sand.u32 $0x600, s8;
	_ =	swait.ge [sflag:s0], $0x800  }
0xe6: {  	s13 =	sor.u32 s8, s13;
	[sflag:s0] =	ssyncset.done $0x0  }
0xe7: {  	s13 =	sshrl.u32 s13, $0x2;
	[sflag:s0] =	ssyncadd.s32 $0xFFFFF800  }
0xe8: {  	v1 =	vld [tilespmem:s13+$0x0];
	_ =	sdelay $0x1  }
0xe9: {  	s14 =	simm.s32 $0x0  }
0xea: {  	v2 =	vmov s14  }
0xeb: {  	v2 =	vshll.u32 v2, $0x4  }
0xec: {  	v2 =	vor.u32 v0, v2;
	v1 =	vand.u32 $0xF, v1  }
0xed: {  	v1 =	vor.u32 v2, v1;
	_ =	sdelay $0x1  }
0xee: {  	s1 =	sshll.u32 s1, $0xB;
	s8 =	sshrl.u32 s8, $0x2  }
0xef: {  	s1 =	sand.u32 $0x3FFFF800, s1;
	s8 =	sor.u32 $0x4800, s8  }
0xf0: {  	s1 =	sadd.s32 $0x800, s1;
	v2 =	vld [tilespmem:s8+$0x0]  }
0xf1: {  	v1 =	vld.idx.msk [tilespmem:v1+s1+$0x0], $0xffff;
	_ =	sdelay $0x4  }
0xf2: {  	v1 =	vadd.f32 v2, v1;
	_ =	sdelay $0x1  }
0xf3: {  	s13 =	sadd.s32 $0x10, s13;
	[tilespmem:s8+$0x0] =	vst v1  }
0xf4: {  	s15 =	simm.s32 $0x20;
	s14 =	simm.s32 $0x10;
	v1 =	vld [tilespmem:s13+$0x0]  }
.LBB2_3:
0xf5: {  	p0 =	sne.s32 s15, $0x70;
	_ =	sdelay $0x1  }
0xf6: {  	v2 =	vmov s14;
	s14 =	smov.u32 s15  }
0xf7: {  	v2 =	vshll.u32 v2, $0x4  }
0xf8: {  	v2 =	vor.u32 v0, v2;
	v1 =	vand.u32 $0xF, v1  }
0xf9: {  	v1 =	vor.u32 v2, v1;
	_ =	sdelay $0x4  }
0xfa: {  	s8 =	sadd.s32 $0x10, s8;
	v1 =	vld.idx.msk [tilespmem:v1+s1+$0x0], $0xffff  }
0xfb: {  	v2 =	vld [tilespmem:s8+$0x0];
	_ =	sdelay $0x3  }
.Ltmp0:
0xfc: {  	(pc) =	sbr.rel @p0 .LBB2_3-.Ltmp0, $3  }
0xfd: {  	v1 =	vadd.f32 v2, v1;
	_ =	sdelay $0x1  }
0xfe: {  	s13 =	sadd.s32 $0x10, s13;
	[tilespmem:s8+$0x0] =	vst v1  }
0xff: {  	s15 =	sadd.s32 $0x10, s15;
	v1 =	vld [tilespmem:s13+$0x0]  }
0x100: {  	_ =	sdelay $0x1  }
0x101: {  	v2 =	vmov s14  }
0x102: {  	v2 =	vshll.u32 v2, $0x4  }
0x103: {  	v2 =	vor.u32 v0, v2;
	v1 =	vand.u32 $0xF, v1  }
0x104: {  	v1 =	vor.u32 v2, v1;
	_ =	sdelay $0x2  }
0x105: {  	s15 =	sadd.s32 $0x10, s8  }
0x106: {  	v2 =	vld [tilespmem:s15+$0x0]  }
0x107: {  	v1 =	vld.idx.msk [tilespmem:v1+s1+$0x0], $0xffff;
	_ =	sdelay $0x1  }
0x108: {  	p0 =	sne.s32 s0, $0x8  }
.Ltmp1:
0x109: {  	_ = 	snop;
	(pc) =	sbr.rel @p0 .LBB2_2-.Ltmp1, $3  }
0x10a: {  	_ = 	snop  }
0x10b: {  	v1 =	vadd.f32 v2, v1;
	_ =	sdelay $0x1  }
0x10c: {  	s31 =	sadd.s32 $0x200, s31;
	s30 =	sadd.s32 $0x1, s30;
	[tilespmem:s15+$0x0] =	vst v1  }
0x10d: {  	s29 =	sadd.s32 $0x1, s29  }
0x10e: {  	p0 =	sne.s32 s29, s7  }
.Ltmp2:
0x10f: {  	_ = 	snop;
	(pc) =	sbr.rel @p0 .LBB2_1-.Ltmp2, $4  }
0x110: {  	[hbm4b:s6+s2] =	stream.linear.scatter [tilespmem:s11], [sflag:$0x9], $0x200, $0x38;
	[tilespmem:$0x4A00] =	vst v63  }
0x111: {  	_ =	swait.ge [sflag:s10], $0x200  }
0x112: {  	[sflag:s10] =	ssyncset.done $0x0  }
0x113: {  	[sflag:s10] =	ssyncadd.s32 $0xFFFFFE00  }
0x114: {  	_ =	sfence.sel $0x180000  }
0x115: {  	[bflag:$0x0] =	sbarrier.arrive $0xFFFF  }
0x116: {  	_ =	strace $0x90000050  }
0x117: {  	s0 =	stileid.u32;
	[bflag:$0x2] =	sbarrier.arrive $0xFFFF  }
0x118: {  	p0 =	sne.s32 s0, $0x0;
	s0 =	rddreg [dreg:$0x2]  }
0x119: {  	s0 =	sadd.s32 @!p0 $0x100000, s0  }
0x11a: {  	[sflag:s0] =	ssyncadd.tile.s32 @!p0 $0x1;
	_ =	shalt  }
.Lfunc_end2:
_tile_overlayer_lowered:
.L_overlay_start_2:
0x11b: {  	(tag) =	ssettag $0x2  }
0x11c: {  	s0 =	rddreg [dreg:$0x0];
	s2 =	stileid.u32  }
0x11d: {  	s1 =	rddreg [dreg:$0x1];
	p0 =	sne.s32 s2, $0x0  }
0x11e: {  	s3 =	rddreg [dreg:$0x2];
	[bflag:$0x3] =	sbarrier.arrive $0xFFFF;
	s2 =	simm.s32 @!p0 $0x1C09  }
0x11f: {  	[timem:s3], [sflag:s2] =	dma.local @!p0 [hbm:s0], s1  }
0x120: {  	s0 =	simm.s32 @!p0 $0x9  }
0x121: {  	_ =	swait.ge @!p0 [sflag:s0], s1  }
0x122: {  	s1 =	ssub.s32 @!p0 $0x0, s1;
	[sflag:s0] =	ssyncset.done @!p0 $0x0  }
0x123: {  	[sflag:s0] =	ssyncadd.s32 @!p0 s1  }
0x124: {  	[bflag:$0x3] =	sbarrier.arrive $0xFFFF  }
0x125: {  	_ =	shalt  }

// kernel: lookup_sum_f8_8.3.cloned.1.call-start
scs
__scs_entry_jumppad:
0x0: {  	(pc) =	sbr.rel $0x88, $3  }
0x1: {  	(tag) =	ssettag $0x0;
	lr =	simm.s32 $0x1  }
0x2: {  	[smem:$0x3F9E] =	sst lr;
	_ =	strace $0xD0000000  }
0x3: {  	_ = 	snop  }
0x4: {  	_ = 	snop  }
0x5: {  	_ = 	snop  }
0x6: {  	_ = 	snop  }
0x7: {  	_ = 	snop  }
__scs_overlays_trampoline_lowered:
0x8: {  	[smem:$0x3FAD] =	sst s0  }
0x9: {  	[smem:$0x3FAE] =	sst s1  }
0xa: {  	[smem:$0x3FAF] =	sst s2  }
0xb: {  	[smem:$0x3FB0] =	sst s3  }
0xc: {  	[smem:$0x3FB1] =	sst s4  }
0xd: {  	[smem:$0x3FB2] =	sst s5  }
0xe: {  	[smem:$0x3FB3] =	sst s6  }
0xf: {  	[smem:$0x3FB4] =	sst s7  }
0x10: {  	[smem:$0x3FB5] =	sst s8  }
0x11: {  	[smem:$0x3FB6] =	sst s9;
	s0 =	simm.s32 @!p0 $0x0  }
0x12: {  	s1 =	sld [smem:$0x3F9C];
	s0 =	simm.s32 @p0 $0x1  }
0x13: {  	[smem:$0x3FB7] =	sst s0;
	s0 =	simm.s32 @!p1 $0x0  }
0x14: {  	s2 =	sld [smem:$0x3F9B];
	s0 =	simm.s32 @p1 $0x1  }
0x15: {  	[smem:$0x3FB8] =	sst s0;
	s0 =	simm.s32 @!p2 $0x0  }
0x16: {  	s3 =	sld [smem:$0x3FDB];
	s0 =	simm.s32 @p2 $0x1  }
0x17: {  	s4 =	simm.s32 $0x1BF5;
	[smem:$0x3FBA] =	sst s0  }
0x18: {  	s0 =	sld [smem:$0x3F9D];
	_ =	swait.ge [sflag:s4], $0x0  }
0x19: {  	s7 =	sld [smem:$0x3F9E]  }
0x1a: {  	s8 =	sadd.s32 $0xFFFFE003, lr  }
0x1b: {  	s9 =	sadd.s32 $0xFFFFFEF7, lr;
	s5 =	simm.s32 $0xFFFFFFFF;
	p2 =	slt.u32 s8, $0xFFFFF086  }
0x1c: {  	p1 =	slt.u32 s9, $0xF7A;
	s5 =	simm.s32 @!p2 $0x0  }
0x1d: {  	s5 =	simm.s32 @p1 $0x1;
	p0 =	seq.s32 s7, s2  }
0x1e: {  	s7 =	smul.u32 @!p0 $0xF7A, s2;
	p2 =	seq.s32 @!p0 s5, $0x0  }
0x1f: {  	s9 =	smul.u32 $0xF7A, s1;
	s8 =	simm.s32 @!p0 $0x1BF5;
	p2 =	por !p2, p0  }
0x20: {  	[sflag:s8] =	ssyncset.s32 @!p0 $0xFFFFF086;
	s6 =	sadd.s32 @!p0 s3, s7;
	s7 =	simm.s32 @!p0 $0x108  }
0x21: {  	s3 =	sadd.s32 s3, s9;
	s6 =	sadd.s32 @!p0 $0x88, s6;
	s7 =	simm.s32 @p2 $0x1082  }
0x22: {  	[simem:s7], [sflag:s8] =	dma.local @!p0 [hbm:s6], $0xF7A  }
0x23: {  	s9 =	sor.u32 $0xD0000000, s2;
	s6 =	simm.s32 $0x108;
	_ =	swait.ge @!p0 [sflag:s8], $0x0  }
0x24: {  	s3 =	sadd.s32 $0x88, s3;
	s6 =	simm.s32 @!p1 $0x1082;
	[sflag:s4] =	ssyncset.s32 $0xFFFFF086  }
0x25: {  	[simem:s6], [sflag:s4] =	dma.local [hbm:s3], $0xF7A  }
0x26: {  	[smem:$0x3F9E] =	sst s1;
	(tag) =	ssettag s2;
	_ =	strace s9  }
0x27: {  	s1 =	sld [smem:$0x3FAE]  }
0x28: {  	s2 =	sld [smem:$0x3FAF]  }
0x29: {  	s4 =	sld [smem:$0x3FB1]  }
0x2a: {  	p0 =	seq.s32 s5, $0x0;
	s5 =	sld [smem:$0x3FB2]  }
0x2b: {  	s6 =	sld [smem:$0x3FB3]  }
0x2c: {  	s7 =	sld [smem:$0x3FB4]  }
0x2d: {  	s3 =	simm.s32 $0x108;
	s8 =	sld [smem:$0x3FB5]  }
0x2e: {  	s3 =	simm.s32 @!p0 $0x1082;
	s9 =	sld [smem:$0x3FB6]  }
0x2f: {  	lr =	sadd.s32 s0, s3;
	s0 =	sld [smem:$0x3FAD]  }
0x30: {  	s3 =	sld [smem:$0x3FB0]  }
0x31: {  	[smem:$0x3FB9] =	sst s10  }
0x32: {  	s10 =	sld [smem:$0x3FB7];
	_ =	sdelay $0x3  }
0x33: {  	p0 =	seq.s32 s10, $0x1;
	s10 =	sld [smem:$0x3FB9];
	_ =	sdelay $0x3  }
0x34: {  	[smem:$0x3FB9] =	sst s10  }
0x35: {  	s10 =	sld [smem:$0x3FB8];
	_ =	sdelay $0x3  }
0x36: {  	p1 =	seq.s32 s10, $0x1;
	s10 =	sld [smem:$0x3FB9];
	_ =	sdelay $0x3  }
0x37: {  	[smem:$0x3FB9] =	sst s10  }
0x38: {  	s10 =	sld [smem:$0x3FBA]  }
0x39: {  	_ = 	snop;
	(pc) =	sbr.ind lr, $3  }
0x3a: {  	_ = 	snop  }
0x3b: {  	_ = 	snop  }
0x3c: {  	p2 =	seq.s32 s10, $0x1;
	s10 =	sld [smem:$0x3FB9]  }
0x3d: {  	_ =	shalt  }
0x3e: {  	_ =	shalt  }
0x3f: {  	_ =	shalt  }
0x40: {  	_ =	shalt  }
0x41: {  	_ =	shalt  }
0x42: {  	_ =	shalt  }
0x43: {  	_ =	shalt  }
0x44: {  	_ =	shalt  }
0x45: {  	_ =	shalt  }
0x46: {  	_ =	shalt  }
0x47: {  	_ =	shalt  }
0x48: {  	_ =	shalt  }
0x49: {  	_ =	shalt  }
0x4a: {  	_ =	shalt  }
0x4b: {  	_ =	shalt  }
0x4c: {  	_ =	shalt  }
0x4d: {  	_ =	shalt  }
0x4e: {  	_ =	shalt  }
0x4f: {  	_ =	shalt  }
0x50: {  	_ =	shalt  }
0x51: {  	_ =	shalt  }
0x52: {  	_ =	shalt  }
0x53: {  	_ =	shalt  }
0x54: {  	_ =	shalt  }
0x55: {  	_ =	shalt  }
0x56: {  	_ =	shalt  }
0x57: {  	_ =	shalt  }
0x58: {  	_ =	shalt  }
0x59: {  	_ =	shalt  }
0x5a: {  	_ =	shalt  }
0x5b: {  	_ =	shalt  }
0x5c: {  	_ =	shalt  }
0x5d: {  	_ =	shalt  }
0x5e: {  	_ =	shalt  }
0x5f: {  	_ =	shalt  }
0x60: {  	_ =	shalt  }
0x61: {  	_ =	shalt  }
0x62: {  	_ =	shalt  }
0x63: {  	_ =	shalt  }
0x64: {  	_ =	shalt  }
0x65: {  	_ =	shalt  }
0x66: {  	_ =	shalt  }
0x67: {  	_ =	shalt  }
0x68: {  	_ =	shalt  }
0x69: {  	_ =	shalt  }
0x6a: {  	_ =	shalt  }
0x6b: {  	_ =	shalt  }
0x6c: {  	_ =	shalt  }
0x6d: {  	_ =	shalt  }
0x6e: {  	_ =	shalt  }
0x6f: {  	_ =	shalt  }
0x70: {  	_ =	shalt  }
0x71: {  	_ =	shalt  }
0x72: {  	_ =	shalt  }
0x73: {  	_ =	shalt  }
0x74: {  	_ =	shalt  }
0x75: {  	_ =	shalt  }
0x76: {  	_ =	shalt  }
0x77: {  	_ =	shalt  }
0x78: {  	_ =	shalt  }
0x79: {  	_ =	shalt  }
0x7a: {  	_ =	shalt  }
0x7b: {  	_ =	shalt  }
0x7c: {  	_ =	shalt  }
0x7d: {  	_ =	shalt  }
0x7e: {  	_ =	shalt  }
0x7f: {  	_ =	shalt  }
0x80: {  	_ =	shalt  }
0x81: {  	_ =	shalt  }
0x82: {  	_ =	shalt  }
0x83: {  	_ =	shalt  }
0x84: {  	_ =	shalt  }
0x85: {  	_ =	shalt  }
0x86: {  	_ =	shalt  }
0x87: {  	_ =	shalt  }
.Lfunc_end0:
.L_simem_size_0:
called_computation.1_lowered:
.L_overlay_start_0:
0x88: {  	s2 =	sld [smem:$0x3FD9]  }
0x89: {  	s3 =	sld [smem:$0x3FFE];
	_ =	sdelay $0x1  }
0x8a: {  	s1 =	srdreg.scid  }
0x8b: {  	s0 =	sand.u32 $0x1, s1  }
0x8c: {  	s17 =	sshll.u32 s0, $0xA;
	s2 =	sadd.s32 s3, s2  }
0x8d: {  	s2 =	sadd.s32 s2, s17  }
0x8e: {  	[smem:$0x3FC5] =	sst s2  }
0x8f: {  	_ = 	snop  }
0x90: {  	s2 =	sld [smem:$0x3FD0];
	(tm) =	ssettm $0x1  }
0x91: {  	s18 =	sld [smem:$0x3FFB];
	_ =	sdelay $0x3  }
0x92: {  	_ =	strace s18  }
0x93: {  	s3 =	sld [smem:$0x3FFC];
	_ =	sdelay $0x3  }
0x94: {  	_ =	strace s3  }
0x95: {  	s3 =	sld [smem:$0x3FFD];
	_ =	sdelay $0x3  }
0x96: {  	_ =	strace s3  }
0x97: {  	_ =	strace $0x8FFFFFFF  }
0x98: {  	s19 =	sld [smem:$0x3FDB];
	_ =	sdelay $0x1  }
0x99: {  	s4 =	simm.s32 $_scs_section_size  }
0x9a: {  	s5 =	simm.s32 $_size__tile_overlayer_lowered;
	s6 =	simm.s32 $_tile_overlayer_lowered  }
0x9b: {  	s22 =	simm.s32 $0x1BFF;
	s21 =	sshll.u32 s6, $0x1;
	s3 =	sadd.s32 s4, s19  }
0x9c: {  	s7 =	simm.s32 $0x0;
	s20 =	sshll.u32 s5, $0x1;
	s5 =	sadd.s32 s21, s3  }
0x9d: {  	[timem:s7], [sflag:s22] =	dma.local [hbm:s5], s20  }
0x9e: {  	_ =	swait.ge [sflag:s22], s20  }
0x9f: {  	s4 =	ssub.s32 $0x0, s20;
	[sflag:s22] =	ssyncset.done $0x0  }
0xa0: {  	[sflag:s22] =	ssyncadd.s32 s4;
	_ =	sdelay $0x1  }
0xa1: {  	s23 =	simm.s32 $0x1B8B  }
0xa2: {  	_ =	swait.ge [sflag:s23], $0x1  }
0xa3: {  	[sflag:s23] =	ssyncset.done $0x0  }
0xa4: {  	s25 =	simm.s32 $0x1B8E;
	s24 =	sld [smem:$0x3FFE];
	[sflag:s23] =	ssyncadd.s32 $0xFFFFFFFF  }
0xa5: {  	s26 =	simm.s32 $execute0_lowered;
	[smem:$0x3FD2] =	sst s25  }
0xa6: {  	s5 =	sshll.u32 s26, $0x1;
	_ =	strace $0x80000049;
	[dreg:$0x1] =	wrdreg $0xFFFFFFFF  }
0xa7: {  	s28 =	simm.s32 $_size_execute0_lowered;
	s3 =	sadd.s32 s3, s5;
	[dreg:$0x0] =	wrdreg $0x0  }
0xa8: {  	s5 =	sshll.u32 s28, $0x1;
	[dreg:$0x2] =	wrdreg s3  }
0xa9: {  	[dreg:$0x3] =	wrdreg s5  }
0xaa: {  	[dreg:$0x4] =	wrdreg $0xC0  }
0xab: {  	_ =	task [dreg:s7], $0x5FFFF  }
0xac: {  	[dreg:$0x1] =	wrdreg $0xFFFFFFFF  }
0xad: {  	[dreg:$0x0] =	wrdreg $0x60  }
0xae: {  	[dreg:$0x2] =	wrdreg s24  }
0xaf: {  	[dreg:$0x3] =	wrdreg s2  }
0xb0: {  	[dreg:$0x4] =	wrdreg $0x9  }
0xb1: {  	_ =	task.clear_ibuf [dreg:s7], $0x5FFFF;
	_ =	strace $0x90000049  }
0xb2: {  	s29 =	simm.s32 $0x9;
	_ =	strace $0x8000004B  }
0xb3: {  	_ =	swait.ge [sflag:s29], $0x1  }
0xb4: {  	[sflag:s29] =	ssyncadd.s32 $0xFFFFFFFF  }
0xb5: {  	_ =	strace $0x9000004B  }
0xb6: {  	_ =	sfence  }
0xb7: {  	s30 =	sld [smem:$0x0];
	_ =	sdelay $0x2  }
0xb8: {  	s31 =	sshll.u32 s1, $0xD;
	s1 =	sshrl.u32 s1, $0x2  }
0xb9: {  	s3 =	sand.u32 $0x4000, s31;
	s1 =	sadd.s32 s1, s30  }
0xba: {  	s0 =	sor.u32 s3, s0;
	s1 =	sshll.u32 s1, $0x11  }
0xbb: {  	s0 =	sor.u32 s1, s0  }
0xbc: {  	s0 =	sadd.s32 $0x8F2B, s0  }
0xbd: {  	[sflag:s0] =	ssyncadd.remote.s32 $0x1  }
0xbe: {  	_ =	sfence.sel $0xFFFF  }
0xbf: {  	[dreg:$0x0] =	wrdreg $0xFFFFFFFF;
	(pc) =	sbr.abs _section_cstart, $3  }
0xc0: {  	[dreg:$0x1] =	wrdreg $0xFFFFFFFF  }
0xc1: {  	_ =	task.clear_ibuf [dreg:s7], $0x2FFFF;
	_ =	strace $0x9FFFFFFF  }
0xc2: {  	(tm) =	ssettm $0x7FFFFFFF  }
0xc3: {  	_ =	shalt  }
tec
execute0_lowered:
.L_overlay_start_1:
0x0: {  	(tag) =	ssettag $0x1  }
0x1: {  	s0 =	rddreg [dreg:$0x0]  }
0x2: {  	s1 =	rddreg [dreg:$0x1]  }
0x3: {  	s3 =	srdreg.scid;
	s2 =	simm.s32 $0x0;
	s4 =	stileid.u32  }
0x4: {  	s10 =	simm.s32 $0x9;
	s11 =	simm.s32 $0x5400;
	s12 =	simm.s32 $0x80  }
0x5: {  	s19 =	simm.s32 $0x1180;
	s20 =	simm.s32 $0x2C00;
	s21 =	simm.s32 $0x1200  }
0x6: {  	s22 =	simm.s32 $0x3400;
	s23 =	simm.s32 $0x1280;
	s24 =	simm.s32 $0x3C00  }
0x7: {  	s25 =	simm.s32 $0x1300;
	s28 =	simm.s32 $0x1380;
	s29 =	simm.s32 $0x4C00  }
0x8: {  	s30 =	simm.s32 $0x0;
	s3 =	sand.u32 $0x1, s3;
	[smem:$0x7FF] =	sst s2  }
.Ltmp0:
0x9: {  	s4 =	sshll.u32 s4, $0x7;
	s5 =	sshll.u32 s3, $0x6;
	(pc) =	sbr.rel .LBB2_1-.Ltmp0, $4  }
0xa: {  	_ =	strace $0x8000004A;
	s26 =	ssub.s32 $0x2, s3;
	s6 =	sor.u32 s5, s4  }
0xb: {  	s3 =	sadd.s32 $0x102C00, s0;
	s31 =	sshrl.u32 s26, $0x1;
	s0 =	sadd.s32 s6, s0  }
0xc: {  	v0 =	vlaneseq.u32;
	s7 =	ssub.s32 s26, s31;
	s6 =	sadd.s32 s1, s6;
	s26 =	simm.s32 $0x4400  }
0xd: {  	v0 =	vmul.u32 $0x10, v0;
	s4 =	sadd.s32 $0x5000, s0;
	s5 =	sadd.s32 $0x102400, s0;
	s7 =	smax.u32 s7, $0x1  }
.LBB2_7:
0xe: {  	s30 =	sadd.s32 $0x1, s30  }
0xf: {  	p0 =	sne.s32 s30, s7  }
.Ltmp1:
0x10: {  	_ = 	snop;
	(pc) =	sbr.rel @!p0 .LBB2_8-.Ltmp1, $4  }
0x11: {  	[hbm4b:s6+s2] =	stream.linear.scatter [tilespmem:s11], [sflag:$0x9], $0x200, $0x38;
	[tilespmem:$0x5600] =	vst v63  }
0x12: {  	_ =	swait.ge [sflag:s10], $0x200  }
0x13: {  	[sflag:s10] =	ssyncset.done $0x0  }
0x14: {  	[sflag:s10] =	ssyncadd.s32 $0xFFFFFE00  }
.LBB2_1:
0x15: {  	s0 =	simm.s32 $0x200;
	s1 =	simm.s32 $0x4000  }
0x16: {  	[tilespmem:s2], [sflag:$0x9] =	stream.strided.gather [hbm4b:s4+s0], $0x1000, s1, s0, $0x38;
	[tilespmem:$0x5600] =	vst v63  }
0x17: {  	_ =	swait.ge [sflag:s10], $0x1000  }
0x18: {  	[sflag:s10] =	ssyncset.done $0x0  }
0x19: {  	[sflag:s10] =	ssyncadd.s32 $0xFFFFF000  }
0x1a: {  	[tilespmem:s11], [sflag:$0x9] =	stream.linear.gather [hbm4b:s5+s2], $0x200, $0x38;
	[tilespmem:$0x5600] =	vst v63  }
0x1b: {  	_ =	swait.ge [sflag:s10], $0x200  }
0x1c: {  	[sflag:s10] =	ssyncset.done $0x0  }
0x1d: {  	[sflag:s10] =	ssyncadd.s32 $0xFFFFFE00  }
0x1e: {  	v1 =	vld [tilespmem:$0x0]  }
0x1f: {  	v2 =	vld [tilespmem:$0x10]  }
0x20: {  	v3 =	vld [tilespmem:$0x20]  }
0x21: {  	v5 =	vld [tilespmem:$0x30]  }
0x22: {  	v7 =	vld [tilespmem:$0x40]  }
0x23: {  	v13 =	vld [tilespmem:$0x50]  }
0x24: {  	v9 =	vld [tilespmem:$0x60]  }
0x25: {  	v10 =	vld [tilespmem:$0x70]  }
0x26: {  	v4 =	vshra.s32 v1, $0x1;
	v1 =	vshrl.u32 v1, $0x4;
	v6 =	vshra.s32 v2, $0x1  }
0x27: {  	v2 =	vshrl.u32 v2, $0x4;
	v12 =	vshra.s32 v3, $0x1;
	v3 =	vshrl.u32 v3, $0x4  }
0x28: {  	v8 =	vshra.s32 v5, $0x1;
	v5 =	vshrl.u32 v5, $0x4;
	v15 =	vshra.s32 v7, $0x1  }
0x29: {  	v7 =	vshrl.u32 v7, $0x4;
	v18 =	vshra.s32 v13, $0x1;
	v19 =	vshrl.u32 v13, $0x4  }
0x2a: {  	v21 =	vshra.s32 v9, $0x1;
	v22 =	vshrl.u32 v9, $0x4;
	v23 =	vshra.s32 v10, $0x1  }
0x2b: {  	v24 =	vshrl.u32 v10, $0x4;
	v4 =	vand.u32 $0xFFFFFFC0, v4;
	v1 =	vand.u32 $0x7, v1  }
0x2c: {  	v11 =	vand.u32 $0xFFFFFFC0, v6;
	v2 =	vand.u32 $0x7, v2;
	v1 =	vor.u32 v1, v4  }
0x2d: {  	v3 =	vand.u32 $0x7, v3;
	v2 =	vor.u32 v2, v11;
	v4 =	vand.u32 $0xFFFFFFC0, v12;
	[tilespmem:$0x1000] =	vst v1  }
0x2e: {  	v14 =	vand.u32 $0xFFFFFFC0, v8;
	v5 =	vand.u32 $0x7, v5;
	v3 =	vor.u32 v3, v4;
	[tilespmem:$0x1010] =	vst v2  }
0x2f: {  	v16 =	vand.u32 $0xFFFFFFC0, v15;
	v17 =	vand.u32 $0x7, v7;
	v1 =	vor.u32 v5, v14;
	[tilespmem:$0x1020] =	vst v3  }
0x30: {  	v20 =	vand.u32 $0x7, v19;
	v2 =	vor.u32 v17, v16;
	v3 =	vand.u32 $0xFFFFFFC0, v18;
	[tilespmem:$0x1030] =	vst v1  }
0x31: {  	[tilespmem:$0x1040] =	vst v2;
	v2 =	vand.u32 $0x7, v22;
	v1 =	vor.u32 v20, v3;
	v3 =	vand.u32 $0xFFFFFFC0, v21  }
0x32: {  	[tilespmem:$0x1050] =	vst v1;
	v1 =	vor.u32 v2, v3;
	v2 =	vand.u32 $0xFFFFFFC0, v23;
	v3 =	vand.u32 $0x7, v24  }
0x33: {  	[tilespmem:$0x1060] =	vst v1;
	v1 =	vor.u32 v3, v2  }
0x34: {  	s13 =	simm.s32 $0x1000;
	s14 =	simm.s32 $0x1400;
	[tilespmem:$0x1070] =	vst v1  }
0x35: {  	[tilespmem:s14], [sflag:$0x1] =	stream.indirect.gather [hbm4b:s3+s12], $0x10, s13, s12, $0xb8;
	[tilespmem:$0x5600] =	vst v63  }
0x36: {  	v1 =	vld [tilespmem:$0x80]  }
0x37: {  	v2 =	vld [tilespmem:$0x90]  }
0x38: {  	v3 =	vld [tilespmem:$0xA0]  }
0x39: {  	v26 =	vld [tilespmem:$0xB0]  }
0x3a: {  	v28 =	vld [tilespmem:$0xC0]  }
0x3b: {  	v31 =	vld [tilespmem:$0xD0]  }
0x3c: {  	v33 =	vld [tilespmem:$0xE0]  }
0x3d: {  	v36 =	vld [tilespmem:$0xF0]  }
0x3e: {  	v25 =	vshra.s32 v1, $0x1;
	v1 =	vshrl.u32 v1, $0x4;
	v27 =	vshra.s32 v2, $0x1  }
0x3f: {  	v2 =	vshrl.u32 v2, $0x4;
	v30 =	vshra.s32 v3, $0x1;
	v3 =	vshrl.u32 v3, $0x4  }
0x40: {  	v32 =	vshra.s32 v26, $0x1;
	v5 =	vshrl.u32 v26, $0x4;
	v35 =	vshra.s32 v28, $0x1  }
0x41: {  	v7 =	vshrl.u32 v28, $0x4;
	v39 =	vshra.s32 v31, $0x1;
	v40 =	vshrl.u32 v31, $0x4  }
0x42: {  	v42 =	vshra.s32 v33, $0x1;
	v43 =	vshrl.u32 v33, $0x4;
	v44 =	vshra.s32 v36, $0x1  }
0x43: {  	v45 =	vshrl.u32 v36, $0x4;
	v4 =	vand.u32 $0xFFFFFFC0, v25;
	v1 =	vand.u32 $0x7, v1  }
0x44: {  	v29 =	vand.u32 $0xFFFFFFC0, v27;
	v2 =	vand.u32 $0x7, v2;
	v1 =	vor.u32 v1, v4  }
0x45: {  	v3 =	vand.u32 $0x7, v3;
	v2 =	vor.u32 v2, v29;
	v4 =	vand.u32 $0xFFFFFFC0, v30;
	[tilespmem:$0x1080] =	vst v1  }
0x46: {  	v34 =	vand.u32 $0xFFFFFFC0, v32;
	v5 =	vand.u32 $0x7, v5;
	v3 =	vor.u32 v3, v4;
	[tilespmem:$0x1090] =	vst v2  }
0x47: {  	v37 =	vand.u32 $0xFFFFFFC0, v35;
	v38 =	vand.u32 $0x7, v7;
	v1 =	vor.u32 v5, v34;
	[tilespmem:$0x10A0] =	vst v3  }
0x48: {  	v41 =	vand.u32 $0x7, v40;
	v2 =	vor.u32 v38, v37;
	v3 =	vand.u32 $0xFFFFFFC0, v39;
	[tilespmem:$0x10B0] =	vst v1  }
0x49: {  	[tilespmem:$0x10C0] =	vst v2;
	v2 =	vand.u32 $0x7, v43;
	v1 =	vor.u32 v41, v3;
	v3 =	vand.u32 $0xFFFFFFC0, v42  }
0x4a: {  	[tilespmem:$0x10D0] =	vst v1;
	v1 =	vor.u32 v2, v3;
	v2 =	vand.u32 $0xFFFFFFC0, v44;
	v3 =	vand.u32 $0x7, v45  }
0x4b: {  	[tilespmem:$0x10E0] =	vst v1;
	v1 =	vor.u32 v3, v2  }
0x4c: {  	s15 =	simm.s32 $0x1080;
	s16 =	simm.s32 $0x1C00;
	[tilespmem:$0x10F0] =	vst v1  }
0x4d: {  	[tilespmem:s16], [sflag:$0x2] =	stream.indirect.gather [hbm4b:s3+s12], $0x10, s15, s12, $0xb8;
	[tilespmem:$0x5600] =	vst v63  }
0x4e: {  	v1 =	vld [tilespmem:$0x100]  }
0x4f: {  	v2 =	vld [tilespmem:$0x110]  }
0x50: {  	v3 =	vld [tilespmem:$0x120]  }
0x51: {  	v47 =	vld [tilespmem:$0x130]  }
0x52: {  	v49 =	vld [tilespmem:$0x140]  }
0x53: {  	v52 =	vld [tilespmem:$0x150]  }
0x54: {  	v54 =	vld [tilespmem:$0x160]  }
0x55: {  	v57 =	vld [tilespmem:$0x170]  }
0x56: {  	v46 =	vshra.s32 v1, $0x1;
	v1 =	vshrl.u32 v1, $0x4;
	v48 =	vshra.s32 v2, $0x1  }
0x57: {  	v2 =	vshrl.u32 v2, $0x4;
	v51 =	vshra.s32 v3, $0x1;
	v3 =	vshrl.u32 v3, $0x4  }
0x58: {  	v53 =	vshra.s32 v47, $0x1;
	v5 =	vshrl.u32 v47, $0x4;
	v56 =	vshra.s32 v49, $0x1  }
0x59: {  	v7 =	vshrl.u32 v49, $0x4;
	v60 =	vshra.s32 v52, $0x1;
	v61 =	vshrl.u32 v52, $0x4  }
0x5a: {  	v63 =	vshra.s32 v54, $0x1;
	v8 =	vshrl.u32 v54, $0x4;
	v9 =	vshra.s32 v57, $0x1  }
0x5b: {  	v11 =	vshrl.u32 v57, $0x4;
	v4 =	vand.u32 $0xFFFFFFC0, v46;
	v1 =	vand.u32 $0x7, v1  }
0x5c: {  	v50 =	vand.u32 $0xFFFFFFC0, v48;
	v2 =	vand.u32 $0x7, v2;
	v1 =	vor.u32 v1, v4  }
0x5d: {  	v3 =	vand.u32 $0x7, v3;
	v2 =	vor.u32 v2, v50;
	v4 =	vand.u32 $0xFFFFFFC0, v51;
	[tilespmem:$0x1100] =	vst v1  }
0x5e: {  	v55 =	vand.u32 $0xFFFFFFC0, v53;
	v5 =	vand.u32 $0x7, v5;
	v3 =	vor.u32 v3, v4;
	[tilespmem:$0x1110] =	vst v2  }
0x5f: {  	v58 =	vand.u32 $0xFFFFFFC0, v56;
	v59 =	vand.u32 $0x7, v7;
	v1 =	vor.u32 v5, v55;
	[tilespmem:$0x1120] =	vst v3  }
0x60: {  	v62 =	vand.u32 $0x7, v61;
	v2 =	vor.u32 v59, v58;
	v3 =	vand.u32 $0xFFFFFFC0, v60;
	[tilespmem:$0x1130] =	vst v1  }
0x61: {  	[tilespmem:$0x1140] =	vst v2;
	v2 =	vand.u32 $0x7, v8;
	v1 =	vor.u32 v62, v3;
	v3 =	vand.u32 $0xFFFFFFC0, v63  }
0x62: {  	[tilespmem:$0x1150] =	vst v1;
	v1 =	vor.u32 v2, v3;
	v2 =	vand.u32 $0xFFFFFFC0, v9;
	v3 =	vand.u32 $0x7, v11  }
0x63: {  	[tilespmem:$0x1160] =	vst v1;
	v1 =	vor.u32 v3, v2  }
0x64: {  	s17 =	simm.s32 $0x1100;
	s18 =	simm.s32 $0x2400;
	[tilespmem:$0x1170] =	vst v1  }
0x65: {  	[tilespmem:s18], [sflag:$0x3] =	stream.indirect.gather [hbm4b:s3+s12], $0x10, s17, s12, $0xb8;
	[tilespmem:$0x5600] =	vst v63  }
0x66: {  	v1 =	vld [tilespmem:$0x180]  }
0x67: {  	v2 =	vld [tilespmem:$0x190]  }
0x68: {  	v3 =	vld [tilespmem:$0x1A0]  }
0x69: {  	v13 =	vld [tilespmem:$0x1B0]  }
0x6a: {  	v15 =	vld [tilespmem:$0x1C0]  }
0x6b: {  	v18 =	vld [tilespmem:$0x1D0]  }
0x6c: {  	v20 =	vld [tilespmem:$0x1E0]  }
0x6d: {  	v23 =	vld [tilespmem:$0x1F0]  }
0x6e: {  	v12 =	vshra.s32 v1, $0x1;
	v1 =	vshrl.u32 v1, $0x4;
	v14 =	vshra.s32 v2, $0x1  }
0x6f: {  	v2 =	vshrl.u32 v2, $0x4;
	v17 =	vshra.s32 v3, $0x1;
	v3 =	vshrl.u32 v3, $0x4  }
0x70: {  	v19 =	vshra.s32 v13, $0x1;
	v5 =	vshrl.u32 v13, $0x4;
	v22 =	vshra.s32 v15, $0x1  }
0x71: {  	v7 =	vshrl.u32 v15, $0x4;
	v26 =	vshra.s32 v18, $0x1;
	v27 =	vshrl.u32 v18, $0x4  }
0x72: {  	v29 =	vshra.s32 v20, $0x1;
	v30 =	vshrl.u32 v20, $0x4;
	v31 =	vshra.s32 v23, $0x1  }
0x73: {  	v32 =	vshrl.u32 v23, $0x4;
	v4 =	vand.u32 $0xFFFFFFC0, v12;
	v1 =	vand.u32 $0x7, v1  }
0x74: {  	v16 =	vand.u32 $0xFFFFFFC0, v14;
	v2 =	vand.u32 $0x7, v2;
	v1 =	vor.u32 v1, v4  }
0x75: {  	v3 =	vand.u32 $0x7, v3;
	v2 =	vor.u32 v2, v16;
	v4 =	vand.u32 $0xFFFFFFC0, v17;
	[tilespmem:$0x1180] =	vst v1  }
0x76: {  	v21 =	vand.u32 $0xFFFFFFC0, v19;
	v5 =	vand.u32 $0x7, v5;
	v3 =	vor.u32 v3, v4;
	[tilespmem:$0x1190] =	vst v2  }
0x77: {  	v24 =	vand.u32 $0xFFFFFFC0, v22;
	v25 =	vand.u32 $0x7, v7;
	v1 =	vor.u32 v5, v21;
	[tilespmem:$0x11A0] =	vst v3  }
0x78: {  	v28 =	vand.u32 $0x7, v27;
	v2 =	vor.u32 v25, v24;
	v3 =	vand.u32 $0xFFFFFFC0, v26;
	[tilespmem:$0x11B0] =	vst v1  }
0x79: {  	[tilespmem:$0x11C0] =	vst v2;
	v2 =	vand.u32 $0x7, v30;
	v1 =	vor.u32 v28, v3;
	v3 =	vand.u32 $0xFFFFFFC0, v29  }
0x7a: {  	[tilespmem:$0x11D0] =	vst v1;
	v1 =	vor.u32 v2, v3;
	v2 =	vand.u32 $0xFFFFFFC0, v31;
	v3 =	vand.u32 $0x7, v32  }
0x7b: {  	[tilespmem:$0x11E0] =	vst v1;
	v1 =	vor.u32 v3, v2  }
0x7c: {  	[tilespmem:$0x11F0] =	vst v1  }
0x7d: {  	[tilespmem:s20], [sflag:$0x4] =	stream.indirect.gather [hbm4b:s3+s12], $0x10, s19, s12, $0xb8;
	[tilespmem:$0x5600] =	vst v63  }
0x7e: {  	v1 =	vld [tilespmem:$0x200]  }
0x7f: {  	v2 =	vld [tilespmem:$0x210]  }
0x80: {  	v3 =	vld [tilespmem:$0x220]  }
0x81: {  	v34 =	vld [tilespmem:$0x230]  }
0x82: {  	v37 =	vld [tilespmem:$0x240]  }
0x83: {  	v39 =	vld [tilespmem:$0x250]  }
0x84: {  	v42 =	vld [tilespmem:$0x260]  }
0x85: {  	v44 =	vld [tilespmem:$0x270]  }
0x86: {  	v33 =	vshra.s32 v1, $0x1;
	v1 =	vshrl.u32 v1, $0x4;
	v35 =	vshra.s32 v2, $0x1  }
0x87: {  	v2 =	vshrl.u32 v2, $0x4;
	v38 =	vshra.s32 v3, $0x1;
	v3 =	vshrl.u32 v3, $0x4  }
0x88: {  	v40 =	vshra.s32 v34, $0x1;
	v5 =	vshrl.u32 v34, $0x4;
	v43 =	vshra.s32 v37, $0x1  }
0x89: {  	v6 =	vshrl.u32 v37, $0x4;
	v45 =	vshra.s32 v39, $0x1;
	v7 =	vshrl.u32 v39, $0x4  }
0x8a: {  	v48 =	vshra.s32 v42, $0x1;
	v49 =	vshrl.u32 v42, $0x4;
	v51 =	vshra.s32 v44, $0x1  }
0x8b: {  	v52 =	vshrl.u32 v44, $0x4;
	v4 =	vand.u32 $0xFFFFFFC0, v33;
	v1 =	vand.u32 $0x7, v1  }
0x8c: {  	v36 =	vand.u32 $0xFFFFFFC0, v35;
	v2 =	vand.u32 $0x7, v2;
	v3 =	vand.u32 $0x7, v3  }
0x8d: {  	v41 =	vand.u32 $0xFFFFFFC0, v40;
	v5 =	vand.u32 $0x7, v5;
	v6 =	vand.u32 $0x7, v6  }
0x8e: {  	v46 =	vand.u32 $0xFFFFFFC0, v45;
	v47 =	vand.u32 $0x7, v7;
	v1 =	vor.u32 v4, v1  }
0x8f: {  	v2 =	vor.u32 v36, v2;
	v4 =	vand.u32 $0xFFFFFFC0, v38;
	v1 =	vor.u32 $0x8, v1  }
0x90: {  	v50 =	vand.u32 $0x7, v49;
	v2 =	vor.u32 $0x8, v2;
	v3 =	vor.u32 v4, v3;
	[tilespmem:$0x1200] =	vst v1  }
0x91: {  	v4 =	vor.u32 v41, v5;
	v5 =	vand.u32 $0xFFFFFFC0, v43;
	v3 =	vor.u32 $0x8, v3;
	[tilespmem:$0x1210] =	vst v2  }
0x92: {  	v53 =	vand.u32 $0x7, v52;
	v4 =	vor.u32 $0x8, v4;
	v1 =	vor.u32 v5, v6;
	[tilespmem:$0x1220] =	vst v3  }
0x93: {  	v2 =	vor.u32 v46, v47;
	v1 =	vor.u32 $0x8, v1;
	v3 =	vand.u32 $0xFFFFFFC0, v48;
	[tilespmem:$0x1230] =	vst v4  }
0x94: {  	v2 =	vor.u32 $0x8, v2;
	[tilespmem:$0x1240] =	vst v1;
	v1 =	vor.u32 v3, v50;
	v3 =	vand.u32 $0xFFFFFFC0, v51  }
0x95: {  	[tilespmem:$0x1250] =	vst v2;
	v1 =	vor.u32 $0x8, v1;
	v2 =	vor.u32 v3, v53  }
0x96: {  	[tilespmem:$0x1260] =	vst v1;
	v1 =	vor.u32 $0x8, v2  }
0x97: {  	[tilespmem:$0x1270] =	vst v1  }
0x98: {  	[tilespmem:s22], [sflag:$0x5] =	stream.indirect.gather [hbm4b:s3+s12], $0x10, s21, s12, $0xb8;
	[tilespmem:$0x5600] =	vst v63  }
0x99: {  	v1 =	vld [tilespmem:$0x280]  }
0x9a: {  	v2 =	vld [tilespmem:$0x290]  }
0x9b: {  	v3 =	vld [tilespmem:$0x2A0]  }
0x9c: {  	v55 =	vld [tilespmem:$0x2B0]  }
0x9d: {  	v58 =	vld [tilespmem:$0x2C0]  }
0x9e: {  	v60 =	vld [tilespmem:$0x2D0]  }
0x9f: {  	v63 =	vld [tilespmem:$0x2E0]  }
0xa0: {  	v12 =	vld [tilespmem:$0x2F0]  }
0xa1: {  	v54 =	vshra.s32 v1, $0x1;
	v1 =	vshrl.u32 v1, $0x4;
	v56 =	vshra.s32 v2, $0x1  }
0xa2: {  	v2 =	vshrl.u32 v2, $0x4;
	v59 =	vshra.s32 v3, $0x1;
	v3 =	vshrl.u32 v3, $0x4  }
0xa3: {  	v61 =	vshra.s32 v55, $0x1;
	v5 =	vshrl.u32 v55, $0x4;
	v11 =	vshra.s32 v58, $0x1  }
0xa4: {  	v6 =	vshrl.u32 v58, $0x4;
	v13 =	vshra.s32 v60, $0x1;
	v7 =	vshrl.u32 v60, $0x4  }
0xa5: {  	v16 =	vshra.s32 v63, $0x1;
	v17 =	vshrl.u32 v63, $0x4;
	v19 =	vshra.s32 v12, $0x1  }
0xa6: {  	v20 =	vshrl.u32 v12, $0x4;
	v4 =	vand.u32 $0xFFFFFFC0, v54;
	v1 =	vand.u32 $0x7, v1  }
0xa7: {  	v57 =	vand.u32 $0xFFFFFFC0, v56;
	v2 =	vand.u32 $0x7, v2;
	v3 =	vand.u32 $0x7, v3  }
0xa8: {  	v62 =	vand.u32 $0xFFFFFFC0, v61;
	v5 =	vand.u32 $0x7, v5;
	v6 =	vand.u32 $0x7, v6  }
0xa9: {  	v14 =	vand.u32 $0xFFFFFFC0, v13;
	v15 =	vand.u32 $0x7, v7;
	v1 =	vor.u32 v4, v1  }
0xaa: {  	v2 =	vor.u32 v57, v2;
	v4 =	vand.u32 $0xFFFFFFC0, v59;
	v1 =	vor.u32 $0x8, v1  }
0xab: {  	v18 =	vand.u32 $0x7, v17;
	v2 =	vor.u32 $0x8, v2;
	v3 =	vor.u32 v4, v3;
	[tilespmem:$0x1280] =	vst v1  }
0xac: {  	v4 =	vor.u32 v62, v5;
	v5 =	vand.u32 $0xFFFFFFC0, v11;
	v3 =	vor.u32 $0x8, v3;
	[tilespmem:$0x1290] =	vst v2  }
0xad: {  	v21 =	vand.u32 $0x7, v20;
	v4 =	vor.u32 $0x8, v4;
	v1 =	vor.u32 v5, v6;
	[tilespmem:$0x12A0] =	vst v3  }
0xae: {  	v2 =	vor.u32 v14, v15;
	v1 =	vor.u32 $0x8, v1;
	v3 =	vand.u32 $0xFFFFFFC0, v16;
	[tilespmem:$0x12B0] =	vst v4  }
0xaf: {  	v2 =	vor.u32 $0x8, v2;
	[tilespmem:$0x12C0] =	vst v1;
	v1 =	vor.u32 v3, v18;
	v3 =	vand.u32 $0xFFFFFFC0, v19  }
0xb0: {  	[tilespmem:$0x12D0] =	vst v2;
	v1 =	vor.u32 $0x8, v1;
	v2 =	vor.u32 v3, v21  }
0xb1: {  	[tilespmem:$0x12E0] =	vst v1;
	v1 =	vor.u32 $0x8, v2  }
0xb2: {  	[tilespmem:$0x12F0] =	vst v1  }
0xb3: {  	[tilespmem:s24], [sflag:$0x6] =	stream.indirect.gather [hbm4b:s3+s12], $0x10, s23, s12, $0xb8;
	[tilespmem:$0x5600] =	vst v63  }
0xb4: {  	v1 =	vld [tilespmem:$0x300]  }
0xb5: {  	v2 =	vld [tilespmem:$0x310]  }
0xb6: {  	v3 =	vld [tilespmem:$0x320]  }
0xb7: {  	v23 =	vld [tilespmem:$0x330]  }
0xb8: {  	v26 =	vld [tilespmem:$0x340]  }
0xb9: {  	v28 =	vld [tilespmem:$0x350]  }
0xba: {  	v31 =	vld [tilespmem:$0x360]  }
0xbb: {  	v33 =	vld [tilespmem:$0x370]  }
0xbc: {  	v22 =	vshra.s32 v1, $0x1;
	v1 =	vshrl.u32 v1, $0x4;
	v24 =	vshra.s32 v2, $0x1  }
0xbd: {  	v2 =	vshrl.u32 v2, $0x4;
	v27 =	vshra.s32 v3, $0x1;
	v3 =	vshrl.u32 v3, $0x4  }
0xbe: {  	v29 =	vshra.s32 v23, $0x1;
	v5 =	vshrl.u32 v23, $0x4;
	v32 =	vshra.s32 v26, $0x1  }
0xbf: {  	v6 =	vshrl.u32 v26, $0x4;
	v34 =	vshra.s32 v28, $0x1;
	v7 =	vshrl.u32 v28, $0x4  }
0xc0: {  	v37 =	vshra.s32 v31, $0x1;
	v38 =	vshrl.u32 v31, $0x4;
	v40 =	vshra.s32 v33, $0x1  }
0xc1: {  	v41 =	vshrl.u32 v33, $0x4;
	v4 =	vand.u32 $0xFFFFFFC0, v22;
	v1 =	vand.u32 $0x7, v1  }
0xc2: {  	v25 =	vand.u32 $0xFFFFFFC0, v24;
	v2 =	vand.u32 $0x7, v2;
	v3 =	vand.u32 $0x7, v3  }
0xc3: {  	v30 =	vand.u32 $0xFFFFFFC0, v29;
	v5 =	vand.u32 $0x7, v5;
	v6 =	vand.u32 $0x7, v6  }
0xc4: {  	v35 =	vand.u32 $0xFFFFFFC0, v34;
	v36 =	vand.u32 $0x7, v7;
	v1 =	vor.u32 v4, v1  }
0xc5: {  	v2 =	vor.u32 v25, v2;
	v4 =	vand.u32 $0xFFFFFFC0, v27;
	v1 =	vor.u32 $0x8, v1  }
0xc6: {  	v39 =	vand.u32 $0x7, v38;
	v2 =	vor.u32 $0x8, v2;
	v3 =	vor.u32 v4, v3;
	[tilespmem:$0x1300] =	vst v1  }
0xc7: {  	v4 =	vor.u32 v30, v5;
	v5 =	vand.u32 $0xFFFFFFC0, v32;
	v3 =	vor.u32 $0x8, v3;
	[tilespmem:$0x1310] =	vst v2  }
0xc8: {  	v42 =	vand.u32 $0x7, v41;
	v4 =	vor.u32 $0x8, v4;
	v1 =	vor.u32 v5, v6;
	[tilespmem:$0x1320] =	vst v3  }
0xc9: {  	v2 =	vor.u32 v35, v36;
	v1 =	vor.u32 $0x8, v1;
	v3 =	vand.u32 $0xFFFFFFC0, v37;
	[tilespmem:$0x1330] =	vst v4  }
0xca: {  	v2 =	vor.u32 $0x8, v2;
	[tilespmem:$0x1340] =	vst v1;
	v1 =	vor.u32 v3, v39;
	v3 =	vand.u32 $0xFFFFFFC0, v40  }
0xcb: {  	[tilespmem:$0x1350] =	vst v2;
	v1 =	vor.u32 $0x8, v1;
	v2 =	vor.u32 v3, v42  }
0xcc: {  	[tilespmem:$0x1360] =	vst v1;
	v1 =	vor.u32 $0x8, v2  }
0xcd: {  	[tilespmem:$0x1370] =	vst v1  }
0xce: {  	[tilespmem:s26], [sflag:$0x7] =	stream.indirect.gather [hbm4b:s3+s12], $0x10, s25, s12, $0xb8;
	[tilespmem:$0x5600] =	vst v63  }
0xcf: {  	v1 =	vld [tilespmem:$0x380]  }
0xd0: {  	v2 =	vld [tilespmem:$0x390]  }
0xd1: {  	v3 =	vld [tilespmem:$0x3A0]  }
0xd2: {  	v44 =	vld [tilespmem:$0x3B0]  }
0xd3: {  	v46 =	vld [tilespmem:$0x3C0]  }
0xd4: {  	v49 =	vld [tilespmem:$0x3D0]  }
0xd5: {  	v51 =	vld [tilespmem:$0x3E0]  }
0xd6: {  	v54 =	vld [tilespmem:$0x3F0]  }
0xd7: {  	v43 =	vshra.s32 v1, $0x1;
	v1 =	vshrl.u32 v1, $0x4;
	v45 =	vshra.s32 v2, $0x1  }
0xd8: {  	v2 =	vshrl.u32 v2, $0x4;
	v47 =	vshra.s32 v3, $0x1;
	v3 =	vshrl.u32 v3, $0x4  }
0xd9: {  	v50 =	vshra.s32 v44, $0x1;
	v5 =	vshrl.u32 v44, $0x4;
	v52 =	vshra.s32 v46, $0x1  }
0xda: {  	v6 =	vshrl.u32 v46, $0x4;
	v55 =	vshra.s32 v49, $0x1;
	v7 =	vshrl.u32 v49, $0x4  }
0xdb: {  	v58 =	vshra.s32 v51, $0x1;
	v59 =	vshrl.u32 v51, $0x4;
	v61 =	vshra.s32 v54, $0x1  }
0xdc: {  	v62 =	vshrl.u32 v54, $0x4;
	v4 =	vand.u32 $0xFFFFFFC0, v43;
	v1 =	vand.u32 $0x7, v1  }
0xdd: {  	v2 =	vand.u32 $0x7, v2;
	v48 =	vand.u32 $0xFFFFFFC0, v47;
	v3 =	vand.u32 $0x7, v3  }
0xde: {  	v5 =	vand.u32 $0x7, v5;
	v53 =	vand.u32 $0xFFFFFFC0, v52;
	v6 =	vand.u32 $0x7, v6  }
0xdf: {  	v56 =	vand.u32 $0xFFFFFFC0, v55;
	v57 =	vand.u32 $0x7, v7;
	v1 =	vor.u32 v4, v1  }
0xe0: {  	v4 =	vand.u32 $0xFFFFFFC0, v45;
	v3 =	vor.u32 v48, v3;
	v1 =	vor.u32 $0x8, v1  }
0xe1: {  	v2 =	vor.u32 v4, v2;
	v3 =	vor.u32 $0x8, v3;
	v4 =	vand.u32 $0xFFFFFFC0, v50;
	[tilespmem:$0x1380] =	vst v1  }
0xe2: {  	v60 =	vand.u32 $0x7, v59;
	v2 =	vor.u32 $0x8, v2;
	v4 =	vor.u32 v4, v5;
	[tilespmem:$0x13A0] =	vst v3  }
0xe3: {  	v63 =	vand.u32 $0x7, v62;
	v5 =	vor.u32 v53, v6;
	v1 =	vor.u32 $0x8, v4;
	[tilespmem:$0x1390] =	vst v2  }
0xe4: {  	v2 =	vor.u32 v56, v57;
	v3 =	vor.u32 $0x8, v5;
	v4 =	vand.u32 $0xFFFFFFC0, v58;
	[tilespmem:$0x13B0] =	vst v1  }
.Ltmp2:
0xe5: {  	v1 =	vor.u32 v4, v60;
	[tilespmem:$0x13C0] =	vst v3;
	v2 =	vor.u32 $0x8, v2;
	v3 =	vand.u32 $0xFFFFFFC0, v61;
	(pc) =	sbr.rel .LBB2_2-.Ltmp2, $4  }
0xe6: {  	[tilespmem:$0x13D0] =	vst v2;
	v2 =	vor.u32 v3, v63;
	v1 =	vor.u32 $0x8, v1  }
0xe7: {  	[tilespmem:$0x13E0] =	vst v1;
	v1 =	vor.u32 $0x8, v2  }
0xe8: {  	s31 =	simm.s32 $0x0;
	s0 =	simm.s32 $0x0;
	s1 =	simm.s32 $0x0;
	[tilespmem:$0x13F0] =	vst v1  }
0xe9: {  	[tilespmem:s29], [sflag:$0x8] =	stream.indirect.gather [hbm4b:s3+s12], $0x10, s28, s12, $0xb8;
	[tilespmem:$0x5600] =	vst v63  }
.LBB2_6:
0xea: {  	s1 =	sadd.s32 $0x1, s1  }
0xeb: {  	p0 =	sne.s32 s1, $0x20  }
.Ltmp3:
0xec: {  	_ = 	snop;
	(pc) =	sbr.rel @!p0 .LBB2_7-.Ltmp3, $2  }
0xed: {  	_ =	sdelay $0x2  }
0xee: {  	s0 =	sadd.s32 $0x200, s0;
	s31 =	sadd.s32 $0x1, s31  }
.LBB2_2:
0xef: {  	s13 =	sand.u32 $0x7, s1  }
0xf0: {  	s9 =	sshll.u32 s31, $0x9;
	s8 =	sadd.s32 $0x1, s13  }
0xf1: {  	s14 =	sand.u32 $0xFFFFF800, s0;
	s9 =	sand.u32 $0x600, s9;
	_ =	swait.ge [sflag:s8], $0x800  }
0xf2: {  	s14 =	sor.u32 s9, s14;
	[sflag:s8] =	ssyncset.done $0x0  }
0xf3: {  	s14 =	sshrl.u32 s14, $0x2;
	[sflag:s8] =	ssyncadd.s32 $0xFFFFF800  }
0xf4: {  	v1 =	vld [tilespmem:s14+$0x0];
	_ =	sdelay $0x1  }
0xf5: {  	s15 =	simm.s32 $0x0  }
0xf6: {  	v2 =	vmov s15  }
0xf7: {  	v2 =	vshll.u32 v2, $0x4  }
0xf8: {  	v2 =	vor.u32 v0, v2;
	v1 =	vand.u32 $0xF, v1  }
0xf9: {  	v1 =	vor.u32 v2, v1;
	_ =	sdelay $0x1  }
0xfa: {  	s16 =	sshrl.u32 s9, $0x2  }
0xfb: {  	s18 =	sshll.u32 s13, $0xB;
	s15 =	sor.u32 $0x5400, s16  }
0xfc: {  	s9 =	sadd.s32 $0x1400, s18;
	v2 =	vld [tilespmem:s15+$0x0]  }
0xfd: {  	v1 =	vld.idx.msk [tilespmem:v1+s9+$0x0], $0xffff;
	_ =	sdelay $0x4  }
0xfe: {  	v1 =	vadd.f32 v2, v1;
	_ =	sdelay $0x1  }
0xff: {  	s17 =	sshll.u32 s1, $0x7;
	s16 =	sadd.s32 $0x10, s14;
	[tilespmem:s15+$0x0] =	vst v1  }
0x100: {  	s18 =	simm.s32 $0x20;
	s14 =	sand.u32 $0x180, s17;
	s17 =	simm.s32 $0x10;
	v1 =	vld [tilespmem:s16+$0x0]  }
.LBB2_3:
0x101: {  	p0 =	sne.s32 s18, $0x70;
	_ =	sdelay $0x1  }
0x102: {  	v2 =	vmov s17;
	s17 =	smov.u32 s18  }
0x103: {  	v2 =	vshll.u32 v2, $0x4  }
0x104: {  	v2 =	vor.u32 v0, v2;
	v1 =	vand.u32 $0xF, v1  }
0x105: {  	v1 =	vor.u32 v2, v1;
	_ =	sdelay $0x4  }
0x106: {  	s15 =	sadd.s32 $0x10, s15;
	v1 =	vld.idx.msk [tilespmem:v1+s9+$0x0], $0xffff  }
0x107: {  	v2 =	vld [tilespmem:s15+$0x0];
	_ =	sdelay $0x3  }
.Ltmp4:
0x108: {  	(pc) =	sbr.rel @p0 .LBB2_3-.Ltmp4, $3  }
0x109: {  	v1 =	vadd.f32 v2, v1;
	_ =	sdelay $0x1  }
0x10a: {  	s16 =	sadd.s32 $0x10, s16;
	[tilespmem:s15+$0x0] =	vst v1  }
0x10b: {  	s18 =	sadd.s32 $0x10, s18;
	v1 =	vld [tilespmem:s16+$0x0]  }
0x10c: {  	_ =	sdelay $0x1  }
0x10d: {  	v2 =	vmov s17  }
0x10e: {  	v2 =	vshll.u32 v2, $0x4  }
0x10f: {  	v2 =	vor.u32 v0, v2;
	v1 =	vand.u32 $0xF, v1  }
0x110: {  	v1 =	vor.u32 v2, v1;
	_ =	sdelay $0x2  }
0x111: {  	s15 =	sadd.s32 $0x10, s15  }
0x112: {  	v2 =	vld [tilespmem:s15+$0x0]  }
0x113: {  	v1 =	vld.idx.msk [tilespmem:v1+s9+$0x0], $0xffff;
	_ =	sdelay $0x1  }
0x114: {  	p0 =	sgt.u32 s1, $0x17  }
.Ltmp5:
0x115: {  	_ = 	snop;
	(pc) =	sbr.rel @p0 .LBB2_6-.Ltmp5, $3  }
0x116: {  	_ = 	snop  }
0x117: {  	v1 =	vadd.f32 v2, v1;
	_ =	sdelay $0x1  }
0x118: {  	[tilespmem:s15+$0x0] =	vst v1  }
0x119: {  	s15 =	sadd.s32 $0x8, s1  }
0x11a: {  	s16 =	sshll.u32 s15, $0x7  }
0x11b: {  	s16 =	sand.u32 $0x3FFFFE00, s16  }
0x11c: {  	s14 =	sor.u32 s14, s16  }
0x11d: {  	v1 =	vld [tilespmem:s14+$0x0];
	_ =	sdelay $0x4  }
0x11e: {  	s15 =	sshll.u32 s15, $0x1;
	v2 =	vshrl.u32 v1, $0x4  }
0x11f: {  	s15 =	sand.u32 $0xFFFFFFF8, s15;
	v1 =	vshra.s32 v1, $0x1;
	v2 =	vand.u32 $0x7, v2  }
0x120: {  	v1 =	vand.u32 $0xFFFFFFC0, v1;
	v2 =	vor.u32 s15, v2  }
0x121: {  	s13 =	sshll.u32 s13, $0x7;
	v1 =	vadd.s32 v1, v2  }
0x122: {  	[tilespmem:s13+$0x1000] =	vst v1  }
0x123: {  	v1 =	vld [tilespmem:s14+$0x10];
	_ =	sdelay $0x4  }
0x124: {  	v2 =	vshrl.u32 v1, $0x4  }
0x125: {  	v1 =	vshra.s32 v1, $0x1;
	v2 =	vand.u32 $0x7, v2  }
0x126: {  	v1 =	vand.u32 $0xFFFFFFC0, v1;
	v2 =	vor.u32 s15, v2  }
0x127: {  	v1 =	vadd.s32 v1, v2  }
0x128: {  	[tilespmem:s13+$0x1010] =	vst v1  }
0x129: {  	v1 =	vld [tilespmem:s14+$0x20];
	_ =	sdelay $0x4  }
0x12a: {  	v2 =	vshrl.u32 v1, $0x4  }
0x12b: {  	v1 =	vshra.s32 v1, $0x1;
	v2 =	vand.u32 $0x7, v2  }
0x12c: {  	v1 =	vand.u32 $0xFFFFFFC0, v1;
	v2 =	vor.u32 s15, v2  }
0x12d: {  	v1 =	vadd.s32 v1, v2  }
0x12e: {  	[tilespmem:s13+$0x1020] =	vst v1  }
0x12f: {  	v1 =	vld [tilespmem:s14+$0x30];
	_ =	sdelay $0x4  }
0x130: {  	v2 =	vshrl.u32 v1, $0x4  }
0x131: {  	v1 =	vshra.s32 v1, $0x1;
	v2 =	vand.u32 $0x7, v2  }
0x132: {  	v1 =	vand.u32 $0xFFFFFFC0, v1;
	v2 =	vor.u32 s15, v2  }
0x133: {  	v1 =	vadd.s32 v1, v2  }
0x134: {  	[tilespmem:s13+$0x1030] =	vst v1  }
0x135: {  	v1 =	vld [tilespmem:s14+$0x40];
	_ =	sdelay $0x4  }
0x136: {  	v2 =	vshrl.u32 v1, $0x4  }
0x137: {  	v1 =	vshra.s32 v1, $0x1;
	v2 =	vand.u32 $0x7, v2  }
0x138: {  	v1 =	vand.u32 $0xFFFFFFC0, v1;
	v2 =	vor.u32 s15, v2  }
0x139: {  	v1 =	vadd.s32 v1, v2  }
0x13a: {  	[tilespmem:s13+$0x1040] =	vst v1  }
0x13b: {  	v1 =	vld [tilespmem:s14+$0x50];
	_ =	sdelay $0x4  }
0x13c: {  	v2 =	vshrl.u32 v1, $0x4  }
0x13d: {  	v1 =	vshra.s32 v1, $0x1;
	v2 =	vand.u32 $0x7, v2  }
0x13e: {  	v1 =	vand.u32 $0xFFFFFFC0, v1;
	v2 =	vor.u32 s15, v2  }
0x13f: {  	v1 =	vadd.s32 v1, v2  }
0x140: {  	[tilespmem:s13+$0x1050] =	vst v1  }
0x141: {  	v1 =	vld [tilespmem:s14+$0x60];
	_ =	sdelay $0x4  }
0x142: {  	v2 =	vshrl.u32 v1, $0x4  }
0x143: {  	v1 =	vshra.s32 v1, $0x1;
	v2 =	vand.u32 $0x7, v2  }
0x144: {  	v1 =	vand.u32 $0xFFFFFFC0, v1;
	v2 =	vor.u32 s15, v2  }
0x145: {  	v1 =	vadd.s32 v1, v2  }
0x146: {  	[tilespmem:s13+$0x1060] =	vst v1  }
0x147: {  	v1 =	vld [tilespmem:s14+$0x70];
	_ =	sdelay $0x4  }
0x148: {  	v2 =	vshrl.u32 v1, $0x4  }
.Ltmp6:
0x149: {  	v1 =	vshra.s32 v1, $0x1;
	v2 =	vand.u32 $0x7, v2;
	(pc) =	sbr.rel .LBB2_6-.Ltmp6, $4  }
0x14a: {  	v1 =	vand.u32 $0xFFFFFFC0, v1;
	v2 =	vor.u32 s15, v2  }
0x14b: {  	v1 =	vadd.s32 v1, v2  }
0x14c: {  	s18 =	sor.u32 $0x1000, s13;
	[tilespmem:s13+$0x1070] =	vst v1  }
0x14d: {  	[tilespmem:s9], [sflag:s8] =	stream.indirect.gather [hbm4b:s3+s12], $0x10, s18, s12, $0xb8;
	[tilespmem:$0x5600] =	vst v63  }
.LBB2_8:
0x14e: {  	_ =	sfence.sel $0x180000  }
0x14f: {  	[bflag:$0x0] =	sbarrier.arrive $0xFFFF  }
0x150: {  	_ =	strace $0x9000004A  }
0x151: {  	s0 =	stileid.u32;
	[bflag:$0x2] =	sbarrier.arrive $0xFFFF  }
0x152: {  	p0 =	sne.s32 s0, $0x0;
	s0 =	rddreg [dreg:$0x2]  }
0x153: {  	s0 =	sadd.s32 @!p0 $0x100000, s0  }
0x154: {  	[sflag:s0] =	ssyncadd.tile.s32 @!p0 $0x1;
	_ =	shalt  }
.Lfunc_end2:
_tile_overlayer_lowered:
.L_overlay_start_2:
0x155: {  	(tag) =	ssettag $0x2  }
0x156: {  	s0 =	rddreg [dreg:$0x0];
	s2 =	stileid.u32  }
0x157: {  	s1 =	rddreg [dreg:$0x1];
	p0 =	sne.s32 s2, $0x0  }
0x158: {  	s3 =	rddreg [dreg:$0x2];
	[bflag:$0x3] =	sbarrier.arrive $0xFFFF;
	s2 =	simm.s32 @!p0 $0x1C09  }
0x159: {  	[timem:s3], [sflag:s2] =	dma.local @!p0 [hbm:s0], s1  }
0x15a: {  	s0 =	simm.s32 @!p0 $0x9  }
0x15b: {  	_ =	swait.ge @!p0 [sflag:s0], s1  }
0x15c: {  	s1 =	ssub.s32 @!p0 $0x0, s1;
	[sflag:s0] =	ssyncset.done @!p0 $0x0  }
0x15d: {  	[sflag:s0] =	ssyncadd.s32 @!p0 s1  }
0x15e: {  	[bflag:$0x3] =	sbarrier.arrive $0xFFFF  }
0x15f: {  	_ =	shalt  }

</sc_bundles>
